<compile_context>
chip_gen: v7x
topology: tpu7x:2x2x1
jax: 0.10.2.dev20260603
libtpu: 0.0.44.dev20260713+nightly
codegen_flags: <defaults>
</compile_context>

<pallas_src>
import functools

import jax
import jax.numpy as jnp
from jax import lax
from jax.experimental import pallas as pl
from jax.experimental.pallas import tpu as pltpu
from jax.experimental.pallas import tpu_sc as plsc

_K = 64
_M = 128
_N = 32768
_L = 16
_NVEC = _N // _L
_NC = 2
_NW = 32
_ROWS_PER_W = _M // _NW
_B25 = 0x40200000
_B10 = 0x3F800000


def _splat_total(acc):
    return plsc.cummax(lax.rev(plsc.cumsum(acc), (0,)))


def _splat_max(acc):
    return plsc.cummax(lax.rev(plsc.cummax(acc), (0,)))


def _splat_to_scalar(s, nbits=16):
    out = jnp.int32(0)
    for b in range(nbits):
        bit = jnp.any((s & (1 << b)) != 0)
        out = out + jnp.where(bit, jnp.int32(1 << b), jnp.int32(0))
    return out


def _sc_body(x_hbm, o_hbm, row_v, cix_v, stage_v, vid_v, sem_in, sem_out):
    wid = lax.axis_index("s") * _NC + lax.axis_index("c")
    lanes = lax.iota(jnp.int32, _L)
    one = jnp.ones((_L,), jnp.int32)
    zero = jnp.zeros((_L,), jnp.int32)
    zero16f = jnp.zeros((_L,), jnp.float32)
    kvec = jnp.full((_L,), _K, jnp.int32)
    sixteen = jnp.full((_L,), _L, jnp.int32)
    lane0 = lanes < one
    ninf = jnp.full((_L,), -jnp.inf, jnp.float32)

    def zero_body(i, c):
        stage_v[pl.ds(i * _L, _L)] = zero16f
        return c

    lax.fori_loop(0, _NVEC, zero_body, 0, unroll=8)

    def vz_body(i, c):
        vid_v[pl.ds(i * _L, _L)] = zero
        return c

    lax.fori_loop(0, _NVEC // _L, vz_body, 0, unroll=8)

    pltpu.async_copy(x_hbm.at[wid * _ROWS_PER_W], row_v.at[pl.ds(0, _N)],
                     sem_in)

    def row_body(r, carry):
        nc2_prev, nvec2_prev = carry
        row = wid * _ROWS_PER_W + r
        pltpu.make_async_copy(x_hbm.at[row], row_v.at[pl.ds(0, _N)],
                              sem_in).wait()

        def pass_a(tv, track_max):
            grp = 8

            def body(g, carry):
                nv, mx = carry
                anys = []
                for k in range(grp):
                    i = g * grp + k
                    v = row_v[pl.ds(i * _L, _L)]
                    m = v >= tv
                    anys.append(
                        jnp.minimum(plsc.all_reduce_population_count(m), one))
                    if track_max:
                        mx = jnp.maximum(mx, v)
                pref = [nv]
                for k in range(1, grp):
                    pref.append(pref[k - 1] + anys[k - 1])
                for k in range(grp):
                    i = g * grp + k
                    plsc.store_scatter(vid_v, [pref[k]], zero + i, mask=lane0)
                s1 = [anys[2 * k] + anys[2 * k + 1] for k in range(grp // 2)]
                s2 = [s1[2 * k] + s1[2 * k + 1] for k in range(grp // 4)]
                return nv + s2[0] + s2[1], mx

            return lax.fori_loop(0, _NVEC // grp, body, (zero, ninf))

        def compact2(tv, nvv):
            jmax = (_splat_to_scalar(nvv, 12) + _L - 1) // _L

            def outer(j, off):
                for k in range(_L):
                    slot = j * _L + k
                    vecid = plsc.load_gather(vid_v, [zero + slot])
                    valid = (zero + slot) < nvv
                    ixv = vecid * _L + lanes
                    v = plsc.load_gather(row_v, [ixv])
                    m = (v >= tv) & valid
                    mi = jnp.where(m, one, zero)
                    tgt = off + plsc.cumsum(mi) - mi
                    plsc.store_scatter(cix_v, [tgt], ixv, mask=m)
                    off = off + plsc.all_reduce_population_count(m)
                return off

            return lax.fori_loop(0, jmax, outer, zero)

        t25 = jnp.full((_L,), 2.5, jnp.float32)
        t10 = jnp.full((_L,), 1.0, jnp.float32)
        nv_a, mx = pass_a(t25, True)
        mxbits = plsc.bitcast(_splat_max(mx), jnp.int32)
        hi0 = jnp.maximum(mxbits + one, one)

        def wait_prev(_):
            pltpu.make_async_copy(stage_v, o_hbm.at[row - 1], sem_out).wait()
            return 0

        lax.cond(r > 0, wait_prev, lambda _: 0, 0)

        def rz_body(i, c2):
            valid = (lanes + i * _L) < nc2_prev
            ix = cix_v[pl.ds(i * _L, _L)]
            plsc.store_scatter(stage_v, [ix], zero16f, mask=valid)
            return c2

        lax.fori_loop(0, nvec2_prev, rz_body, 0)

        nc2_a = compact2(t25, nv_a)

        def tier_a(_):
            return nc2_a, jnp.full((_L,), _B25, jnp.int32)

        def tier_bc(_):
            pltpu.sync_copy(x_hbm.at[row], row_v.at[pl.ds(0, _N)])
            nv_b, _ = pass_a(t10, False)
            nc2_b = compact2(t10, nv_b)

            def tier_b(_):
                return nc2_b, jnp.full((_L,), _B10, jnp.int32)

            def tier_c(_):
                pltpu.sync_copy(x_hbm.at[row], row_v.at[pl.ds(0, _N)])
                nv_c, _ = pass_a(ninf, False)
                nc2_c = compact2(ninf, nv_c)
                return nc2_c, zero

            return lax.cond(jnp.any(nc2_b >= kvec), tier_b, tier_c, 0)

        nc2, lo0 = lax.cond(jnp.any(nc2_a >= kvec), tier_a, tier_bc, 0)
        ncand = _splat_to_scalar(nc2)
        nvec2 = (ncand + _L - 1) // _L

        def count_ge(t):
            def b(i, acc):
                valid = (lanes + i * _L) < nc2
                ix = cix_v[pl.ds(i * _L, _L)]
                v = plsc.load_gather(row_v, [ix], mask=valid)
                u = plsc.bitcast(v, jnp.int32)
                return acc + jnp.where((u >= t) & valid, one, zero)

            return _splat_total(lax.fori_loop(0, nvec2, b, zero))

        def bis_cond(lohi):
            lo, hi = lohi
            return jnp.any((hi - lo) > one)

        def bis_body(lohi):
            lo, hi = lohi
            d = hi - lo
            m1 = lo + lax.shift_right_logical(d, 2)
            m2 = lo + lax.shift_right_logical(d, 1)
            m3 = m2 + lax.shift_right_logical(d, 2)

            def b(i, accs):
                a1, a2, a3 = accs
                valid = (lanes + i * _L) < nc2
                ix = cix_v[pl.ds(i * _L, _L)]
                v = plsc.load_gather(row_v, [ix], mask=valid)
                u = plsc.bitcast(v, jnp.int32)
                a1 = a1 + jnp.where((u >= m1) & valid, one, zero)
                a2 = a2 + jnp.where((u >= m2) & valid, one, zero)
                a3 = a3 + jnp.where((u >= m3) & valid, one, zero)
                return a1, a2, a3

            a1, a2, a3 = lax.fori_loop(0, nvec2, b, (zero, zero, zero))
            p1 = _splat_total(a1) >= kvec
            p2 = _splat_total(a2) >= kvec
            p3 = _splat_total(a3) >= kvec
            nlo = jnp.where(p3, m3, jnp.where(p2, m2, jnp.where(p1, m1, lo)))
            nhi = jnp.where(p3, hi, jnp.where(p2, m3, jnp.where(p1, m2, m1)))
            return nlo, nhi

        lo, _ = lax.while_loop(bis_cond, bis_body, (lo0, hi0))
        need = kvec - count_ge(lo + one)

        def sel_body(i, base):
            valid = (lanes + i * _L) < nc2
            ix = cix_v[pl.ds(i * _L, _L)]
            v = plsc.load_gather(row_v, [ix], mask=valid)
            u = plsc.bitcast(v, jnp.int32)
            gt = (u > lo) & valid
            eq = (u == lo) & valid
            pr = plsc.cumsum(jnp.where(eq, one, zero)) + base
            sel = gt | (eq & (pr <= need))
            plsc.store_scatter(stage_v, [ix], jnp.maximum(v, 0.0), mask=sel)
            return base + plsc.all_reduce_population_count(eq)

        lax.fori_loop(0, nvec2, sel_body, zero)

        pltpu.async_copy(stage_v, o_hbm.at[row], sem_out)

        def start_next(_):
            pltpu.async_copy(x_hbm.at[row + 1], row_v.at[pl.ds(0, _N)],
                             sem_in)
            return 0

        lax.cond(r < _ROWS_PER_W - 1, start_next, lambda _: 0, 0)
        return nc2, nvec2

    lax.fori_loop(0, _ROWS_PER_W, row_body, (zero, 0))
    pltpu.make_async_copy(
        stage_v, o_hbm.at[wid * _ROWS_PER_W + _ROWS_PER_W - 1], sem_out
    ).wait()


@functools.partial(
    pl.kernel,
    out_type=jax.ShapeDtypeStruct((_M, _N), jnp.float32),
    mesh=plsc.VectorSubcoreMesh(core_axis_name="c", subcore_axis_name="s"),
    scratch_types=[
        pltpu.VMEM((_N + _L,), jnp.float32),
        pltpu.VMEM((_N,), jnp.int32),
        pltpu.VMEM((_N,), jnp.float32),
        pltpu.VMEM((_NVEC,), jnp.int32),
        pltpu.SemaphoreType.DMA,
        pltpu.SemaphoreType.DMA,
    ],
    compiler_params=pltpu.CompilerParams(needs_layout_passes=False),
)
def _sc_topk(x_hbm, o_hbm, row_v, cix_v, stage_v, vid_v, sem_in, sem_out):
    _sc_body(x_hbm, o_hbm, row_v, cix_v, stage_v, vid_v, sem_in, sem_out)


def kernel(x):
    return _sc_topk(x)

# --- scband reference (transcript-rebuilt; emitter-appended) ---
"""Pipeline reference for scband-top-kactivation-64647847740072 (READ-ONLY COPY).

The authoritative reference and input builder live on the scoring server;
editing this copy changes nothing except your own understanding.
"""

import jax, jax.numpy as jnp
import numpy as np

K = 64


def setup_inputs(seed: int = 0) -> dict:
    key = jax.random.key(seed)
    x = jax.random.normal(key, (128, 32768), dtype=jnp.float32)
    return {"x": x}


def reference(x):
    # topk along last dim
    vals, inds = jax.lax.top_k(x, K)
    # scatter relu(topk_vals) into zeros along last dim (indices unique per row)
    rows = jnp.arange(x.shape[0])[:, None]
    hard = jnp.zeros_like(x).at[rows, inds].set(jax.nn.relu(vals))
    # straight-through: forward value == hard, gradient gets an extra identity path
    return hard + (x - jax.lax.stop_gradient(x))

if __name__ == "__main__":
    import jax
    _d = setup_inputs()
    print(jax.jit(kernel)(*tuple(_d.values())))

</pallas_src>

<mosaic_0001>
#map = affine_map<(d0, d1) -> (0, 0)>
module attributes {stable_mosaic.version = 14 : i64} {
  func.func @_sc_topk(%arg0: i32, %arg1: i32, %arg2: memref<128x32768xf32, #tpu.memory_space<hbm>>, %arg3: memref<128x32768xf32, #tpu.memory_space<hbm>>, %arg4: memref<32784xf32, #tpu.memory_space<vmem>>, %arg5: memref<32768xi32, #tpu.memory_space<vmem>>, %arg6: memref<32768xf32, #tpu.memory_space<vmem>>, %arg7: memref<2048xi32, #tpu.memory_space<vmem>>, %arg8: memref<!tpu.dma_semaphore, #tpu.memory_space<semaphore_mem>>, %arg9: memref<!tpu.dma_semaphore, #tpu.memory_space<semaphore_mem>>) attributes {dimension_semantics = [#tpu.dimension_semantics<core_parallel>, #tpu.dimension_semantics<subcore_parallel>], iteration_bounds = array<i64: 2, 16>, scalar_prefetch = 0 : i64, scratch_operands = 6 : i64, tpu.core_type = #tpu.core_type<sc_vector_subcore>, window_params = [{transform_indices = #map}, {transform_indices = #map}]} {
    %mul3A = arith.constant 2 : i32
    %mul3A_0 = arith.muli %arg1, %mul3A : i32
    %add3A = arith.addi %mul3A_0, %arg0 : i32
    %iota3A = tpu.iota {dimensions = array<i32: 0>} : vector<16xi32>
    %broadcast_in_dim3A = arith.constant 1 : i32
    %broadcast_in_dim3A_1 = vector.broadcast %broadcast_in_dim3A : i32 to vector<16xi32>
    %broadcast_in_dim3A_2 = arith.constant 0 : i32
    %broadcast_in_dim3A_3 = vector.broadcast %broadcast_in_dim3A_2 : i32 to vector<16xi32>
    %broadcast_in_dim3A_4 = arith.constant 0.000000e+00 : f32
    %broadcast_in_dim3A_5 = vector.broadcast %broadcast_in_dim3A_4 : f32 to vector<16xf32>
    %broadcast_in_dim3A_6 = arith.constant 64 : i32
    %broadcast_in_dim3A_7 = vector.broadcast %broadcast_in_dim3A_6 : i32 to vector<16xi32>
    %broadcast_in_dim3A_8 = arith.constant 16 : i32
    %broadcast_in_dim3A_9 = vector.broadcast %broadcast_in_dim3A_8 : i32 to vector<16xi32>
    %lt3A = arith.cmpi slt, %iota3A, %broadcast_in_dim3A_1 : vector<16xi32>
    %broadcast_in_dim3A_10 = arith.constant 0xFF800000 : f32
    %broadcast_in_dim3A_11 = vector.broadcast %broadcast_in_dim3A_10 : f32 to vector<16xf32>
    %scan3A = arith.constant 0 : i32
    %scan3A_12 = arith.constant 0 : i32
    %scan3A_13 = arith.constant 2048 : i32
    %scan3A_14 = arith.addi %scan3A_12, %scan3A_13 : i32
    %scan3A_15 = arith.constant 8 : i32
    scf.for %scan3A_51 = %scan3A_12 to %scan3A_14 step %scan3A_15  : i32 {
      %mul3A_52 = arith.constant 16 : i32
      %mul3A_53 = arith.muli %scan3A_51, %mul3A_52 : i32
      %swap3A = arith.index_cast %mul3A_53 : i32 to index
      %swap3A_54 = tpu.vector_load %arg6[%swap3A] {strides = array<i32>} : memref<32768xf32, #tpu.memory_space<vmem>>, vector<16xf32>,
      tpu.vector_store %arg6[%swap3A], %broadcast_in_dim3A_5 {strides = array<i32>} : memref<32768xf32, #tpu.memory_space<vmem>>, vector<16xf32>,
      %scan3A_55 = arith.constant 1 : i32
      %scan3A_56 = arith.addi %scan3A_51, %scan3A_55 : i32
      %mul3A_57 = arith.constant 16 : i32
      %mul3A_58 = arith.muli %scan3A_56, %mul3A_57 : i32
      %swap3A_59 = arith.index_cast %mul3A_58 : i32 to index
      %swap3A_60 = tpu.vector_load %arg6[%swap3A_59] {strides = array<i32>} : memref<32768xf32, #tpu.memory_space<vmem>>, vector<16xf32>,
      tpu.vector_store %arg6[%swap3A_59], %broadcast_in_dim3A_5 {strides = array<i32>} : memref<32768xf32, #tpu.memory_space<vmem>>, vector<16xf32>,
      %scan3A_61 = arith.constant 2 : i32
      %scan3A_62 = arith.addi %scan3A_51, %scan3A_61 : i32
      %mul3A_63 = arith.constant 16 : i32
      %mul3A_64 = arith.muli %scan3A_62, %mul3A_63 : i32
      %swap3A_65 = arith.index_cast %mul3A_64 : i32 to index
      %swap3A_66 = tpu.vector_load %arg6[%swap3A_65] {strides = array<i32>} : memref<32768xf32, #tpu.memory_space<vmem>>, vector<16xf32>,
      tpu.vector_store %arg6[%swap3A_65], %broadcast_in_dim3A_5 {strides = array<i32>} : memref<32768xf32, #tpu.memory_space<vmem>>, vector<16xf32>,
      %scan3A_67 = arith.constant 3 : i32
      %scan3A_68 = arith.addi %scan3A_51, %scan3A_67 : i32
      %mul3A_69 = arith.constant 16 : i32
      %mul3A_70 = arith.muli %scan3A_68, %mul3A_69 : i32
      %swap3A_71 = arith.index_cast %mul3A_70 : i32 to index
      %swap3A_72 = tpu.vector_load %arg6[%swap3A_71] {strides = array<i32>} : memref<32768xf32, #tpu.memory_space<vmem>>, vector<16xf32>,
      tpu.vector_store %arg6[%swap3A_71], %broadcast_in_dim3A_5 {strides = array<i32>} : memref<32768xf32, #tpu.memory_space<vmem>>, vector<16xf32>,
      %scan3A_73 = arith.constant 4 : i32
      %scan3A_74 = arith.addi %scan3A_51, %scan3A_73 : i32
      %mul3A_75 = arith.constant 16 : i32
      %mul3A_76 = arith.muli %scan3A_74, %mul3A_75 : i32
      %swap3A_77 = arith.index_cast %mul3A_76 : i32 to index
      %swap3A_78 = tpu.vector_load %arg6[%swap3A_77] {strides = array<i32>} : memref<32768xf32, #tpu.memory_space<vmem>>, vector<16xf32>,
      tpu.vector_store %arg6[%swap3A_77], %broadcast_in_dim3A_5 {strides = array<i32>} : memref<32768xf32, #tpu.memory_space<vmem>>, vector<16xf32>,
      %scan3A_79 = arith.constant 5 : i32
      %scan3A_80 = arith.addi %scan3A_51, %scan3A_79 : i32
      %mul3A_81 = arith.constant 16 : i32
      %mul3A_82 = arith.muli %scan3A_80, %mul3A_81 : i32
      %swap3A_83 = arith.index_cast %mul3A_82 : i32 to index
      %swap3A_84 = tpu.vector_load %arg6[%swap3A_83] {strides = array<i32>} : memref<32768xf32, #tpu.memory_space<vmem>>, vector<16xf32>,
      tpu.vector_store %arg6[%swap3A_83], %broadcast_in_dim3A_5 {strides = array<i32>} : memref<32768xf32, #tpu.memory_space<vmem>>, vector<16xf32>,
      %scan3A_85 = arith.constant 6 : i32
      %scan3A_86 = arith.addi %scan3A_51, %scan3A_85 : i32
      %mul3A_87 = arith.constant 16 : i32
      %mul3A_88 = arith.muli %scan3A_86, %mul3A_87 : i32
      %swap3A_89 = arith.index_cast %mul3A_88 : i32 to index
      %swap3A_90 = tpu.vector_load %arg6[%swap3A_89] {strides = array<i32>} : memref<32768xf32, #tpu.memory_space<vmem>>, vector<16xf32>,
      tpu.vector_store %arg6[%swap3A_89], %broadcast_in_dim3A_5 {strides = array<i32>} : memref<32768xf32, #tpu.memory_space<vmem>>, vector<16xf32>,
      %scan3A_91 = arith.constant 7 : i32
      %scan3A_92 = arith.addi %scan3A_51, %scan3A_91 : i32
      %mul3A_93 = arith.constant 16 : i32
      %mul3A_94 = arith.muli %scan3A_92, %mul3A_93 : i32
      %swap3A_95 = arith.index_cast %mul3A_94 : i32 to index
      %swap3A_96 = tpu.vector_load %arg6[%swap3A_95] {strides = array<i32>} : memref<32768xf32, #tpu.memory_space<vmem>>, vector<16xf32>,
      tpu.vector_store %arg6[%swap3A_95], %broadcast_in_dim3A_5 {strides = array<i32>} : memref<32768xf32, #tpu.memory_space<vmem>>, vector<16xf32>,
    }
    %scan3A_16 = arith.constant 2048 : i32
    %scan3A_17 = arith.constant 0 : i32
    %scan3A_18 = arith.constant 0 : i32
    %scan3A_19 = arith.constant 128 : i32
    %scan3A_20 = arith.addi %scan3A_18, %scan3A_19 : i32
    %scan3A_21 = arith.constant 8 : i32
    scf.for %scan3A_51 = %scan3A_18 to %scan3A_20 step %scan3A_21  : i32 {
      %mul3A_52 = arith.constant 16 : i32
      %mul3A_53 = arith.muli %scan3A_51, %mul3A_52 : i32
      %swap3A = arith.index_cast %mul3A_53 : i32 to index
      %swap3A_54 = tpu.vector_load %arg7[%swap3A] {strides = array<i32>} : memref<2048xi32, #tpu.memory_space<vmem>>, vector<16xi32>,
      tpu.vector_store %arg7[%swap3A], %broadcast_in_dim3A_3 {strides = array<i32>} : memref<2048xi32, #tpu.memory_space<vmem>>, vector<16xi32>,
      %scan3A_55 = arith.constant 1 : i32
      %scan3A_56 = arith.addi %scan3A_51, %scan3A_55 : i32
      %mul3A_57 = arith.constant 16 : i32
      %mul3A_58 = arith.muli %scan3A_56, %mul3A_57 : i32
      %swap3A_59 = arith.index_cast %mul3A_58 : i32 to index
      %swap3A_60 = tpu.vector_load %arg7[%swap3A_59] {strides = array<i32>} : memref<2048xi32, #tpu.memory_space<vmem>>, vector<16xi32>,
      tpu.vector_store %arg7[%swap3A_59], %broadcast_in_dim3A_3 {strides = array<i32>} : memref<2048xi32, #tpu.memory_space<vmem>>, vector<16xi32>,
      %scan3A_61 = arith.constant 2 : i32
      %scan3A_62 = arith.addi %scan3A_51, %scan3A_61 : i32
      %mul3A_63 = arith.constant 16 : i32
      %mul3A_64 = arith.muli %scan3A_62, %mul3A_63 : i32
      %swap3A_65 = arith.index_cast %mul3A_64 : i32 to index
      %swap3A_66 = tpu.vector_load %arg7[%swap3A_65] {strides = array<i32>} : memref<2048xi32, #tpu.memory_space<vmem>>, vector<16xi32>,
      tpu.vector_store %arg7[%swap3A_65], %broadcast_in_dim3A_3 {strides = array<i32>} : memref<2048xi32, #tpu.memory_space<vmem>>, vector<16xi32>,
      %scan3A_67 = arith.constant 3 : i32
      %scan3A_68 = arith.addi %scan3A_51, %scan3A_67 : i32
      %mul3A_69 = arith.constant 16 : i32
      %mul3A_70 = arith.muli %scan3A_68, %mul3A_69 : i32
      %swap3A_71 = arith.index_cast %mul3A_70 : i32 to index
      %swap3A_72 = tpu.vector_load %arg7[%swap3A_71] {strides = array<i32>} : memref<2048xi32, #tpu.memory_space<vmem>>, vector<16xi32>,
      tpu.vector_store %arg7[%swap3A_71], %broadcast_in_dim3A_3 {strides = array<i32>} : memref<2048xi32, #tpu.memory_space<vmem>>, vector<16xi32>,
      %scan3A_73 = arith.constant 4 : i32
      %scan3A_74 = arith.addi %scan3A_51, %scan3A_73 : i32
      %mul3A_75 = arith.constant 16 : i32
      %mul3A_76 = arith.muli %scan3A_74, %mul3A_75 : i32
      %swap3A_77 = arith.index_cast %mul3A_76 : i32 to index
      %swap3A_78 = tpu.vector_load %arg7[%swap3A_77] {strides = array<i32>} : memref<2048xi32, #tpu.memory_space<vmem>>, vector<16xi32>,
      tpu.vector_store %arg7[%swap3A_77], %broadcast_in_dim3A_3 {strides = array<i32>} : memref<2048xi32, #tpu.memory_space<vmem>>, vector<16xi32>,
      %scan3A_79 = arith.constant 5 : i32
      %scan3A_80 = arith.addi %scan3A_51, %scan3A_79 : i32
      %mul3A_81 = arith.constant 16 : i32
      %mul3A_82 = arith.muli %scan3A_80, %mul3A_81 : i32
      %swap3A_83 = arith.index_cast %mul3A_82 : i32 to index
      %swap3A_84 = tpu.vector_load %arg7[%swap3A_83] {strides = array<i32>} : memref<2048xi32, #tpu.memory_space<vmem>>, vector<16xi32>,
      tpu.vector_store %arg7[%swap3A_83], %broadcast_in_dim3A_3 {strides = array<i32>} : memref<2048xi32, #tpu.memory_space<vmem>>, vector<16xi32>,
      %scan3A_85 = arith.constant 6 : i32
      %scan3A_86 = arith.addi %scan3A_51, %scan3A_85 : i32
      %mul3A_87 = arith.constant 16 : i32
      %mul3A_88 = arith.muli %scan3A_86, %mul3A_87 : i32
      %swap3A_89 = arith.index_cast %mul3A_88 : i32 to index
      %swap3A_90 = tpu.vector_load %arg7[%swap3A_89] {strides = array<i32>} : memref<2048xi32, #tpu.memory_space<vmem>>, vector<16xi32>,
      tpu.vector_store %arg7[%swap3A_89], %broadcast_in_dim3A_3 {strides = array<i32>} : memref<2048xi32, #tpu.memory_space<vmem>>, vector<16xi32>,
      %scan3A_91 = arith.constant 7 : i32
      %scan3A_92 = arith.addi %scan3A_51, %scan3A_91 : i32
      %mul3A_93 = arith.constant 16 : i32
      %mul3A_94 = arith.muli %scan3A_92, %mul3A_93 : i32
      %swap3A_95 = arith.index_cast %mul3A_94 : i32 to index
      %swap3A_96 = tpu.vector_load %arg7[%swap3A_95] {strides = array<i32>} : memref<2048xi32, #tpu.memory_space<vmem>>, vector<16xi32>,
      tpu.vector_store %arg7[%swap3A_95], %broadcast_in_dim3A_3 {strides = array<i32>} : memref<2048xi32, #tpu.memory_space<vmem>>, vector<16xi32>,
    }
    %scan3A_22 = arith.constant 128 : i32
    %mul3A_23 = arith.constant 4 : i32
    %mul3A_24 = arith.muli %add3A, %mul3A_23 : i32
    %dma_start3A = arith.constant 0 : i32
    %dma_start3A_25 = tpu.memref_slice %arg4[%dma_start3A] : memref<32784xf32, #tpu.memory_space<vmem>> -> memref<32768xf32, #tpu.memory_space<vmem>>
    %dma_start3A_26 = arith.constant 0 : i32
    %dma_start3A_27 = tpu.memref_slice %arg2[%mul3A_24, %dma_start3A_26] : memref<128x32768xf32, #tpu.memory_space<hbm>> -> memref<1x32768xf32, #tpu.memory_space<hbm>>
    %dma_start3A_28 = tpu.memref_squeeze %dma_start3A_27 : memref<1x32768xf32, #tpu.memory_space<hbm>> -> memref<32768xf32, #tpu.memory_space<hbm>>
    %dma_start3A_29 = arith.constant 0 : i32
    %dma_start3A_30 = tpu.memref_slice %arg4[%dma_start3A_29] : memref<32784xf32, #tpu.memory_space<vmem>> -> memref<32768xf32, #tpu.memory_space<vmem>>
    %dma_start3A_31 = arith.constant 0 : i32
    %dma_start3A_32 = tpu.memref_slice %arg2[%mul3A_24, %dma_start3A_31] : memref<128x32768xf32, #tpu.memory_space<hbm>> -> memref<1x32768xf32, #tpu.memory_space<hbm>>
    %dma_start3A_33 = tpu.memref_squeeze %dma_start3A_32 : memref<1x32768xf32, #tpu.memory_space<hbm>> -> memref<32768xf32, #tpu.memory_space<hbm>>
    tpu.enqueue_dma source(%dma_start3A_33 : memref<32768xf32, #tpu.memory_space<hbm>>) target(%dma_start3A_30 : memref<32768xf32, #tpu.memory_space<vmem>>) target_semaphore(%arg8 : memref<!tpu.dma_semaphore, #tpu.memory_space<semaphore_mem>>)
    %scan3A_34 = arith.constant 0 : i32
    %scan3A_35 = arith.constant 0 : i32
    %scan3A_36 = arith.constant 4 : i32
    %scan3A_37 = arith.addi %scan3A_35, %scan3A_36 : i32
    %scan3A_38 = arith.constant 1 : i32
    %scan3A_39:2 = scf.for %scan3A_51 = %scan3A_35 to %scan3A_37 step %scan3A_38 iter_args(%scan3A_52 = %broadcast_in_dim3A_3, %scan3A_53 = %scan3A_34) -> (vector<16xi32>, i32)  : i32 {
      %mul3A_54 = arith.constant 4 : i32
      %mul3A_55 = arith.muli %add3A, %mul3A_54 : i32
      %add3A_56 = arith.addi %mul3A_55, %scan3A_51 : i32
      %dma_wait3A_57 = arith.constant 0 : i32
      %dma_wait3A_58 = tpu.memref_slice %arg4[%dma_wait3A_57] : memref<32784xf32, #tpu.memory_space<vmem>> -> memref<32768xf32, #tpu.memory_space<vmem>>
      %dma_wait3A_59 = arith.constant 0 : i32
      %dma_wait3A_60 = tpu.memref_slice %arg2[%add3A_56, %dma_wait3A_59] : memref<128x32768xf32, #tpu.memory_space<hbm>> -> memref<1x32768xf32, #tpu.memory_space<hbm>>
      %dma_wait3A_61 = tpu.memref_squeeze %dma_wait3A_60 : memref<1x32768xf32, #tpu.memory_space<hbm>> -> memref<32768xf32, #tpu.memory_space<hbm>>
      %dma_wait3A_62 = arith.constant 0 : i32
      %dma_wait3A_63 = tpu.memref_slice %arg4[%dma_wait3A_62] : memref<32784xf32, #tpu.memory_space<vmem>> -> memref<32768xf32, #tpu.memory_space<vmem>>
      %dma_wait3A_64 = arith.constant 0 : i32
      %dma_wait3A_65 = tpu.memref_slice %arg2[%add3A_56, %dma_wait3A_64] : memref<128x32768xf32, #tpu.memory_space<hbm>> -> memref<1x32768xf32, #tpu.memory_space<hbm>>
      %dma_wait3A_66 = tpu.memref_squeeze %dma_wait3A_65 : memref<1x32768xf32, #tpu.memory_space<hbm>> -> memref<32768xf32, #tpu.memory_space<hbm>>
      tpu.wait_dma2 semaphore(%arg8 : memref<!tpu.dma_semaphore, #tpu.memory_space<semaphore_mem>>) src(%dma_wait3A_66 : memref<32768xf32, #tpu.memory_space<hbm>>) dst(%dma_wait3A_63 : memref<32768xf32, #tpu.memory_space<vmem>>)
      %broadcast_in_dim3A_67 = arith.constant 2.500000e+00 : f32
      %broadcast_in_dim3A_68 = vector.broadcast %broadcast_in_dim3A_67 : f32 to vector<16xf32>
      %broadcast_in_dim3A_69 = arith.constant 1.000000e+00 : f32
      %broadcast_in_dim3A_70 = vector.broadcast %broadcast_in_dim3A_69 : f32 to vector<16xf32>
      %scan3A_71 = arith.constant 0 : i32
      %scan3A_72 = arith.constant 256 : i32
      %scan3A_73 = arith.addi %scan3A_71, %scan3A_72 : i32
      %scan3A_74 = arith.constant 1 : i32
      %scan3A_75:2 = scf.for %scan3A_817 = %scan3A_71 to %scan3A_73 step %scan3A_74 iter_args(%scan3A_818 = %broadcast_in_dim3A_3, %scan3A_819 = %broadcast_in_dim3A_11) -> (vector<16xi32>, vector<16xf32>)  : i32 {
        %mul3A_820 = arith.constant 8 : i32
        %mul3A_821 = arith.muli %scan3A_817, %mul3A_820 : i32
        %add3A_822 = arith.constant 0 : i32
        %add3A_823 = arith.addi %mul3A_821, %add3A_822 : i32
        %mul3A_824 = arith.constant 16 : i32
        %mul3A_825 = arith.muli %add3A_823, %mul3A_824 : i32
        %get3A = arith.index_cast %mul3A_825 : i32 to index
        %get3A_826 = tpu.vector_load %arg4[%get3A] {strides = array<i32>} : memref<32784xf32, #tpu.memory_space<vmem>>, vector<16xf32>,
        %ge3A_827 = arith.cmpf oge, %get3A_826, %broadcast_in_dim3A_68 : vector<16xf32>
        %all_reduce_population_count3A = tpu.all_reduce %ge3A_827 {dim = 0 : i64, kind = #tpu.reduction_kind<sum>} : vector<16xi1> -> vector<16xi32>
        %min3A = arith.minsi %all_reduce_population_count3A, %broadcast_in_dim3A_1 : vector<16xi32>
        %max3A_828 = arith.maximumf %scan3A_819, %get3A_826 : vector<16xf32>
        %mul3A_829 = arith.constant 8 : i32
        %mul3A_830 = arith.muli %scan3A_817, %mul3A_829 : i32
        %add3A_831 = arith.constant 1 : i32
        %add3A_832 = arith.addi %mul3A_830, %add3A_831 : i32
        %mul3A_833 = arith.constant 16 : i32
        %mul3A_834 = arith.muli %add3A_832, %mul3A_833 : i32
        %get3A_835 = arith.index_cast %mul3A_834 : i32 to index
        %get3A_836 = tpu.vector_load %arg4[%get3A_835] {strides = array<i32>} : memref<32784xf32, #tpu.memory_space<vmem>>, vector<16xf32>,
        %ge3A_837 = arith.cmpf oge, %get3A_836, %broadcast_in_dim3A_68 : vector<16xf32>
        %all_reduce_population_count3A_838 = tpu.all_reduce %ge3A_837 {dim = 0 : i64, kind = #tpu.reduction_kind<sum>} : vector<16xi1> -> vector<16xi32>
        %min3A_839 = arith.minsi %all_reduce_population_count3A_838, %broadcast_in_dim3A_1 : vector<16xi32>
        %max3A_840 = arith.maximumf %max3A_828, %get3A_836 : vector<16xf32>
        %mul3A_841 = arith.constant 8 : i32
        %mul3A_842 = arith.muli %scan3A_817, %mul3A_841 : i32
        %add3A_843 = arith.constant 2 : i32
        %add3A_844 = arith.addi %mul3A_842, %add3A_843 : i32
        %mul3A_845 = arith.constant 16 : i32
        %mul3A_846 = arith.muli %add3A_844, %mul3A_845 : i32
        %get3A_847 = arith.index_cast %mul3A_846 : i32 to index
        %get3A_848 = tpu.vector_load %arg4[%get3A_847] {strides = array<i32>} : memref<32784xf32, #tpu.memory_space<vmem>>, vector<16xf32>,
        %ge3A_849 = arith.cmpf oge, %get3A_848, %broadcast_in_dim3A_68 : vector<16xf32>
        %all_reduce_population_count3A_850 = tpu.all_reduce %ge3A_849 {dim = 0 : i64, kind = #tpu.reduction_kind<sum>} : vector<16xi1> -> vector<16xi32>
        %min3A_851 = arith.minsi %all_reduce_population_count3A_850, %broadcast_in_dim3A_1 : vector<16xi32>
        %max3A_852 = arith.maximumf %max3A_840, %get3A_848 : vector<16xf32>
        %mul3A_853 = arith.constant 8 : i32
        %mul3A_854 = arith.muli %scan3A_817, %mul3A_853 : i32
        %add3A_855 = arith.constant 3 : i32
        %add3A_856 = arith.addi %mul3A_854, %add3A_855 : i32
        %mul3A_857 = arith.constant 16 : i32
        %mul3A_858 = arith.muli %add3A_856, %mul3A_857 : i32
        %get3A_859 = arith.index_cast %mul3A_858 : i32 to index
        %get3A_860 = tpu.vector_load %arg4[%get3A_859] {strides = array<i32>} : memref<32784xf32, #tpu.memory_space<vmem>>, vector<16xf32>,
        %ge3A_861 = arith.cmpf oge, %get3A_860, %broadcast_in_dim3A_68 : vector<16xf32>
        %all_reduce_population_count3A_862 = tpu.all_reduce %ge3A_861 {dim = 0 : i64, kind = #tpu.reduction_kind<sum>} : vector<16xi1> -> vector<16xi32>
        %min3A_863 = arith.minsi %all_reduce_population_count3A_862, %broadcast_in_dim3A_1 : vector<16xi32>
        %max3A_864 = arith.maximumf %max3A_852, %get3A_860 : vector<16xf32>
        %mul3A_865 = arith.constant 8 : i32
        %mul3A_866 = arith.muli %scan3A_817, %mul3A_865 : i32
        %add3A_867 = arith.constant 4 : i32
        %add3A_868 = arith.addi %mul3A_866, %add3A_867 : i32
        %mul3A_869 = arith.constant 16 : i32
        %mul3A_870 = arith.muli %add3A_868, %mul3A_869 : i32
        %get3A_871 = arith.index_cast %mul3A_870 : i32 to index
        %get3A_872 = tpu.vector_load %arg4[%get3A_871] {strides = array<i32>} : memref<32784xf32, #tpu.memory_space<vmem>>, vector<16xf32>,
        %ge3A_873 = arith.cmpf oge, %get3A_872, %broadcast_in_dim3A_68 : vector<16xf32>
        %all_reduce_population_count3A_874 = tpu.all_reduce %ge3A_873 {dim = 0 : i64, kind = #tpu.reduction_kind<sum>} : vector<16xi1> -> vector<16xi32>
        %min3A_875 = arith.minsi %all_reduce_population_count3A_874, %broadcast_in_dim3A_1 : vector<16xi32>
        %max3A_876 = arith.maximumf %max3A_864, %get3A_872 : vector<16xf32>
        %mul3A_877 = arith.constant 8 : i32
        %mul3A_878 = arith.muli %scan3A_817, %mul3A_877 : i32
        %add3A_879 = arith.constant 5 : i32
        %add3A_880 = arith.addi %mul3A_878, %add3A_879 : i32
        %mul3A_881 = arith.constant 16 : i32
        %mul3A_882 = arith.muli %add3A_880, %mul3A_881 : i32
        %get3A_883 = arith.index_cast %mul3A_882 : i32 to index
        %get3A_884 = tpu.vector_load %arg4[%get3A_883] {strides = array<i32>} : memref<32784xf32, #tpu.memory_space<vmem>>, vector<16xf32>,
        %ge3A_885 = arith.cmpf oge, %get3A_884, %broadcast_in_dim3A_68 : vector<16xf32>
        %all_reduce_population_count3A_886 = tpu.all_reduce %ge3A_885 {dim = 0 : i64, kind = #tpu.reduction_kind<sum>} : vector<16xi1> -> vector<16xi32>
        %min3A_887 = arith.minsi %all_reduce_population_count3A_886, %broadcast_in_dim3A_1 : vector<16xi32>
        %max3A_888 = arith.maximumf %max3A_876, %get3A_884 : vector<16xf32>
        %mul3A_889 = arith.constant 8 : i32
        %mul3A_890 = arith.muli %scan3A_817, %mul3A_889 : i32
        %add3A_891 = arith.constant 6 : i32
        %add3A_892 = arith.addi %mul3A_890, %add3A_891 : i32
        %mul3A_893 = arith.constant 16 : i32
        %mul3A_894 = arith.muli %add3A_892, %mul3A_893 : i32
        %get3A_895 = arith.index_cast %mul3A_894 : i32 to index
        %get3A_896 = tpu.vector_load %arg4[%get3A_895] {strides = array<i32>} : memref<32784xf32, #tpu.memory_space<vmem>>, vector<16xf32>,
        %ge3A_897 = arith.cmpf oge, %get3A_896, %broadcast_in_dim3A_68 : vector<16xf32>
        %all_reduce_population_count3A_898 = tpu.all_reduce %ge3A_897 {dim = 0 : i64, kind = #tpu.reduction_kind<sum>} : vector<16xi1> -> vector<16xi32>
        %min3A_899 = arith.minsi %all_reduce_population_count3A_898, %broadcast_in_dim3A_1 : vector<16xi32>
        %max3A_900 = arith.maximumf %max3A_888, %get3A_896 : vector<16xf32>
        %mul3A_901 = arith.constant 8 : i32
        %mul3A_902 = arith.muli %scan3A_817, %mul3A_901 : i32
        %add3A_903 = arith.constant 7 : i32
        %add3A_904 = arith.addi %mul3A_902, %add3A_903 : i32
        %mul3A_905 = arith.constant 16 : i32
        %mul3A_906 = arith.muli %add3A_904, %mul3A_905 : i32
        %get3A_907 = arith.index_cast %mul3A_906 : i32 to index
        %get3A_908 = tpu.vector_load %arg4[%get3A_907] {strides = array<i32>} : memref<32784xf32, #tpu.memory_space<vmem>>, vector<16xf32>,
        %ge3A_909 = arith.cmpf oge, %get3A_908, %broadcast_in_dim3A_68 : vector<16xf32>
        %all_reduce_population_count3A_910 = tpu.all_reduce %ge3A_909 {dim = 0 : i64, kind = #tpu.reduction_kind<sum>} : vector<16xi1> -> vector<16xi32>
        %min3A_911 = arith.minsi %all_reduce_population_count3A_910, %broadcast_in_dim3A_1 : vector<16xi32>
        %max3A_912 = arith.maximumf %max3A_900, %get3A_908 : vector<16xf32>
        %add3A_913 = arith.addi %scan3A_818, %min3A : vector<16xi32>
        %add3A_914 = arith.addi %add3A_913, %min3A_839 : vector<16xi32>
        %add3A_915 = arith.addi %add3A_914, %min3A_851 : vector<16xi32>
        %add3A_916 = arith.addi %add3A_915, %min3A_863 : vector<16xi32>
        %add3A_917 = arith.addi %add3A_916, %min3A_875 : vector<16xi32>
        %add3A_918 = arith.addi %add3A_917, %min3A_887 : vector<16xi32>
        %add3A_919 = arith.addi %add3A_918, %min3A_899 : vector<16xi32>
        %mul3A_920 = arith.constant 8 : i32
        %mul3A_921 = arith.muli %scan3A_817, %mul3A_920 : i32
        %add3A_922 = arith.constant 0 : i32
        %add3A_923 = arith.addi %mul3A_921, %add3A_922 : i32
        %add3A_924 = vector.broadcast %add3A_923 : i32 to vector<16xi32>
        %add3A_925 = arith.addi %broadcast_in_dim3A_3, %add3A_924 : vector<16xi32>
        tpu.vector_store_idx %arg7[%scan3A_818], %add3A_925 masked %lt3A : memref<2048xi32, #tpu.memory_space<vmem>>[vector<16xi32>], vector<16xi32>, vector<16xi1>
        %mul3A_926 = arith.constant 8 : i32
        %mul3A_927 = arith.muli %scan3A_817, %mul3A_926 : i32
        %add3A_928 = arith.constant 1 : i32
        %add3A_929 = arith.addi %mul3A_927, %add3A_928 : i32
        %add3A_930 = vector.broadcast %add3A_929 : i32 to vector<16xi32>
        %add3A_931 = arith.addi %broadcast_in_dim3A_3, %add3A_930 : vector<16xi32>
        tpu.vector_store_idx %arg7[%add3A_913], %add3A_931 masked %lt3A : memref<2048xi32, #tpu.memory_space<vmem>>[vector<16xi32>], vector<16xi32>, vector<16xi1>
        %mul3A_932 = arith.constant 8 : i32
        %mul3A_933 = arith.muli %scan3A_817, %mul3A_932 : i32
        %add3A_934 = arith.constant 2 : i32
        %add3A_935 = arith.addi %mul3A_933, %add3A_934 : i32
        %add3A_936 = vector.broadcast %add3A_935 : i32 to vector<16xi32>
        %add3A_937 = arith.addi %broadcast_in_dim3A_3, %add3A_936 : vector<16xi32>
        tpu.vector_store_idx %arg7[%add3A_914], %add3A_937 masked %lt3A : memref<2048xi32, #tpu.memory_space<vmem>>[vector<16xi32>], vector<16xi32>, vector<16xi1>
        %mul3A_938 = arith.constant 8 : i32
        %mul3A_939 = arith.muli %scan3A_817, %mul3A_938 : i32
        %add3A_940 = arith.constant 3 : i32
        %add3A_941 = arith.addi %mul3A_939, %add3A_940 : i32
        %add3A_942 = vector.broadcast %add3A_941 : i32 to vector<16xi32>
        %add3A_943 = arith.addi %broadcast_in_dim3A_3, %add3A_942 : vector<16xi32>
        tpu.vector_store_idx %arg7[%add3A_915], %add3A_943 masked %lt3A : memref<2048xi32, #tpu.memory_space<vmem>>[vector<16xi32>], vector<16xi32>, vector<16xi1>
        %mul3A_944 = arith.constant 8 : i32
        %mul3A_945 = arith.muli %scan3A_817, %mul3A_944 : i32
        %add3A_946 = arith.constant 4 : i32
        %add3A_947 = arith.addi %mul3A_945, %add3A_946 : i32
        %add3A_948 = vector.broadcast %add3A_947 : i32 to vector<16xi32>
        %add3A_949 = arith.addi %broadcast_in_dim3A_3, %add3A_948 : vector<16xi32>
        tpu.vector_store_idx %arg7[%add3A_916], %add3A_949 masked %lt3A : memref<2048xi32, #tpu.memory_space<vmem>>[vector<16xi32>], vector<16xi32>, vector<16xi1>
        %mul3A_950 = arith.constant 8 : i32
        %mul3A_951 = arith.muli %scan3A_817, %mul3A_950 : i32
        %add3A_952 = arith.constant 5 : i32
        %add3A_953 = arith.addi %mul3A_951, %add3A_952 : i32
        %add3A_954 = vector.broadcast %add3A_953 : i32 to vector<16xi32>
        %add3A_955 = arith.addi %broadcast_in_dim3A_3, %add3A_954 : vector<16xi32>
        tpu.vector_store_idx %arg7[%add3A_917], %add3A_955 masked %lt3A : memref<2048xi32, #tpu.memory_space<vmem>>[vector<16xi32>], vector<16xi32>, vector<16xi1>
        %mul3A_956 = arith.constant 8 : i32
        %mul3A_957 = arith.muli %scan3A_817, %mul3A_956 : i32
        %add3A_958 = arith.constant 6 : i32
        %add3A_959 = arith.addi %mul3A_957, %add3A_958 : i32
        %add3A_960 = vector.broadcast %add3A_959 : i32 to vector<16xi32>
        %add3A_961 = arith.addi %broadcast_in_dim3A_3, %add3A_960 : vector<16xi32>
        tpu.vector_store_idx %arg7[%add3A_918], %add3A_961 masked %lt3A : memref<2048xi32, #tpu.memory_space<vmem>>[vector<16xi32>], vector<16xi32>, vector<16xi1>
        %mul3A_962 = arith.constant 8 : i32
        %mul3A_963 = arith.muli %scan3A_817, %mul3A_962 : i32
        %add3A_964 = arith.constant 7 : i32
        %add3A_965 = arith.addi %mul3A_963, %add3A_964 : i32
        %add3A_966 = vector.broadcast %add3A_965 : i32 to vector<16xi32>
        %add3A_967 = arith.addi %broadcast_in_dim3A_3, %add3A_966 : vector<16xi32>
        tpu.vector_store_idx %arg7[%add3A_919], %add3A_967 masked %lt3A : memref<2048xi32, #tpu.memory_space<vmem>>[vector<16xi32>], vector<16xi32>, vector<16xi1>
        %add3A_968 = arith.addi %min3A, %min3A_839 : vector<16xi32>
        %add3A_969 = arith.addi %min3A_851, %min3A_863 : vector<16xi32>
        %add3A_970 = arith.addi %min3A_875, %min3A_887 : vector<16xi32>
        %add3A_971 = arith.addi %min3A_899, %min3A_911 : vector<16xi32>
        %add3A_972 = arith.addi %add3A_968, %add3A_969 : vector<16xi32>
        %add3A_973 = arith.addi %add3A_970, %add3A_971 : vector<16xi32>
        %add3A_974 = arith.addi %scan3A_818, %add3A_972 : vector<16xi32>
        %add3A_975 = arith.addi %add3A_974, %add3A_973 : vector<16xi32>
        scf.yield %add3A_975, %max3A_912 : vector<16xi32>, vector<16xf32>
      }
      %scan3A_76 = arith.constant 256 : i32
      %broadcast_in_dim3A_77 = arith.constant true
      %broadcast_in_dim3A_78 = vector.broadcast %broadcast_in_dim3A_77 : i1 to vector<16xi1>
      %masked_cummax3A = tpu.scan <max>, %scan3A_75#1 masked %broadcast_in_dim3A_78 : vector<16xf32>, vector<16xi1> -> vector<16xf32>
      %rev3A = arith.constant 15 : i32
      %rev3A_79 = vector.broadcast %rev3A : i32 to vector<16xi32>
      %rev3A_80 = tpu.iota {dimensions = array<i32: 0>} : vector<16xi32>
      %rev3A_81 = arith.subi %rev3A_79, %rev3A_80 : vector<16xi32>
      %rev3A_82 = tpu.dynamic_gather %masked_cummax3A[%rev3A_81] in [0] : vector<16xf32>, vector<16xi32> -> vector<16xf32>
      %broadcast_in_dim3A_83 = arith.constant true
      %broadcast_in_dim3A_84 = vector.broadcast %broadcast_in_dim3A_83 : i1 to vector<16xi1>
      %masked_cummax3A_85 = tpu.scan <max>, %rev3A_82 masked %broadcast_in_dim3A_84 : vector<16xf32>, vector<16xi1> -> vector<16xf32>
      %bitcast3A = vector.bitcast %masked_cummax3A_85 : vector<16xf32> to vector<16xi32>
      %add3A_86 = arith.addi %bitcast3A, %broadcast_in_dim3A_1 : vector<16xi32>
      %max3A = arith.maxsi %add3A_86, %broadcast_in_dim3A_1 : vector<16xi32>
      %gt3A = arith.constant 0 : i32
      %gt3A_87 = arith.cmpi sgt, %scan3A_51, %gt3A : i32
      %convert_element_type3A = arith.extui %gt3A_87 : i1 to i32
      %cond3A = arith.constant 0 : i32
      %cond3A_88 = arith.constant 0 : i32
      %cond3A_89 = arith.cmpi ne, %convert_element_type3A, %cond3A_88 : i32
      %cond3A_90 = scf.if %cond3A_89 -> (i32) {
        %sub3A_817 = arith.constant 1 : i32
        %sub3A_818 = arith.subi %add3A_56, %sub3A_817 : i32
        %dma_wait3A_819 = arith.constant 0 : i32
        %dma_wait3A_820 = tpu.memref_slice %arg3[%sub3A_818, %dma_wait3A_819] : memref<128x32768xf32, #tpu.memory_space<hbm>> -> memref<1x32768xf32, #tpu.memory_space<hbm>>
        %dma_wait3A_821 = tpu.memref_squeeze %dma_wait3A_820 : memref<1x32768xf32, #tpu.memory_space<hbm>> -> memref<32768xf32, #tpu.memory_space<hbm>>
        %dma_wait3A_822 = arith.constant 0 : i32
        %dma_wait3A_823 = tpu.memref_slice %arg3[%sub3A_818, %dma_wait3A_822] : memref<128x32768xf32, #tpu.memory_space<hbm>> -> memref<1x32768xf32, #tpu.memory_space<hbm>>
        %dma_wait3A_824 = tpu.memref_squeeze %dma_wait3A_823 : memref<1x32768xf32, #tpu.memory_space<hbm>> -> memref<32768xf32, #tpu.memory_space<hbm>>
        tpu.wait_dma2 semaphore(%arg9 : memref<!tpu.dma_semaphore, #tpu.memory_space<semaphore_mem>>) src(%arg6 : memref<32768xf32, #tpu.memory_space<vmem>>) dst(%dma_wait3A_824 : memref<32768xf32, #tpu.memory_space<hbm>>)
        %cond3A_825 = arith.constant 0 : i32
        scf.yield %cond3A_825 : i32
      } else {
        %cond3A_817 = arith.constant 0 : i32
        scf.yield %cond3A_817 : i32
      }
      %while3A = arith.constant 0 : i32
      %while3A_91 = arith.constant 0 : i32
      %while3A_92 = arith.subi %scan3A_53, %while3A_91 : i32
      %while3A_93 = arith.addi %while3A_91, %while3A_92 : i32
      %while3A_94 = arith.constant 1 : i32
      %while3A_95 = arith.divsi %while3A_92, %while3A_94 : i32
      %while3A_96 = arith.muli %while3A_95, %while3A_94 : i32
      %while3A_97 = arith.addi %while3A_91, %while3A_96 : i32
      %while3A_98 = arith.constant 1 : i32
      scf.for %while3A_817 = %while3A_91 to %while3A_97 step %while3A_98  : i32 {
        %mul3A_818 = arith.constant 16 : i32
        %mul3A_819 = arith.muli %while3A_817, %mul3A_818 : i32
        %add3A_820 = vector.broadcast %mul3A_819 : i32 to vector<16xi32>
        %add3A_821 = arith.addi %iota3A, %add3A_820 : vector<16xi32>
        %lt3A_822 = arith.cmpi slt, %add3A_821, %scan3A_52 : vector<16xi32>
        %mul3A_823 = arith.constant 16 : i32
        %mul3A_824 = arith.muli %while3A_817, %mul3A_823 : i32
        %get3A = arith.index_cast %mul3A_824 : i32 to index
        %get3A_825 = tpu.vector_load %arg5[%get3A] {strides = array<i32>} : memref<32768xi32, #tpu.memory_space<vmem>>, vector<16xi32>,
        tpu.vector_store_idx %arg6[%get3A_825], %broadcast_in_dim3A_5 masked %lt3A_822 : memref<32768xf32, #tpu.memory_space<vmem>>[vector<16xi32>], vector<16xf32>, vector<16xi1>
      }
      %while3A_99 = arith.constant 1 : i32
      scf.for %while3A_817 = %while3A_97 to %while3A_93 step %while3A_99  : i32 {
        %mul3A_818 = arith.constant 16 : i32
        %mul3A_819 = arith.muli %while3A_817, %mul3A_818 : i32
        %add3A_820 = vector.broadcast %mul3A_819 : i32 to vector<16xi32>
        %add3A_821 = arith.addi %iota3A, %add3A_820 : vector<16xi32>
        %lt3A_822 = arith.cmpi slt, %add3A_821, %scan3A_52 : vector<16xi32>
        %mul3A_823 = arith.constant 16 : i32
        %mul3A_824 = arith.muli %while3A_817, %mul3A_823 : i32
        %get3A = arith.index_cast %mul3A_824 : i32 to index
        %get3A_825 = tpu.vector_load %arg5[%get3A] {strides = array<i32>} : memref<32768xi32, #tpu.memory_space<vmem>>, vector<16xi32>,
        tpu.vector_store_idx %arg6[%get3A_825], %broadcast_in_dim3A_5 masked %lt3A_822 : memref<32768xf32, #tpu.memory_space<vmem>>[vector<16xi32>], vector<16xf32>, vector<16xi1>
      }
      %and3A = arith.constant 1 : i32
      %and3A_100 = vector.broadcast %and3A : i32 to vector<16xi32>
      %and3A_101 = arith.andi %scan3A_75#0, %and3A_100 : vector<16xi32>
      %ne3A = arith.constant 0 : i32
      %ne3A_102 = vector.broadcast %ne3A : i32 to vector<16xi32>
      %ne3A_103 = arith.cmpi ne, %and3A_101, %ne3A_102 : vector<16xi32>
      %reduce_or3A = arith.constant 1.000000e+00 : f32
      %reduce_or3A_104 = arith.constant 0.000000e+00 : f32
      %reduce_or3A_105 = vector.broadcast %reduce_or3A : f32 to vector<16xf32>
      %reduce_or3A_106 = vector.broadcast %reduce_or3A_104 : f32 to vector<16xf32>
      %reduce_or3A_107 = arith.select %ne3A_103, %reduce_or3A_105, %reduce_or3A_106 : vector<16xi1>, vector<16xf32>
      %reduce_or3A_108 = arith.constant true
      %reduce_or3A_109 = vector.broadcast %reduce_or3A_108 : i1 to vector<16xi1>
      %reduce_or3A_110 = tpu.scan <max>, %reduce_or3A_107 masked %reduce_or3A_109 : vector<16xf32>, vector<16xi1> -> vector<16xf32>
      %reduce_or3A_111 = vector.extract %reduce_or3A_110[15] : f32 from vector<16xf32>
      %reduce_or3A_112 = arith.constant 0.000000e+00 : f32
      %reduce_or3A_113 = arith.cmpf ogt, %reduce_or3A_111, %reduce_or3A_112 : f32
      %jit3A = arith.constant 1 : i32
      %jit3A_114 = arith.constant 0 : i32
      %select_n3A = arith.select %reduce_or3A_113, %jit3A, %jit3A_114 : i32
      %add3A_115 = arith.constant 0 : i32
      %add3A_116 = arith.addi %add3A_115, %select_n3A : i32
      %and3A_117 = arith.constant 2 : i32
      %and3A_118 = vector.broadcast %and3A_117 : i32 to vector<16xi32>
      %and3A_119 = arith.andi %scan3A_75#0, %and3A_118 : vector<16xi32>
      %ne3A_120 = arith.constant 0 : i32
      %ne3A_121 = vector.broadcast %ne3A_120 : i32 to vector<16xi32>
      %ne3A_122 = arith.cmpi ne, %and3A_119, %ne3A_121 : vector<16xi32>
      %reduce_or3A_123 = arith.constant 1.000000e+00 : f32
      %reduce_or3A_124 = arith.constant 0.000000e+00 : f32
      %reduce_or3A_125 = vector.broadcast %reduce_or3A_123 : f32 to vector<16xf32>
      %reduce_or3A_126 = vector.broadcast %reduce_or3A_124 : f32 to vector<16xf32>
      %reduce_or3A_127 = arith.select %ne3A_122, %reduce_or3A_125, %reduce_or3A_126 : vector<16xi1>, vector<16xf32>
      %reduce_or3A_128 = arith.constant true
      %reduce_or3A_129 = vector.broadcast %reduce_or3A_128 : i1 to vector<16xi1>
      %reduce_or3A_130 = tpu.scan <max>, %reduce_or3A_127 masked %reduce_or3A_129 : vector<16xf32>, vector<16xi1> -> vector<16xf32>
      %reduce_or3A_131 = vector.extract %reduce_or3A_130[15] : f32 from vector<16xf32>
      %reduce_or3A_132 = arith.constant 0.000000e+00 : f32
      %reduce_or3A_133 = arith.cmpf ogt, %reduce_or3A_131, %reduce_or3A_132 : f32
      %jit3A_134 = arith.constant 2 : i32
      %jit3A_135 = arith.constant 0 : i32
      %select_n3A_136 = arith.select %reduce_or3A_133, %jit3A_134, %jit3A_135 : i32
      %add3A_137 = arith.addi %add3A_116, %select_n3A_136 : i32
      %and3A_138 = arith.constant 4 : i32
      %and3A_139 = vector.broadcast %and3A_138 : i32 to vector<16xi32>
      %and3A_140 = arith.andi %scan3A_75#0, %and3A_139 : vector<16xi32>
      %ne3A_141 = arith.constant 0 : i32
      %ne3A_142 = vector.broadcast %ne3A_141 : i32 to vector<16xi32>
      %ne3A_143 = arith.cmpi ne, %and3A_140, %ne3A_142 : vector<16xi32>
      %reduce_or3A_144 = arith.constant 1.000000e+00 : f32
      %reduce_or3A_145 = arith.constant 0.000000e+00 : f32
      %reduce_or3A_146 = vector.broadcast %reduce_or3A_144 : f32 to vector<16xf32>
      %reduce_or3A_147 = vector.broadcast %reduce_or3A_145 : f32 to vector<16xf32>
      %reduce_or3A_148 = arith.select %ne3A_143, %reduce_or3A_146, %reduce_or3A_147 : vector<16xi1>, vector<16xf32>
      %reduce_or3A_149 = arith.constant true
      %reduce_or3A_150 = vector.broadcast %reduce_or3A_149 : i1 to vector<16xi1>
      %reduce_or3A_151 = tpu.scan <max>, %reduce_or3A_148 masked %reduce_or3A_150 : vector<16xf32>, vector<16xi1> -> vector<16xf32>
      %reduce_or3A_152 = vector.extract %reduce_or3A_151[15] : f32 from vector<16xf32>
      %reduce_or3A_153 = arith.constant 0.000000e+00 : f32
      %reduce_or3A_154 = arith.cmpf ogt, %reduce_or3A_152, %reduce_or3A_153 : f32
      %jit3A_155 = arith.constant 4 : i32
      %jit3A_156 = arith.constant 0 : i32
      %select_n3A_157 = arith.select %reduce_or3A_154, %jit3A_155, %jit3A_156 : i32
      %add3A_158 = arith.addi %add3A_137, %select_n3A_157 : i32
      %and3A_159 = arith.constant 8 : i32
      %and3A_160 = vector.broadcast %and3A_159 : i32 to vector<16xi32>
      %and3A_161 = arith.andi %scan3A_75#0, %and3A_160 : vector<16xi32>
      %ne3A_162 = arith.constant 0 : i32
      %ne3A_163 = vector.broadcast %ne3A_162 : i32 to vector<16xi32>
      %ne3A_164 = arith.cmpi ne, %and3A_161, %ne3A_163 : vector<16xi32>
      %reduce_or3A_165 = arith.constant 1.000000e+00 : f32
      %reduce_or3A_166 = arith.constant 0.000000e+00 : f32
      %reduce_or3A_167 = vector.broadcast %reduce_or3A_165 : f32 to vector<16xf32>
      %reduce_or3A_168 = vector.broadcast %reduce_or3A_166 : f32 to vector<16xf32>
      %reduce_or3A_169 = arith.select %ne3A_164, %reduce_or3A_167, %reduce_or3A_168 : vector<16xi1>, vector<16xf32>
      %reduce_or3A_170 = arith.constant true
      %reduce_or3A_171 = vector.broadcast %reduce_or3A_170 : i1 to vector<16xi1>
      %reduce_or3A_172 = tpu.scan <max>, %reduce_or3A_169 masked %reduce_or3A_171 : vector<16xf32>, vector<16xi1> -> vector<16xf32>
      %reduce_or3A_173 = vector.extract %reduce_or3A_172[15] : f32 from vector<16xf32>
      %reduce_or3A_174 = arith.constant 0.000000e+00 : f32
      %reduce_or3A_175 = arith.cmpf ogt, %reduce_or3A_173, %reduce_or3A_174 : f32
      %jit3A_176 = arith.constant 8 : i32
      %jit3A_177 = arith.constant 0 : i32
      %select_n3A_178 = arith.select %reduce_or3A_175, %jit3A_176, %jit3A_177 : i32
      %add3A_179 = arith.addi %add3A_158, %select_n3A_178 : i32
      %and3A_180 = arith.constant 16 : i32
      %and3A_181 = vector.broadcast %and3A_180 : i32 to vector<16xi32>
      %and3A_182 = arith.andi %scan3A_75#0, %and3A_181 : vector<16xi32>
      %ne3A_183 = arith.constant 0 : i32
      %ne3A_184 = vector.broadcast %ne3A_183 : i32 to vector<16xi32>
      %ne3A_185 = arith.cmpi ne, %and3A_182, %ne3A_184 : vector<16xi32>
      %reduce_or3A_186 = arith.constant 1.000000e+00 : f32
      %reduce_or3A_187 = arith.constant 0.000000e+00 : f32
      %reduce_or3A_188 = vector.broadcast %reduce_or3A_186 : f32 to vector<16xf32>
      %reduce_or3A_189 = vector.broadcast %reduce_or3A_187 : f32 to vector<16xf32>
      %reduce_or3A_190 = arith.select %ne3A_185, %reduce_or3A_188, %reduce_or3A_189 : vector<16xi1>, vector<16xf32>
      %reduce_or3A_191 = arith.constant true
      %reduce_or3A_192 = vector.broadcast %reduce_or3A_191 : i1 to vector<16xi1>
      %reduce_or3A_193 = tpu.scan <max>, %reduce_or3A_190 masked %reduce_or3A_192 : vector<16xf32>, vector<16xi1> -> vector<16xf32>
      %reduce_or3A_194 = vector.extract %reduce_or3A_193[15] : f32 from vector<16xf32>
      %reduce_or3A_195 = arith.constant 0.000000e+00 : f32
      %reduce_or3A_196 = arith.cmpf ogt, %reduce_or3A_194, %reduce_or3A_195 : f32
      %jit3A_197 = arith.constant 16 : i32
      %jit3A_198 = arith.constant 0 : i32
      %select_n3A_199 = arith.select %reduce_or3A_196, %jit3A_197, %jit3A_198 : i32
      %add3A_200 = arith.addi %add3A_179, %select_n3A_199 : i32
      %and3A_201 = arith.constant 32 : i32
      %and3A_202 = vector.broadcast %and3A_201 : i32 to vector<16xi32>
      %and3A_203 = arith.andi %scan3A_75#0, %and3A_202 : vector<16xi32>
      %ne3A_204 = arith.constant 0 : i32
      %ne3A_205 = vector.broadcast %ne3A_204 : i32 to vector<16xi32>
      %ne3A_206 = arith.cmpi ne, %and3A_203, %ne3A_205 : vector<16xi32>
      %reduce_or3A_207 = arith.constant 1.000000e+00 : f32
      %reduce_or3A_208 = arith.constant 0.000000e+00 : f32
      %reduce_or3A_209 = vector.broadcast %reduce_or3A_207 : f32 to vector<16xf32>
      %reduce_or3A_210 = vector.broadcast %reduce_or3A_208 : f32 to vector<16xf32>
      %reduce_or3A_211 = arith.select %ne3A_206, %reduce_or3A_209, %reduce_or3A_210 : vector<16xi1>, vector<16xf32>
      %reduce_or3A_212 = arith.constant true
      %reduce_or3A_213 = vector.broadcast %reduce_or3A_212 : i1 to vector<16xi1>
      %reduce_or3A_214 = tpu.scan <max>, %reduce_or3A_211 masked %reduce_or3A_213 : vector<16xf32>, vector<16xi1> -> vector<16xf32>
      %reduce_or3A_215 = vector.extract %reduce_or3A_214[15] : f32 from vector<16xf32>
      %reduce_or3A_216 = arith.constant 0.000000e+00 : f32
      %reduce_or3A_217 = arith.cmpf ogt, %reduce_or3A_215, %reduce_or3A_216 : f32
      %jit3A_218 = arith.constant 32 : i32
      %jit3A_219 = arith.constant 0 : i32
      %select_n3A_220 = arith.select %reduce_or3A_217, %jit3A_218, %jit3A_219 : i32
      %add3A_221 = arith.addi %add3A_200, %select_n3A_220 : i32
      %and3A_222 = arith.constant 64 : i32
      %and3A_223 = vector.broadcast %and3A_222 : i32 to vector<16xi32>
      %and3A_224 = arith.andi %scan3A_75#0, %and3A_223 : vector<16xi32>
      %ne3A_225 = arith.constant 0 : i32
      %ne3A_226 = vector.broadcast %ne3A_225 : i32 to vector<16xi32>
      %ne3A_227 = arith.cmpi ne, %and3A_224, %ne3A_226 : vector<16xi32>
      %reduce_or3A_228 = arith.constant 1.000000e+00 : f32
      %reduce_or3A_229 = arith.constant 0.000000e+00 : f32
      %reduce_or3A_230 = vector.broadcast %reduce_or3A_228 : f32 to vector<16xf32>
      %reduce_or3A_231 = vector.broadcast %reduce_or3A_229 : f32 to vector<16xf32>
      %reduce_or3A_232 = arith.select %ne3A_227, %reduce_or3A_230, %reduce_or3A_231 : vector<16xi1>, vector<16xf32>
      %reduce_or3A_233 = arith.constant true
      %reduce_or3A_234 = vector.broadcast %reduce_or3A_233 : i1 to vector<16xi1>
      %reduce_or3A_235 = tpu.scan <max>, %reduce_or3A_232 masked %reduce_or3A_234 : vector<16xf32>, vector<16xi1> -> vector<16xf32>
      %reduce_or3A_236 = vector.extract %reduce_or3A_235[15] : f32 from vector<16xf32>
      %reduce_or3A_237 = arith.constant 0.000000e+00 : f32
      %reduce_or3A_238 = arith.cmpf ogt, %reduce_or3A_236, %reduce_or3A_237 : f32
      %jit3A_239 = arith.constant 64 : i32
      %jit3A_240 = arith.constant 0 : i32
      %select_n3A_241 = arith.select %reduce_or3A_238, %jit3A_239, %jit3A_240 : i32
      %add3A_242 = arith.addi %add3A_221, %select_n3A_241 : i32
      %and3A_243 = arith.constant 128 : i32
      %and3A_244 = vector.broadcast %and3A_243 : i32 to vector<16xi32>
      %and3A_245 = arith.andi %scan3A_75#0, %and3A_244 : vector<16xi32>
      %ne3A_246 = arith.constant 0 : i32
      %ne3A_247 = vector.broadcast %ne3A_246 : i32 to vector<16xi32>
      %ne3A_248 = arith.cmpi ne, %and3A_245, %ne3A_247 : vector<16xi32>
      %reduce_or3A_249 = arith.constant 1.000000e+00 : f32
      %reduce_or3A_250 = arith.constant 0.000000e+00 : f32
      %reduce_or3A_251 = vector.broadcast %reduce_or3A_249 : f32 to vector<16xf32>
      %reduce_or3A_252 = vector.broadcast %reduce_or3A_250 : f32 to vector<16xf32>
      %reduce_or3A_253 = arith.select %ne3A_248, %reduce_or3A_251, %reduce_or3A_252 : vector<16xi1>, vector<16xf32>
      %reduce_or3A_254 = arith.constant true
      %reduce_or3A_255 = vector.broadcast %reduce_or3A_254 : i1 to vector<16xi1>
      %reduce_or3A_256 = tpu.scan <max>, %reduce_or3A_253 masked %reduce_or3A_255 : vector<16xf32>, vector<16xi1> -> vector<16xf32>
      %reduce_or3A_257 = vector.extract %reduce_or3A_256[15] : f32 from vector<16xf32>
      %reduce_or3A_258 = arith.constant 0.000000e+00 : f32
      %reduce_or3A_259 = arith.cmpf ogt, %reduce_or3A_257, %reduce_or3A_258 : f32
      %jit3A_260 = arith.constant 128 : i32
      %jit3A_261 = arith.constant 0 : i32
      %select_n3A_262 = arith.select %reduce_or3A_259, %jit3A_260, %jit3A_261 : i32
      %add3A_263 = arith.addi %add3A_242, %select_n3A_262 : i32
      %and3A_264 = arith.constant 256 : i32
      %and3A_265 = vector.broadcast %and3A_264 : i32 to vector<16xi32>
      %and3A_266 = arith.andi %scan3A_75#0, %and3A_265 : vector<16xi32>
      %ne3A_267 = arith.constant 0 : i32
      %ne3A_268 = vector.broadcast %ne3A_267 : i32 to vector<16xi32>
      %ne3A_269 = arith.cmpi ne, %and3A_266, %ne3A_268 : vector<16xi32>
      %reduce_or3A_270 = arith.constant 1.000000e+00 : f32
      %reduce_or3A_271 = arith.constant 0.000000e+00 : f32
      %reduce_or3A_272 = vector.broadcast %reduce_or3A_270 : f32 to vector<16xf32>
      %reduce_or3A_273 = vector.broadcast %reduce_or3A_271 : f32 to vector<16xf32>
      %reduce_or3A_274 = arith.select %ne3A_269, %reduce_or3A_272, %reduce_or3A_273 : vector<16xi1>, vector<16xf32>
      %reduce_or3A_275 = arith.constant true
      %reduce_or3A_276 = vector.broadcast %reduce_or3A_275 : i1 to vector<16xi1>
      %reduce_or3A_277 = tpu.scan <max>, %reduce_or3A_274 masked %reduce_or3A_276 : vector<16xf32>, vector<16xi1> -> vector<16xf32>
      %reduce_or3A_278 = vector.extract %reduce_or3A_277[15] : f32 from vector<16xf32>
      %reduce_or3A_279 = arith.constant 0.000000e+00 : f32
      %reduce_or3A_280 = arith.cmpf ogt, %reduce_or3A_278, %reduce_or3A_279 : f32
      %jit3A_281 = arith.constant 256 : i32
      %jit3A_282 = arith.constant 0 : i32
      %select_n3A_283 = arith.select %reduce_or3A_280, %jit3A_281, %jit3A_282 : i32
      %add3A_284 = arith.addi %add3A_263, %select_n3A_283 : i32
      %and3A_285 = arith.constant 512 : i32
      %and3A_286 = vector.broadcast %and3A_285 : i32 to vector<16xi32>
      %and3A_287 = arith.andi %scan3A_75#0, %and3A_286 : vector<16xi32>
      %ne3A_288 = arith.constant 0 : i32
      %ne3A_289 = vector.broadcast %ne3A_288 : i32 to vector<16xi32>
      %ne3A_290 = arith.cmpi ne, %and3A_287, %ne3A_289 : vector<16xi32>
      %reduce_or3A_291 = arith.constant 1.000000e+00 : f32
      %reduce_or3A_292 = arith.constant 0.000000e+00 : f32
      %reduce_or3A_293 = vector.broadcast %reduce_or3A_291 : f32 to vector<16xf32>
      %reduce_or3A_294 = vector.broadcast %reduce_or3A_292 : f32 to vector<16xf32>
      %reduce_or3A_295 = arith.select %ne3A_290, %reduce_or3A_293, %reduce_or3A_294 : vector<16xi1>, vector<16xf32>
      %reduce_or3A_296 = arith.constant true
      %reduce_or3A_297 = vector.broadcast %reduce_or3A_296 : i1 to vector<16xi1>
      %reduce_or3A_298 = tpu.scan <max>, %reduce_or3A_295 masked %reduce_or3A_297 : vector<16xf32>, vector<16xi1> -> vector<16xf32>
      %reduce_or3A_299 = vector.extract %reduce_or3A_298[15] : f32 from vector<16xf32>
      %reduce_or3A_300 = arith.constant 0.000000e+00 : f32
      %reduce_or3A_301 = arith.cmpf ogt, %reduce_or3A_299, %reduce_or3A_300 : f32
      %jit3A_302 = arith.constant 512 : i32
      %jit3A_303 = arith.constant 0 : i32
      %select_n3A_304 = arith.select %reduce_or3A_301, %jit3A_302, %jit3A_303 : i32
      %add3A_305 = arith.addi %add3A_284, %select_n3A_304 : i32
      %and3A_306 = arith.constant 1024 : i32
      %and3A_307 = vector.broadcast %and3A_306 : i32 to vector<16xi32>
      %and3A_308 = arith.andi %scan3A_75#0, %and3A_307 : vector<16xi32>
      %ne3A_309 = arith.constant 0 : i32
      %ne3A_310 = vector.broadcast %ne3A_309 : i32 to vector<16xi32>
      %ne3A_311 = arith.cmpi ne, %and3A_308, %ne3A_310 : vector<16xi32>
      %reduce_or3A_312 = arith.constant 1.000000e+00 : f32
      %reduce_or3A_313 = arith.constant 0.000000e+00 : f32
      %reduce_or3A_314 = vector.broadcast %reduce_or3A_312 : f32 to vector<16xf32>
      %reduce_or3A_315 = vector.broadcast %reduce_or3A_313 : f32 to vector<16xf32>
      %reduce_or3A_316 = arith.select %ne3A_311, %reduce_or3A_314, %reduce_or3A_315 : vector<16xi1>, vector<16xf32>
      %reduce_or3A_317 = arith.constant true
      %reduce_or3A_318 = vector.broadcast %reduce_or3A_317 : i1 to vector<16xi1>
      %reduce_or3A_319 = tpu.scan <max>, %reduce_or3A_316 masked %reduce_or3A_318 : vector<16xf32>, vector<16xi1> -> vector<16xf32>
      %reduce_or3A_320 = vector.extract %reduce_or3A_319[15] : f32 from vector<16xf32>
      %reduce_or3A_321 = arith.constant 0.000000e+00 : f32
      %reduce_or3A_322 = arith.cmpf ogt, %reduce_or3A_320, %reduce_or3A_321 : f32
      %jit3A_323 = arith.constant 1024 : i32
      %jit3A_324 = arith.constant 0 : i32
      %select_n3A_325 = arith.select %reduce_or3A_322, %jit3A_323, %jit3A_324 : i32
      %add3A_326 = arith.addi %add3A_305, %select_n3A_325 : i32
      %and3A_327 = arith.constant 2048 : i32
      %and3A_328 = vector.broadcast %and3A_327 : i32 to vector<16xi32>
      %and3A_329 = arith.andi %scan3A_75#0, %and3A_328 : vector<16xi32>
      %ne3A_330 = arith.constant 0 : i32
      %ne3A_331 = vector.broadcast %ne3A_330 : i32 to vector<16xi32>
      %ne3A_332 = arith.cmpi ne, %and3A_329, %ne3A_331 : vector<16xi32>
      %reduce_or3A_333 = arith.constant 1.000000e+00 : f32
      %reduce_or3A_334 = arith.constant 0.000000e+00 : f32
      %reduce_or3A_335 = vector.broadcast %reduce_or3A_333 : f32 to vector<16xf32>
      %reduce_or3A_336 = vector.broadcast %reduce_or3A_334 : f32 to vector<16xf32>
      %reduce_or3A_337 = arith.select %ne3A_332, %reduce_or3A_335, %reduce_or3A_336 : vector<16xi1>, vector<16xf32>
      %reduce_or3A_338 = arith.constant true
      %reduce_or3A_339 = vector.broadcast %reduce_or3A_338 : i1 to vector<16xi1>
      %reduce_or3A_340 = tpu.scan <max>, %reduce_or3A_337 masked %reduce_or3A_339 : vector<16xf32>, vector<16xi1> -> vector<16xf32>
      %reduce_or3A_341 = vector.extract %reduce_or3A_340[15] : f32 from vector<16xf32>
      %reduce_or3A_342 = arith.constant 0.000000e+00 : f32
      %reduce_or3A_343 = arith.cmpf ogt, %reduce_or3A_341, %reduce_or3A_342 : f32
      %jit3A_344 = arith.constant 2048 : i32
      %jit3A_345 = arith.constant 0 : i32
      %select_n3A_346 = arith.select %reduce_or3A_343, %jit3A_344, %jit3A_345 : i32
      %add3A_347 = arith.addi %add3A_326, %select_n3A_346 : i32
      %add3A_348 = arith.constant 16 : i32
      %add3A_349 = arith.addi %add3A_347, %add3A_348 : i32
      %sub3A_350 = arith.constant 1 : i32
      %sub3A_351 = arith.subi %add3A_349, %sub3A_350 : i32
      %jit3A_352 = arith.constant 16 : i32
      %div3A = arith.divsi %sub3A_351, %jit3A_352 : i32
      %sign3A = arith.constant 0 : i32
      %sign3A_353 = arith.cmpi sgt, %sub3A_351, %sign3A : i32
      %sign3A_354 = arith.extui %sign3A_353 : i1 to i32
      %sign3A_355 = arith.constant 0 : i32
      %sign3A_356 = arith.cmpi slt, %sub3A_351, %sign3A_355 : i32
      %sign3A_357 = arith.extui %sign3A_356 : i1 to i32
      %sign3A_358 = arith.subi %sign3A_354, %sign3A_357 : i32
      %sign3A_359 = arith.constant 0 : i32
      %sign3A_360 = arith.cmpi sgt, %jit3A_352, %sign3A_359 : i32
      %sign3A_361 = arith.extui %sign3A_360 : i1 to i32
      %sign3A_362 = arith.constant 0 : i32
      %sign3A_363 = arith.cmpi slt, %jit3A_352, %sign3A_362 : i32
      %sign3A_364 = arith.extui %sign3A_363 : i1 to i32
      %sign3A_365 = arith.subi %sign3A_361, %sign3A_364 : i32
      %ne3A_366 = arith.cmpi ne, %sign3A_358, %sign3A_365 : i32
      %rem3A = arith.remsi %sub3A_351, %jit3A_352 : i32
      %ne3A_367 = arith.constant 0 : i32
      %ne3A_368 = arith.cmpi ne, %rem3A, %ne3A_367 : i32
      %and3A_369 = arith.andi %ne3A_366, %ne3A_368 : i1
      %sub3A_370 = arith.constant 1 : i32
      %sub3A_371 = arith.subi %div3A, %sub3A_370 : i32
      %select_n3A_372 = arith.select %and3A_369, %sub3A_371, %div3A : i32
      %while3A_373 = arith.constant 0 : i32
      %while3A_374 = arith.subi %select_n3A_372, %while3A_373 : i32
      %while3A_375 = arith.addi %while3A_373, %while3A_374 : i32
      %while3A_376 = arith.constant 1 : i32
      %while3A_377 = arith.divsi %while3A_374, %while3A_376 : i32
      %while3A_378 = arith.muli %while3A_377, %while3A_376 : i32
      %while3A_379 = arith.addi %while3A_373, %while3A_378 : i32
      %while3A_380 = arith.constant 1 : i32
      %while3A_381 = scf.for %while3A_817 = %while3A_373 to %while3A_379 step %while3A_380 iter_args(%while3A_818 = %broadcast_in_dim3A_3) -> (vector<16xi32>)  : i32 {
        %mul3A_819 = arith.constant 16 : i32
        %mul3A_820 = arith.muli %while3A_817, %mul3A_819 : i32
        %add3A_821 = arith.constant 0 : i32
        %add3A_822 = arith.addi %mul3A_820, %add3A_821 : i32
        %add3A_823 = vector.broadcast %add3A_822 : i32 to vector<16xi32>
        %add3A_824 = arith.addi %broadcast_in_dim3A_3, %add3A_823 : vector<16xi32>
        %gather3A = tpu.vector_load_idx %arg7[%add3A_824] : memref<2048xi32, #tpu.memory_space<vmem>>[vector<16xi32>], vector<16xi32>,
        %add3A_825 = vector.broadcast %add3A_822 : i32 to vector<16xi32>
        %add3A_826 = arith.addi %broadcast_in_dim3A_3, %add3A_825 : vector<16xi32>
        %lt3A_827 = arith.cmpi slt, %add3A_826, %scan3A_75#0 : vector<16xi32>
        %mul3A_828 = arith.constant 16 : i32
        %mul3A_829 = vector.broadcast %mul3A_828 : i32 to vector<16xi32>
        %mul3A_830 = arith.muli %gather3A, %mul3A_829 : vector<16xi32>
        %add3A_831 = arith.addi %mul3A_830, %iota3A : vector<16xi32>
        %gather3A_832 = tpu.vector_load_idx %arg4[%add3A_831] : memref<32784xf32, #tpu.memory_space<vmem>>[vector<16xi32>], vector<16xf32>,
        %ge3A_833 = arith.cmpf oge, %gather3A_832, %broadcast_in_dim3A_68 : vector<16xf32>
        %and3A_834 = arith.andi %ge3A_833, %lt3A_827 : vector<16xi1>
        %select_n3A_835 = arith.select %and3A_834, %broadcast_in_dim3A_1, %broadcast_in_dim3A_3 : vector<16xi1>, vector<16xi32>
        %broadcast_in_dim3A_836 = arith.constant true
        %broadcast_in_dim3A_837 = vector.broadcast %broadcast_in_dim3A_836 : i1 to vector<16xi1>
        %masked_cumsum3A_838 = tpu.scan <sum>, %select_n3A_835 masked %broadcast_in_dim3A_837 : vector<16xi32>, vector<16xi1> -> vector<16xi32>
        %add3A_839 = arith.addi %while3A_818, %masked_cumsum3A_838 : vector<16xi32>
        %sub3A_840 = arith.subi %add3A_839, %select_n3A_835 : vector<16xi32>
        tpu.vector_store_idx %arg5[%sub3A_840], %add3A_831 masked %and3A_834 : memref<32768xi32, #tpu.memory_space<vmem>>[vector<16xi32>], vector<16xi32>, vector<16xi1>
        %all_reduce_population_count3A = tpu.all_reduce %and3A_834 {dim = 0 : i64, kind = #tpu.reduction_kind<sum>} : vector<16xi1> -> vector<16xi32>
        %add3A_841 = arith.addi %while3A_818, %all_reduce_population_count3A : vector<16xi32>
        %mul3A_842 = arith.constant 16 : i32
        %mul3A_843 = arith.muli %while3A_817, %mul3A_842 : i32
        %add3A_844 = arith.constant 1 : i32
        %add3A_845 = arith.addi %mul3A_843, %add3A_844 : i32
        %add3A_846 = vector.broadcast %add3A_845 : i32 to vector<16xi32>
        %add3A_847 = arith.addi %broadcast_in_dim3A_3, %add3A_846 : vector<16xi32>
        %gather3A_848 = tpu.vector_load_idx %arg7[%add3A_847] : memref<2048xi32, #tpu.memory_space<vmem>>[vector<16xi32>], vector<16xi32>,
        %add3A_849 = vector.broadcast %add3A_845 : i32 to vector<16xi32>
        %add3A_850 = arith.addi %broadcast_in_dim3A_3, %add3A_849 : vector<16xi32>
        %lt3A_851 = arith.cmpi slt, %add3A_850, %scan3A_75#0 : vector<16xi32>
        %mul3A_852 = arith.constant 16 : i32
        %mul3A_853 = vector.broadcast %mul3A_852 : i32 to vector<16xi32>
        %mul3A_854 = arith.muli %gather3A_848, %mul3A_853 : vector<16xi32>
        %add3A_855 = arith.addi %mul3A_854, %iota3A : vector<16xi32>
        %gather3A_856 = tpu.vector_load_idx %arg4[%add3A_855] : memref<32784xf32, #tpu.memory_space<vmem>>[vector<16xi32>], vector<16xf32>,
        %ge3A_857 = arith.cmpf oge, %gather3A_856, %broadcast_in_dim3A_68 : vector<16xf32>
        %and3A_858 = arith.andi %ge3A_857, %lt3A_851 : vector<16xi1>
        %select_n3A_859 = arith.select %and3A_858, %broadcast_in_dim3A_1, %broadcast_in_dim3A_3 : vector<16xi1>, vector<16xi32>
        %broadcast_in_dim3A_860 = arith.constant true
        %broadcast_in_dim3A_861 = vector.broadcast %broadcast_in_dim3A_860 : i1 to vector<16xi1>
        %masked_cumsum3A_862 = tpu.scan <sum>, %select_n3A_859 masked %broadcast_in_dim3A_861 : vector<16xi32>, vector<16xi1> -> vector<16xi32>
        %add3A_863 = arith.addi %add3A_841, %masked_cumsum3A_862 : vector<16xi32>
        %sub3A_864 = arith.subi %add3A_863, %select_n3A_859 : vector<16xi32>
        tpu.vector_store_idx %arg5[%sub3A_864], %add3A_855 masked %and3A_858 : memref<32768xi32, #tpu.memory_space<vmem>>[vector<16xi32>], vector<16xi32>, vector<16xi1>
        %all_reduce_population_count3A_865 = tpu.all_reduce %and3A_858 {dim = 0 : i64, kind = #tpu.reduction_kind<sum>} : vector<16xi1> -> vector<16xi32>
        %add3A_866 = arith.addi %add3A_841, %all_reduce_population_count3A_865 : vector<16xi32>
        %mul3A_867 = arith.constant 16 : i32
        %mul3A_868 = arith.muli %while3A_817, %mul3A_867 : i32
        %add3A_869 = arith.constant 2 : i32
        %add3A_870 = arith.addi %mul3A_868, %add3A_869 : i32
        %add3A_871 = vector.broadcast %add3A_870 : i32 to vector<16xi32>
        %add3A_872 = arith.addi %broadcast_in_dim3A_3, %add3A_871 : vector<16xi32>
        %gather3A_873 = tpu.vector_load_idx %arg7[%add3A_872] : memref<2048xi32, #tpu.memory_space<vmem>>[vector<16xi32>], vector<16xi32>,
        %add3A_874 = vector.broadcast %add3A_870 : i32 to vector<16xi32>
        %add3A_875 = arith.addi %broadcast_in_dim3A_3, %add3A_874 : vector<16xi32>
        %lt3A_876 = arith.cmpi slt, %add3A_875, %scan3A_75#0 : vector<16xi32>
        %mul3A_877 = arith.constant 16 : i32
        %mul3A_878 = vector.broadcast %mul3A_877 : i32 to vector<16xi32>
        %mul3A_879 = arith.muli %gather3A_873, %mul3A_878 : vector<16xi32>
        %add3A_880 = arith.addi %mul3A_879, %iota3A : vector<16xi32>
        %gather3A_881 = tpu.vector_load_idx %arg4[%add3A_880] : memref<32784xf32, #tpu.memory_space<vmem>>[vector<16xi32>], vector<16xf32>,
        %ge3A_882 = arith.cmpf oge, %gather3A_881, %broadcast_in_dim3A_68 : vector<16xf32>
        %and3A_883 = arith.andi %ge3A_882, %lt3A_876 : vector<16xi1>
        %select_n3A_884 = arith.select %and3A_883, %broadcast_in_dim3A_1, %broadcast_in_dim3A_3 : vector<16xi1>, vector<16xi32>
        %broadcast_in_dim3A_885 = arith.constant true
        %broadcast_in_dim3A_886 = vector.broadcast %broadcast_in_dim3A_885 : i1 to vector<16xi1>
        %masked_cumsum3A_887 = tpu.scan <sum>, %select_n3A_884 masked %broadcast_in_dim3A_886 : vector<16xi32>, vector<16xi1> -> vector<16xi32>
        %add3A_888 = arith.addi %add3A_866, %masked_cumsum3A_887 : vector<16xi32>
        %sub3A_889 = arith.subi %add3A_888, %select_n3A_884 : vector<16xi32>
        tpu.vector_store_idx %arg5[%sub3A_889], %add3A_880 masked %and3A_883 : memref<32768xi32, #tpu.memory_space<vmem>>[vector<16xi32>], vector<16xi32>, vector<16xi1>
        %all_reduce_population_count3A_890 = tpu.all_reduce %and3A_883 {dim = 0 : i64, kind = #tpu.reduction_kind<sum>} : vector<16xi1> -> vector<16xi32>
        %add3A_891 = arith.addi %add3A_866, %all_reduce_population_count3A_890 : vector<16xi32>
        %mul3A_892 = arith.constant 16 : i32
        %mul3A_893 = arith.muli %while3A_817, %mul3A_892 : i32
        %add3A_894 = arith.constant 3 : i32
        %add3A_895 = arith.addi %mul3A_893, %add3A_894 : i32
        %add3A_896 = vector.broadcast %add3A_895 : i32 to vector<16xi32>
        %add3A_897 = arith.addi %broadcast_in_dim3A_3, %add3A_896 : vector<16xi32>
        %gather3A_898 = tpu.vector_load_idx %arg7[%add3A_897] : memref<2048xi32, #tpu.memory_space<vmem>>[vector<16xi32>], vector<16xi32>,
        %add3A_899 = vector.broadcast %add3A_895 : i32 to vector<16xi32>
        %add3A_900 = arith.addi %broadcast_in_dim3A_3, %add3A_899 : vector<16xi32>
        %lt3A_901 = arith.cmpi slt, %add3A_900, %scan3A_75#0 : vector<16xi32>
        %mul3A_902 = arith.constant 16 : i32
        %mul3A_903 = vector.broadcast %mul3A_902 : i32 to vector<16xi32>
        %mul3A_904 = arith.muli %gather3A_898, %mul3A_903 : vector<16xi32>
        %add3A_905 = arith.addi %mul3A_904, %iota3A : vector<16xi32>
        %gather3A_906 = tpu.vector_load_idx %arg4[%add3A_905] : memref<32784xf32, #tpu.memory_space<vmem>>[vector<16xi32>], vector<16xf32>,
        %ge3A_907 = arith.cmpf oge, %gather3A_906, %broadcast_in_dim3A_68 : vector<16xf32>
        %and3A_908 = arith.andi %ge3A_907, %lt3A_901 : vector<16xi1>
        %select_n3A_909 = arith.select %and3A_908, %broadcast_in_dim3A_1, %broadcast_in_dim3A_3 : vector<16xi1>, vector<16xi32>
        %broadcast_in_dim3A_910 = arith.constant true
        %broadcast_in_dim3A_911 = vector.broadcast %broadcast_in_dim3A_910 : i1 to vector<16xi1>
        %masked_cumsum3A_912 = tpu.scan <sum>, %select_n3A_909 masked %broadcast_in_dim3A_911 : vector<16xi32>, vector<16xi1> -> vector<16xi32>
        %add3A_913 = arith.addi %add3A_891, %masked_cumsum3A_912 : vector<16xi32>
        %sub3A_914 = arith.subi %add3A_913, %select_n3A_909 : vector<16xi32>
        tpu.vector_store_idx %arg5[%sub3A_914], %add3A_905 masked %and3A_908 : memref<32768xi32, #tpu.memory_space<vmem>>[vector<16xi32>], vector<16xi32>, vector<16xi1>
        %all_reduce_population_count3A_915 = tpu.all_reduce %and3A_908 {dim = 0 : i64, kind = #tpu.reduction_kind<sum>} : vector<16xi1> -> vector<16xi32>
        %add3A_916 = arith.addi %add3A_891, %all_reduce_population_count3A_915 : vector<16xi32>
        %mul3A_917 = arith.constant 16 : i32
        %mul3A_918 = arith.muli %while3A_817, %mul3A_917 : i32
        %add3A_919 = arith.constant 4 : i32
        %add3A_920 = arith.addi %mul3A_918, %add3A_919 : i32
        %add3A_921 = vector.broadcast %add3A_920 : i32 to vector<16xi32>
        %add3A_922 = arith.addi %broadcast_in_dim3A_3, %add3A_921 : vector<16xi32>
        %gather3A_923 = tpu.vector_load_idx %arg7[%add3A_922] : memref<2048xi32, #tpu.memory_space<vmem>>[vector<16xi32>], vector<16xi32>,
        %add3A_924 = vector.broadcast %add3A_920 : i32 to vector<16xi32>
        %add3A_925 = arith.addi %broadcast_in_dim3A_3, %add3A_924 : vector<16xi32>
        %lt3A_926 = arith.cmpi slt, %add3A_925, %scan3A_75#0 : vector<16xi32>
        %mul3A_927 = arith.constant 16 : i32
        %mul3A_928 = vector.broadcast %mul3A_927 : i32 to vector<16xi32>
        %mul3A_929 = arith.muli %gather3A_923, %mul3A_928 : vector<16xi32>
        %add3A_930 = arith.addi %mul3A_929, %iota3A : vector<16xi32>
        %gather3A_931 = tpu.vector_load_idx %arg4[%add3A_930] : memref<32784xf32, #tpu.memory_space<vmem>>[vector<16xi32>], vector<16xf32>,
        %ge3A_932 = arith.cmpf oge, %gather3A_931, %broadcast_in_dim3A_68 : vector<16xf32>
        %and3A_933 = arith.andi %ge3A_932, %lt3A_926 : vector<16xi1>
        %select_n3A_934 = arith.select %and3A_933, %broadcast_in_dim3A_1, %broadcast_in_dim3A_3 : vector<16xi1>, vector<16xi32>
        %broadcast_in_dim3A_935 = arith.constant true
        %broadcast_in_dim3A_936 = vector.broadcast %broadcast_in_dim3A_935 : i1 to vector<16xi1>
        %masked_cumsum3A_937 = tpu.scan <sum>, %select_n3A_934 masked %broadcast_in_dim3A_936 : vector<16xi32>, vector<16xi1> -> vector<16xi32>
        %add3A_938 = arith.addi %add3A_916, %masked_cumsum3A_937 : vector<16xi32>
        %sub3A_939 = arith.subi %add3A_938, %select_n3A_934 : vector<16xi32>
        tpu.vector_store_idx %arg5[%sub3A_939], %add3A_930 masked %and3A_933 : memref<32768xi32, #tpu.memory_space<vmem>>[vector<16xi32>], vector<16xi32>, vector<16xi1>
        %all_reduce_population_count3A_940 = tpu.all_reduce %and3A_933 {dim = 0 : i64, kind = #tpu.reduction_kind<sum>} : vector<16xi1> -> vector<16xi32>
        %add3A_941 = arith.addi %add3A_916, %all_reduce_population_count3A_940 : vector<16xi32>
        %mul3A_942 = arith.constant 16 : i32
        %mul3A_943 = arith.muli %while3A_817, %mul3A_942 : i32
        %add3A_944 = arith.constant 5 : i32
        %add3A_945 = arith.addi %mul3A_943, %add3A_944 : i32
        %add3A_946 = vector.broadcast %add3A_945 : i32 to vector<16xi32>
        %add3A_947 = arith.addi %broadcast_in_dim3A_3, %add3A_946 : vector<16xi32>
        %gather3A_948 = tpu.vector_load_idx %arg7[%add3A_947] : memref<2048xi32, #tpu.memory_space<vmem>>[vector<16xi32>], vector<16xi32>,
        %add3A_949 = vector.broadcast %add3A_945 : i32 to vector<16xi32>
        %add3A_950 = arith.addi %broadcast_in_dim3A_3, %add3A_949 : vector<16xi32>
        %lt3A_951 = arith.cmpi slt, %add3A_950, %scan3A_75#0 : vector<16xi32>
        %mul3A_952 = arith.constant 16 : i32
        %mul3A_953 = vector.broadcast %mul3A_952 : i32 to vector<16xi32>
        %mul3A_954 = arith.muli %gather3A_948, %mul3A_953 : vector<16xi32>
        %add3A_955 = arith.addi %mul3A_954, %iota3A : vector<16xi32>
        %gather3A_956 = tpu.vector_load_idx %arg4[%add3A_955] : memref<32784xf32, #tpu.memory_space<vmem>>[vector<16xi32>], vector<16xf32>,
        %ge3A_957 = arith.cmpf oge, %gather3A_956, %broadcast_in_dim3A_68 : vector<16xf32>
        %and3A_958 = arith.andi %ge3A_957, %lt3A_951 : vector<16xi1>
        %select_n3A_959 = arith.select %and3A_958, %broadcast_in_dim3A_1, %broadcast_in_dim3A_3 : vector<16xi1>, vector<16xi32>
        %broadcast_in_dim3A_960 = arith.constant true
        %broadcast_in_dim3A_961 = vector.broadcast %broadcast_in_dim3A_960 : i1 to vector<16xi1>
        %masked_cumsum3A_962 = tpu.scan <sum>, %select_n3A_959 masked %broadcast_in_dim3A_961 : vector<16xi32>, vector<16xi1> -> vector<16xi32>
        %add3A_963 = arith.addi %add3A_941, %masked_cumsum3A_962 : vector<16xi32>
        %sub3A_964 = arith.subi %add3A_963, %select_n3A_959 : vector<16xi32>
        tpu.vector_store_idx %arg5[%sub3A_964], %add3A_955 masked %and3A_958 : memref<32768xi32, #tpu.memory_space<vmem>>[vector<16xi32>], vector<16xi32>, vector<16xi1>
        %all_reduce_population_count3A_965 = tpu.all_reduce %and3A_958 {dim = 0 : i64, kind = #tpu.reduction_kind<sum>} : vector<16xi1> -> vector<16xi32>
        %add3A_966 = arith.addi %add3A_941, %all_reduce_population_count3A_965 : vector<16xi32>
        %mul3A_967 = arith.constant 16 : i32
        %mul3A_968 = arith.muli %while3A_817, %mul3A_967 : i32
        %add3A_969 = arith.constant 6 : i32
        %add3A_970 = arith.addi %mul3A_968, %add3A_969 : i32
        %add3A_971 = vector.broadcast %add3A_970 : i32 to vector<16xi32>
        %add3A_972 = arith.addi %broadcast_in_dim3A_3, %add3A_971 : vector<16xi32>
        %gather3A_973 = tpu.vector_load_idx %arg7[%add3A_972] : memref<2048xi32, #tpu.memory_space<vmem>>[vector<16xi32>], vector<16xi32>,
        %add3A_974 = vector.broadcast %add3A_970 : i32 to vector<16xi32>
        %add3A_975 = arith.addi %broadcast_in_dim3A_3, %add3A_974 : vector<16xi32>
        %lt3A_976 = arith.cmpi slt, %add3A_975, %scan3A_75#0 : vector<16xi32>
        %mul3A_977 = arith.constant 16 : i32
        %mul3A_978 = vector.broadcast %mul3A_977 : i32 to vector<16xi32>
        %mul3A_979 = arith.muli %gather3A_973, %mul3A_978 : vector<16xi32>
        %add3A_980 = arith.addi %mul3A_979, %iota3A : vector<16xi32>
        %gather3A_981 = tpu.vector_load_idx %arg4[%add3A_980] : memref<32784xf32, #tpu.memory_space<vmem>>[vector<16xi32>], vector<16xf32>,
        %ge3A_982 = arith.cmpf oge, %gather3A_981, %broadcast_in_dim3A_68 : vector<16xf32>
        %and3A_983 = arith.andi %ge3A_982, %lt3A_976 : vector<16xi1>
        %select_n3A_984 = arith.select %and3A_983, %broadcast_in_dim3A_1, %broadcast_in_dim3A_3 : vector<16xi1>, vector<16xi32>
        %broadcast_in_dim3A_985 = arith.constant true
        %broadcast_in_dim3A_986 = vector.broadcast %broadcast_in_dim3A_985 : i1 to vector<16xi1>
        %masked_cumsum3A_987 = tpu.scan <sum>, %select_n3A_984 masked %broadcast_in_dim3A_986 : vector<16xi32>, vector<16xi1> -> vector<16xi32>
        %add3A_988 = arith.addi %add3A_966, %masked_cumsum3A_987 : vector<16xi32>
        %sub3A_989 = arith.subi %add3A_988, %select_n3A_984 : vector<16xi32>
        tpu.vector_store_idx %arg5[%sub3A_989], %add3A_980 masked %and3A_983 : memref<32768xi32, #tpu.memory_space<vmem>>[vector<16xi32>], vector<16xi32>, vector<16xi1>
        %all_reduce_population_count3A_990 = tpu.all_reduce %and3A_983 {dim = 0 : i64, kind = #tpu.reduction_kind<sum>} : vector<16xi1> -> vector<16xi32>
        %add3A_991 = arith.addi %add3A_966, %all_reduce_population_count3A_990 : vector<16xi32>
        %mul3A_992 = arith.constant 16 : i32
        %mul3A_993 = arith.muli %while3A_817, %mul3A_992 : i32
        %add3A_994 = arith.constant 7 : i32
        %add3A_995 = arith.addi %mul3A_993, %add3A_994 : i32
        %add3A_996 = vector.broadcast %add3A_995 : i32 to vector<16xi32>
        %add3A_997 = arith.addi %broadcast_in_dim3A_3, %add3A_996 : vector<16xi32>
        %gather3A_998 = tpu.vector_load_idx %arg7[%add3A_997] : memref<2048xi32, #tpu.memory_space<vmem>>[vector<16xi32>], vector<16xi32>,
        %add3A_999 = vector.broadcast %add3A_995 : i32 to vector<16xi32>
        %add3A_1000 = arith.addi %broadcast_in_dim3A_3, %add3A_999 : vector<16xi32>
        %lt3A_1001 = arith.cmpi slt, %add3A_1000, %scan3A_75#0 : vector<16xi32>
        %mul3A_1002 = arith.constant 16 : i32
        %mul3A_1003 = vector.broadcast %mul3A_1002 : i32 to vector<16xi32>
        %mul3A_1004 = arith.muli %gather3A_998, %mul3A_1003 : vector<16xi32>
        %add3A_1005 = arith.addi %mul3A_1004, %iota3A : vector<16xi32>
        %gather3A_1006 = tpu.vector_load_idx %arg4[%add3A_1005] : memref<32784xf32, #tpu.memory_space<vmem>>[vector<16xi32>], vector<16xf32>,
        %ge3A_1007 = arith.cmpf oge, %gather3A_1006, %broadcast_in_dim3A_68 : vector<16xf32>
        %and3A_1008 = arith.andi %ge3A_1007, %lt3A_1001 : vector<16xi1>
        %select_n3A_1009 = arith.select %and3A_1008, %broadcast_in_dim3A_1, %broadcast_in_dim3A_3 : vector<16xi1>, vector<16xi32>
        %broadcast_in_dim3A_1010 = arith.constant true
        %broadcast_in_dim3A_1011 = vector.broadcast %broadcast_in_dim3A_1010 : i1 to vector<16xi1>
        %masked_cumsum3A_1012 = tpu.scan <sum>, %select_n3A_1009 masked %broadcast_in_dim3A_1011 : vector<16xi32>, vector<16xi1> -> vector<16xi32>
        %add3A_1013 = arith.addi %add3A_991, %masked_cumsum3A_1012 : vector<16xi32>
        %sub3A_1014 = arith.subi %add3A_1013, %select_n3A_1009 : vector<16xi32>
        tpu.vector_store_idx %arg5[%sub3A_1014], %add3A_1005 masked %and3A_1008 : memref<32768xi32, #tpu.memory_space<vmem>>[vector<16xi32>], vector<16xi32>, vector<16xi1>
        %all_reduce_population_count3A_1015 = tpu.all_reduce %and3A_1008 {dim = 0 : i64, kind = #tpu.reduction_kind<sum>} : vector<16xi1> -> vector<16xi32>
        %add3A_1016 = arith.addi %add3A_991, %all_reduce_population_count3A_1015 : vector<16xi32>
        %mul3A_1017 = arith.constant 16 : i32
        %mul3A_1018 = arith.muli %while3A_817, %mul3A_1017 : i32
        %add3A_1019 = arith.constant 8 : i32
        %add3A_1020 = arith.addi %mul3A_1018, %add3A_1019 : i32
        %add3A_1021 = vector.broadcast %add3A_1020 : i32 to vector<16xi32>
        %add3A_1022 = arith.addi %broadcast_in_dim3A_3, %add3A_1021 : vector<16xi32>
        %gather3A_1023 = tpu.vector_load_idx %arg7[%add3A_1022] : memref<2048xi32, #tpu.memory_space<vmem>>[vector<16xi32>], vector<16xi32>,
        %add3A_1024 = vector.broadcast %add3A_1020 : i32 to vector<16xi32>
        %add3A_1025 = arith.addi %broadcast_in_dim3A_3, %add3A_1024 : vector<16xi32>
        %lt3A_1026 = arith.cmpi slt, %add3A_1025, %scan3A_75#0 : vector<16xi32>
        %mul3A_1027 = arith.constant 16 : i32
        %mul3A_1028 = vector.broadcast %mul3A_1027 : i32 to vector<16xi32>
        %mul3A_1029 = arith.muli %gather3A_1023, %mul3A_1028 : vector<16xi32>
        %add3A_1030 = arith.addi %mul3A_1029, %iota3A : vector<16xi32>
        %gather3A_1031 = tpu.vector_load_idx %arg4[%add3A_1030] : memref<32784xf32, #tpu.memory_space<vmem>>[vector<16xi32>], vector<16xf32>,
        %ge3A_1032 = arith.cmpf oge, %gather3A_1031, %broadcast_in_dim3A_68 : vector<16xf32>
        %and3A_1033 = arith.andi %ge3A_1032, %lt3A_1026 : vector<16xi1>
        %select_n3A_1034 = arith.select %and3A_1033, %broadcast_in_dim3A_1, %broadcast_in_dim3A_3 : vector<16xi1>, vector<16xi32>
        %broadcast_in_dim3A_1035 = arith.constant true
        %broadcast_in_dim3A_1036 = vector.broadcast %broadcast_in_dim3A_1035 : i1 to vector<16xi1>
        %masked_cumsum3A_1037 = tpu.scan <sum>, %select_n3A_1034 masked %broadcast_in_dim3A_1036 : vector<16xi32>, vector<16xi1> -> vector<16xi32>
        %add3A_1038 = arith.addi %add3A_1016, %masked_cumsum3A_1037 : vector<16xi32>
        %sub3A_1039 = arith.subi %add3A_1038, %select_n3A_1034 : vector<16xi32>
        tpu.vector_store_idx %arg5[%sub3A_1039], %add3A_1030 masked %and3A_1033 : memref<32768xi32, #tpu.memory_space<vmem>>[vector<16xi32>], vector<16xi32>, vector<16xi1>
        %all_reduce_population_count3A_1040 = tpu.all_reduce %and3A_1033 {dim = 0 : i64, kind = #tpu.reduction_kind<sum>} : vector<16xi1> -> vector<16xi32>
        %add3A_1041 = arith.addi %add3A_1016, %all_reduce_population_count3A_1040 : vector<16xi32>
        %mul3A_1042 = arith.constant 16 : i32
        %mul3A_1043 = arith.muli %while3A_817, %mul3A_1042 : i32
        %add3A_1044 = arith.constant 9 : i32
        %add3A_1045 = arith.addi %mul3A_1043, %add3A_1044 : i32
        %add3A_1046 = vector.broadcast %add3A_1045 : i32 to vector<16xi32>
        %add3A_1047 = arith.addi %broadcast_in_dim3A_3, %add3A_1046 : vector<16xi32>
        %gather3A_1048 = tpu.vector_load_idx %arg7[%add3A_1047] : memref<2048xi32, #tpu.memory_space<vmem>>[vector<16xi32>], vector<16xi32>,
        %add3A_1049 = vector.broadcast %add3A_1045 : i32 to vector<16xi32>
        %add3A_1050 = arith.addi %broadcast_in_dim3A_3, %add3A_1049 : vector<16xi32>
        %lt3A_1051 = arith.cmpi slt, %add3A_1050, %scan3A_75#0 : vector<16xi32>
        %mul3A_1052 = arith.constant 16 : i32
        %mul3A_1053 = vector.broadcast %mul3A_1052 : i32 to vector<16xi32>
        %mul3A_1054 = arith.muli %gather3A_1048, %mul3A_1053 : vector<16xi32>
        %add3A_1055 = arith.addi %mul3A_1054, %iota3A : vector<16xi32>
        %gather3A_1056 = tpu.vector_load_idx %arg4[%add3A_1055] : memref<32784xf32, #tpu.memory_space<vmem>>[vector<16xi32>], vector<16xf32>,
        %ge3A_1057 = arith.cmpf oge, %gather3A_1056, %broadcast_in_dim3A_68 : vector<16xf32>
        %and3A_1058 = arith.andi %ge3A_1057, %lt3A_1051 : vector<16xi1>
        %select_n3A_1059 = arith.select %and3A_1058, %broadcast_in_dim3A_1, %broadcast_in_dim3A_3 : vector<16xi1>, vector<16xi32>
        %broadcast_in_dim3A_1060 = arith.constant true
        %broadcast_in_dim3A_1061 = vector.broadcast %broadcast_in_dim3A_1060 : i1 to vector<16xi1>
        %masked_cumsum3A_1062 = tpu.scan <sum>, %select_n3A_1059 masked %broadcast_in_dim3A_1061 : vector<16xi32>, vector<16xi1> -> vector<16xi32>
        %add3A_1063 = arith.addi %add3A_1041, %masked_cumsum3A_1062 : vector<16xi32>
        %sub3A_1064 = arith.subi %add3A_1063, %select_n3A_1059 : vector<16xi32>
        tpu.vector_store_idx %arg5[%sub3A_1064], %add3A_1055 masked %and3A_1058 : memref<32768xi32, #tpu.memory_space<vmem>>[vector<16xi32>], vector<16xi32>, vector<16xi1>
        %all_reduce_population_count3A_1065 = tpu.all_reduce %and3A_1058 {dim = 0 : i64, kind = #tpu.reduction_kind<sum>} : vector<16xi1> -> vector<16xi32>
        %add3A_1066 = arith.addi %add3A_1041, %all_reduce_population_count3A_1065 : vector<16xi32>
        %mul3A_1067 = arith.constant 16 : i32
        %mul3A_1068 = arith.muli %while3A_817, %mul3A_1067 : i32
        %add3A_1069 = arith.constant 10 : i32
        %add3A_1070 = arith.addi %mul3A_1068, %add3A_1069 : i32
        %add3A_1071 = vector.broadcast %add3A_1070 : i32 to vector<16xi32>
        %add3A_1072 = arith.addi %broadcast_in_dim3A_3, %add3A_1071 : vector<16xi32>
        %gather3A_1073 = tpu.vector_load_idx %arg7[%add3A_1072] : memref<2048xi32, #tpu.memory_space<vmem>>[vector<16xi32>], vector<16xi32>,
        %add3A_1074 = vector.broadcast %add3A_1070 : i32 to vector<16xi32>
        %add3A_1075 = arith.addi %broadcast_in_dim3A_3, %add3A_1074 : vector<16xi32>
        %lt3A_1076 = arith.cmpi slt, %add3A_1075, %scan3A_75#0 : vector<16xi32>
        %mul3A_1077 = arith.constant 16 : i32
        %mul3A_1078 = vector.broadcast %mul3A_1077 : i32 to vector<16xi32>
        %mul3A_1079 = arith.muli %gather3A_1073, %mul3A_1078 : vector<16xi32>
        %add3A_1080 = arith.addi %mul3A_1079, %iota3A : vector<16xi32>
        %gather3A_1081 = tpu.vector_load_idx %arg4[%add3A_1080] : memref<32784xf32, #tpu.memory_space<vmem>>[vector<16xi32>], vector<16xf32>,
        %ge3A_1082 = arith.cmpf oge, %gather3A_1081, %broadcast_in_dim3A_68 : vector<16xf32>
        %and3A_1083 = arith.andi %ge3A_1082, %lt3A_1076 : vector<16xi1>
        %select_n3A_1084 = arith.select %and3A_1083, %broadcast_in_dim3A_1, %broadcast_in_dim3A_3 : vector<16xi1>, vector<16xi32>
        %broadcast_in_dim3A_1085 = arith.constant true
        %broadcast_in_dim3A_1086 = vector.broadcast %broadcast_in_dim3A_1085 : i1 to vector<16xi1>
        %masked_cumsum3A_1087 = tpu.scan <sum>, %select_n3A_1084 masked %broadcast_in_dim3A_1086 : vector<16xi32>, vector<16xi1> -> vector<16xi32>
        %add3A_1088 = arith.addi %add3A_1066, %masked_cumsum3A_1087 : vector<16xi32>
        %sub3A_1089 = arith.subi %add3A_1088, %select_n3A_1084 : vector<16xi32>
        tpu.vector_store_idx %arg5[%sub3A_1089], %add3A_1080 masked %and3A_1083 : memref<32768xi32, #tpu.memory_space<vmem>>[vector<16xi32>], vector<16xi32>, vector<16xi1>
        %all_reduce_population_count3A_1090 = tpu.all_reduce %and3A_1083 {dim = 0 : i64, kind = #tpu.reduction_kind<sum>} : vector<16xi1> -> vector<16xi32>
        %add3A_1091 = arith.addi %add3A_1066, %all_reduce_population_count3A_1090 : vector<16xi32>
        %mul3A_1092 = arith.constant 16 : i32
        %mul3A_1093 = arith.muli %while3A_817, %mul3A_1092 : i32
        %add3A_1094 = arith.constant 11 : i32
        %add3A_1095 = arith.addi %mul3A_1093, %add3A_1094 : i32
        %add3A_1096 = vector.broadcast %add3A_1095 : i32 to vector<16xi32>
        %add3A_1097 = arith.addi %broadcast_in_dim3A_3, %add3A_1096 : vector<16xi32>
        %gather3A_1098 = tpu.vector_load_idx %arg7[%add3A_1097] : memref<2048xi32, #tpu.memory_space<vmem>>[vector<16xi32>], vector<16xi32>,
        %add3A_1099 = vector.broadcast %add3A_1095 : i32 to vector<16xi32>
        %add3A_1100 = arith.addi %broadcast_in_dim3A_3, %add3A_1099 : vector<16xi32>
        %lt3A_1101 = arith.cmpi slt, %add3A_1100, %scan3A_75#0 : vector<16xi32>
        %mul3A_1102 = arith.constant 16 : i32
        %mul3A_1103 = vector.broadcast %mul3A_1102 : i32 to vector<16xi32>
        %mul3A_1104 = arith.muli %gather3A_1098, %mul3A_1103 : vector<16xi32>
        %add3A_1105 = arith.addi %mul3A_1104, %iota3A : vector<16xi32>
        %gather3A_1106 = tpu.vector_load_idx %arg4[%add3A_1105] : memref<32784xf32, #tpu.memory_space<vmem>>[vector<16xi32>], vector<16xf32>,
        %ge3A_1107 = arith.cmpf oge, %gather3A_1106, %broadcast_in_dim3A_68 : vector<16xf32>
        %and3A_1108 = arith.andi %ge3A_1107, %lt3A_1101 : vector<16xi1>
        %select_n3A_1109 = arith.select %and3A_1108, %broadcast_in_dim3A_1, %broadcast_in_dim3A_3 : vector<16xi1>, vector<16xi32>
        %broadcast_in_dim3A_1110 = arith.constant true
        %broadcast_in_dim3A_1111 = vector.broadcast %broadcast_in_dim3A_1110 : i1 to vector<16xi1>
        %masked_cumsum3A_1112 = tpu.scan <sum>, %select_n3A_1109 masked %broadcast_in_dim3A_1111 : vector<16xi32>, vector<16xi1> -> vector<16xi32>
        %add3A_1113 = arith.addi %add3A_1091, %masked_cumsum3A_1112 : vector<16xi32>
        %sub3A_1114 = arith.subi %add3A_1113, %select_n3A_1109 : vector<16xi32>
        tpu.vector_store_idx %arg5[%sub3A_1114], %add3A_1105 masked %and3A_1108 : memref<32768xi32, #tpu.memory_space<vmem>>[vector<16xi32>], vector<16xi32>, vector<16xi1>
        %all_reduce_population_count3A_1115 = tpu.all_reduce %and3A_1108 {dim = 0 : i64, kind = #tpu.reduction_kind<sum>} : vector<16xi1> -> vector<16xi32>
        %add3A_1116 = arith.addi %add3A_1091, %all_reduce_population_count3A_1115 : vector<16xi32>
        %mul3A_1117 = arith.constant 16 : i32
        %mul3A_1118 = arith.muli %while3A_817, %mul3A_1117 : i32
        %add3A_1119 = arith.constant 12 : i32
        %add3A_1120 = arith.addi %mul3A_1118, %add3A_1119 : i32
        %add3A_1121 = vector.broadcast %add3A_1120 : i32 to vector<16xi32>
        %add3A_1122 = arith.addi %broadcast_in_dim3A_3, %add3A_1121 : vector<16xi32>
        %gather3A_1123 = tpu.vector_load_idx %arg7[%add3A_1122] : memref<2048xi32, #tpu.memory_space<vmem>>[vector<16xi32>], vector<16xi32>,
        %add3A_1124 = vector.broadcast %add3A_1120 : i32 to vector<16xi32>
        %add3A_1125 = arith.addi %broadcast_in_dim3A_3, %add3A_1124 : vector<16xi32>
        %lt3A_1126 = arith.cmpi slt, %add3A_1125, %scan3A_75#0 : vector<16xi32>
        %mul3A_1127 = arith.constant 16 : i32
        %mul3A_1128 = vector.broadcast %mul3A_1127 : i32 to vector<16xi32>
        %mul3A_1129 = arith.muli %gather3A_1123, %mul3A_1128 : vector<16xi32>
        %add3A_1130 = arith.addi %mul3A_1129, %iota3A : vector<16xi32>
        %gather3A_1131 = tpu.vector_load_idx %arg4[%add3A_1130] : memref<32784xf32, #tpu.memory_space<vmem>>[vector<16xi32>], vector<16xf32>,
        %ge3A_1132 = arith.cmpf oge, %gather3A_1131, %broadcast_in_dim3A_68 : vector<16xf32>
        %and3A_1133 = arith.andi %ge3A_1132, %lt3A_1126 : vector<16xi1>
        %select_n3A_1134 = arith.select %and3A_1133, %broadcast_in_dim3A_1, %broadcast_in_dim3A_3 : vector<16xi1>, vector<16xi32>
        %broadcast_in_dim3A_1135 = arith.constant true
        %broadcast_in_dim3A_1136 = vector.broadcast %broadcast_in_dim3A_1135 : i1 to vector<16xi1>
        %masked_cumsum3A_1137 = tpu.scan <sum>, %select_n3A_1134 masked %broadcast_in_dim3A_1136 : vector<16xi32>, vector<16xi1> -> vector<16xi32>
        %add3A_1138 = arith.addi %add3A_1116, %masked_cumsum3A_1137 : vector<16xi32>
        %sub3A_1139 = arith.subi %add3A_1138, %select_n3A_1134 : vector<16xi32>
        tpu.vector_store_idx %arg5[%sub3A_1139], %add3A_1130 masked %and3A_1133 : memref<32768xi32, #tpu.memory_space<vmem>>[vector<16xi32>], vector<16xi32>, vector<16xi1>
        %all_reduce_population_count3A_1140 = tpu.all_reduce %and3A_1133 {dim = 0 : i64, kind = #tpu.reduction_kind<sum>} : vector<16xi1> -> vector<16xi32>
        %add3A_1141 = arith.addi %add3A_1116, %all_reduce_population_count3A_1140 : vector<16xi32>
        %mul3A_1142 = arith.constant 16 : i32
        %mul3A_1143 = arith.muli %while3A_817, %mul3A_1142 : i32
        %add3A_1144 = arith.constant 13 : i32
        %add3A_1145 = arith.addi %mul3A_1143, %add3A_1144 : i32
        %add3A_1146 = vector.broadcast %add3A_1145 : i32 to vector<16xi32>
        %add3A_1147 = arith.addi %broadcast_in_dim3A_3, %add3A_1146 : vector<16xi32>
        %gather3A_1148 = tpu.vector_load_idx %arg7[%add3A_1147] : memref<2048xi32, #tpu.memory_space<vmem>>[vector<16xi32>], vector<16xi32>,
        %add3A_1149 = vector.broadcast %add3A_1145 : i32 to vector<16xi32>
        %add3A_1150 = arith.addi %broadcast_in_dim3A_3, %add3A_1149 : vector<16xi32>
        %lt3A_1151 = arith.cmpi slt, %add3A_1150, %scan3A_75#0 : vector<16xi32>
        %mul3A_1152 = arith.constant 16 : i32
        %mul3A_1153 = vector.broadcast %mul3A_1152 : i32 to vector<16xi32>
        %mul3A_1154 = arith.muli %gather3A_1148, %mul3A_1153 : vector<16xi32>
        %add3A_1155 = arith.addi %mul3A_1154, %iota3A : vector<16xi32>
        %gather3A_1156 = tpu.vector_load_idx %arg4[%add3A_1155] : memref<32784xf32, #tpu.memory_space<vmem>>[vector<16xi32>], vector<16xf32>,
        %ge3A_1157 = arith.cmpf oge, %gather3A_1156, %broadcast_in_dim3A_68 : vector<16xf32>
        %and3A_1158 = arith.andi %ge3A_1157, %lt3A_1151 : vector<16xi1>
        %select_n3A_1159 = arith.select %and3A_1158, %broadcast_in_dim3A_1, %broadcast_in_dim3A_3 : vector<16xi1>, vector<16xi32>
        %broadcast_in_dim3A_1160 = arith.constant true
        %broadcast_in_dim3A_1161 = vector.broadcast %broadcast_in_dim3A_1160 : i1 to vector<16xi1>
        %masked_cumsum3A_1162 = tpu.scan <sum>, %select_n3A_1159 masked %broadcast_in_dim3A_1161 : vector<16xi32>, vector<16xi1> -> vector<16xi32>
        %add3A_1163 = arith.addi %add3A_1141, %masked_cumsum3A_1162 : vector<16xi32>
        %sub3A_1164 = arith.subi %add3A_1163, %select_n3A_1159 : vector<16xi32>
        tpu.vector_store_idx %arg5[%sub3A_1164], %add3A_1155 masked %and3A_1158 : memref<32768xi32, #tpu.memory_space<vmem>>[vector<16xi32>], vector<16xi32>, vector<16xi1>
        %all_reduce_population_count3A_1165 = tpu.all_reduce %and3A_1158 {dim = 0 : i64, kind = #tpu.reduction_kind<sum>} : vector<16xi1> -> vector<16xi32>
        %add3A_1166 = arith.addi %add3A_1141, %all_reduce_population_count3A_1165 : vector<16xi32>
        %mul3A_1167 = arith.constant 16 : i32
        %mul3A_1168 = arith.muli %while3A_817, %mul3A_1167 : i32
        %add3A_1169 = arith.constant 14 : i32
        %add3A_1170 = arith.addi %mul3A_1168, %add3A_1169 : i32
        %add3A_1171 = vector.broadcast %add3A_1170 : i32 to vector<16xi32>
        %add3A_1172 = arith.addi %broadcast_in_dim3A_3, %add3A_1171 : vector<16xi32>
        %gather3A_1173 = tpu.vector_load_idx %arg7[%add3A_1172] : memref<2048xi32, #tpu.memory_space<vmem>>[vector<16xi32>], vector<16xi32>,
        %add3A_1174 = vector.broadcast %add3A_1170 : i32 to vector<16xi32>
        %add3A_1175 = arith.addi %broadcast_in_dim3A_3, %add3A_1174 : vector<16xi32>
        %lt3A_1176 = arith.cmpi slt, %add3A_1175, %scan3A_75#0 : vector<16xi32>
        %mul3A_1177 = arith.constant 16 : i32
        %mul3A_1178 = vector.broadcast %mul3A_1177 : i32 to vector<16xi32>
        %mul3A_1179 = arith.muli %gather3A_1173, %mul3A_1178 : vector<16xi32>
        %add3A_1180 = arith.addi %mul3A_1179, %iota3A : vector<16xi32>
        %gather3A_1181 = tpu.vector_load_idx %arg4[%add3A_1180] : memref<32784xf32, #tpu.memory_space<vmem>>[vector<16xi32>], vector<16xf32>,
        %ge3A_1182 = arith.cmpf oge, %gather3A_1181, %broadcast_in_dim3A_68 : vector<16xf32>
        %and3A_1183 = arith.andi %ge3A_1182, %lt3A_1176 : vector<16xi1>
        %select_n3A_1184 = arith.select %and3A_1183, %broadcast_in_dim3A_1, %broadcast_in_dim3A_3 : vector<16xi1>, vector<16xi32>
        %broadcast_in_dim3A_1185 = arith.constant true
        %broadcast_in_dim3A_1186 = vector.broadcast %broadcast_in_dim3A_1185 : i1 to vector<16xi1>
        %masked_cumsum3A_1187 = tpu.scan <sum>, %select_n3A_1184 masked %broadcast_in_dim3A_1186 : vector<16xi32>, vector<16xi1> -> vector<16xi32>
        %add3A_1188 = arith.addi %add3A_1166, %masked_cumsum3A_1187 : vector<16xi32>
        %sub3A_1189 = arith.subi %add3A_1188, %select_n3A_1184 : vector<16xi32>
        tpu.vector_store_idx %arg5[%sub3A_1189], %add3A_1180 masked %and3A_1183 : memref<32768xi32, #tpu.memory_space<vmem>>[vector<16xi32>], vector<16xi32>, vector<16xi1>
        %all_reduce_population_count3A_1190 = tpu.all_reduce %and3A_1183 {dim = 0 : i64, kind = #tpu.reduction_kind<sum>} : vector<16xi1> -> vector<16xi32>
        %add3A_1191 = arith.addi %add3A_1166, %all_reduce_population_count3A_1190 : vector<16xi32>
        %mul3A_1192 = arith.constant 16 : i32
        %mul3A_1193 = arith.muli %while3A_817, %mul3A_1192 : i32
        %add3A_1194 = arith.constant 15 : i32
        %add3A_1195 = arith.addi %mul3A_1193, %add3A_1194 : i32
        %add3A_1196 = vector.broadcast %add3A_1195 : i32 to vector<16xi32>
        %add3A_1197 = arith.addi %broadcast_in_dim3A_3, %add3A_1196 : vector<16xi32>
        %gather3A_1198 = tpu.vector_load_idx %arg7[%add3A_1197] : memref<2048xi32, #tpu.memory_space<vmem>>[vector<16xi32>], vector<16xi32>,
        %add3A_1199 = vector.broadcast %add3A_1195 : i32 to vector<16xi32>
        %add3A_1200 = arith.addi %broadcast_in_dim3A_3, %add3A_1199 : vector<16xi32>
        %lt3A_1201 = arith.cmpi slt, %add3A_1200, %scan3A_75#0 : vector<16xi32>
        %mul3A_1202 = arith.constant 16 : i32
        %mul3A_1203 = vector.broadcast %mul3A_1202 : i32 to vector<16xi32>
        %mul3A_1204 = arith.muli %gather3A_1198, %mul3A_1203 : vector<16xi32>
        %add3A_1205 = arith.addi %mul3A_1204, %iota3A : vector<16xi32>
        %gather3A_1206 = tpu.vector_load_idx %arg4[%add3A_1205] : memref<32784xf32, #tpu.memory_space<vmem>>[vector<16xi32>], vector<16xf32>,
        %ge3A_1207 = arith.cmpf oge, %gather3A_1206, %broadcast_in_dim3A_68 : vector<16xf32>
        %and3A_1208 = arith.andi %ge3A_1207, %lt3A_1201 : vector<16xi1>
        %select_n3A_1209 = arith.select %and3A_1208, %broadcast_in_dim3A_1, %broadcast_in_dim3A_3 : vector<16xi1>, vector<16xi32>
        %broadcast_in_dim3A_1210 = arith.constant true
        %broadcast_in_dim3A_1211 = vector.broadcast %broadcast_in_dim3A_1210 : i1 to vector<16xi1>
        %masked_cumsum3A_1212 = tpu.scan <sum>, %select_n3A_1209 masked %broadcast_in_dim3A_1211 : vector<16xi32>, vector<16xi1> -> vector<16xi32>
        %add3A_1213 = arith.addi %add3A_1191, %masked_cumsum3A_1212 : vector<16xi32>
        %sub3A_1214 = arith.subi %add3A_1213, %select_n3A_1209 : vector<16xi32>
        tpu.vector_store_idx %arg5[%sub3A_1214], %add3A_1205 masked %and3A_1208 : memref<32768xi32, #tpu.memory_space<vmem>>[vector<16xi32>], vector<16xi32>, vector<16xi1>
        %all_reduce_population_count3A_1215 = tpu.all_reduce %and3A_1208 {dim = 0 : i64, kind = #tpu.reduction_kind<sum>} : vector<16xi1> -> vector<16xi32>
        %add3A_1216 = arith.addi %add3A_1191, %all_reduce_population_count3A_1215 : vector<16xi32>
        scf.yield %add3A_1216 : vector<16xi32>
      }
      %while3A_382 = arith.constant 1 : i32
      %while3A_383 = scf.for %while3A_817 = %while3A_379 to %while3A_375 step %while3A_382 iter_args(%while3A_818 = %while3A_381) -> (vector<16xi32>)  : i32 {
        %mul3A_819 = arith.constant 16 : i32
        %mul3A_820 = arith.muli %while3A_817, %mul3A_819 : i32
        %add3A_821 = arith.constant 0 : i32
        %add3A_822 = arith.addi %mul3A_820, %add3A_821 : i32
        %add3A_823 = vector.broadcast %add3A_822 : i32 to vector<16xi32>
        %add3A_824 = arith.addi %broadcast_in_dim3A_3, %add3A_823 : vector<16xi32>
        %gather3A = tpu.vector_load_idx %arg7[%add3A_824] : memref<2048xi32, #tpu.memory_space<vmem>>[vector<16xi32>], vector<16xi32>,
        %add3A_825 = vector.broadcast %add3A_822 : i32 to vector<16xi32>
        %add3A_826 = arith.addi %broadcast_in_dim3A_3, %add3A_825 : vector<16xi32>
        %lt3A_827 = arith.cmpi slt, %add3A_826, %scan3A_75#0 : vector<16xi32>
        %mul3A_828 = arith.constant 16 : i32
        %mul3A_829 = vector.broadcast %mul3A_828 : i32 to vector<16xi32>
        %mul3A_830 = arith.muli %gather3A, %mul3A_829 : vector<16xi32>
        %add3A_831 = arith.addi %mul3A_830, %iota3A : vector<16xi32>
        %gather3A_832 = tpu.vector_load_idx %arg4[%add3A_831] : memref<32784xf32, #tpu.memory_space<vmem>>[vector<16xi32>], vector<16xf32>,
        %ge3A_833 = arith.cmpf oge, %gather3A_832, %broadcast_in_dim3A_68 : vector<16xf32>
        %and3A_834 = arith.andi %ge3A_833, %lt3A_827 : vector<16xi1>
        %select_n3A_835 = arith.select %and3A_834, %broadcast_in_dim3A_1, %broadcast_in_dim3A_3 : vector<16xi1>, vector<16xi32>
        %broadcast_in_dim3A_836 = arith.constant true
        %broadcast_in_dim3A_837 = vector.broadcast %broadcast_in_dim3A_836 : i1 to vector<16xi1>
        %masked_cumsum3A_838 = tpu.scan <sum>, %select_n3A_835 masked %broadcast_in_dim3A_837 : vector<16xi32>, vector<16xi1> -> vector<16xi32>
        %add3A_839 = arith.addi %while3A_818, %masked_cumsum3A_838 : vector<16xi32>
        %sub3A_840 = arith.subi %add3A_839, %select_n3A_835 : vector<16xi32>
        tpu.vector_store_idx %arg5[%sub3A_840], %add3A_831 masked %and3A_834 : memref<32768xi32, #tpu.memory_space<vmem>>[vector<16xi32>], vector<16xi32>, vector<16xi1>
        %all_reduce_population_count3A = tpu.all_reduce %and3A_834 {dim = 0 : i64, kind = #tpu.reduction_kind<sum>} : vector<16xi1> -> vector<16xi32>
        %add3A_841 = arith.addi %while3A_818, %all_reduce_population_count3A : vector<16xi32>
        %mul3A_842 = arith.constant 16 : i32
        %mul3A_843 = arith.muli %while3A_817, %mul3A_842 : i32
        %add3A_844 = arith.constant 1 : i32
        %add3A_845 = arith.addi %mul3A_843, %add3A_844 : i32
        %add3A_846 = vector.broadcast %add3A_845 : i32 to vector<16xi32>
        %add3A_847 = arith.addi %broadcast_in_dim3A_3, %add3A_846 : vector<16xi32>
        %gather3A_848 = tpu.vector_load_idx %arg7[%add3A_847] : memref<2048xi32, #tpu.memory_space<vmem>>[vector<16xi32>], vector<16xi32>,
        %add3A_849 = vector.broadcast %add3A_845 : i32 to vector<16xi32>
        %add3A_850 = arith.addi %broadcast_in_dim3A_3, %add3A_849 : vector<16xi32>
        %lt3A_851 = arith.cmpi slt, %add3A_850, %scan3A_75#0 : vector<16xi32>
        %mul3A_852 = arith.constant 16 : i32
        %mul3A_853 = vector.broadcast %mul3A_852 : i32 to vector<16xi32>
        %mul3A_854 = arith.muli %gather3A_848, %mul3A_853 : vector<16xi32>
        %add3A_855 = arith.addi %mul3A_854, %iota3A : vector<16xi32>
        %gather3A_856 = tpu.vector_load_idx %arg4[%add3A_855] : memref<32784xf32, #tpu.memory_space<vmem>>[vector<16xi32>], vector<16xf32>,
        %ge3A_857 = arith.cmpf oge, %gather3A_856, %broadcast_in_dim3A_68 : vector<16xf32>
        %and3A_858 = arith.andi %ge3A_857, %lt3A_851 : vector<16xi1>
        %select_n3A_859 = arith.select %and3A_858, %broadcast_in_dim3A_1, %broadcast_in_dim3A_3 : vector<16xi1>, vector<16xi32>
        %broadcast_in_dim3A_860 = arith.constant true
        %broadcast_in_dim3A_861 = vector.broadcast %broadcast_in_dim3A_860 : i1 to vector<16xi1>
        %masked_cumsum3A_862 = tpu.scan <sum>, %select_n3A_859 masked %broadcast_in_dim3A_861 : vector<16xi32>, vector<16xi1> -> vector<16xi32>
        %add3A_863 = arith.addi %add3A_841, %masked_cumsum3A_862 : vector<16xi32>
        %sub3A_864 = arith.subi %add3A_863, %select_n3A_859 : vector<16xi32>
        tpu.vector_store_idx %arg5[%sub3A_864], %add3A_855 masked %and3A_858 : memref<32768xi32, #tpu.memory_space<vmem>>[vector<16xi32>], vector<16xi32>, vector<16xi1>
        %all_reduce_population_count3A_865 = tpu.all_reduce %and3A_858 {dim = 0 : i64, kind = #tpu.reduction_kind<sum>} : vector<16xi1> -> vector<16xi32>
        %add3A_866 = arith.addi %add3A_841, %all_reduce_population_count3A_865 : vector<16xi32>
        %mul3A_867 = arith.constant 16 : i32
        %mul3A_868 = arith.muli %while3A_817, %mul3A_867 : i32
        %add3A_869 = arith.constant 2 : i32
        %add3A_870 = arith.addi %mul3A_868, %add3A_869 : i32
        %add3A_871 = vector.broadcast %add3A_870 : i32 to vector<16xi32>
        %add3A_872 = arith.addi %broadcast_in_dim3A_3, %add3A_871 : vector<16xi32>
        %gather3A_873 = tpu.vector_load_idx %arg7[%add3A_872] : memref<2048xi32, #tpu.memory_space<vmem>>[vector<16xi32>], vector<16xi32>,
        %add3A_874 = vector.broadcast %add3A_870 : i32 to vector<16xi32>
        %add3A_875 = arith.addi %broadcast_in_dim3A_3, %add3A_874 : vector<16xi32>
        %lt3A_876 = arith.cmpi slt, %add3A_875, %scan3A_75#0 : vector<16xi32>
        %mul3A_877 = arith.constant 16 : i32
        %mul3A_878 = vector.broadcast %mul3A_877 : i32 to vector<16xi32>
        %mul3A_879 = arith.muli %gather3A_873, %mul3A_878 : vector<16xi32>
        %add3A_880 = arith.addi %mul3A_879, %iota3A : vector<16xi32>
        %gather3A_881 = tpu.vector_load_idx %arg4[%add3A_880] : memref<32784xf32, #tpu.memory_space<vmem>>[vector<16xi32>], vector<16xf32>,
        %ge3A_882 = arith.cmpf oge, %gather3A_881, %broadcast_in_dim3A_68 : vector<16xf32>
        %and3A_883 = arith.andi %ge3A_882, %lt3A_876 : vector<16xi1>
        %select_n3A_884 = arith.select %and3A_883, %broadcast_in_dim3A_1, %broadcast_in_dim3A_3 : vector<16xi1>, vector<16xi32>
        %broadcast_in_dim3A_885 = arith.constant true
        %broadcast_in_dim3A_886 = vector.broadcast %broadcast_in_dim3A_885 : i1 to vector<16xi1>
        %masked_cumsum3A_887 = tpu.scan <sum>, %select_n3A_884 masked %broadcast_in_dim3A_886 : vector<16xi32>, vector<16xi1> -> vector<16xi32>
        %add3A_888 = arith.addi %add3A_866, %masked_cumsum3A_887 : vector<16xi32>
        %sub3A_889 = arith.subi %add3A_888, %select_n3A_884 : vector<16xi32>
        tpu.vector_store_idx %arg5[%sub3A_889], %add3A_880 masked %and3A_883 : memref<32768xi32, #tpu.memory_space<vmem>>[vector<16xi32>], vector<16xi32>, vector<16xi1>
        %all_reduce_population_count3A_890 = tpu.all_reduce %and3A_883 {dim = 0 : i64, kind = #tpu.reduction_kind<sum>} : vector<16xi1> -> vector<16xi32>
        %add3A_891 = arith.addi %add3A_866, %all_reduce_population_count3A_890 : vector<16xi32>
        %mul3A_892 = arith.constant 16 : i32
        %mul3A_893 = arith.muli %while3A_817, %mul3A_892 : i32
        %add3A_894 = arith.constant 3 : i32
        %add3A_895 = arith.addi %mul3A_893, %add3A_894 : i32
        %add3A_896 = vector.broadcast %add3A_895 : i32 to vector<16xi32>
        %add3A_897 = arith.addi %broadcast_in_dim3A_3, %add3A_896 : vector<16xi32>
        %gather3A_898 = tpu.vector_load_idx %arg7[%add3A_897] : memref<2048xi32, #tpu.memory_space<vmem>>[vector<16xi32>], vector<16xi32>,
        %add3A_899 = vector.broadcast %add3A_895 : i32 to vector<16xi32>
        %add3A_900 = arith.addi %broadcast_in_dim3A_3, %add3A_899 : vector<16xi32>
        %lt3A_901 = arith.cmpi slt, %add3A_900, %scan3A_75#0 : vector<16xi32>
        %mul3A_902 = arith.constant 16 : i32
        %mul3A_903 = vector.broadcast %mul3A_902 : i32 to vector<16xi32>
        %mul3A_904 = arith.muli %gather3A_898, %mul3A_903 : vector<16xi32>
        %add3A_905 = arith.addi %mul3A_904, %iota3A : vector<16xi32>
        %gather3A_906 = tpu.vector_load_idx %arg4[%add3A_905] : memref<32784xf32, #tpu.memory_space<vmem>>[vector<16xi32>], vector<16xf32>,
        %ge3A_907 = arith.cmpf oge, %gather3A_906, %broadcast_in_dim3A_68 : vector<16xf32>
        %and3A_908 = arith.andi %ge3A_907, %lt3A_901 : vector<16xi1>
        %select_n3A_909 = arith.select %and3A_908, %broadcast_in_dim3A_1, %broadcast_in_dim3A_3 : vector<16xi1>, vector<16xi32>
        %broadcast_in_dim3A_910 = arith.constant true
        %broadcast_in_dim3A_911 = vector.broadcast %broadcast_in_dim3A_910 : i1 to vector<16xi1>
        %masked_cumsum3A_912 = tpu.scan <sum>, %select_n3A_909 masked %broadcast_in_dim3A_911 : vector<16xi32>, vector<16xi1> -> vector<16xi32>
        %add3A_913 = arith.addi %add3A_891, %masked_cumsum3A_912 : vector<16xi32>
        %sub3A_914 = arith.subi %add3A_913, %select_n3A_909 : vector<16xi32>
        tpu.vector_store_idx %arg5[%sub3A_914], %add3A_905 masked %and3A_908 : memref<32768xi32, #tpu.memory_space<vmem>>[vector<16xi32>], vector<16xi32>, vector<16xi1>
        %all_reduce_population_count3A_915 = tpu.all_reduce %and3A_908 {dim = 0 : i64, kind = #tpu.reduction_kind<sum>} : vector<16xi1> -> vector<16xi32>
        %add3A_916 = arith.addi %add3A_891, %all_reduce_population_count3A_915 : vector<16xi32>
        %mul3A_917 = arith.constant 16 : i32
        %mul3A_918 = arith.muli %while3A_817, %mul3A_917 : i32
        %add3A_919 = arith.constant 4 : i32
        %add3A_920 = arith.addi %mul3A_918, %add3A_919 : i32
        %add3A_921 = vector.broadcast %add3A_920 : i32 to vector<16xi32>
        %add3A_922 = arith.addi %broadcast_in_dim3A_3, %add3A_921 : vector<16xi32>
        %gather3A_923 = tpu.vector_load_idx %arg7[%add3A_922] : memref<2048xi32, #tpu.memory_space<vmem>>[vector<16xi32>], vector<16xi32>,
        %add3A_924 = vector.broadcast %add3A_920 : i32 to vector<16xi32>
        %add3A_925 = arith.addi %broadcast_in_dim3A_3, %add3A_924 : vector<16xi32>
        %lt3A_926 = arith.cmpi slt, %add3A_925, %scan3A_75#0 : vector<16xi32>
        %mul3A_927 = arith.constant 16 : i32
        %mul3A_928 = vector.broadcast %mul3A_927 : i32 to vector<16xi32>
        %mul3A_929 = arith.muli %gather3A_923, %mul3A_928 : vector<16xi32>
        %add3A_930 = arith.addi %mul3A_929, %iota3A : vector<16xi32>
        %gather3A_931 = tpu.vector_load_idx %arg4[%add3A_930] : memref<32784xf32, #tpu.memory_space<vmem>>[vector<16xi32>], vector<16xf32>,
        %ge3A_932 = arith.cmpf oge, %gather3A_931, %broadcast_in_dim3A_68 : vector<16xf32>
        %and3A_933 = arith.andi %ge3A_932, %lt3A_926 : vector<16xi1>
        %select_n3A_934 = arith.select %and3A_933, %broadcast_in_dim3A_1, %broadcast_in_dim3A_3 : vector<16xi1>, vector<16xi32>
        %broadcast_in_dim3A_935 = arith.constant true
        %broadcast_in_dim3A_936 = vector.broadcast %broadcast_in_dim3A_935 : i1 to vector<16xi1>
        %masked_cumsum3A_937 = tpu.scan <sum>, %select_n3A_934 masked %broadcast_in_dim3A_936 : vector<16xi32>, vector<16xi1> -> vector<16xi32>
        %add3A_938 = arith.addi %add3A_916, %masked_cumsum3A_937 : vector<16xi32>
        %sub3A_939 = arith.subi %add3A_938, %select_n3A_934 : vector<16xi32>
        tpu.vector_store_idx %arg5[%sub3A_939], %add3A_930 masked %and3A_933 : memref<32768xi32, #tpu.memory_space<vmem>>[vector<16xi32>], vector<16xi32>, vector<16xi1>
        %all_reduce_population_count3A_940 = tpu.all_reduce %and3A_933 {dim = 0 : i64, kind = #tpu.reduction_kind<sum>} : vector<16xi1> -> vector<16xi32>
        %add3A_941 = arith.addi %add3A_916, %all_reduce_population_count3A_940 : vector<16xi32>
        %mul3A_942 = arith.constant 16 : i32
        %mul3A_943 = arith.muli %while3A_817, %mul3A_942 : i32
        %add3A_944 = arith.constant 5 : i32
        %add3A_945 = arith.addi %mul3A_943, %add3A_944 : i32
        %add3A_946 = vector.broadcast %add3A_945 : i32 to vector<16xi32>
        %add3A_947 = arith.addi %broadcast_in_dim3A_3, %add3A_946 : vector<16xi32>
        %gather3A_948 = tpu.vector_load_idx %arg7[%add3A_947] : memref<2048xi32, #tpu.memory_space<vmem>>[vector<16xi32>], vector<16xi32>,
        %add3A_949 = vector.broadcast %add3A_945 : i32 to vector<16xi32>
        %add3A_950 = arith.addi %broadcast_in_dim3A_3, %add3A_949 : vector<16xi32>
        %lt3A_951 = arith.cmpi slt, %add3A_950, %scan3A_75#0 : vector<16xi32>
        %mul3A_952 = arith.constant 16 : i32
        %mul3A_953 = vector.broadcast %mul3A_952 : i32 to vector<16xi32>
        %mul3A_954 = arith.muli %gather3A_948, %mul3A_953 : vector<16xi32>
        %add3A_955 = arith.addi %mul3A_954, %iota3A : vector<16xi32>
        %gather3A_956 = tpu.vector_load_idx %arg4[%add3A_955] : memref<32784xf32, #tpu.memory_space<vmem>>[vector<16xi32>], vector<16xf32>,
        %ge3A_957 = arith.cmpf oge, %gather3A_956, %broadcast_in_dim3A_68 : vector<16xf32>
        %and3A_958 = arith.andi %ge3A_957, %lt3A_951 : vector<16xi1>
        %select_n3A_959 = arith.select %and3A_958, %broadcast_in_dim3A_1, %broadcast_in_dim3A_3 : vector<16xi1>, vector<16xi32>
        %broadcast_in_dim3A_960 = arith.constant true
        %broadcast_in_dim3A_961 = vector.broadcast %broadcast_in_dim3A_960 : i1 to vector<16xi1>
        %masked_cumsum3A_962 = tpu.scan <sum>, %select_n3A_959 masked %broadcast_in_dim3A_961 : vector<16xi32>, vector<16xi1> -> vector<16xi32>
        %add3A_963 = arith.addi %add3A_941, %masked_cumsum3A_962 : vector<16xi32>
        %sub3A_964 = arith.subi %add3A_963, %select_n3A_959 : vector<16xi32>
        tpu.vector_store_idx %arg5[%sub3A_964], %add3A_955 masked %and3A_958 : memref<32768xi32, #tpu.memory_space<vmem>>[vector<16xi32>], vector<16xi32>, vector<16xi1>
        %all_reduce_population_count3A_965 = tpu.all_reduce %and3A_958 {dim = 0 : i64, kind = #tpu.reduction_kind<sum>} : vector<16xi1> -> vector<16xi32>
        %add3A_966 = arith.addi %add3A_941, %all_reduce_population_count3A_965 : vector<16xi32>
        %mul3A_967 = arith.constant 16 : i32
        %mul3A_968 = arith.muli %while3A_817, %mul3A_967 : i32
        %add3A_969 = arith.constant 6 : i32
        %add3A_970 = arith.addi %mul3A_968, %add3A_969 : i32
        %add3A_971 = vector.broadcast %add3A_970 : i32 to vector<16xi32>
        %add3A_972 = arith.addi %broadcast_in_dim3A_3, %add3A_971 : vector<16xi32>
        %gather3A_973 = tpu.vector_load_idx %arg7[%add3A_972] : memref<2048xi32, #tpu.memory_space<vmem>>[vector<16xi32>], vector<16xi32>,
        %add3A_974 = vector.broadcast %add3A_970 : i32 to vector<16xi32>
        %add3A_975 = arith.addi %broadcast_in_dim3A_3, %add3A_974 : vector<16xi32>
        %lt3A_976 = arith.cmpi slt, %add3A_975, %scan3A_75#0 : vector<16xi32>
        %mul3A_977 = arith.constant 16 : i32
        %mul3A_978 = vector.broadcast %mul3A_977 : i32 to vector<16xi32>
        %mul3A_979 = arith.muli %gather3A_973, %mul3A_978 : vector<16xi32>
        %add3A_980 = arith.addi %mul3A_979, %iota3A : vector<16xi32>
        %gather3A_981 = tpu.vector_load_idx %arg4[%add3A_980] : memref<32784xf32, #tpu.memory_space<vmem>>[vector<16xi32>], vector<16xf32>,
        %ge3A_982 = arith.cmpf oge, %gather3A_981, %broadcast_in_dim3A_68 : vector<16xf32>
        %and3A_983 = arith.andi %ge3A_982, %lt3A_976 : vector<16xi1>
        %select_n3A_984 = arith.select %and3A_983, %broadcast_in_dim3A_1, %broadcast_in_dim3A_3 : vector<16xi1>, vector<16xi32>
        %broadcast_in_dim3A_985 = arith.constant true
        %broadcast_in_dim3A_986 = vector.broadcast %broadcast_in_dim3A_985 : i1 to vector<16xi1>
        %masked_cumsum3A_987 = tpu.scan <sum>, %select_n3A_984 masked %broadcast_in_dim3A_986 : vector<16xi32>, vector<16xi1> -> vector<16xi32>
        %add3A_988 = arith.addi %add3A_966, %masked_cumsum3A_987 : vector<16xi32>
        %sub3A_989 = arith.subi %add3A_988, %select_n3A_984 : vector<16xi32>
        tpu.vector_store_idx %arg5[%sub3A_989], %add3A_980 masked %and3A_983 : memref<32768xi32, #tpu.memory_space<vmem>>[vector<16xi32>], vector<16xi32>, vector<16xi1>
        %all_reduce_population_count3A_990 = tpu.all_reduce %and3A_983 {dim = 0 : i64, kind = #tpu.reduction_kind<sum>} : vector<16xi1> -> vector<16xi32>
        %add3A_991 = arith.addi %add3A_966, %all_reduce_population_count3A_990 : vector<16xi32>
        %mul3A_992 = arith.constant 16 : i32
        %mul3A_993 = arith.muli %while3A_817, %mul3A_992 : i32
        %add3A_994 = arith.constant 7 : i32
        %add3A_995 = arith.addi %mul3A_993, %add3A_994 : i32
        %add3A_996 = vector.broadcast %add3A_995 : i32 to vector<16xi32>
        %add3A_997 = arith.addi %broadcast_in_dim3A_3, %add3A_996 : vector<16xi32>
        %gather3A_998 = tpu.vector_load_idx %arg7[%add3A_997] : memref<2048xi32, #tpu.memory_space<vmem>>[vector<16xi32>], vector<16xi32>,
        %add3A_999 = vector.broadcast %add3A_995 : i32 to vector<16xi32>
        %add3A_1000 = arith.addi %broadcast_in_dim3A_3, %add3A_999 : vector<16xi32>
        %lt3A_1001 = arith.cmpi slt, %add3A_1000, %scan3A_75#0 : vector<16xi32>
        %mul3A_1002 = arith.constant 16 : i32
        %mul3A_1003 = vector.broadcast %mul3A_1002 : i32 to vector<16xi32>
        %mul3A_1004 = arith.muli %gather3A_998, %mul3A_1003 : vector<16xi32>
        %add3A_1005 = arith.addi %mul3A_1004, %iota3A : vector<16xi32>
        %gather3A_1006 = tpu.vector_load_idx %arg4[%add3A_1005] : memref<32784xf32, #tpu.memory_space<vmem>>[vector<16xi32>], vector<16xf32>,
        %ge3A_1007 = arith.cmpf oge, %gather3A_1006, %broadcast_in_dim3A_68 : vector<16xf32>
        %and3A_1008 = arith.andi %ge3A_1007, %lt3A_1001 : vector<16xi1>
        %select_n3A_1009 = arith.select %and3A_1008, %broadcast_in_dim3A_1, %broadcast_in_dim3A_3 : vector<16xi1>, vector<16xi32>
        %broadcast_in_dim3A_1010 = arith.constant true
        %broadcast_in_dim3A_1011 = vector.broadcast %broadcast_in_dim3A_1010 : i1 to vector<16xi1>
        %masked_cumsum3A_1012 = tpu.scan <sum>, %select_n3A_1009 masked %broadcast_in_dim3A_1011 : vector<16xi32>, vector<16xi1> -> vector<16xi32>
        %add3A_1013 = arith.addi %add3A_991, %masked_cumsum3A_1012 : vector<16xi32>
        %sub3A_1014 = arith.subi %add3A_1013, %select_n3A_1009 : vector<16xi32>
        tpu.vector_store_idx %arg5[%sub3A_1014], %add3A_1005 masked %and3A_1008 : memref<32768xi32, #tpu.memory_space<vmem>>[vector<16xi32>], vector<16xi32>, vector<16xi1>
        %all_reduce_population_count3A_1015 = tpu.all_reduce %and3A_1008 {dim = 0 : i64, kind = #tpu.reduction_kind<sum>} : vector<16xi1> -> vector<16xi32>
        %add3A_1016 = arith.addi %add3A_991, %all_reduce_population_count3A_1015 : vector<16xi32>
        %mul3A_1017 = arith.constant 16 : i32
        %mul3A_1018 = arith.muli %while3A_817, %mul3A_1017 : i32
        %add3A_1019 = arith.constant 8 : i32
        %add3A_1020 = arith.addi %mul3A_1018, %add3A_1019 : i32
        %add3A_1021 = vector.broadcast %add3A_1020 : i32 to vector<16xi32>
        %add3A_1022 = arith.addi %broadcast_in_dim3A_3, %add3A_1021 : vector<16xi32>
        %gather3A_1023 = tpu.vector_load_idx %arg7[%add3A_1022] : memref<2048xi32, #tpu.memory_space<vmem>>[vector<16xi32>], vector<16xi32>,
        %add3A_1024 = vector.broadcast %add3A_1020 : i32 to vector<16xi32>
        %add3A_1025 = arith.addi %broadcast_in_dim3A_3, %add3A_1024 : vector<16xi32>
        %lt3A_1026 = arith.cmpi slt, %add3A_1025, %scan3A_75#0 : vector<16xi32>
        %mul3A_1027 = arith.constant 16 : i32
        %mul3A_1028 = vector.broadcast %mul3A_1027 : i32 to vector<16xi32>
        %mul3A_1029 = arith.muli %gather3A_1023, %mul3A_1028 : vector<16xi32>
        %add3A_1030 = arith.addi %mul3A_1029, %iota3A : vector<16xi32>
        %gather3A_1031 = tpu.vector_load_idx %arg4[%add3A_1030] : memref<32784xf32, #tpu.memory_space<vmem>>[vector<16xi32>], vector<16xf32>,
        %ge3A_1032 = arith.cmpf oge, %gather3A_1031, %broadcast_in_dim3A_68 : vector<16xf32>
        %and3A_1033 = arith.andi %ge3A_1032, %lt3A_1026 : vector<16xi1>
        %select_n3A_1034 = arith.select %and3A_1033, %broadcast_in_dim3A_1, %broadcast_in_dim3A_3 : vector<16xi1>, vector<16xi32>
        %broadcast_in_dim3A_1035 = arith.constant true
        %broadcast_in_dim3A_1036 = vector.broadcast %broadcast_in_dim3A_1035 : i1 to vector<16xi1>
        %masked_cumsum3A_1037 = tpu.scan <sum>, %select_n3A_1034 masked %broadcast_in_dim3A_1036 : vector<16xi32>, vector<16xi1> -> vector<16xi32>
        %add3A_1038 = arith.addi %add3A_1016, %masked_cumsum3A_1037 : vector<16xi32>
        %sub3A_1039 = arith.subi %add3A_1038, %select_n3A_1034 : vector<16xi32>
        tpu.vector_store_idx %arg5[%sub3A_1039], %add3A_1030 masked %and3A_1033 : memref<32768xi32, #tpu.memory_space<vmem>>[vector<16xi32>], vector<16xi32>, vector<16xi1>
        %all_reduce_population_count3A_1040 = tpu.all_reduce %and3A_1033 {dim = 0 : i64, kind = #tpu.reduction_kind<sum>} : vector<16xi1> -> vector<16xi32>
        %add3A_1041 = arith.addi %add3A_1016, %all_reduce_population_count3A_1040 : vector<16xi32>
        %mul3A_1042 = arith.constant 16 : i32
        %mul3A_1043 = arith.muli %while3A_817, %mul3A_1042 : i32
        %add3A_1044 = arith.constant 9 : i32
        %add3A_1045 = arith.addi %mul3A_1043, %add3A_1044 : i32
        %add3A_1046 = vector.broadcast %add3A_1045 : i32 to vector<16xi32>
        %add3A_1047 = arith.addi %broadcast_in_dim3A_3, %add3A_1046 : vector<16xi32>
        %gather3A_1048 = tpu.vector_load_idx %arg7[%add3A_1047] : memref<2048xi32, #tpu.memory_space<vmem>>[vector<16xi32>], vector<16xi32>,
        %add3A_1049 = vector.broadcast %add3A_1045 : i32 to vector<16xi32>
        %add3A_1050 = arith.addi %broadcast_in_dim3A_3, %add3A_1049 : vector<16xi32>
        %lt3A_1051 = arith.cmpi slt, %add3A_1050, %scan3A_75#0 : vector<16xi32>
        %mul3A_1052 = arith.constant 16 : i32
        %mul3A_1053 = vector.broadcast %mul3A_1052 : i32 to vector<16xi32>
        %mul3A_1054 = arith.muli %gather3A_1048, %mul3A_1053 : vector<16xi32>
        %add3A_1055 = arith.addi %mul3A_1054, %iota3A : vector<16xi32>
        %gather3A_1056 = tpu.vector_load_idx %arg4[%add3A_1055] : memref<32784xf32, #tpu.memory_space<vmem>>[vector<16xi32>], vector<16xf32>,
        %ge3A_1057 = arith.cmpf oge, %gather3A_1056, %broadcast_in_dim3A_68 : vector<16xf32>
        %and3A_1058 = arith.andi %ge3A_1057, %lt3A_1051 : vector<16xi1>
        %select_n3A_1059 = arith.select %and3A_1058, %broadcast_in_dim3A_1, %broadcast_in_dim3A_3 : vector<16xi1>, vector<16xi32>
        %broadcast_in_dim3A_1060 = arith.constant true
        %broadcast_in_dim3A_1061 = vector.broadcast %broadcast_in_dim3A_1060 : i1 to vector<16xi1>
        %masked_cumsum3A_1062 = tpu.scan <sum>, %select_n3A_1059 masked %broadcast_in_dim3A_1061 : vector<16xi32>, vector<16xi1> -> vector<16xi32>
        %add3A_1063 = arith.addi %add3A_1041, %masked_cumsum3A_1062 : vector<16xi32>
        %sub3A_1064 = arith.subi %add3A_1063, %select_n3A_1059 : vector<16xi32>
        tpu.vector_store_idx %arg5[%sub3A_1064], %add3A_1055 masked %and3A_1058 : memref<32768xi32, #tpu.memory_space<vmem>>[vector<16xi32>], vector<16xi32>, vector<16xi1>
        %all_reduce_population_count3A_1065 = tpu.all_reduce %and3A_1058 {dim = 0 : i64, kind = #tpu.reduction_kind<sum>} : vector<16xi1> -> vector<16xi32>
        %add3A_1066 = arith.addi %add3A_1041, %all_reduce_population_count3A_1065 : vector<16xi32>
        %mul3A_1067 = arith.constant 16 : i32
        %mul3A_1068 = arith.muli %while3A_817, %mul3A_1067 : i32
        %add3A_1069 = arith.constant 10 : i32
        %add3A_1070 = arith.addi %mul3A_1068, %add3A_1069 : i32
        %add3A_1071 = vector.broadcast %add3A_1070 : i32 to vector<16xi32>
        %add3A_1072 = arith.addi %broadcast_in_dim3A_3, %add3A_1071 : vector<16xi32>
        %gather3A_1073 = tpu.vector_load_idx %arg7[%add3A_1072] : memref<2048xi32, #tpu.memory_space<vmem>>[vector<16xi32>], vector<16xi32>,
        %add3A_1074 = vector.broadcast %add3A_1070 : i32 to vector<16xi32>
        %add3A_1075 = arith.addi %broadcast_in_dim3A_3, %add3A_1074 : vector<16xi32>
        %lt3A_1076 = arith.cmpi slt, %add3A_1075, %scan3A_75#0 : vector<16xi32>
        %mul3A_1077 = arith.constant 16 : i32
        %mul3A_1078 = vector.broadcast %mul3A_1077 : i32 to vector<16xi32>
        %mul3A_1079 = arith.muli %gather3A_1073, %mul3A_1078 : vector<16xi32>
        %add3A_1080 = arith.addi %mul3A_1079, %iota3A : vector<16xi32>
        %gather3A_1081 = tpu.vector_load_idx %arg4[%add3A_1080] : memref<32784xf32, #tpu.memory_space<vmem>>[vector<16xi32>], vector<16xf32>,
        %ge3A_1082 = arith.cmpf oge, %gather3A_1081, %broadcast_in_dim3A_68 : vector<16xf32>
        %and3A_1083 = arith.andi %ge3A_1082, %lt3A_1076 : vector<16xi1>
        %select_n3A_1084 = arith.select %and3A_1083, %broadcast_in_dim3A_1, %broadcast_in_dim3A_3 : vector<16xi1>, vector<16xi32>
        %broadcast_in_dim3A_1085 = arith.constant true
        %broadcast_in_dim3A_1086 = vector.broadcast %broadcast_in_dim3A_1085 : i1 to vector<16xi1>
        %masked_cumsum3A_1087 = tpu.scan <sum>, %select_n3A_1084 masked %broadcast_in_dim3A_1086 : vector<16xi32>, vector<16xi1> -> vector<16xi32>
        %add3A_1088 = arith.addi %add3A_1066, %masked_cumsum3A_1087 : vector<16xi32>
        %sub3A_1089 = arith.subi %add3A_1088, %select_n3A_1084 : vector<16xi32>
        tpu.vector_store_idx %arg5[%sub3A_1089], %add3A_1080 masked %and3A_1083 : memref<32768xi32, #tpu.memory_space<vmem>>[vector<16xi32>], vector<16xi32>, vector<16xi1>
        %all_reduce_population_count3A_1090 = tpu.all_reduce %and3A_1083 {dim = 0 : i64, kind = #tpu.reduction_kind<sum>} : vector<16xi1> -> vector<16xi32>
        %add3A_1091 = arith.addi %add3A_1066, %all_reduce_population_count3A_1090 : vector<16xi32>
        %mul3A_1092 = arith.constant 16 : i32
        %mul3A_1093 = arith.muli %while3A_817, %mul3A_1092 : i32
        %add3A_1094 = arith.constant 11 : i32
        %add3A_1095 = arith.addi %mul3A_1093, %add3A_1094 : i32
        %add3A_1096 = vector.broadcast %add3A_1095 : i32 to vector<16xi32>
        %add3A_1097 = arith.addi %broadcast_in_dim3A_3, %add3A_1096 : vector<16xi32>
        %gather3A_1098 = tpu.vector_load_idx %arg7[%add3A_1097] : memref<2048xi32, #tpu.memory_space<vmem>>[vector<16xi32>], vector<16xi32>,
        %add3A_1099 = vector.broadcast %add3A_1095 : i32 to vector<16xi32>
        %add3A_1100 = arith.addi %broadcast_in_dim3A_3, %add3A_1099 : vector<16xi32>
        %lt3A_1101 = arith.cmpi slt, %add3A_1100, %scan3A_75#0 : vector<16xi32>
        %mul3A_1102 = arith.constant 16 : i32
        %mul3A_1103 = vector.broadcast %mul3A_1102 : i32 to vector<16xi32>
        %mul3A_1104 = arith.muli %gather3A_1098, %mul3A_1103 : vector<16xi32>
        %add3A_1105 = arith.addi %mul3A_1104, %iota3A : vector<16xi32>
        %gather3A_1106 = tpu.vector_load_idx %arg4[%add3A_1105] : memref<32784xf32, #tpu.memory_space<vmem>>[vector<16xi32>], vector<16xf32>,
        %ge3A_1107 = arith.cmpf oge, %gather3A_1106, %broadcast_in_dim3A_68 : vector<16xf32>
        %and3A_1108 = arith.andi %ge3A_1107, %lt3A_1101 : vector<16xi1>
        %select_n3A_1109 = arith.select %and3A_1108, %broadcast_in_dim3A_1, %broadcast_in_dim3A_3 : vector<16xi1>, vector<16xi32>
        %broadcast_in_dim3A_1110 = arith.constant true
        %broadcast_in_dim3A_1111 = vector.broadcast %broadcast_in_dim3A_1110 : i1 to vector<16xi1>
        %masked_cumsum3A_1112 = tpu.scan <sum>, %select_n3A_1109 masked %broadcast_in_dim3A_1111 : vector<16xi32>, vector<16xi1> -> vector<16xi32>
        %add3A_1113 = arith.addi %add3A_1091, %masked_cumsum3A_1112 : vector<16xi32>
        %sub3A_1114 = arith.subi %add3A_1113, %select_n3A_1109 : vector<16xi32>
        tpu.vector_store_idx %arg5[%sub3A_1114], %add3A_1105 masked %and3A_1108 : memref<32768xi32, #tpu.memory_space<vmem>>[vector<16xi32>], vector<16xi32>, vector<16xi1>
        %all_reduce_population_count3A_1115 = tpu.all_reduce %and3A_1108 {dim = 0 : i64, kind = #tpu.reduction_kind<sum>} : vector<16xi1> -> vector<16xi32>
        %add3A_1116 = arith.addi %add3A_1091, %all_reduce_population_count3A_1115 : vector<16xi32>
        %mul3A_1117 = arith.constant 16 : i32
        %mul3A_1118 = arith.muli %while3A_817, %mul3A_1117 : i32
        %add3A_1119 = arith.constant 12 : i32
        %add3A_1120 = arith.addi %mul3A_1118, %add3A_1119 : i32
        %add3A_1121 = vector.broadcast %add3A_1120 : i32 to vector<16xi32>
        %add3A_1122 = arith.addi %broadcast_in_dim3A_3, %add3A_1121 : vector<16xi32>
        %gather3A_1123 = tpu.vector_load_idx %arg7[%add3A_1122] : memref<2048xi32, #tpu.memory_space<vmem>>[vector<16xi32>], vector<16xi32>,
        %add3A_1124 = vector.broadcast %add3A_1120 : i32 to vector<16xi32>
        %add3A_1125 = arith.addi %broadcast_in_dim3A_3, %add3A_1124 : vector<16xi32>
        %lt3A_1126 = arith.cmpi slt, %add3A_1125, %scan3A_75#0 : vector<16xi32>
        %mul3A_1127 = arith.constant 16 : i32
        %mul3A_1128 = vector.broadcast %mul3A_1127 : i32 to vector<16xi32>
        %mul3A_1129 = arith.muli %gather3A_1123, %mul3A_1128 : vector<16xi32>
        %add3A_1130 = arith.addi %mul3A_1129, %iota3A : vector<16xi32>
        %gather3A_1131 = tpu.vector_load_idx %arg4[%add3A_1130] : memref<32784xf32, #tpu.memory_space<vmem>>[vector<16xi32>], vector<16xf32>,
        %ge3A_1132 = arith.cmpf oge, %gather3A_1131, %broadcast_in_dim3A_68 : vector<16xf32>
        %and3A_1133 = arith.andi %ge3A_1132, %lt3A_1126 : vector<16xi1>
        %select_n3A_1134 = arith.select %and3A_1133, %broadcast_in_dim3A_1, %broadcast_in_dim3A_3 : vector<16xi1>, vector<16xi32>
        %broadcast_in_dim3A_1135 = arith.constant true
        %broadcast_in_dim3A_1136 = vector.broadcast %broadcast_in_dim3A_1135 : i1 to vector<16xi1>
        %masked_cumsum3A_1137 = tpu.scan <sum>, %select_n3A_1134 masked %broadcast_in_dim3A_1136 : vector<16xi32>, vector<16xi1> -> vector<16xi32>
        %add3A_1138 = arith.addi %add3A_1116, %masked_cumsum3A_1137 : vector<16xi32>
        %sub3A_1139 = arith.subi %add3A_1138, %select_n3A_1134 : vector<16xi32>
        tpu.vector_store_idx %arg5[%sub3A_1139], %add3A_1130 masked %and3A_1133 : memref<32768xi32, #tpu.memory_space<vmem>>[vector<16xi32>], vector<16xi32>, vector<16xi1>
        %all_reduce_population_count3A_1140 = tpu.all_reduce %and3A_1133 {dim = 0 : i64, kind = #tpu.reduction_kind<sum>} : vector<16xi1> -> vector<16xi32>
        %add3A_1141 = arith.addi %add3A_1116, %all_reduce_population_count3A_1140 : vector<16xi32>
        %mul3A_1142 = arith.constant 16 : i32
        %mul3A_1143 = arith.muli %while3A_817, %mul3A_1142 : i32
        %add3A_1144 = arith.constant 13 : i32
        %add3A_1145 = arith.addi %mul3A_1143, %add3A_1144 : i32
        %add3A_1146 = vector.broadcast %add3A_1145 : i32 to vector<16xi32>
        %add3A_1147 = arith.addi %broadcast_in_dim3A_3, %add3A_1146 : vector<16xi32>
        %gather3A_1148 = tpu.vector_load_idx %arg7[%add3A_1147] : memref<2048xi32, #tpu.memory_space<vmem>>[vector<16xi32>], vector<16xi32>,
        %add3A_1149 = vector.broadcast %add3A_1145 : i32 to vector<16xi32>
        %add3A_1150 = arith.addi %broadcast_in_dim3A_3, %add3A_1149 : vector<16xi32>
        %lt3A_1151 = arith.cmpi slt, %add3A_1150, %scan3A_75#0 : vector<16xi32>
        %mul3A_1152 = arith.constant 16 : i32
        %mul3A_1153 = vector.broadcast %mul3A_1152 : i32 to vector<16xi32>
        %mul3A_1154 = arith.muli %gather3A_1148, %mul3A_1153 : vector<16xi32>
        %add3A_1155 = arith.addi %mul3A_1154, %iota3A : vector<16xi32>
        %gather3A_1156 = tpu.vector_load_idx %arg4[%add3A_1155] : memref<32784xf32, #tpu.memory_space<vmem>>[vector<16xi32>], vector<16xf32>,
        %ge3A_1157 = arith.cmpf oge, %gather3A_1156, %broadcast_in_dim3A_68 : vector<16xf32>
        %and3A_1158 = arith.andi %ge3A_1157, %lt3A_1151 : vector<16xi1>
        %select_n3A_1159 = arith.select %and3A_1158, %broadcast_in_dim3A_1, %broadcast_in_dim3A_3 : vector<16xi1>, vector<16xi32>
        %broadcast_in_dim3A_1160 = arith.constant true
        %broadcast_in_dim3A_1161 = vector.broadcast %broadcast_in_dim3A_1160 : i1 to vector<16xi1>
        %masked_cumsum3A_1162 = tpu.scan <sum>, %select_n3A_1159 masked %broadcast_in_dim3A_1161 : vector<16xi32>, vector<16xi1> -> vector<16xi32>
        %add3A_1163 = arith.addi %add3A_1141, %masked_cumsum3A_1162 : vector<16xi32>
        %sub3A_1164 = arith.subi %add3A_1163, %select_n3A_1159 : vector<16xi32>
        tpu.vector_store_idx %arg5[%sub3A_1164], %add3A_1155 masked %and3A_1158 : memref<32768xi32, #tpu.memory_space<vmem>>[vector<16xi32>], vector<16xi32>, vector<16xi1>
        %all_reduce_population_count3A_1165 = tpu.all_reduce %and3A_1158 {dim = 0 : i64, kind = #tpu.reduction_kind<sum>} : vector<16xi1> -> vector<16xi32>
        %add3A_1166 = arith.addi %add3A_1141, %all_reduce_population_count3A_1165 : vector<16xi32>
        %mul3A_1167 = arith.constant 16 : i32
        %mul3A_1168 = arith.muli %while3A_817, %mul3A_1167 : i32
        %add3A_1169 = arith.constant 14 : i32
        %add3A_1170 = arith.addi %mul3A_1168, %add3A_1169 : i32
        %add3A_1171 = vector.broadcast %add3A_1170 : i32 to vector<16xi32>
        %add3A_1172 = arith.addi %broadcast_in_dim3A_3, %add3A_1171 : vector<16xi32>
        %gather3A_1173 = tpu.vector_load_idx %arg7[%add3A_1172] : memref<2048xi32, #tpu.memory_space<vmem>>[vector<16xi32>], vector<16xi32>,
        %add3A_1174 = vector.broadcast %add3A_1170 : i32 to vector<16xi32>
        %add3A_1175 = arith.addi %broadcast_in_dim3A_3, %add3A_1174 : vector<16xi32>
        %lt3A_1176 = arith.cmpi slt, %add3A_1175, %scan3A_75#0 : vector<16xi32>
        %mul3A_1177 = arith.constant 16 : i32
        %mul3A_1178 = vector.broadcast %mul3A_1177 : i32 to vector<16xi32>
        %mul3A_1179 = arith.muli %gather3A_1173, %mul3A_1178 : vector<16xi32>
        %add3A_1180 = arith.addi %mul3A_1179, %iota3A : vector<16xi32>
        %gather3A_1181 = tpu.vector_load_idx %arg4[%add3A_1180] : memref<32784xf32, #tpu.memory_space<vmem>>[vector<16xi32>], vector<16xf32>,
        %ge3A_1182 = arith.cmpf oge, %gather3A_1181, %broadcast_in_dim3A_68 : vector<16xf32>
        %and3A_1183 = arith.andi %ge3A_1182, %lt3A_1176 : vector<16xi1>
        %select_n3A_1184 = arith.select %and3A_1183, %broadcast_in_dim3A_1, %broadcast_in_dim3A_3 : vector<16xi1>, vector<16xi32>
        %broadcast_in_dim3A_1185 = arith.constant true
        %broadcast_in_dim3A_1186 = vector.broadcast %broadcast_in_dim3A_1185 : i1 to vector<16xi1>
        %masked_cumsum3A_1187 = tpu.scan <sum>, %select_n3A_1184 masked %broadcast_in_dim3A_1186 : vector<16xi32>, vector<16xi1> -> vector<16xi32>
        %add3A_1188 = arith.addi %add3A_1166, %masked_cumsum3A_1187 : vector<16xi32>
        %sub3A_1189 = arith.subi %add3A_1188, %select_n3A_1184 : vector<16xi32>
        tpu.vector_store_idx %arg5[%sub3A_1189], %add3A_1180 masked %and3A_1183 : memref<32768xi32, #tpu.memory_space<vmem>>[vector<16xi32>], vector<16xi32>, vector<16xi1>
        %all_reduce_population_count3A_1190 = tpu.all_reduce %and3A_1183 {dim = 0 : i64, kind = #tpu.reduction_kind<sum>} : vector<16xi1> -> vector<16xi32>
        %add3A_1191 = arith.addi %add3A_1166, %all_reduce_population_count3A_1190 : vector<16xi32>
        %mul3A_1192 = arith.constant 16 : i32
        %mul3A_1193 = arith.muli %while3A_817, %mul3A_1192 : i32
        %add3A_1194 = arith.constant 15 : i32
        %add3A_1195 = arith.addi %mul3A_1193, %add3A_1194 : i32
        %add3A_1196 = vector.broadcast %add3A_1195 : i32 to vector<16xi32>
        %add3A_1197 = arith.addi %broadcast_in_dim3A_3, %add3A_1196 : vector<16xi32>
        %gather3A_1198 = tpu.vector_load_idx %arg7[%add3A_1197] : memref<2048xi32, #tpu.memory_space<vmem>>[vector<16xi32>], vector<16xi32>,
        %add3A_1199 = vector.broadcast %add3A_1195 : i32 to vector<16xi32>
        %add3A_1200 = arith.addi %broadcast_in_dim3A_3, %add3A_1199 : vector<16xi32>
        %lt3A_1201 = arith.cmpi slt, %add3A_1200, %scan3A_75#0 : vector<16xi32>
        %mul3A_1202 = arith.constant 16 : i32
        %mul3A_1203 = vector.broadcast %mul3A_1202 : i32 to vector<16xi32>
        %mul3A_1204 = arith.muli %gather3A_1198, %mul3A_1203 : vector<16xi32>
        %add3A_1205 = arith.addi %mul3A_1204, %iota3A : vector<16xi32>
        %gather3A_1206 = tpu.vector_load_idx %arg4[%add3A_1205] : memref<32784xf32, #tpu.memory_space<vmem>>[vector<16xi32>], vector<16xf32>,
        %ge3A_1207 = arith.cmpf oge, %gather3A_1206, %broadcast_in_dim3A_68 : vector<16xf32>
        %and3A_1208 = arith.andi %ge3A_1207, %lt3A_1201 : vector<16xi1>
        %select_n3A_1209 = arith.select %and3A_1208, %broadcast_in_dim3A_1, %broadcast_in_dim3A_3 : vector<16xi1>, vector<16xi32>
        %broadcast_in_dim3A_1210 = arith.constant true
        %broadcast_in_dim3A_1211 = vector.broadcast %broadcast_in_dim3A_1210 : i1 to vector<16xi1>
        %masked_cumsum3A_1212 = tpu.scan <sum>, %select_n3A_1209 masked %broadcast_in_dim3A_1211 : vector<16xi32>, vector<16xi1> -> vector<16xi32>
        %add3A_1213 = arith.addi %add3A_1191, %masked_cumsum3A_1212 : vector<16xi32>
        %sub3A_1214 = arith.subi %add3A_1213, %select_n3A_1209 : vector<16xi32>
        tpu.vector_store_idx %arg5[%sub3A_1214], %add3A_1205 masked %and3A_1208 : memref<32768xi32, #tpu.memory_space<vmem>>[vector<16xi32>], vector<16xi32>, vector<16xi1>
        %all_reduce_population_count3A_1215 = tpu.all_reduce %and3A_1208 {dim = 0 : i64, kind = #tpu.reduction_kind<sum>} : vector<16xi1> -> vector<16xi32>
        %add3A_1216 = arith.addi %add3A_1191, %all_reduce_population_count3A_1215 : vector<16xi32>
        scf.yield %add3A_1216 : vector<16xi32>
      }
      %ge3A = arith.cmpi sge, %while3A_383, %broadcast_in_dim3A_7 : vector<16xi32>
      %reduce_or3A_384 = arith.constant 1.000000e+00 : f32
      %reduce_or3A_385 = arith.constant 0.000000e+00 : f32
      %reduce_or3A_386 = vector.broadcast %reduce_or3A_384 : f32 to vector<16xf32>
      %reduce_or3A_387 = vector.broadcast %reduce_or3A_385 : f32 to vector<16xf32>
      %reduce_or3A_388 = arith.select %ge3A, %reduce_or3A_386, %reduce_or3A_387 : vector<16xi1>, vector<16xf32>
      %reduce_or3A_389 = arith.constant true
      %reduce_or3A_390 = vector.broadcast %reduce_or3A_389 : i1 to vector<16xi1>
      %reduce_or3A_391 = tpu.scan <max>, %reduce_or3A_388 masked %reduce_or3A_390 : vector<16xf32>, vector<16xi1> -> vector<16xf32>
      %reduce_or3A_392 = vector.extract %reduce_or3A_391[15] : f32 from vector<16xf32>
      %reduce_or3A_393 = arith.constant 0.000000e+00 : f32
      %reduce_or3A_394 = arith.cmpf ogt, %reduce_or3A_392, %reduce_or3A_393 : f32
      %convert_element_type3A_395 = arith.extui %reduce_or3A_394 : i1 to i32
      %cond3A_396 = arith.constant 0 : i32
      %cond3A_397 = arith.constant 0 : i32
      %cond3A_398 = arith.cmpi ne, %convert_element_type3A_395, %cond3A_397 : i32
      %cond3A_399:2 = scf.if %cond3A_398 -> (vector<16xi32>, vector<16xi32>) {
        %broadcast_in_dim3A_817 = arith.constant 1075838976 : i32
        %broadcast_in_dim3A_818 = vector.broadcast %broadcast_in_dim3A_817 : i32 to vector<16xi32>
        scf.yield %while3A_383, %broadcast_in_dim3A_818 : vector<16xi32>, vector<16xi32>
      } else {
        "tpu.region"() ({
          %run_scoped3A = tpu.sem_alloc : memref<!tpu.dma_semaphore, #tpu.memory_space<semaphore_mem>>
          %dma_start3A_1132 = arith.constant 0 : i32
          %dma_start3A_1133 = tpu.memref_slice %arg4[%dma_start3A_1132] : memref<32784xf32, #tpu.memory_space<vmem>> -> memref<32768xf32, #tpu.memory_space<vmem>>
          %dma_start3A_1134 = arith.constant 0 : i32
          %dma_start3A_1135 = tpu.memref_slice %arg2[%add3A_56, %dma_start3A_1134] : memref<128x32768xf32, #tpu.memory_space<hbm>> -> memref<1x32768xf32, #tpu.memory_space<hbm>>
          %dma_start3A_1136 = tpu.memref_squeeze %dma_start3A_1135 : memref<1x32768xf32, #tpu.memory_space<hbm>> -> memref<32768xf32, #tpu.memory_space<hbm>>
          %dma_start3A_1137 = arith.constant 0 : i32
          %dma_start3A_1138 = tpu.memref_slice %arg4[%dma_start3A_1137] : memref<32784xf32, #tpu.memory_space<vmem>> -> memref<32768xf32, #tpu.memory_space<vmem>>
          %dma_start3A_1139 = arith.constant 0 : i32
          %dma_start3A_1140 = tpu.memref_slice %arg2[%add3A_56, %dma_start3A_1139] : memref<128x32768xf32, #tpu.memory_space<hbm>> -> memref<1x32768xf32, #tpu.memory_space<hbm>>
          %dma_start3A_1141 = tpu.memref_squeeze %dma_start3A_1140 : memref<1x32768xf32, #tpu.memory_space<hbm>> -> memref<32768xf32, #tpu.memory_space<hbm>>
          tpu.enqueue_dma source(%dma_start3A_1141 : memref<32768xf32, #tpu.memory_space<hbm>>) target(%dma_start3A_1138 : memref<32768xf32, #tpu.memory_space<vmem>>) target_semaphore(%run_scoped3A : memref<!tpu.dma_semaphore, #tpu.memory_space<semaphore_mem>>)
          %dma_wait3A_1142 = arith.constant 0 : i32
          %dma_wait3A_1143 = tpu.memref_slice %arg4[%dma_wait3A_1142] : memref<32784xf32, #tpu.memory_space<vmem>> -> memref<32768xf32, #tpu.memory_space<vmem>>
          %dma_wait3A_1144 = arith.constant 0 : i32
          %dma_wait3A_1145 = tpu.memref_slice %arg2[%add3A_56, %dma_wait3A_1144] : memref<128x32768xf32, #tpu.memory_space<hbm>> -> memref<1x32768xf32, #tpu.memory_space<hbm>>
          %dma_wait3A_1146 = tpu.memref_squeeze %dma_wait3A_1145 : memref<1x32768xf32, #tpu.memory_space<hbm>> -> memref<32768xf32, #tpu.memory_space<hbm>>
          %dma_wait3A_1147 = arith.constant 0 : i32
          %dma_wait3A_1148 = tpu.memref_slice %arg4[%dma_wait3A_1147] : memref<32784xf32, #tpu.memory_space<vmem>> -> memref<32768xf32, #tpu.memory_space<vmem>>
          %dma_wait3A_1149 = arith.constant 0 : i32
          %dma_wait3A_1150 = tpu.memref_slice %arg2[%add3A_56, %dma_wait3A_1149] : memref<128x32768xf32, #tpu.memory_space<hbm>> -> memref<1x32768xf32, #tpu.memory_space<hbm>>
          %dma_wait3A_1151 = tpu.memref_squeeze %dma_wait3A_1150 : memref<1x32768xf32, #tpu.memory_space<hbm>> -> memref<32768xf32, #tpu.memory_space<hbm>>
          tpu.wait_dma2 semaphore(%run_scoped3A : memref<!tpu.dma_semaphore, #tpu.memory_space<semaphore_mem>>) src(%dma_wait3A_1151 : memref<32768xf32, #tpu.memory_space<hbm>>) dst(%dma_wait3A_1148 : memref<32768xf32, #tpu.memory_space<vmem>>)
          tpu.yield
        }) : () -> ()
        %scan3A_817 = arith.constant 0 : i32
        %scan3A_818 = arith.constant 256 : i32
        %scan3A_819 = arith.addi %scan3A_817, %scan3A_818 : i32
        %scan3A_820 = arith.constant 1 : i32
        %scan3A_821 = scf.for %scan3A_1132 = %scan3A_817 to %scan3A_819 step %scan3A_820 iter_args(%scan3A_1133 = %broadcast_in_dim3A_3) -> (vector<16xi32>)  : i32 {
          %mul3A_1134 = arith.constant 8 : i32
          %mul3A_1135 = arith.muli %scan3A_1132, %mul3A_1134 : i32
          %add3A_1136 = arith.constant 0 : i32
          %add3A_1137 = arith.addi %mul3A_1135, %add3A_1136 : i32
          %mul3A_1138 = arith.constant 16 : i32
          %mul3A_1139 = arith.muli %add3A_1137, %mul3A_1138 : i32
          %get3A = arith.index_cast %mul3A_1139 : i32 to index
          %get3A_1140 = tpu.vector_load %arg4[%get3A] {strides = array<i32>} : memref<32784xf32, #tpu.memory_space<vmem>>, vector<16xf32>,
          %ge3A_1141 = arith.cmpf oge, %get3A_1140, %broadcast_in_dim3A_70 : vector<16xf32>
          %all_reduce_population_count3A = tpu.all_reduce %ge3A_1141 {dim = 0 : i64, kind = #tpu.reduction_kind<sum>} : vector<16xi1> -> vector<16xi32>
          %min3A = arith.minsi %all_reduce_population_count3A, %broadcast_in_dim3A_1 : vector<16xi32>
          %mul3A_1142 = arith.constant 8 : i32
          %mul3A_1143 = arith.muli %scan3A_1132, %mul3A_1142 : i32
          %add3A_1144 = arith.constant 1 : i32
          %add3A_1145 = arith.addi %mul3A_1143, %add3A_1144 : i32
          %mul3A_1146 = arith.constant 16 : i32
          %mul3A_1147 = arith.muli %add3A_1145, %mul3A_1146 : i32
          %get3A_1148 = arith.index_cast %mul3A_1147 : i32 to index
          %get3A_1149 = tpu.vector_load %arg4[%get3A_1148] {strides = array<i32>} : memref<32784xf32, #tpu.memory_space<vmem>>, vector<16xf32>,
          %ge3A_1150 = arith.cmpf oge, %get3A_1149, %broadcast_in_dim3A_70 : vector<16xf32>
          %all_reduce_population_count3A_1151 = tpu.all_reduce %ge3A_1150 {dim = 0 : i64, kind = #tpu.reduction_kind<sum>} : vector<16xi1> -> vector<16xi32>
          %min3A_1152 = arith.minsi %all_reduce_population_count3A_1151, %broadcast_in_dim3A_1 : vector<16xi32>
          %mul3A_1153 = arith.constant 8 : i32
          %mul3A_1154 = arith.muli %scan3A_1132, %mul3A_1153 : i32
          %add3A_1155 = arith.constant 2 : i32
          %add3A_1156 = arith.addi %mul3A_1154, %add3A_1155 : i32
          %mul3A_1157 = arith.constant 16 : i32
          %mul3A_1158 = arith.muli %add3A_1156, %mul3A_1157 : i32
          %get3A_1159 = arith.index_cast %mul3A_1158 : i32 to index
          %get3A_1160 = tpu.vector_load %arg4[%get3A_1159] {strides = array<i32>} : memref<32784xf32, #tpu.memory_space<vmem>>, vector<16xf32>,
          %ge3A_1161 = arith.cmpf oge, %get3A_1160, %broadcast_in_dim3A_70 : vector<16xf32>
          %all_reduce_population_count3A_1162 = tpu.all_reduce %ge3A_1161 {dim = 0 : i64, kind = #tpu.reduction_kind<sum>} : vector<16xi1> -> vector<16xi32>
          %min3A_1163 = arith.minsi %all_reduce_population_count3A_1162, %broadcast_in_dim3A_1 : vector<16xi32>
          %mul3A_1164 = arith.constant 8 : i32
          %mul3A_1165 = arith.muli %scan3A_1132, %mul3A_1164 : i32
          %add3A_1166 = arith.constant 3 : i32
          %add3A_1167 = arith.addi %mul3A_1165, %add3A_1166 : i32
          %mul3A_1168 = arith.constant 16 : i32
          %mul3A_1169 = arith.muli %add3A_1167, %mul3A_1168 : i32
          %get3A_1170 = arith.index_cast %mul3A_1169 : i32 to index
          %get3A_1171 = tpu.vector_load %arg4[%get3A_1170] {strides = array<i32>} : memref<32784xf32, #tpu.memory_space<vmem>>, vector<16xf32>,
          %ge3A_1172 = arith.cmpf oge, %get3A_1171, %broadcast_in_dim3A_70 : vector<16xf32>
          %all_reduce_population_count3A_1173 = tpu.all_reduce %ge3A_1172 {dim = 0 : i64, kind = #tpu.reduction_kind<sum>} : vector<16xi1> -> vector<16xi32>
          %min3A_1174 = arith.minsi %all_reduce_population_count3A_1173, %broadcast_in_dim3A_1 : vector<16xi32>
          %mul3A_1175 = arith.constant 8 : i32
          %mul3A_1176 = arith.muli %scan3A_1132, %mul3A_1175 : i32
          %add3A_1177 = arith.constant 4 : i32
          %add3A_1178 = arith.addi %mul3A_1176, %add3A_1177 : i32
          %mul3A_1179 = arith.constant 16 : i32
          %mul3A_1180 = arith.muli %add3A_1178, %mul3A_1179 : i32
          %get3A_1181 = arith.index_cast %mul3A_1180 : i32 to index
          %get3A_1182 = tpu.vector_load %arg4[%get3A_1181] {strides = array<i32>} : memref<32784xf32, #tpu.memory_space<vmem>>, vector<16xf32>,
          %ge3A_1183 = arith.cmpf oge, %get3A_1182, %broadcast_in_dim3A_70 : vector<16xf32>
          %all_reduce_population_count3A_1184 = tpu.all_reduce %ge3A_1183 {dim = 0 : i64, kind = #tpu.reduction_kind<sum>} : vector<16xi1> -> vector<16xi32>
          %min3A_1185 = arith.minsi %all_reduce_population_count3A_1184, %broadcast_in_dim3A_1 : vector<16xi32>
          %mul3A_1186 = arith.constant 8 : i32
          %mul3A_1187 = arith.muli %scan3A_1132, %mul3A_1186 : i32
          %add3A_1188 = arith.constant 5 : i32
          %add3A_1189 = arith.addi %mul3A_1187, %add3A_1188 : i32
          %mul3A_1190 = arith.constant 16 : i32
          %mul3A_1191 = arith.muli %add3A_1189, %mul3A_1190 : i32
          %get3A_1192 = arith.index_cast %mul3A_1191 : i32 to index
          %get3A_1193 = tpu.vector_load %arg4[%get3A_1192] {strides = array<i32>} : memref<32784xf32, #tpu.memory_space<vmem>>, vector<16xf32>,
          %ge3A_1194 = arith.cmpf oge, %get3A_1193, %broadcast_in_dim3A_70 : vector<16xf32>
          %all_reduce_population_count3A_1195 = tpu.all_reduce %ge3A_1194 {dim = 0 : i64, kind = #tpu.reduction_kind<sum>} : vector<16xi1> -> vector<16xi32>
          %min3A_1196 = arith.minsi %all_reduce_population_count3A_1195, %broadcast_in_dim3A_1 : vector<16xi32>
          %mul3A_1197 = arith.constant 8 : i32
          %mul3A_1198 = arith.muli %scan3A_1132, %mul3A_1197 : i32
          %add3A_1199 = arith.constant 6 : i32
          %add3A_1200 = arith.addi %mul3A_1198, %add3A_1199 : i32
          %mul3A_1201 = arith.constant 16 : i32
          %mul3A_1202 = arith.muli %add3A_1200, %mul3A_1201 : i32
          %get3A_1203 = arith.index_cast %mul3A_1202 : i32 to index
          %get3A_1204 = tpu.vector_load %arg4[%get3A_1203] {strides = array<i32>} : memref<32784xf32, #tpu.memory_space<vmem>>, vector<16xf32>,
          %ge3A_1205 = arith.cmpf oge, %get3A_1204, %broadcast_in_dim3A_70 : vector<16xf32>
          %all_reduce_population_count3A_1206 = tpu.all_reduce %ge3A_1205 {dim = 0 : i64, kind = #tpu.reduction_kind<sum>} : vector<16xi1> -> vector<16xi32>
          %min3A_1207 = arith.minsi %all_reduce_population_count3A_1206, %broadcast_in_dim3A_1 : vector<16xi32>
          %mul3A_1208 = arith.constant 8 : i32
          %mul3A_1209 = arith.muli %scan3A_1132, %mul3A_1208 : i32
          %add3A_1210 = arith.constant 7 : i32
          %add3A_1211 = arith.addi %mul3A_1209, %add3A_1210 : i32
          %mul3A_1212 = arith.constant 16 : i32
          %mul3A_1213 = arith.muli %add3A_1211, %mul3A_1212 : i32
          %get3A_1214 = arith.index_cast %mul3A_1213 : i32 to index
          %get3A_1215 = tpu.vector_load %arg4[%get3A_1214] {strides = array<i32>} : memref<32784xf32, #tpu.memory_space<vmem>>, vector<16xf32>,
          %ge3A_1216 = arith.cmpf oge, %get3A_1215, %broadcast_in_dim3A_70 : vector<16xf32>
          %all_reduce_population_count3A_1217 = tpu.all_reduce %ge3A_1216 {dim = 0 : i64, kind = #tpu.reduction_kind<sum>} : vector<16xi1> -> vector<16xi32>
          %min3A_1218 = arith.minsi %all_reduce_population_count3A_1217, %broadcast_in_dim3A_1 : vector<16xi32>
          %add3A_1219 = arith.addi %scan3A_1133, %min3A : vector<16xi32>
          %add3A_1220 = arith.addi %add3A_1219, %min3A_1152 : vector<16xi32>
          %add3A_1221 = arith.addi %add3A_1220, %min3A_1163 : vector<16xi32>
          %add3A_1222 = arith.addi %add3A_1221, %min3A_1174 : vector<16xi32>
          %add3A_1223 = arith.addi %add3A_1222, %min3A_1185 : vector<16xi32>
          %add3A_1224 = arith.addi %add3A_1223, %min3A_1196 : vector<16xi32>
          %add3A_1225 = arith.addi %add3A_1224, %min3A_1207 : vector<16xi32>
          %mul3A_1226 = arith.constant 8 : i32
          %mul3A_1227 = arith.muli %scan3A_1132, %mul3A_1226 : i32
          %add3A_1228 = arith.constant 0 : i32
          %add3A_1229 = arith.addi %mul3A_1227, %add3A_1228 : i32
          %add3A_1230 = vector.broadcast %add3A_1229 : i32 to vector<16xi32>
          %add3A_1231 = arith.addi %broadcast_in_dim3A_3, %add3A_1230 : vector<16xi32>
          tpu.vector_store_idx %arg7[%scan3A_1133], %add3A_1231 masked %lt3A : memref<2048xi32, #tpu.memory_space<vmem>>[vector<16xi32>], vector<16xi32>, vector<16xi1>
          %mul3A_1232 = arith.constant 8 : i32
          %mul3A_1233 = arith.muli %scan3A_1132, %mul3A_1232 : i32
          %add3A_1234 = arith.constant 1 : i32
          %add3A_1235 = arith.addi %mul3A_1233, %add3A_1234 : i32
          %add3A_1236 = vector.broadcast %add3A_1235 : i32 to vector<16xi32>
          %add3A_1237 = arith.addi %broadcast_in_dim3A_3, %add3A_1236 : vector<16xi32>
          tpu.vector_store_idx %arg7[%add3A_1219], %add3A_1237 masked %lt3A : memref<2048xi32, #tpu.memory_space<vmem>>[vector<16xi32>], vector<16xi32>, vector<16xi1>
          %mul3A_1238 = arith.constant 8 : i32
          %mul3A_1239 = arith.muli %scan3A_1132, %mul3A_1238 : i32
          %add3A_1240 = arith.constant 2 : i32
          %add3A_1241 = arith.addi %mul3A_1239, %add3A_1240 : i32
          %add3A_1242 = vector.broadcast %add3A_1241 : i32 to vector<16xi32>
          %add3A_1243 = arith.addi %broadcast_in_dim3A_3, %add3A_1242 : vector<16xi32>
          tpu.vector_store_idx %arg7[%add3A_1220], %add3A_1243 masked %lt3A : memref<2048xi32, #tpu.memory_space<vmem>>[vector<16xi32>], vector<16xi32>, vector<16xi1>
          %mul3A_1244 = arith.constant 8 : i32
          %mul3A_1245 = arith.muli %scan3A_1132, %mul3A_1244 : i32
          %add3A_1246 = arith.constant 3 : i32
          %add3A_1247 = arith.addi %mul3A_1245, %add3A_1246 : i32
          %add3A_1248 = vector.broadcast %add3A_1247 : i32 to vector<16xi32>
          %add3A_1249 = arith.addi %broadcast_in_dim3A_3, %add3A_1248 : vector<16xi32>
          tpu.vector_store_idx %arg7[%add3A_1221], %add3A_1249 masked %lt3A : memref<2048xi32, #tpu.memory_space<vmem>>[vector<16xi32>], vector<16xi32>, vector<16xi1>
          %mul3A_1250 = arith.constant 8 : i32
          %mul3A_1251 = arith.muli %scan3A_1132, %mul3A_1250 : i32
          %add3A_1252 = arith.constant 4 : i32
          %add3A_1253 = arith.addi %mul3A_1251, %add3A_1252 : i32
          %add3A_1254 = vector.broadcast %add3A_1253 : i32 to vector<16xi32>
          %add3A_1255 = arith.addi %broadcast_in_dim3A_3, %add3A_1254 : vector<16xi32>
          tpu.vector_store_idx %arg7[%add3A_1222], %add3A_1255 masked %lt3A : memref<2048xi32, #tpu.memory_space<vmem>>[vector<16xi32>], vector<16xi32>, vector<16xi1>
          %mul3A_1256 = arith.constant 8 : i32
          %mul3A_1257 = arith.muli %scan3A_1132, %mul3A_1256 : i32
          %add3A_1258 = arith.constant 5 : i32
          %add3A_1259 = arith.addi %mul3A_1257, %add3A_1258 : i32
          %add3A_1260 = vector.broadcast %add3A_1259 : i32 to vector<16xi32>
          %add3A_1261 = arith.addi %broadcast_in_dim3A_3, %add3A_1260 : vector<16xi32>
          tpu.vector_store_idx %arg7[%add3A_1223], %add3A_1261 masked %lt3A : memref<2048xi32, #tpu.memory_space<vmem>>[vector<16xi32>], vector<16xi32>, vector<16xi1>
          %mul3A_1262 = arith.constant 8 : i32
          %mul3A_1263 = arith.muli %scan3A_1132, %mul3A_1262 : i32
          %add3A_1264 = arith.constant 6 : i32
          %add3A_1265 = arith.addi %mul3A_1263, %add3A_1264 : i32
          %add3A_1266 = vector.broadcast %add3A_1265 : i32 to vector<16xi32>
          %add3A_1267 = arith.addi %broadcast_in_dim3A_3, %add3A_1266 : vector<16xi32>
          tpu.vector_store_idx %arg7[%add3A_1224], %add3A_1267 masked %lt3A : memref<2048xi32, #tpu.memory_space<vmem>>[vector<16xi32>], vector<16xi32>, vector<16xi1>
          %mul3A_1268 = arith.constant 8 : i32
          %mul3A_1269 = arith.muli %scan3A_1132, %mul3A_1268 : i32
          %add3A_1270 = arith.constant 7 : i32
          %add3A_1271 = arith.addi %mul3A_1269, %add3A_1270 : i32
          %add3A_1272 = vector.broadcast %add3A_1271 : i32 to vector<16xi32>
          %add3A_1273 = arith.addi %broadcast_in_dim3A_3, %add3A_1272 : vector<16xi32>
          tpu.vector_store_idx %arg7[%add3A_1225], %add3A_1273 masked %lt3A : memref<2048xi32, #tpu.memory_space<vmem>>[vector<16xi32>], vector<16xi32>, vector<16xi1>
          %add3A_1274 = arith.addi %min3A, %min3A_1152 : vector<16xi32>
          %add3A_1275 = arith.addi %min3A_1163, %min3A_1174 : vector<16xi32>
          %add3A_1276 = arith.addi %min3A_1185, %min3A_1196 : vector<16xi32>
          %add3A_1277 = arith.addi %min3A_1207, %min3A_1218 : vector<16xi32>
          %add3A_1278 = arith.addi %add3A_1274, %add3A_1275 : vector<16xi32>
          %add3A_1279 = arith.addi %add3A_1276, %add3A_1277 : vector<16xi32>
          %add3A_1280 = arith.addi %scan3A_1133, %add3A_1278 : vector<16xi32>
          %add3A_1281 = arith.addi %add3A_1280, %add3A_1279 : vector<16xi32>
          scf.yield %add3A_1281 : vector<16xi32>
        }
        %scan3A_822 = arith.constant 256 : i32
        %and3A_823 = arith.constant 1 : i32
        %and3A_824 = vector.broadcast %and3A_823 : i32 to vector<16xi32>
        %and3A_825 = arith.andi %scan3A_821, %and3A_824 : vector<16xi32>
        %ne3A_826 = arith.constant 0 : i32
        %ne3A_827 = vector.broadcast %ne3A_826 : i32 to vector<16xi32>
        %ne3A_828 = arith.cmpi ne, %and3A_825, %ne3A_827 : vector<16xi32>
        %reduce_or3A_829 = arith.constant 1.000000e+00 : f32
        %reduce_or3A_830 = arith.constant 0.000000e+00 : f32
        %reduce_or3A_831 = vector.broadcast %reduce_or3A_829 : f32 to vector<16xf32>
        %reduce_or3A_832 = vector.broadcast %reduce_or3A_830 : f32 to vector<16xf32>
        %reduce_or3A_833 = arith.select %ne3A_828, %reduce_or3A_831, %reduce_or3A_832 : vector<16xi1>, vector<16xf32>
        %reduce_or3A_834 = arith.constant true
        %reduce_or3A_835 = vector.broadcast %reduce_or3A_834 : i1 to vector<16xi1>
        %reduce_or3A_836 = tpu.scan <max>, %reduce_or3A_833 masked %reduce_or3A_835 : vector<16xf32>, vector<16xi1> -> vector<16xf32>
        %reduce_or3A_837 = vector.extract %reduce_or3A_836[15] : f32 from vector<16xf32>
        %reduce_or3A_838 = arith.constant 0.000000e+00 : f32
        %reduce_or3A_839 = arith.cmpf ogt, %reduce_or3A_837, %reduce_or3A_838 : f32
        %jit3A_840 = arith.constant 1 : i32
        %jit3A_841 = arith.constant 0 : i32
        %select_n3A_842 = arith.select %reduce_or3A_839, %jit3A_840, %jit3A_841 : i32
        %add3A_843 = arith.constant 0 : i32
        %add3A_844 = arith.addi %add3A_843, %select_n3A_842 : i32
        %and3A_845 = arith.constant 2 : i32
        %and3A_846 = vector.broadcast %and3A_845 : i32 to vector<16xi32>
        %and3A_847 = arith.andi %scan3A_821, %and3A_846 : vector<16xi32>
        %ne3A_848 = arith.constant 0 : i32
        %ne3A_849 = vector.broadcast %ne3A_848 : i32 to vector<16xi32>
        %ne3A_850 = arith.cmpi ne, %and3A_847, %ne3A_849 : vector<16xi32>
        %reduce_or3A_851 = arith.constant 1.000000e+00 : f32
        %reduce_or3A_852 = arith.constant 0.000000e+00 : f32
        %reduce_or3A_853 = vector.broadcast %reduce_or3A_851 : f32 to vector<16xf32>
        %reduce_or3A_854 = vector.broadcast %reduce_or3A_852 : f32 to vector<16xf32>
        %reduce_or3A_855 = arith.select %ne3A_850, %reduce_or3A_853, %reduce_or3A_854 : vector<16xi1>, vector<16xf32>
        %reduce_or3A_856 = arith.constant true
        %reduce_or3A_857 = vector.broadcast %reduce_or3A_856 : i1 to vector<16xi1>
        %reduce_or3A_858 = tpu.scan <max>, %reduce_or3A_855 masked %reduce_or3A_857 : vector<16xf32>, vector<16xi1> -> vector<16xf32>
        %reduce_or3A_859 = vector.extract %reduce_or3A_858[15] : f32 from vector<16xf32>
        %reduce_or3A_860 = arith.constant 0.000000e+00 : f32
        %reduce_or3A_861 = arith.cmpf ogt, %reduce_or3A_859, %reduce_or3A_860 : f32
        %jit3A_862 = arith.constant 2 : i32
        %jit3A_863 = arith.constant 0 : i32
        %select_n3A_864 = arith.select %reduce_or3A_861, %jit3A_862, %jit3A_863 : i32
        %add3A_865 = arith.addi %add3A_844, %select_n3A_864 : i32
        %and3A_866 = arith.constant 4 : i32
        %and3A_867 = vector.broadcast %and3A_866 : i32 to vector<16xi32>
        %and3A_868 = arith.andi %scan3A_821, %and3A_867 : vector<16xi32>
        %ne3A_869 = arith.constant 0 : i32
        %ne3A_870 = vector.broadcast %ne3A_869 : i32 to vector<16xi32>
        %ne3A_871 = arith.cmpi ne, %and3A_868, %ne3A_870 : vector<16xi32>
        %reduce_or3A_872 = arith.constant 1.000000e+00 : f32
        %reduce_or3A_873 = arith.constant 0.000000e+00 : f32
        %reduce_or3A_874 = vector.broadcast %reduce_or3A_872 : f32 to vector<16xf32>
        %reduce_or3A_875 = vector.broadcast %reduce_or3A_873 : f32 to vector<16xf32>
        %reduce_or3A_876 = arith.select %ne3A_871, %reduce_or3A_874, %reduce_or3A_875 : vector<16xi1>, vector<16xf32>
        %reduce_or3A_877 = arith.constant true
        %reduce_or3A_878 = vector.broadcast %reduce_or3A_877 : i1 to vector<16xi1>
        %reduce_or3A_879 = tpu.scan <max>, %reduce_or3A_876 masked %reduce_or3A_878 : vector<16xf32>, vector<16xi1> -> vector<16xf32>
        %reduce_or3A_880 = vector.extract %reduce_or3A_879[15] : f32 from vector<16xf32>
        %reduce_or3A_881 = arith.constant 0.000000e+00 : f32
        %reduce_or3A_882 = arith.cmpf ogt, %reduce_or3A_880, %reduce_or3A_881 : f32
        %jit3A_883 = arith.constant 4 : i32
        %jit3A_884 = arith.constant 0 : i32
        %select_n3A_885 = arith.select %reduce_or3A_882, %jit3A_883, %jit3A_884 : i32
        %add3A_886 = arith.addi %add3A_865, %select_n3A_885 : i32
        %and3A_887 = arith.constant 8 : i32
        %and3A_888 = vector.broadcast %and3A_887 : i32 to vector<16xi32>
        %and3A_889 = arith.andi %scan3A_821, %and3A_888 : vector<16xi32>
        %ne3A_890 = arith.constant 0 : i32
        %ne3A_891 = vector.broadcast %ne3A_890 : i32 to vector<16xi32>
        %ne3A_892 = arith.cmpi ne, %and3A_889, %ne3A_891 : vector<16xi32>
        %reduce_or3A_893 = arith.constant 1.000000e+00 : f32
        %reduce_or3A_894 = arith.constant 0.000000e+00 : f32
        %reduce_or3A_895 = vector.broadcast %reduce_or3A_893 : f32 to vector<16xf32>
        %reduce_or3A_896 = vector.broadcast %reduce_or3A_894 : f32 to vector<16xf32>
        %reduce_or3A_897 = arith.select %ne3A_892, %reduce_or3A_895, %reduce_or3A_896 : vector<16xi1>, vector<16xf32>
        %reduce_or3A_898 = arith.constant true
        %reduce_or3A_899 = vector.broadcast %reduce_or3A_898 : i1 to vector<16xi1>
        %reduce_or3A_900 = tpu.scan <max>, %reduce_or3A_897 masked %reduce_or3A_899 : vector<16xf32>, vector<16xi1> -> vector<16xf32>
        %reduce_or3A_901 = vector.extract %reduce_or3A_900[15] : f32 from vector<16xf32>
        %reduce_or3A_902 = arith.constant 0.000000e+00 : f32
        %reduce_or3A_903 = arith.cmpf ogt, %reduce_or3A_901, %reduce_or3A_902 : f32
        %jit3A_904 = arith.constant 8 : i32
        %jit3A_905 = arith.constant 0 : i32
        %select_n3A_906 = arith.select %reduce_or3A_903, %jit3A_904, %jit3A_905 : i32
        %add3A_907 = arith.addi %add3A_886, %select_n3A_906 : i32
        %and3A_908 = arith.constant 16 : i32
        %and3A_909 = vector.broadcast %and3A_908 : i32 to vector<16xi32>
        %and3A_910 = arith.andi %scan3A_821, %and3A_909 : vector<16xi32>
        %ne3A_911 = arith.constant 0 : i32
        %ne3A_912 = vector.broadcast %ne3A_911 : i32 to vector<16xi32>
        %ne3A_913 = arith.cmpi ne, %and3A_910, %ne3A_912 : vector<16xi32>
        %reduce_or3A_914 = arith.constant 1.000000e+00 : f32
        %reduce_or3A_915 = arith.constant 0.000000e+00 : f32
        %reduce_or3A_916 = vector.broadcast %reduce_or3A_914 : f32 to vector<16xf32>
        %reduce_or3A_917 = vector.broadcast %reduce_or3A_915 : f32 to vector<16xf32>
        %reduce_or3A_918 = arith.select %ne3A_913, %reduce_or3A_916, %reduce_or3A_917 : vector<16xi1>, vector<16xf32>
        %reduce_or3A_919 = arith.constant true
        %reduce_or3A_920 = vector.broadcast %reduce_or3A_919 : i1 to vector<16xi1>
        %reduce_or3A_921 = tpu.scan <max>, %reduce_or3A_918 masked %reduce_or3A_920 : vector<16xf32>, vector<16xi1> -> vector<16xf32>
        %reduce_or3A_922 = vector.extract %reduce_or3A_921[15] : f32 from vector<16xf32>
        %reduce_or3A_923 = arith.constant 0.000000e+00 : f32
        %reduce_or3A_924 = arith.cmpf ogt, %reduce_or3A_922, %reduce_or3A_923 : f32
        %jit3A_925 = arith.constant 16 : i32
        %jit3A_926 = arith.constant 0 : i32
        %select_n3A_927 = arith.select %reduce_or3A_924, %jit3A_925, %jit3A_926 : i32
        %add3A_928 = arith.addi %add3A_907, %select_n3A_927 : i32
        %and3A_929 = arith.constant 32 : i32
        %and3A_930 = vector.broadcast %and3A_929 : i32 to vector<16xi32>
        %and3A_931 = arith.andi %scan3A_821, %and3A_930 : vector<16xi32>
        %ne3A_932 = arith.constant 0 : i32
        %ne3A_933 = vector.broadcast %ne3A_932 : i32 to vector<16xi32>
        %ne3A_934 = arith.cmpi ne, %and3A_931, %ne3A_933 : vector<16xi32>
        %reduce_or3A_935 = arith.constant 1.000000e+00 : f32
        %reduce_or3A_936 = arith.constant 0.000000e+00 : f32
        %reduce_or3A_937 = vector.broadcast %reduce_or3A_935 : f32 to vector<16xf32>
        %reduce_or3A_938 = vector.broadcast %reduce_or3A_936 : f32 to vector<16xf32>
        %reduce_or3A_939 = arith.select %ne3A_934, %reduce_or3A_937, %reduce_or3A_938 : vector<16xi1>, vector<16xf32>
        %reduce_or3A_940 = arith.constant true
        %reduce_or3A_941 = vector.broadcast %reduce_or3A_940 : i1 to vector<16xi1>
        %reduce_or3A_942 = tpu.scan <max>, %reduce_or3A_939 masked %reduce_or3A_941 : vector<16xf32>, vector<16xi1> -> vector<16xf32>
        %reduce_or3A_943 = vector.extract %reduce_or3A_942[15] : f32 from vector<16xf32>
        %reduce_or3A_944 = arith.constant 0.000000e+00 : f32
        %reduce_or3A_945 = arith.cmpf ogt, %reduce_or3A_943, %reduce_or3A_944 : f32
        %jit3A_946 = arith.constant 32 : i32
        %jit3A_947 = arith.constant 0 : i32
        %select_n3A_948 = arith.select %reduce_or3A_945, %jit3A_946, %jit3A_947 : i32
        %add3A_949 = arith.addi %add3A_928, %select_n3A_948 : i32
        %and3A_950 = arith.constant 64 : i32
        %and3A_951 = vector.broadcast %and3A_950 : i32 to vector<16xi32>
        %and3A_952 = arith.andi %scan3A_821, %and3A_951 : vector<16xi32>
        %ne3A_953 = arith.constant 0 : i32
        %ne3A_954 = vector.broadcast %ne3A_953 : i32 to vector<16xi32>
        %ne3A_955 = arith.cmpi ne, %and3A_952, %ne3A_954 : vector<16xi32>
        %reduce_or3A_956 = arith.constant 1.000000e+00 : f32
        %reduce_or3A_957 = arith.constant 0.000000e+00 : f32
        %reduce_or3A_958 = vector.broadcast %reduce_or3A_956 : f32 to vector<16xf32>
        %reduce_or3A_959 = vector.broadcast %reduce_or3A_957 : f32 to vector<16xf32>
        %reduce_or3A_960 = arith.select %ne3A_955, %reduce_or3A_958, %reduce_or3A_959 : vector<16xi1>, vector<16xf32>
        %reduce_or3A_961 = arith.constant true
        %reduce_or3A_962 = vector.broadcast %reduce_or3A_961 : i1 to vector<16xi1>
        %reduce_or3A_963 = tpu.scan <max>, %reduce_or3A_960 masked %reduce_or3A_962 : vector<16xf32>, vector<16xi1> -> vector<16xf32>
        %reduce_or3A_964 = vector.extract %reduce_or3A_963[15] : f32 from vector<16xf32>
        %reduce_or3A_965 = arith.constant 0.000000e+00 : f32
        %reduce_or3A_966 = arith.cmpf ogt, %reduce_or3A_964, %reduce_or3A_965 : f32
        %jit3A_967 = arith.constant 64 : i32
        %jit3A_968 = arith.constant 0 : i32
        %select_n3A_969 = arith.select %reduce_or3A_966, %jit3A_967, %jit3A_968 : i32
        %add3A_970 = arith.addi %add3A_949, %select_n3A_969 : i32
        %and3A_971 = arith.constant 128 : i32
        %and3A_972 = vector.broadcast %and3A_971 : i32 to vector<16xi32>
        %and3A_973 = arith.andi %scan3A_821, %and3A_972 : vector<16xi32>
        %ne3A_974 = arith.constant 0 : i32
        %ne3A_975 = vector.broadcast %ne3A_974 : i32 to vector<16xi32>
        %ne3A_976 = arith.cmpi ne, %and3A_973, %ne3A_975 : vector<16xi32>
        %reduce_or3A_977 = arith.constant 1.000000e+00 : f32
        %reduce_or3A_978 = arith.constant 0.000000e+00 : f32
        %reduce_or3A_979 = vector.broadcast %reduce_or3A_977 : f32 to vector<16xf32>
        %reduce_or3A_980 = vector.broadcast %reduce_or3A_978 : f32 to vector<16xf32>
        %reduce_or3A_981 = arith.select %ne3A_976, %reduce_or3A_979, %reduce_or3A_980 : vector<16xi1>, vector<16xf32>
        %reduce_or3A_982 = arith.constant true
        %reduce_or3A_983 = vector.broadcast %reduce_or3A_982 : i1 to vector<16xi1>
        %reduce_or3A_984 = tpu.scan <max>, %reduce_or3A_981 masked %reduce_or3A_983 : vector<16xf32>, vector<16xi1> -> vector<16xf32>
        %reduce_or3A_985 = vector.extract %reduce_or3A_984[15] : f32 from vector<16xf32>
        %reduce_or3A_986 = arith.constant 0.000000e+00 : f32
        %reduce_or3A_987 = arith.cmpf ogt, %reduce_or3A_985, %reduce_or3A_986 : f32
        %jit3A_988 = arith.constant 128 : i32
        %jit3A_989 = arith.constant 0 : i32
        %select_n3A_990 = arith.select %reduce_or3A_987, %jit3A_988, %jit3A_989 : i32
        %add3A_991 = arith.addi %add3A_970, %select_n3A_990 : i32
        %and3A_992 = arith.constant 256 : i32
        %and3A_993 = vector.broadcast %and3A_992 : i32 to vector<16xi32>
        %and3A_994 = arith.andi %scan3A_821, %and3A_993 : vector<16xi32>
        %ne3A_995 = arith.constant 0 : i32
        %ne3A_996 = vector.broadcast %ne3A_995 : i32 to vector<16xi32>
        %ne3A_997 = arith.cmpi ne, %and3A_994, %ne3A_996 : vector<16xi32>
        %reduce_or3A_998 = arith.constant 1.000000e+00 : f32
        %reduce_or3A_999 = arith.constant 0.000000e+00 : f32
        %reduce_or3A_1000 = vector.broadcast %reduce_or3A_998 : f32 to vector<16xf32>
        %reduce_or3A_1001 = vector.broadcast %reduce_or3A_999 : f32 to vector<16xf32>
        %reduce_or3A_1002 = arith.select %ne3A_997, %reduce_or3A_1000, %reduce_or3A_1001 : vector<16xi1>, vector<16xf32>
        %reduce_or3A_1003 = arith.constant true
        %reduce_or3A_1004 = vector.broadcast %reduce_or3A_1003 : i1 to vector<16xi1>
        %reduce_or3A_1005 = tpu.scan <max>, %reduce_or3A_1002 masked %reduce_or3A_1004 : vector<16xf32>, vector<16xi1> -> vector<16xf32>
        %reduce_or3A_1006 = vector.extract %reduce_or3A_1005[15] : f32 from vector<16xf32>
        %reduce_or3A_1007 = arith.constant 0.000000e+00 : f32
        %reduce_or3A_1008 = arith.cmpf ogt, %reduce_or3A_1006, %reduce_or3A_1007 : f32
        %jit3A_1009 = arith.constant 256 : i32
        %jit3A_1010 = arith.constant 0 : i32
        %select_n3A_1011 = arith.select %reduce_or3A_1008, %jit3A_1009, %jit3A_1010 : i32
        %add3A_1012 = arith.addi %add3A_991, %select_n3A_1011 : i32
        %and3A_1013 = arith.constant 512 : i32
        %and3A_1014 = vector.broadcast %and3A_1013 : i32 to vector<16xi32>
        %and3A_1015 = arith.andi %scan3A_821, %and3A_1014 : vector<16xi32>
        %ne3A_1016 = arith.constant 0 : i32
        %ne3A_1017 = vector.broadcast %ne3A_1016 : i32 to vector<16xi32>
        %ne3A_1018 = arith.cmpi ne, %and3A_1015, %ne3A_1017 : vector<16xi32>
        %reduce_or3A_1019 = arith.constant 1.000000e+00 : f32
        %reduce_or3A_1020 = arith.constant 0.000000e+00 : f32
        %reduce_or3A_1021 = vector.broadcast %reduce_or3A_1019 : f32 to vector<16xf32>
        %reduce_or3A_1022 = vector.broadcast %reduce_or3A_1020 : f32 to vector<16xf32>
        %reduce_or3A_1023 = arith.select %ne3A_1018, %reduce_or3A_1021, %reduce_or3A_1022 : vector<16xi1>, vector<16xf32>
        %reduce_or3A_1024 = arith.constant true
        %reduce_or3A_1025 = vector.broadcast %reduce_or3A_1024 : i1 to vector<16xi1>
        %reduce_or3A_1026 = tpu.scan <max>, %reduce_or3A_1023 masked %reduce_or3A_1025 : vector<16xf32>, vector<16xi1> -> vector<16xf32>
        %reduce_or3A_1027 = vector.extract %reduce_or3A_1026[15] : f32 from vector<16xf32>
        %reduce_or3A_1028 = arith.constant 0.000000e+00 : f32
        %reduce_or3A_1029 = arith.cmpf ogt, %reduce_or3A_1027, %reduce_or3A_1028 : f32
        %jit3A_1030 = arith.constant 512 : i32
        %jit3A_1031 = arith.constant 0 : i32
        %select_n3A_1032 = arith.select %reduce_or3A_1029, %jit3A_1030, %jit3A_1031 : i32
        %add3A_1033 = arith.addi %add3A_1012, %select_n3A_1032 : i32
        %and3A_1034 = arith.constant 1024 : i32
        %and3A_1035 = vector.broadcast %and3A_1034 : i32 to vector<16xi32>
        %and3A_1036 = arith.andi %scan3A_821, %and3A_1035 : vector<16xi32>
        %ne3A_1037 = arith.constant 0 : i32
        %ne3A_1038 = vector.broadcast %ne3A_1037 : i32 to vector<16xi32>
        %ne3A_1039 = arith.cmpi ne, %and3A_1036, %ne3A_1038 : vector<16xi32>
        %reduce_or3A_1040 = arith.constant 1.000000e+00 : f32
        %reduce_or3A_1041 = arith.constant 0.000000e+00 : f32
        %reduce_or3A_1042 = vector.broadcast %reduce_or3A_1040 : f32 to vector<16xf32>
        %reduce_or3A_1043 = vector.broadcast %reduce_or3A_1041 : f32 to vector<16xf32>
        %reduce_or3A_1044 = arith.select %ne3A_1039, %reduce_or3A_1042, %reduce_or3A_1043 : vector<16xi1>, vector<16xf32>
        %reduce_or3A_1045 = arith.constant true
        %reduce_or3A_1046 = vector.broadcast %reduce_or3A_1045 : i1 to vector<16xi1>
        %reduce_or3A_1047 = tpu.scan <max>, %reduce_or3A_1044 masked %reduce_or3A_1046 : vector<16xf32>, vector<16xi1> -> vector<16xf32>
        %reduce_or3A_1048 = vector.extract %reduce_or3A_1047[15] : f32 from vector<16xf32>
        %reduce_or3A_1049 = arith.constant 0.000000e+00 : f32
        %reduce_or3A_1050 = arith.cmpf ogt, %reduce_or3A_1048, %reduce_or3A_1049 : f32
        %jit3A_1051 = arith.constant 1024 : i32
        %jit3A_1052 = arith.constant 0 : i32
        %select_n3A_1053 = arith.select %reduce_or3A_1050, %jit3A_1051, %jit3A_1052 : i32
        %add3A_1054 = arith.addi %add3A_1033, %select_n3A_1053 : i32
        %and3A_1055 = arith.constant 2048 : i32
        %and3A_1056 = vector.broadcast %and3A_1055 : i32 to vector<16xi32>
        %and3A_1057 = arith.andi %scan3A_821, %and3A_1056 : vector<16xi32>
        %ne3A_1058 = arith.constant 0 : i32
        %ne3A_1059 = vector.broadcast %ne3A_1058 : i32 to vector<16xi32>
        %ne3A_1060 = arith.cmpi ne, %and3A_1057, %ne3A_1059 : vector<16xi32>
        %reduce_or3A_1061 = arith.constant 1.000000e+00 : f32
        %reduce_or3A_1062 = arith.constant 0.000000e+00 : f32
        %reduce_or3A_1063 = vector.broadcast %reduce_or3A_1061 : f32 to vector<16xf32>
        %reduce_or3A_1064 = vector.broadcast %reduce_or3A_1062 : f32 to vector<16xf32>
        %reduce_or3A_1065 = arith.select %ne3A_1060, %reduce_or3A_1063, %reduce_or3A_1064 : vector<16xi1>, vector<16xf32>
        %reduce_or3A_1066 = arith.constant true
        %reduce_or3A_1067 = vector.broadcast %reduce_or3A_1066 : i1 to vector<16xi1>
        %reduce_or3A_1068 = tpu.scan <max>, %reduce_or3A_1065 masked %reduce_or3A_1067 : vector<16xf32>, vector<16xi1> -> vector<16xf32>
        %reduce_or3A_1069 = vector.extract %reduce_or3A_1068[15] : f32 from vector<16xf32>
        %reduce_or3A_1070 = arith.constant 0.000000e+00 : f32
        %reduce_or3A_1071 = arith.cmpf ogt, %reduce_or3A_1069, %reduce_or3A_1070 : f32
        %jit3A_1072 = arith.constant 2048 : i32
        %jit3A_1073 = arith.constant 0 : i32
        %select_n3A_1074 = arith.select %reduce_or3A_1071, %jit3A_1072, %jit3A_1073 : i32
        %add3A_1075 = arith.addi %add3A_1054, %select_n3A_1074 : i32
        %add3A_1076 = arith.constant 16 : i32
        %add3A_1077 = arith.addi %add3A_1075, %add3A_1076 : i32
        %sub3A_1078 = arith.constant 1 : i32
        %sub3A_1079 = arith.subi %add3A_1077, %sub3A_1078 : i32
        %jit3A_1080 = arith.constant 16 : i32
        %div3A_1081 = arith.divsi %sub3A_1079, %jit3A_1080 : i32
        %sign3A_1082 = arith.constant 0 : i32
        %sign3A_1083 = arith.cmpi sgt, %sub3A_1079, %sign3A_1082 : i32
        %sign3A_1084 = arith.extui %sign3A_1083 : i1 to i32
        %sign3A_1085 = arith.constant 0 : i32
        %sign3A_1086 = arith.cmpi slt, %sub3A_1079, %sign3A_1085 : i32
        %sign3A_1087 = arith.extui %sign3A_1086 : i1 to i32
        %sign3A_1088 = arith.subi %sign3A_1084, %sign3A_1087 : i32
        %sign3A_1089 = arith.constant 0 : i32
        %sign3A_1090 = arith.cmpi sgt, %jit3A_1080, %sign3A_1089 : i32
        %sign3A_1091 = arith.extui %sign3A_1090 : i1 to i32
        %sign3A_1092 = arith.constant 0 : i32
        %sign3A_1093 = arith.cmpi slt, %jit3A_1080, %sign3A_1092 : i32
        %sign3A_1094 = arith.extui %sign3A_1093 : i1 to i32
        %sign3A_1095 = arith.subi %sign3A_1091, %sign3A_1094 : i32
        %ne3A_1096 = arith.cmpi ne, %sign3A_1088, %sign3A_1095 : i32
        %rem3A_1097 = arith.remsi %sub3A_1079, %jit3A_1080 : i32
        %ne3A_1098 = arith.constant 0 : i32
        %ne3A_1099 = arith.cmpi ne, %rem3A_1097, %ne3A_1098 : i32
        %and3A_1100 = arith.andi %ne3A_1096, %ne3A_1099 : i1
        %sub3A_1101 = arith.constant 1 : i32
        %sub3A_1102 = arith.subi %div3A_1081, %sub3A_1101 : i32
        %select_n3A_1103 = arith.select %and3A_1100, %sub3A_1102, %div3A_1081 : i32
        %while3A_1104 = arith.constant 0 : i32
        %while3A_1105 = arith.subi %select_n3A_1103, %while3A_1104 : i32
        %while3A_1106 = arith.addi %while3A_1104, %while3A_1105 : i32
        %while3A_1107 = arith.constant 1 : i32
        %while3A_1108 = arith.divsi %while3A_1105, %while3A_1107 : i32
        %while3A_1109 = arith.muli %while3A_1108, %while3A_1107 : i32
        %while3A_1110 = arith.addi %while3A_1104, %while3A_1109 : i32
        %while3A_1111 = arith.constant 1 : i32
        %while3A_1112 = scf.for %while3A_1132 = %while3A_1104 to %while3A_1110 step %while3A_1111 iter_args(%while3A_1133 = %broadcast_in_dim3A_3) -> (vector<16xi32>)  : i32 {
          %mul3A_1134 = arith.constant 16 : i32
          %mul3A_1135 = arith.muli %while3A_1132, %mul3A_1134 : i32
          %add3A_1136 = arith.constant 0 : i32
          %add3A_1137 = arith.addi %mul3A_1135, %add3A_1136 : i32
          %add3A_1138 = vector.broadcast %add3A_1137 : i32 to vector<16xi32>
          %add3A_1139 = arith.addi %broadcast_in_dim3A_3, %add3A_1138 : vector<16xi32>
          %gather3A = tpu.vector_load_idx %arg7[%add3A_1139] : memref<2048xi32, #tpu.memory_space<vmem>>[vector<16xi32>], vector<16xi32>,
          %add3A_1140 = vector.broadcast %add3A_1137 : i32 to vector<16xi32>
          %add3A_1141 = arith.addi %broadcast_in_dim3A_3, %add3A_1140 : vector<16xi32>
          %lt3A_1142 = arith.cmpi slt, %add3A_1141, %scan3A_821 : vector<16xi32>
          %mul3A_1143 = arith.constant 16 : i32
          %mul3A_1144 = vector.broadcast %mul3A_1143 : i32 to vector<16xi32>
          %mul3A_1145 = arith.muli %gather3A, %mul3A_1144 : vector<16xi32>
          %add3A_1146 = arith.addi %mul3A_1145, %iota3A : vector<16xi32>
          %gather3A_1147 = tpu.vector_load_idx %arg4[%add3A_1146] : memref<32784xf32, #tpu.memory_space<vmem>>[vector<16xi32>], vector<16xf32>,
          %ge3A_1148 = arith.cmpf oge, %gather3A_1147, %broadcast_in_dim3A_70 : vector<16xf32>
          %and3A_1149 = arith.andi %ge3A_1148, %lt3A_1142 : vector<16xi1>
          %select_n3A_1150 = arith.select %and3A_1149, %broadcast_in_dim3A_1, %broadcast_in_dim3A_3 : vector<16xi1>, vector<16xi32>
          %broadcast_in_dim3A_1151 = arith.constant true
          %broadcast_in_dim3A_1152 = vector.broadcast %broadcast_in_dim3A_1151 : i1 to vector<16xi1>
          %masked_cumsum3A_1153 = tpu.scan <sum>, %select_n3A_1150 masked %broadcast_in_dim3A_1152 : vector<16xi32>, vector<16xi1> -> vector<16xi32>
          %add3A_1154 = arith.addi %while3A_1133, %masked_cumsum3A_1153 : vector<16xi32>
          %sub3A_1155 = arith.subi %add3A_1154, %select_n3A_1150 : vector<16xi32>
          tpu.vector_store_idx %arg5[%sub3A_1155], %add3A_1146 masked %and3A_1149 : memref<32768xi32, #tpu.memory_space<vmem>>[vector<16xi32>], vector<16xi32>, vector<16xi1>
          %all_reduce_population_count3A = tpu.all_reduce %and3A_1149 {dim = 0 : i64, kind = #tpu.reduction_kind<sum>} : vector<16xi1> -> vector<16xi32>
          %add3A_1156 = arith.addi %while3A_1133, %all_reduce_population_count3A : vector<16xi32>
          %mul3A_1157 = arith.constant 16 : i32
          %mul3A_1158 = arith.muli %while3A_1132, %mul3A_1157 : i32
          %add3A_1159 = arith.constant 1 : i32
          %add3A_1160 = arith.addi %mul3A_1158, %add3A_1159 : i32
          %add3A_1161 = vector.broadcast %add3A_1160 : i32 to vector<16xi32>
          %add3A_1162 = arith.addi %broadcast_in_dim3A_3, %add3A_1161 : vector<16xi32>
          %gather3A_1163 = tpu.vector_load_idx %arg7[%add3A_1162] : memref<2048xi32, #tpu.memory_space<vmem>>[vector<16xi32>], vector<16xi32>,
          %add3A_1164 = vector.broadcast %add3A_1160 : i32 to vector<16xi32>
          %add3A_1165 = arith.addi %broadcast_in_dim3A_3, %add3A_1164 : vector<16xi32>
          %lt3A_1166 = arith.cmpi slt, %add3A_1165, %scan3A_821 : vector<16xi32>
          %mul3A_1167 = arith.constant 16 : i32
          %mul3A_1168 = vector.broadcast %mul3A_1167 : i32 to vector<16xi32>
          %mul3A_1169 = arith.muli %gather3A_1163, %mul3A_1168 : vector<16xi32>
          %add3A_1170 = arith.addi %mul3A_1169, %iota3A : vector<16xi32>
          %gather3A_1171 = tpu.vector_load_idx %arg4[%add3A_1170] : memref<32784xf32, #tpu.memory_space<vmem>>[vector<16xi32>], vector<16xf32>,
          %ge3A_1172 = arith.cmpf oge, %gather3A_1171, %broadcast_in_dim3A_70 : vector<16xf32>
          %and3A_1173 = arith.andi %ge3A_1172, %lt3A_1166 : vector<16xi1>
          %select_n3A_1174 = arith.select %and3A_1173, %broadcast_in_dim3A_1, %broadcast_in_dim3A_3 : vector<16xi1>, vector<16xi32>
          %broadcast_in_dim3A_1175 = arith.constant true
          %broadcast_in_dim3A_1176 = vector.broadcast %broadcast_in_dim3A_1175 : i1 to vector<16xi1>
          %masked_cumsum3A_1177 = tpu.scan <sum>, %select_n3A_1174 masked %broadcast_in_dim3A_1176 : vector<16xi32>, vector<16xi1> -> vector<16xi32>
          %add3A_1178 = arith.addi %add3A_1156, %masked_cumsum3A_1177 : vector<16xi32>
          %sub3A_1179 = arith.subi %add3A_1178, %select_n3A_1174 : vector<16xi32>
          tpu.vector_store_idx %arg5[%sub3A_1179], %add3A_1170 masked %and3A_1173 : memref<32768xi32, #tpu.memory_space<vmem>>[vector<16xi32>], vector<16xi32>, vector<16xi1>
          %all_reduce_population_count3A_1180 = tpu.all_reduce %and3A_1173 {dim = 0 : i64, kind = #tpu.reduction_kind<sum>} : vector<16xi1> -> vector<16xi32>
          %add3A_1181 = arith.addi %add3A_1156, %all_reduce_population_count3A_1180 : vector<16xi32>
          %mul3A_1182 = arith.constant 16 : i32
          %mul3A_1183 = arith.muli %while3A_1132, %mul3A_1182 : i32
          %add3A_1184 = arith.constant 2 : i32
          %add3A_1185 = arith.addi %mul3A_1183, %add3A_1184 : i32
          %add3A_1186 = vector.broadcast %add3A_1185 : i32 to vector<16xi32>
          %add3A_1187 = arith.addi %broadcast_in_dim3A_3, %add3A_1186 : vector<16xi32>
          %gather3A_1188 = tpu.vector_load_idx %arg7[%add3A_1187] : memref<2048xi32, #tpu.memory_space<vmem>>[vector<16xi32>], vector<16xi32>,
          %add3A_1189 = vector.broadcast %add3A_1185 : i32 to vector<16xi32>
          %add3A_1190 = arith.addi %broadcast_in_dim3A_3, %add3A_1189 : vector<16xi32>
          %lt3A_1191 = arith.cmpi slt, %add3A_1190, %scan3A_821 : vector<16xi32>
          %mul3A_1192 = arith.constant 16 : i32
          %mul3A_1193 = vector.broadcast %mul3A_1192 : i32 to vector<16xi32>
          %mul3A_1194 = arith.muli %gather3A_1188, %mul3A_1193 : vector<16xi32>
          %add3A_1195 = arith.addi %mul3A_1194, %iota3A : vector<16xi32>
          %gather3A_1196 = tpu.vector_load_idx %arg4[%add3A_1195] : memref<32784xf32, #tpu.memory_space<vmem>>[vector<16xi32>], vector<16xf32>,
          %ge3A_1197 = arith.cmpf oge, %gather3A_1196, %broadcast_in_dim3A_70 : vector<16xf32>
          %and3A_1198 = arith.andi %ge3A_1197, %lt3A_1191 : vector<16xi1>
          %select_n3A_1199 = arith.select %and3A_1198, %broadcast_in_dim3A_1, %broadcast_in_dim3A_3 : vector<16xi1>, vector<16xi32>
          %broadcast_in_dim3A_1200 = arith.constant true
          %broadcast_in_dim3A_1201 = vector.broadcast %broadcast_in_dim3A_1200 : i1 to vector<16xi1>
          %masked_cumsum3A_1202 = tpu.scan <sum>, %select_n3A_1199 masked %broadcast_in_dim3A_1201 : vector<16xi32>, vector<16xi1> -> vector<16xi32>
          %add3A_1203 = arith.addi %add3A_1181, %masked_cumsum3A_1202 : vector<16xi32>
          %sub3A_1204 = arith.subi %add3A_1203, %select_n3A_1199 : vector<16xi32>
          tpu.vector_store_idx %arg5[%sub3A_1204], %add3A_1195 masked %and3A_1198 : memref<32768xi32, #tpu.memory_space<vmem>>[vector<16xi32>], vector<16xi32>, vector<16xi1>
          %all_reduce_population_count3A_1205 = tpu.all_reduce %and3A_1198 {dim = 0 : i64, kind = #tpu.reduction_kind<sum>} : vector<16xi1> -> vector<16xi32>
          %add3A_1206 = arith.addi %add3A_1181, %all_reduce_population_count3A_1205 : vector<16xi32>
          %mul3A_1207 = arith.constant 16 : i32
          %mul3A_1208 = arith.muli %while3A_1132, %mul3A_1207 : i32
          %add3A_1209 = arith.constant 3 : i32
          %add3A_1210 = arith.addi %mul3A_1208, %add3A_1209 : i32
          %add3A_1211 = vector.broadcast %add3A_1210 : i32 to vector<16xi32>
          %add3A_1212 = arith.addi %broadcast_in_dim3A_3, %add3A_1211 : vector<16xi32>
          %gather3A_1213 = tpu.vector_load_idx %arg7[%add3A_1212] : memref<2048xi32, #tpu.memory_space<vmem>>[vector<16xi32>], vector<16xi32>,
          %add3A_1214 = vector.broadcast %add3A_1210 : i32 to vector<16xi32>
          %add3A_1215 = arith.addi %broadcast_in_dim3A_3, %add3A_1214 : vector<16xi32>
          %lt3A_1216 = arith.cmpi slt, %add3A_1215, %scan3A_821 : vector<16xi32>
          %mul3A_1217 = arith.constant 16 : i32
          %mul3A_1218 = vector.broadcast %mul3A_1217 : i32 to vector<16xi32>
          %mul3A_1219 = arith.muli %gather3A_1213, %mul3A_1218 : vector<16xi32>
          %add3A_1220 = arith.addi %mul3A_1219, %iota3A : vector<16xi32>
          %gather3A_1221 = tpu.vector_load_idx %arg4[%add3A_1220] : memref<32784xf32, #tpu.memory_space<vmem>>[vector<16xi32>], vector<16xf32>,
          %ge3A_1222 = arith.cmpf oge, %gather3A_1221, %broadcast_in_dim3A_70 : vector<16xf32>
          %and3A_1223 = arith.andi %ge3A_1222, %lt3A_1216 : vector<16xi1>
          %select_n3A_1224 = arith.select %and3A_1223, %broadcast_in_dim3A_1, %broadcast_in_dim3A_3 : vector<16xi1>, vector<16xi32>
          %broadcast_in_dim3A_1225 = arith.constant true
          %broadcast_in_dim3A_1226 = vector.broadcast %broadcast_in_dim3A_1225 : i1 to vector<16xi1>
          %masked_cumsum3A_1227 = tpu.scan <sum>, %select_n3A_1224 masked %broadcast_in_dim3A_1226 : vector<16xi32>, vector<16xi1> -> vector<16xi32>
          %add3A_1228 = arith.addi %add3A_1206, %masked_cumsum3A_1227 : vector<16xi32>
          %sub3A_1229 = arith.subi %add3A_1228, %select_n3A_1224 : vector<16xi32>
          tpu.vector_store_idx %arg5[%sub3A_1229], %add3A_1220 masked %and3A_1223 : memref<32768xi32, #tpu.memory_space<vmem>>[vector<16xi32>], vector<16xi32>, vector<16xi1>
          %all_reduce_population_count3A_1230 = tpu.all_reduce %and3A_1223 {dim = 0 : i64, kind = #tpu.reduction_kind<sum>} : vector<16xi1> -> vector<16xi32>
          %add3A_1231 = arith.addi %add3A_1206, %all_reduce_population_count3A_1230 : vector<16xi32>
          %mul3A_1232 = arith.constant 16 : i32
          %mul3A_1233 = arith.muli %while3A_1132, %mul3A_1232 : i32
          %add3A_1234 = arith.constant 4 : i32
          %add3A_1235 = arith.addi %mul3A_1233, %add3A_1234 : i32
          %add3A_1236 = vector.broadcast %add3A_1235 : i32 to vector<16xi32>
          %add3A_1237 = arith.addi %broadcast_in_dim3A_3, %add3A_1236 : vector<16xi32>
          %gather3A_1238 = tpu.vector_load_idx %arg7[%add3A_1237] : memref<2048xi32, #tpu.memory_space<vmem>>[vector<16xi32>], vector<16xi32>,
          %add3A_1239 = vector.broadcast %add3A_1235 : i32 to vector<16xi32>
          %add3A_1240 = arith.addi %broadcast_in_dim3A_3, %add3A_1239 : vector<16xi32>
          %lt3A_1241 = arith.cmpi slt, %add3A_1240, %scan3A_821 : vector<16xi32>
          %mul3A_1242 = arith.constant 16 : i32
          %mul3A_1243 = vector.broadcast %mul3A_1242 : i32 to vector<16xi32>
          %mul3A_1244 = arith.muli %gather3A_1238, %mul3A_1243 : vector<16xi32>
          %add3A_1245 = arith.addi %mul3A_1244, %iota3A : vector<16xi32>
          %gather3A_1246 = tpu.vector_load_idx %arg4[%add3A_1245] : memref<32784xf32, #tpu.memory_space<vmem>>[vector<16xi32>], vector<16xf32>,
          %ge3A_1247 = arith.cmpf oge, %gather3A_1246, %broadcast_in_dim3A_70 : vector<16xf32>
          %and3A_1248 = arith.andi %ge3A_1247, %lt3A_1241 : vector<16xi1>
          %select_n3A_1249 = arith.select %and3A_1248, %broadcast_in_dim3A_1, %broadcast_in_dim3A_3 : vector<16xi1>, vector<16xi32>
          %broadcast_in_dim3A_1250 = arith.constant true
          %broadcast_in_dim3A_1251 = vector.broadcast %broadcast_in_dim3A_1250 : i1 to vector<16xi1>
          %masked_cumsum3A_1252 = tpu.scan <sum>, %select_n3A_1249 masked %broadcast_in_dim3A_1251 : vector<16xi32>, vector<16xi1> -> vector<16xi32>
          %add3A_1253 = arith.addi %add3A_1231, %masked_cumsum3A_1252 : vector<16xi32>
          %sub3A_1254 = arith.subi %add3A_1253, %select_n3A_1249 : vector<16xi32>
          tpu.vector_store_idx %arg5[%sub3A_1254], %add3A_1245 masked %and3A_1248 : memref<32768xi32, #tpu.memory_space<vmem>>[vector<16xi32>], vector<16xi32>, vector<16xi1>
          %all_reduce_population_count3A_1255 = tpu.all_reduce %and3A_1248 {dim = 0 : i64, kind = #tpu.reduction_kind<sum>} : vector<16xi1> -> vector<16xi32>
          %add3A_1256 = arith.addi %add3A_1231, %all_reduce_population_count3A_1255 : vector<16xi32>
          %mul3A_1257 = arith.constant 16 : i32
          %mul3A_1258 = arith.muli %while3A_1132, %mul3A_1257 : i32
          %add3A_1259 = arith.constant 5 : i32
          %add3A_1260 = arith.addi %mul3A_1258, %add3A_1259 : i32
          %add3A_1261 = vector.broadcast %add3A_1260 : i32 to vector<16xi32>
          %add3A_1262 = arith.addi %broadcast_in_dim3A_3, %add3A_1261 : vector<16xi32>
          %gather3A_1263 = tpu.vector_load_idx %arg7[%add3A_1262] : memref<2048xi32, #tpu.memory_space<vmem>>[vector<16xi32>], vector<16xi32>,
          %add3A_1264 = vector.broadcast %add3A_1260 : i32 to vector<16xi32>
          %add3A_1265 = arith.addi %broadcast_in_dim3A_3, %add3A_1264 : vector<16xi32>
          %lt3A_1266 = arith.cmpi slt, %add3A_1265, %scan3A_821 : vector<16xi32>
          %mul3A_1267 = arith.constant 16 : i32
          %mul3A_1268 = vector.broadcast %mul3A_1267 : i32 to vector<16xi32>
          %mul3A_1269 = arith.muli %gather3A_1263, %mul3A_1268 : vector<16xi32>
          %add3A_1270 = arith.addi %mul3A_1269, %iota3A : vector<16xi32>
          %gather3A_1271 = tpu.vector_load_idx %arg4[%add3A_1270] : memref<32784xf32, #tpu.memory_space<vmem>>[vector<16xi32>], vector<16xf32>,
          %ge3A_1272 = arith.cmpf oge, %gather3A_1271, %broadcast_in_dim3A_70 : vector<16xf32>
          %and3A_1273 = arith.andi %ge3A_1272, %lt3A_1266 : vector<16xi1>
          %select_n3A_1274 = arith.select %and3A_1273, %broadcast_in_dim3A_1, %broadcast_in_dim3A_3 : vector<16xi1>, vector<16xi32>
          %broadcast_in_dim3A_1275 = arith.constant true
          %broadcast_in_dim3A_1276 = vector.broadcast %broadcast_in_dim3A_1275 : i1 to vector<16xi1>
          %masked_cumsum3A_1277 = tpu.scan <sum>, %select_n3A_1274 masked %broadcast_in_dim3A_1276 : vector<16xi32>, vector<16xi1> -> vector<16xi32>
          %add3A_1278 = arith.addi %add3A_1256, %masked_cumsum3A_1277 : vector<16xi32>
          %sub3A_1279 = arith.subi %add3A_1278, %select_n3A_1274 : vector<16xi32>
          tpu.vector_store_idx %arg5[%sub3A_1279], %add3A_1270 masked %and3A_1273 : memref<32768xi32, #tpu.memory_space<vmem>>[vector<16xi32>], vector<16xi32>, vector<16xi1>
          %all_reduce_population_count3A_1280 = tpu.all_reduce %and3A_1273 {dim = 0 : i64, kind = #tpu.reduction_kind<sum>} : vector<16xi1> -> vector<16xi32>
          %add3A_1281 = arith.addi %add3A_1256, %all_reduce_population_count3A_1280 : vector<16xi32>
          %mul3A_1282 = arith.constant 16 : i32
          %mul3A_1283 = arith.muli %while3A_1132, %mul3A_1282 : i32
          %add3A_1284 = arith.constant 6 : i32
          %add3A_1285 = arith.addi %mul3A_1283, %add3A_1284 : i32
          %add3A_1286 = vector.broadcast %add3A_1285 : i32 to vector<16xi32>
          %add3A_1287 = arith.addi %broadcast_in_dim3A_3, %add3A_1286 : vector<16xi32>
          %gather3A_1288 = tpu.vector_load_idx %arg7[%add3A_1287] : memref<2048xi32, #tpu.memory_space<vmem>>[vector<16xi32>], vector<16xi32>,
          %add3A_1289 = vector.broadcast %add3A_1285 : i32 to vector<16xi32>
          %add3A_1290 = arith.addi %broadcast_in_dim3A_3, %add3A_1289 : vector<16xi32>
          %lt3A_1291 = arith.cmpi slt, %add3A_1290, %scan3A_821 : vector<16xi32>
          %mul3A_1292 = arith.constant 16 : i32
          %mul3A_1293 = vector.broadcast %mul3A_1292 : i32 to vector<16xi32>
          %mul3A_1294 = arith.muli %gather3A_1288, %mul3A_1293 : vector<16xi32>
          %add3A_1295 = arith.addi %mul3A_1294, %iota3A : vector<16xi32>
          %gather3A_1296 = tpu.vector_load_idx %arg4[%add3A_1295] : memref<32784xf32, #tpu.memory_space<vmem>>[vector<16xi32>], vector<16xf32>,
          %ge3A_1297 = arith.cmpf oge, %gather3A_1296, %broadcast_in_dim3A_70 : vector<16xf32>
          %and3A_1298 = arith.andi %ge3A_1297, %lt3A_1291 : vector<16xi1>
          %select_n3A_1299 = arith.select %and3A_1298, %broadcast_in_dim3A_1, %broadcast_in_dim3A_3 : vector<16xi1>, vector<16xi32>
          %broadcast_in_dim3A_1300 = arith.constant true
          %broadcast_in_dim3A_1301 = vector.broadcast %broadcast_in_dim3A_1300 : i1 to vector<16xi1>
          %masked_cumsum3A_1302 = tpu.scan <sum>, %select_n3A_1299 masked %broadcast_in_dim3A_1301 : vector<16xi32>, vector<16xi1> -> vector<16xi32>
          %add3A_1303 = arith.addi %add3A_1281, %masked_cumsum3A_1302 : vector<16xi32>
          %sub3A_1304 = arith.subi %add3A_1303, %select_n3A_1299 : vector<16xi32>
          tpu.vector_store_idx %arg5[%sub3A_1304], %add3A_1295 masked %and3A_1298 : memref<32768xi32, #tpu.memory_space<vmem>>[vector<16xi32>], vector<16xi32>, vector<16xi1>
          %all_reduce_population_count3A_1305 = tpu.all_reduce %and3A_1298 {dim = 0 : i64, kind = #tpu.reduction_kind<sum>} : vector<16xi1> -> vector<16xi32>
          %add3A_1306 = arith.addi %add3A_1281, %all_reduce_population_count3A_1305 : vector<16xi32>
          %mul3A_1307 = arith.constant 16 : i32
          %mul3A_1308 = arith.muli %while3A_1132, %mul3A_1307 : i32
          %add3A_1309 = arith.constant 7 : i32
          %add3A_1310 = arith.addi %mul3A_1308, %add3A_1309 : i32
          %add3A_1311 = vector.broadcast %add3A_1310 : i32 to vector<16xi32>
          %add3A_1312 = arith.addi %broadcast_in_dim3A_3, %add3A_1311 : vector<16xi32>
          %gather3A_1313 = tpu.vector_load_idx %arg7[%add3A_1312] : memref<2048xi32, #tpu.memory_space<vmem>>[vector<16xi32>], vector<16xi32>,
          %add3A_1314 = vector.broadcast %add3A_1310 : i32 to vector<16xi32>
          %add3A_1315 = arith.addi %broadcast_in_dim3A_3, %add3A_1314 : vector<16xi32>
          %lt3A_1316 = arith.cmpi slt, %add3A_1315, %scan3A_821 : vector<16xi32>
          %mul3A_1317 = arith.constant 16 : i32
          %mul3A_1318 = vector.broadcast %mul3A_1317 : i32 to vector<16xi32>
          %mul3A_1319 = arith.muli %gather3A_1313, %mul3A_1318 : vector<16xi32>
          %add3A_1320 = arith.addi %mul3A_1319, %iota3A : vector<16xi32>
          %gather3A_1321 = tpu.vector_load_idx %arg4[%add3A_1320] : memref<32784xf32, #tpu.memory_space<vmem>>[vector<16xi32>], vector<16xf32>,
          %ge3A_1322 = arith.cmpf oge, %gather3A_1321, %broadcast_in_dim3A_70 : vector<16xf32>
          %and3A_1323 = arith.andi %ge3A_1322, %lt3A_1316 : vector<16xi1>
          %select_n3A_1324 = arith.select %and3A_1323, %broadcast_in_dim3A_1, %broadcast_in_dim3A_3 : vector<16xi1>, vector<16xi32>
          %broadcast_in_dim3A_1325 = arith.constant true
          %broadcast_in_dim3A_1326 = vector.broadcast %broadcast_in_dim3A_1325 : i1 to vector<16xi1>
          %masked_cumsum3A_1327 = tpu.scan <sum>, %select_n3A_1324 masked %broadcast_in_dim3A_1326 : vector<16xi32>, vector<16xi1> -> vector<16xi32>
          %add3A_1328 = arith.addi %add3A_1306, %masked_cumsum3A_1327 : vector<16xi32>
          %sub3A_1329 = arith.subi %add3A_1328, %select_n3A_1324 : vector<16xi32>
          tpu.vector_store_idx %arg5[%sub3A_1329], %add3A_1320 masked %and3A_1323 : memref<32768xi32, #tpu.memory_space<vmem>>[vector<16xi32>], vector<16xi32>, vector<16xi1>
          %all_reduce_population_count3A_1330 = tpu.all_reduce %and3A_1323 {dim = 0 : i64, kind = #tpu.reduction_kind<sum>} : vector<16xi1> -> vector<16xi32>
          %add3A_1331 = arith.addi %add3A_1306, %all_reduce_population_count3A_1330 : vector<16xi32>
          %mul3A_1332 = arith.constant 16 : i32
          %mul3A_1333 = arith.muli %while3A_1132, %mul3A_1332 : i32
          %add3A_1334 = arith.constant 8 : i32
          %add3A_1335 = arith.addi %mul3A_1333, %add3A_1334 : i32
          %add3A_1336 = vector.broadcast %add3A_1335 : i32 to vector<16xi32>
          %add3A_1337 = arith.addi %broadcast_in_dim3A_3, %add3A_1336 : vector<16xi32>
          %gather3A_1338 = tpu.vector_load_idx %arg7[%add3A_1337] : memref<2048xi32, #tpu.memory_space<vmem>>[vector<16xi32>], vector<16xi32>,
          %add3A_1339 = vector.broadcast %add3A_1335 : i32 to vector<16xi32>
          %add3A_1340 = arith.addi %broadcast_in_dim3A_3, %add3A_1339 : vector<16xi32>
          %lt3A_1341 = arith.cmpi slt, %add3A_1340, %scan3A_821 : vector<16xi32>
          %mul3A_1342 = arith.constant 16 : i32
          %mul3A_1343 = vector.broadcast %mul3A_1342 : i32 to vector<16xi32>
          %mul3A_1344 = arith.muli %gather3A_1338, %mul3A_1343 : vector<16xi32>
          %add3A_1345 = arith.addi %mul3A_1344, %iota3A : vector<16xi32>
          %gather3A_1346 = tpu.vector_load_idx %arg4[%add3A_1345] : memref<32784xf32, #tpu.memory_space<vmem>>[vector<16xi32>], vector<16xf32>,
          %ge3A_1347 = arith.cmpf oge, %gather3A_1346, %broadcast_in_dim3A_70 : vector<16xf32>
          %and3A_1348 = arith.andi %ge3A_1347, %lt3A_1341 : vector<16xi1>
          %select_n3A_1349 = arith.select %and3A_1348, %broadcast_in_dim3A_1, %broadcast_in_dim3A_3 : vector<16xi1>, vector<16xi32>
          %broadcast_in_dim3A_1350 = arith.constant true
          %broadcast_in_dim3A_1351 = vector.broadcast %broadcast_in_dim3A_1350 : i1 to vector<16xi1>
          %masked_cumsum3A_1352 = tpu.scan <sum>, %select_n3A_1349 masked %broadcast_in_dim3A_1351 : vector<16xi32>, vector<16xi1> -> vector<16xi32>
          %add3A_1353 = arith.addi %add3A_1331, %masked_cumsum3A_1352 : vector<16xi32>
          %sub3A_1354 = arith.subi %add3A_1353, %select_n3A_1349 : vector<16xi32>
          tpu.vector_store_idx %arg5[%sub3A_1354], %add3A_1345 masked %and3A_1348 : memref<32768xi32, #tpu.memory_space<vmem>>[vector<16xi32>], vector<16xi32>, vector<16xi1>
          %all_reduce_population_count3A_1355 = tpu.all_reduce %and3A_1348 {dim = 0 : i64, kind = #tpu.reduction_kind<sum>} : vector<16xi1> -> vector<16xi32>
          %add3A_1356 = arith.addi %add3A_1331, %all_reduce_population_count3A_1355 : vector<16xi32>
          %mul3A_1357 = arith.constant 16 : i32
          %mul3A_1358 = arith.muli %while3A_1132, %mul3A_1357 : i32
          %add3A_1359 = arith.constant 9 : i32
          %add3A_1360 = arith.addi %mul3A_1358, %add3A_1359 : i32
          %add3A_1361 = vector.broadcast %add3A_1360 : i32 to vector<16xi32>
          %add3A_1362 = arith.addi %broadcast_in_dim3A_3, %add3A_1361 : vector<16xi32>
          %gather3A_1363 = tpu.vector_load_idx %arg7[%add3A_1362] : memref<2048xi32, #tpu.memory_space<vmem>>[vector<16xi32>], vector<16xi32>,
          %add3A_1364 = vector.broadcast %add3A_1360 : i32 to vector<16xi32>
          %add3A_1365 = arith.addi %broadcast_in_dim3A_3, %add3A_1364 : vector<16xi32>
          %lt3A_1366 = arith.cmpi slt, %add3A_1365, %scan3A_821 : vector<16xi32>
          %mul3A_1367 = arith.constant 16 : i32
          %mul3A_1368 = vector.broadcast %mul3A_1367 : i32 to vector<16xi32>
          %mul3A_1369 = arith.muli %gather3A_1363, %mul3A_1368 : vector<16xi32>
          %add3A_1370 = arith.addi %mul3A_1369, %iota3A : vector<16xi32>
          %gather3A_1371 = tpu.vector_load_idx %arg4[%add3A_1370] : memref<32784xf32, #tpu.memory_space<vmem>>[vector<16xi32>], vector<16xf32>,
          %ge3A_1372 = arith.cmpf oge, %gather3A_1371, %broadcast_in_dim3A_70 : vector<16xf32>
          %and3A_1373 = arith.andi %ge3A_1372, %lt3A_1366 : vector<16xi1>
          %select_n3A_1374 = arith.select %and3A_1373, %broadcast_in_dim3A_1, %broadcast_in_dim3A_3 : vector<16xi1>, vector<16xi32>
          %broadcast_in_dim3A_1375 = arith.constant true
          %broadcast_in_dim3A_1376 = vector.broadcast %broadcast_in_dim3A_1375 : i1 to vector<16xi1>
          %masked_cumsum3A_1377 = tpu.scan <sum>, %select_n3A_1374 masked %broadcast_in_dim3A_1376 : vector<16xi32>, vector<16xi1> -> vector<16xi32>
          %add3A_1378 = arith.addi %add3A_1356, %masked_cumsum3A_1377 : vector<16xi32>
          %sub3A_1379 = arith.subi %add3A_1378, %select_n3A_1374 : vector<16xi32>
          tpu.vector_store_idx %arg5[%sub3A_1379], %add3A_1370 masked %and3A_1373 : memref<32768xi32, #tpu.memory_space<vmem>>[vector<16xi32>], vector<16xi32>, vector<16xi1>
          %all_reduce_population_count3A_1380 = tpu.all_reduce %and3A_1373 {dim = 0 : i64, kind = #tpu.reduction_kind<sum>} : vector<16xi1> -> vector<16xi32>
          %add3A_1381 = arith.addi %add3A_1356, %all_reduce_population_count3A_1380 : vector<16xi32>
          %mul3A_1382 = arith.constant 16 : i32
          %mul3A_1383 = arith.muli %while3A_1132, %mul3A_1382 : i32
          %add3A_1384 = arith.constant 10 : i32
          %add3A_1385 = arith.addi %mul3A_1383, %add3A_1384 : i32
          %add3A_1386 = vector.broadcast %add3A_1385 : i32 to vector<16xi32>
          %add3A_1387 = arith.addi %broadcast_in_dim3A_3, %add3A_1386 : vector<16xi32>
          %gather3A_1388 = tpu.vector_load_idx %arg7[%add3A_1387] : memref<2048xi32, #tpu.memory_space<vmem>>[vector<16xi32>], vector<16xi32>,
          %add3A_1389 = vector.broadcast %add3A_1385 : i32 to vector<16xi32>
          %add3A_1390 = arith.addi %broadcast_in_dim3A_3, %add3A_1389 : vector<16xi32>
          %lt3A_1391 = arith.cmpi slt, %add3A_1390, %scan3A_821 : vector<16xi32>
          %mul3A_1392 = arith.constant 16 : i32
          %mul3A_1393 = vector.broadcast %mul3A_1392 : i32 to vector<16xi32>
          %mul3A_1394 = arith.muli %gather3A_1388, %mul3A_1393 : vector<16xi32>
          %add3A_1395 = arith.addi %mul3A_1394, %iota3A : vector<16xi32>
          %gather3A_1396 = tpu.vector_load_idx %arg4[%add3A_1395] : memref<32784xf32, #tpu.memory_space<vmem>>[vector<16xi32>], vector<16xf32>,
          %ge3A_1397 = arith.cmpf oge, %gather3A_1396, %broadcast_in_dim3A_70 : vector<16xf32>
          %and3A_1398 = arith.andi %ge3A_1397, %lt3A_1391 : vector<16xi1>
          %select_n3A_1399 = arith.select %and3A_1398, %broadcast_in_dim3A_1, %broadcast_in_dim3A_3 : vector<16xi1>, vector<16xi32>
          %broadcast_in_dim3A_1400 = arith.constant true
          %broadcast_in_dim3A_1401 = vector.broadcast %broadcast_in_dim3A_1400 : i1 to vector<16xi1>
          %masked_cumsum3A_1402 = tpu.scan <sum>, %select_n3A_1399 masked %broadcast_in_dim3A_1401 : vector<16xi32>, vector<16xi1> -> vector<16xi32>
          %add3A_1403 = arith.addi %add3A_1381, %masked_cumsum3A_1402 : vector<16xi32>
          %sub3A_1404 = arith.subi %add3A_1403, %select_n3A_1399 : vector<16xi32>
          tpu.vector_store_idx %arg5[%sub3A_1404], %add3A_1395 masked %and3A_1398 : memref<32768xi32, #tpu.memory_space<vmem>>[vector<16xi32>], vector<16xi32>, vector<16xi1>
          %all_reduce_population_count3A_1405 = tpu.all_reduce %and3A_1398 {dim = 0 : i64, kind = #tpu.reduction_kind<sum>} : vector<16xi1> -> vector<16xi32>
          %add3A_1406 = arith.addi %add3A_1381, %all_reduce_population_count3A_1405 : vector<16xi32>
          %mul3A_1407 = arith.constant 16 : i32
          %mul3A_1408 = arith.muli %while3A_1132, %mul3A_1407 : i32
          %add3A_1409 = arith.constant 11 : i32
          %add3A_1410 = arith.addi %mul3A_1408, %add3A_1409 : i32
          %add3A_1411 = vector.broadcast %add3A_1410 : i32 to vector<16xi32>
          %add3A_1412 = arith.addi %broadcast_in_dim3A_3, %add3A_1411 : vector<16xi32>
          %gather3A_1413 = tpu.vector_load_idx %arg7[%add3A_1412] : memref<2048xi32, #tpu.memory_space<vmem>>[vector<16xi32>], vector<16xi32>,
          %add3A_1414 = vector.broadcast %add3A_1410 : i32 to vector<16xi32>
          %add3A_1415 = arith.addi %broadcast_in_dim3A_3, %add3A_1414 : vector<16xi32>
          %lt3A_1416 = arith.cmpi slt, %add3A_1415, %scan3A_821 : vector<16xi32>
          %mul3A_1417 = arith.constant 16 : i32
          %mul3A_1418 = vector.broadcast %mul3A_1417 : i32 to vector<16xi32>
          %mul3A_1419 = arith.muli %gather3A_1413, %mul3A_1418 : vector<16xi32>
          %add3A_1420 = arith.addi %mul3A_1419, %iota3A : vector<16xi32>
          %gather3A_1421 = tpu.vector_load_idx %arg4[%add3A_1420] : memref<32784xf32, #tpu.memory_space<vmem>>[vector<16xi32>], vector<16xf32>,
          %ge3A_1422 = arith.cmpf oge, %gather3A_1421, %broadcast_in_dim3A_70 : vector<16xf32>
          %and3A_1423 = arith.andi %ge3A_1422, %lt3A_1416 : vector<16xi1>
          %select_n3A_1424 = arith.select %and3A_1423, %broadcast_in_dim3A_1, %broadcast_in_dim3A_3 : vector<16xi1>, vector<16xi32>
          %broadcast_in_dim3A_1425 = arith.constant true
          %broadcast_in_dim3A_1426 = vector.broadcast %broadcast_in_dim3A_1425 : i1 to vector<16xi1>
          %masked_cumsum3A_1427 = tpu.scan <sum>, %select_n3A_1424 masked %broadcast_in_dim3A_1426 : vector<16xi32>, vector<16xi1> -> vector<16xi32>
          %add3A_1428 = arith.addi %add3A_1406, %masked_cumsum3A_1427 : vector<16xi32>
          %sub3A_1429 = arith.subi %add3A_1428, %select_n3A_1424 : vector<16xi32>
          tpu.vector_store_idx %arg5[%sub3A_1429], %add3A_1420 masked %and3A_1423 : memref<32768xi32, #tpu.memory_space<vmem>>[vector<16xi32>], vector<16xi32>, vector<16xi1>
          %all_reduce_population_count3A_1430 = tpu.all_reduce %and3A_1423 {dim = 0 : i64, kind = #tpu.reduction_kind<sum>} : vector<16xi1> -> vector<16xi32>
          %add3A_1431 = arith.addi %add3A_1406, %all_reduce_population_count3A_1430 : vector<16xi32>
          %mul3A_1432 = arith.constant 16 : i32
          %mul3A_1433 = arith.muli %while3A_1132, %mul3A_1432 : i32
          %add3A_1434 = arith.constant 12 : i32
          %add3A_1435 = arith.addi %mul3A_1433, %add3A_1434 : i32
          %add3A_1436 = vector.broadcast %add3A_1435 : i32 to vector<16xi32>
          %add3A_1437 = arith.addi %broadcast_in_dim3A_3, %add3A_1436 : vector<16xi32>
          %gather3A_1438 = tpu.vector_load_idx %arg7[%add3A_1437] : memref<2048xi32, #tpu.memory_space<vmem>>[vector<16xi32>], vector<16xi32>,
          %add3A_1439 = vector.broadcast %add3A_1435 : i32 to vector<16xi32>
          %add3A_1440 = arith.addi %broadcast_in_dim3A_3, %add3A_1439 : vector<16xi32>
          %lt3A_1441 = arith.cmpi slt, %add3A_1440, %scan3A_821 : vector<16xi32>
          %mul3A_1442 = arith.constant 16 : i32
          %mul3A_1443 = vector.broadcast %mul3A_1442 : i32 to vector<16xi32>
          %mul3A_1444 = arith.muli %gather3A_1438, %mul3A_1443 : vector<16xi32>
          %add3A_1445 = arith.addi %mul3A_1444, %iota3A : vector<16xi32>
          %gather3A_1446 = tpu.vector_load_idx %arg4[%add3A_1445] : memref<32784xf32, #tpu.memory_space<vmem>>[vector<16xi32>], vector<16xf32>,
          %ge3A_1447 = arith.cmpf oge, %gather3A_1446, %broadcast_in_dim3A_70 : vector<16xf32>
          %and3A_1448 = arith.andi %ge3A_1447, %lt3A_1441 : vector<16xi1>
          %select_n3A_1449 = arith.select %and3A_1448, %broadcast_in_dim3A_1, %broadcast_in_dim3A_3 : vector<16xi1>, vector<16xi32>
          %broadcast_in_dim3A_1450 = arith.constant true
          %broadcast_in_dim3A_1451 = vector.broadcast %broadcast_in_dim3A_1450 : i1 to vector<16xi1>
          %masked_cumsum3A_1452 = tpu.scan <sum>, %select_n3A_1449 masked %broadcast_in_dim3A_1451 : vector<16xi32>, vector<16xi1> -> vector<16xi32>
          %add3A_1453 = arith.addi %add3A_1431, %masked_cumsum3A_1452 : vector<16xi32>
          %sub3A_1454 = arith.subi %add3A_1453, %select_n3A_1449 : vector<16xi32>
          tpu.vector_store_idx %arg5[%sub3A_1454], %add3A_1445 masked %and3A_1448 : memref<32768xi32, #tpu.memory_space<vmem>>[vector<16xi32>], vector<16xi32>, vector<16xi1>
          %all_reduce_population_count3A_1455 = tpu.all_reduce %and3A_1448 {dim = 0 : i64, kind = #tpu.reduction_kind<sum>} : vector<16xi1> -> vector<16xi32>
          %add3A_1456 = arith.addi %add3A_1431, %all_reduce_population_count3A_1455 : vector<16xi32>
          %mul3A_1457 = arith.constant 16 : i32
          %mul3A_1458 = arith.muli %while3A_1132, %mul3A_1457 : i32
          %add3A_1459 = arith.constant 13 : i32
          %add3A_1460 = arith.addi %mul3A_1458, %add3A_1459 : i32
          %add3A_1461 = vector.broadcast %add3A_1460 : i32 to vector<16xi32>
          %add3A_1462 = arith.addi %broadcast_in_dim3A_3, %add3A_1461 : vector<16xi32>
          %gather3A_1463 = tpu.vector_load_idx %arg7[%add3A_1462] : memref<2048xi32, #tpu.memory_space<vmem>>[vector<16xi32>], vector<16xi32>,
          %add3A_1464 = vector.broadcast %add3A_1460 : i32 to vector<16xi32>
          %add3A_1465 = arith.addi %broadcast_in_dim3A_3, %add3A_1464 : vector<16xi32>
          %lt3A_1466 = arith.cmpi slt, %add3A_1465, %scan3A_821 : vector<16xi32>
          %mul3A_1467 = arith.constant 16 : i32
          %mul3A_1468 = vector.broadcast %mul3A_1467 : i32 to vector<16xi32>
          %mul3A_1469 = arith.muli %gather3A_1463, %mul3A_1468 : vector<16xi32>
          %add3A_1470 = arith.addi %mul3A_1469, %iota3A : vector<16xi32>
          %gather3A_1471 = tpu.vector_load_idx %arg4[%add3A_1470] : memref<32784xf32, #tpu.memory_space<vmem>>[vector<16xi32>], vector<16xf32>,
          %ge3A_1472 = arith.cmpf oge, %gather3A_1471, %broadcast_in_dim3A_70 : vector<16xf32>
          %and3A_1473 = arith.andi %ge3A_1472, %lt3A_1466 : vector<16xi1>
          %select_n3A_1474 = arith.select %and3A_1473, %broadcast_in_dim3A_1, %broadcast_in_dim3A_3 : vector<16xi1>, vector<16xi32>
          %broadcast_in_dim3A_1475 = arith.constant true
          %broadcast_in_dim3A_1476 = vector.broadcast %broadcast_in_dim3A_1475 : i1 to vector<16xi1>
          %masked_cumsum3A_1477 = tpu.scan <sum>, %select_n3A_1474 masked %broadcast_in_dim3A_1476 : vector<16xi32>, vector<16xi1> -> vector<16xi32>
          %add3A_1478 = arith.addi %add3A_1456, %masked_cumsum3A_1477 : vector<16xi32>
          %sub3A_1479 = arith.subi %add3A_1478, %select_n3A_1474 : vector<16xi32>
          tpu.vector_store_idx %arg5[%sub3A_1479], %add3A_1470 masked %and3A_1473 : memref<32768xi32, #tpu.memory_space<vmem>>[vector<16xi32>], vector<16xi32>, vector<16xi1>
          %all_reduce_population_count3A_1480 = tpu.all_reduce %and3A_1473 {dim = 0 : i64, kind = #tpu.reduction_kind<sum>} : vector<16xi1> -> vector<16xi32>
          %add3A_1481 = arith.addi %add3A_1456, %all_reduce_population_count3A_1480 : vector<16xi32>
          %mul3A_1482 = arith.constant 16 : i32
          %mul3A_1483 = arith.muli %while3A_1132, %mul3A_1482 : i32
          %add3A_1484 = arith.constant 14 : i32
          %add3A_1485 = arith.addi %mul3A_1483, %add3A_1484 : i32
          %add3A_1486 = vector.broadcast %add3A_1485 : i32 to vector<16xi32>
          %add3A_1487 = arith.addi %broadcast_in_dim3A_3, %add3A_1486 : vector<16xi32>
          %gather3A_1488 = tpu.vector_load_idx %arg7[%add3A_1487] : memref<2048xi32, #tpu.memory_space<vmem>>[vector<16xi32>], vector<16xi32>,
          %add3A_1489 = vector.broadcast %add3A_1485 : i32 to vector<16xi32>
          %add3A_1490 = arith.addi %broadcast_in_dim3A_3, %add3A_1489 : vector<16xi32>
          %lt3A_1491 = arith.cmpi slt, %add3A_1490, %scan3A_821 : vector<16xi32>
          %mul3A_1492 = arith.constant 16 : i32
          %mul3A_1493 = vector.broadcast %mul3A_1492 : i32 to vector<16xi32>
          %mul3A_1494 = arith.muli %gather3A_1488, %mul3A_1493 : vector<16xi32>
          %add3A_1495 = arith.addi %mul3A_1494, %iota3A : vector<16xi32>
          %gather3A_1496 = tpu.vector_load_idx %arg4[%add3A_1495] : memref<32784xf32, #tpu.memory_space<vmem>>[vector<16xi32>], vector<16xf32>,
          %ge3A_1497 = arith.cmpf oge, %gather3A_1496, %broadcast_in_dim3A_70 : vector<16xf32>
          %and3A_1498 = arith.andi %ge3A_1497, %lt3A_1491 : vector<16xi1>
          %select_n3A_1499 = arith.select %and3A_1498, %broadcast_in_dim3A_1, %broadcast_in_dim3A_3 : vector<16xi1>, vector<16xi32>
          %broadcast_in_dim3A_1500 = arith.constant true
          %broadcast_in_dim3A_1501 = vector.broadcast %broadcast_in_dim3A_1500 : i1 to vector<16xi1>
          %masked_cumsum3A_1502 = tpu.scan <sum>, %select_n3A_1499 masked %broadcast_in_dim3A_1501 : vector<16xi32>, vector<16xi1> -> vector<16xi32>
          %add3A_1503 = arith.addi %add3A_1481, %masked_cumsum3A_1502 : vector<16xi32>
          %sub3A_1504 = arith.subi %add3A_1503, %select_n3A_1499 : vector<16xi32>
          tpu.vector_store_idx %arg5[%sub3A_1504], %add3A_1495 masked %and3A_1498 : memref<32768xi32, #tpu.memory_space<vmem>>[vector<16xi32>], vector<16xi32>, vector<16xi1>
          %all_reduce_population_count3A_1505 = tpu.all_reduce %and3A_1498 {dim = 0 : i64, kind = #tpu.reduction_kind<sum>} : vector<16xi1> -> vector<16xi32>
          %add3A_1506 = arith.addi %add3A_1481, %all_reduce_population_count3A_1505 : vector<16xi32>
          %mul3A_1507 = arith.constant 16 : i32
          %mul3A_1508 = arith.muli %while3A_1132, %mul3A_1507 : i32
          %add3A_1509 = arith.constant 15 : i32
          %add3A_1510 = arith.addi %mul3A_1508, %add3A_1509 : i32
          %add3A_1511 = vector.broadcast %add3A_1510 : i32 to vector<16xi32>
          %add3A_1512 = arith.addi %broadcast_in_dim3A_3, %add3A_1511 : vector<16xi32>
          %gather3A_1513 = tpu.vector_load_idx %arg7[%add3A_1512] : memref<2048xi32, #tpu.memory_space<vmem>>[vector<16xi32>], vector<16xi32>,
          %add3A_1514 = vector.broadcast %add3A_1510 : i32 to vector<16xi32>
          %add3A_1515 = arith.addi %broadcast_in_dim3A_3, %add3A_1514 : vector<16xi32>
          %lt3A_1516 = arith.cmpi slt, %add3A_1515, %scan3A_821 : vector<16xi32>
          %mul3A_1517 = arith.constant 16 : i32
          %mul3A_1518 = vector.broadcast %mul3A_1517 : i32 to vector<16xi32>
          %mul3A_1519 = arith.muli %gather3A_1513, %mul3A_1518 : vector<16xi32>
          %add3A_1520 = arith.addi %mul3A_1519, %iota3A : vector<16xi32>
          %gather3A_1521 = tpu.vector_load_idx %arg4[%add3A_1520] : memref<32784xf32, #tpu.memory_space<vmem>>[vector<16xi32>], vector<16xf32>,
          %ge3A_1522 = arith.cmpf oge, %gather3A_1521, %broadcast_in_dim3A_70 : vector<16xf32>
          %and3A_1523 = arith.andi %ge3A_1522, %lt3A_1516 : vector<16xi1>
          %select_n3A_1524 = arith.select %and3A_1523, %broadcast_in_dim3A_1, %broadcast_in_dim3A_3 : vector<16xi1>, vector<16xi32>
          %broadcast_in_dim3A_1525 = arith.constant true
          %broadcast_in_dim3A_1526 = vector.broadcast %broadcast_in_dim3A_1525 : i1 to vector<16xi1>
          %masked_cumsum3A_1527 = tpu.scan <sum>, %select_n3A_1524 masked %broadcast_in_dim3A_1526 : vector<16xi32>, vector<16xi1> -> vector<16xi32>
          %add3A_1528 = arith.addi %add3A_1506, %masked_cumsum3A_1527 : vector<16xi32>
          %sub3A_1529 = arith.subi %add3A_1528, %select_n3A_1524 : vector<16xi32>
          tpu.vector_store_idx %arg5[%sub3A_1529], %add3A_1520 masked %and3A_1523 : memref<32768xi32, #tpu.memory_space<vmem>>[vector<16xi32>], vector<16xi32>, vector<16xi1>
          %all_reduce_population_count3A_1530 = tpu.all_reduce %and3A_1523 {dim = 0 : i64, kind = #tpu.reduction_kind<sum>} : vector<16xi1> -> vector<16xi32>
          %add3A_1531 = arith.addi %add3A_1506, %all_reduce_population_count3A_1530 : vector<16xi32>
          scf.yield %add3A_1531 : vector<16xi32>
        }
        %while3A_1113 = arith.constant 1 : i32
        %while3A_1114 = scf.for %while3A_1132 = %while3A_1110 to %while3A_1106 step %while3A_1113 iter_args(%while3A_1133 = %while3A_1112) -> (vector<16xi32>)  : i32 {
          %mul3A_1134 = arith.constant 16 : i32
          %mul3A_1135 = arith.muli %while3A_1132, %mul3A_1134 : i32
          %add3A_1136 = arith.constant 0 : i32
          %add3A_1137 = arith.addi %mul3A_1135, %add3A_1136 : i32
          %add3A_1138 = vector.broadcast %add3A_1137 : i32 to vector<16xi32>
          %add3A_1139 = arith.addi %broadcast_in_dim3A_3, %add3A_1138 : vector<16xi32>
          %gather3A = tpu.vector_load_idx %arg7[%add3A_1139] : memref<2048xi32, #tpu.memory_space<vmem>>[vector<16xi32>], vector<16xi32>,
          %add3A_1140 = vector.broadcast %add3A_1137 : i32 to vector<16xi32>
          %add3A_1141 = arith.addi %broadcast_in_dim3A_3, %add3A_1140 : vector<16xi32>
          %lt3A_1142 = arith.cmpi slt, %add3A_1141, %scan3A_821 : vector<16xi32>
          %mul3A_1143 = arith.constant 16 : i32
          %mul3A_1144 = vector.broadcast %mul3A_1143 : i32 to vector<16xi32>
          %mul3A_1145 = arith.muli %gather3A, %mul3A_1144 : vector<16xi32>
          %add3A_1146 = arith.addi %mul3A_1145, %iota3A : vector<16xi32>
          %gather3A_1147 = tpu.vector_load_idx %arg4[%add3A_1146] : memref<32784xf32, #tpu.memory_space<vmem>>[vector<16xi32>], vector<16xf32>,
          %ge3A_1148 = arith.cmpf oge, %gather3A_1147, %broadcast_in_dim3A_70 : vector<16xf32>
          %and3A_1149 = arith.andi %ge3A_1148, %lt3A_1142 : vector<16xi1>
          %select_n3A_1150 = arith.select %and3A_1149, %broadcast_in_dim3A_1, %broadcast_in_dim3A_3 : vector<16xi1>, vector<16xi32>
          %broadcast_in_dim3A_1151 = arith.constant true
          %broadcast_in_dim3A_1152 = vector.broadcast %broadcast_in_dim3A_1151 : i1 to vector<16xi1>
          %masked_cumsum3A_1153 = tpu.scan <sum>, %select_n3A_1150 masked %broadcast_in_dim3A_1152 : vector<16xi32>, vector<16xi1> -> vector<16xi32>
          %add3A_1154 = arith.addi %while3A_1133, %masked_cumsum3A_1153 : vector<16xi32>
          %sub3A_1155 = arith.subi %add3A_1154, %select_n3A_1150 : vector<16xi32>
          tpu.vector_store_idx %arg5[%sub3A_1155], %add3A_1146 masked %and3A_1149 : memref<32768xi32, #tpu.memory_space<vmem>>[vector<16xi32>], vector<16xi32>, vector<16xi1>
          %all_reduce_population_count3A = tpu.all_reduce %and3A_1149 {dim = 0 : i64, kind = #tpu.reduction_kind<sum>} : vector<16xi1> -> vector<16xi32>
          %add3A_1156 = arith.addi %while3A_1133, %all_reduce_population_count3A : vector<16xi32>
          %mul3A_1157 = arith.constant 16 : i32
          %mul3A_1158 = arith.muli %while3A_1132, %mul3A_1157 : i32
          %add3A_1159 = arith.constant 1 : i32
          %add3A_1160 = arith.addi %mul3A_1158, %add3A_1159 : i32
          %add3A_1161 = vector.broadcast %add3A_1160 : i32 to vector<16xi32>
          %add3A_1162 = arith.addi %broadcast_in_dim3A_3, %add3A_1161 : vector<16xi32>
          %gather3A_1163 = tpu.vector_load_idx %arg7[%add3A_1162] : memref<2048xi32, #tpu.memory_space<vmem>>[vector<16xi32>], vector<16xi32>,
          %add3A_1164 = vector.broadcast %add3A_1160 : i32 to vector<16xi32>
          %add3A_1165 = arith.addi %broadcast_in_dim3A_3, %add3A_1164 : vector<16xi32>
          %lt3A_1166 = arith.cmpi slt, %add3A_1165, %scan3A_821 : vector<16xi32>
          %mul3A_1167 = arith.constant 16 : i32
          %mul3A_1168 = vector.broadcast %mul3A_1167 : i32 to vector<16xi32>
          %mul3A_1169 = arith.muli %gather3A_1163, %mul3A_1168 : vector<16xi32>
          %add3A_1170 = arith.addi %mul3A_1169, %iota3A : vector<16xi32>
          %gather3A_1171 = tpu.vector_load_idx %arg4[%add3A_1170] : memref<32784xf32, #tpu.memory_space<vmem>>[vector<16xi32>], vector<16xf32>,
          %ge3A_1172 = arith.cmpf oge, %gather3A_1171, %broadcast_in_dim3A_70 : vector<16xf32>
          %and3A_1173 = arith.andi %ge3A_1172, %lt3A_1166 : vector<16xi1>
          %select_n3A_1174 = arith.select %and3A_1173, %broadcast_in_dim3A_1, %broadcast_in_dim3A_3 : vector<16xi1>, vector<16xi32>
          %broadcast_in_dim3A_1175 = arith.constant true
          %broadcast_in_dim3A_1176 = vector.broadcast %broadcast_in_dim3A_1175 : i1 to vector<16xi1>
          %masked_cumsum3A_1177 = tpu.scan <sum>, %select_n3A_1174 masked %broadcast_in_dim3A_1176 : vector<16xi32>, vector<16xi1> -> vector<16xi32>
          %add3A_1178 = arith.addi %add3A_1156, %masked_cumsum3A_1177 : vector<16xi32>
          %sub3A_1179 = arith.subi %add3A_1178, %select_n3A_1174 : vector<16xi32>
          tpu.vector_store_idx %arg5[%sub3A_1179], %add3A_1170 masked %and3A_1173 : memref<32768xi32, #tpu.memory_space<vmem>>[vector<16xi32>], vector<16xi32>, vector<16xi1>
          %all_reduce_population_count3A_1180 = tpu.all_reduce %and3A_1173 {dim = 0 : i64, kind = #tpu.reduction_kind<sum>} : vector<16xi1> -> vector<16xi32>
          %add3A_1181 = arith.addi %add3A_1156, %all_reduce_population_count3A_1180 : vector<16xi32>
          %mul3A_1182 = arith.constant 16 : i32
          %mul3A_1183 = arith.muli %while3A_1132, %mul3A_1182 : i32
          %add3A_1184 = arith.constant 2 : i32
          %add3A_1185 = arith.addi %mul3A_1183, %add3A_1184 : i32
          %add3A_1186 = vector.broadcast %add3A_1185 : i32 to vector<16xi32>
          %add3A_1187 = arith.addi %broadcast_in_dim3A_3, %add3A_1186 : vector<16xi32>
          %gather3A_1188 = tpu.vector_load_idx %arg7[%add3A_1187] : memref<2048xi32, #tpu.memory_space<vmem>>[vector<16xi32>], vector<16xi32>,
          %add3A_1189 = vector.broadcast %add3A_1185 : i32 to vector<16xi32>
          %add3A_1190 = arith.addi %broadcast_in_dim3A_3, %add3A_1189 : vector<16xi32>
          %lt3A_1191 = arith.cmpi slt, %add3A_1190, %scan3A_821 : vector<16xi32>
          %mul3A_1192 = arith.constant 16 : i32
          %mul3A_1193 = vector.broadcast %mul3A_1192 : i32 to vector<16xi32>
          %mul3A_1194 = arith.muli %gather3A_1188, %mul3A_1193 : vector<16xi32>
          %add3A_1195 = arith.addi %mul3A_1194, %iota3A : vector<16xi32>
          %gather3A_1196 = tpu.vector_load_idx %arg4[%add3A_1195] : memref<32784xf32, #tpu.memory_space<vmem>>[vector<16xi32>], vector<16xf32>,
          %ge3A_1197 = arith.cmpf oge, %gather3A_1196, %broadcast_in_dim3A_70 : vector<16xf32>
          %and3A_1198 = arith.andi %ge3A_1197, %lt3A_1191 : vector<16xi1>
          %select_n3A_1199 = arith.select %and3A_1198, %broadcast_in_dim3A_1, %broadcast_in_dim3A_3 : vector<16xi1>, vector<16xi32>
          %broadcast_in_dim3A_1200 = arith.constant true
          %broadcast_in_dim3A_1201 = vector.broadcast %broadcast_in_dim3A_1200 : i1 to vector<16xi1>
          %masked_cumsum3A_1202 = tpu.scan <sum>, %select_n3A_1199 masked %broadcast_in_dim3A_1201 : vector<16xi32>, vector<16xi1> -> vector<16xi32>
          %add3A_1203 = arith.addi %add3A_1181, %masked_cumsum3A_1202 : vector<16xi32>
          %sub3A_1204 = arith.subi %add3A_1203, %select_n3A_1199 : vector<16xi32>
          tpu.vector_store_idx %arg5[%sub3A_1204], %add3A_1195 masked %and3A_1198 : memref<32768xi32, #tpu.memory_space<vmem>>[vector<16xi32>], vector<16xi32>, vector<16xi1>
          %all_reduce_population_count3A_1205 = tpu.all_reduce %and3A_1198 {dim = 0 : i64, kind = #tpu.reduction_kind<sum>} : vector<16xi1> -> vector<16xi32>
          %add3A_1206 = arith.addi %add3A_1181, %all_reduce_population_count3A_1205 : vector<16xi32>
          %mul3A_1207 = arith.constant 16 : i32
          %mul3A_1208 = arith.muli %while3A_1132, %mul3A_1207 : i32
          %add3A_1209 = arith.constant 3 : i32
          %add3A_1210 = arith.addi %mul3A_1208, %add3A_1209 : i32
          %add3A_1211 = vector.broadcast %add3A_1210 : i32 to vector<16xi32>
          %add3A_1212 = arith.addi %broadcast_in_dim3A_3, %add3A_1211 : vector<16xi32>
          %gather3A_1213 = tpu.vector_load_idx %arg7[%add3A_1212] : memref<2048xi32, #tpu.memory_space<vmem>>[vector<16xi32>], vector<16xi32>,
          %add3A_1214 = vector.broadcast %add3A_1210 : i32 to vector<16xi32>
          %add3A_1215 = arith.addi %broadcast_in_dim3A_3, %add3A_1214 : vector<16xi32>
          %lt3A_1216 = arith.cmpi slt, %add3A_1215, %scan3A_821 : vector<16xi32>
          %mul3A_1217 = arith.constant 16 : i32
          %mul3A_1218 = vector.broadcast %mul3A_1217 : i32 to vector<16xi32>
          %mul3A_1219 = arith.muli %gather3A_1213, %mul3A_1218 : vector<16xi32>
          %add3A_1220 = arith.addi %mul3A_1219, %iota3A : vector<16xi32>
          %gather3A_1221 = tpu.vector_load_idx %arg4[%add3A_1220] : memref<32784xf32, #tpu.memory_space<vmem>>[vector<16xi32>], vector<16xf32>,
          %ge3A_1222 = arith.cmpf oge, %gather3A_1221, %broadcast_in_dim3A_70 : vector<16xf32>
          %and3A_1223 = arith.andi %ge3A_1222, %lt3A_1216 : vector<16xi1>
          %select_n3A_1224 = arith.select %and3A_1223, %broadcast_in_dim3A_1, %broadcast_in_dim3A_3 : vector<16xi1>, vector<16xi32>
          %broadcast_in_dim3A_1225 = arith.constant true
          %broadcast_in_dim3A_1226 = vector.broadcast %broadcast_in_dim3A_1225 : i1 to vector<16xi1>
          %masked_cumsum3A_1227 = tpu.scan <sum>, %select_n3A_1224 masked %broadcast_in_dim3A_1226 : vector<16xi32>, vector<16xi1> -> vector<16xi32>
          %add3A_1228 = arith.addi %add3A_1206, %masked_cumsum3A_1227 : vector<16xi32>
          %sub3A_1229 = arith.subi %add3A_1228, %select_n3A_1224 : vector<16xi32>
          tpu.vector_store_idx %arg5[%sub3A_1229], %add3A_1220 masked %and3A_1223 : memref<32768xi32, #tpu.memory_space<vmem>>[vector<16xi32>], vector<16xi32>, vector<16xi1>
          %all_reduce_population_count3A_1230 = tpu.all_reduce %and3A_1223 {dim = 0 : i64, kind = #tpu.reduction_kind<sum>} : vector<16xi1> -> vector<16xi32>
          %add3A_1231 = arith.addi %add3A_1206, %all_reduce_population_count3A_1230 : vector<16xi32>
          %mul3A_1232 = arith.constant 16 : i32
          %mul3A_1233 = arith.muli %while3A_1132, %mul3A_1232 : i32
          %add3A_1234 = arith.constant 4 : i32
          %add3A_1235 = arith.addi %mul3A_1233, %add3A_1234 : i32
          %add3A_1236 = vector.broadcast %add3A_1235 : i32 to vector<16xi32>
          %add3A_1237 = arith.addi %broadcast_in_dim3A_3, %add3A_1236 : vector<16xi32>
          %gather3A_1238 = tpu.vector_load_idx %arg7[%add3A_1237] : memref<2048xi32, #tpu.memory_space<vmem>>[vector<16xi32>], vector<16xi32>,
          %add3A_1239 = vector.broadcast %add3A_1235 : i32 to vector<16xi32>
          %add3A_1240 = arith.addi %broadcast_in_dim3A_3, %add3A_1239 : vector<16xi32>
          %lt3A_1241 = arith.cmpi slt, %add3A_1240, %scan3A_821 : vector<16xi32>
          %mul3A_1242 = arith.constant 16 : i32
          %mul3A_1243 = vector.broadcast %mul3A_1242 : i32 to vector<16xi32>
          %mul3A_1244 = arith.muli %gather3A_1238, %mul3A_1243 : vector<16xi32>
          %add3A_1245 = arith.addi %mul3A_1244, %iota3A : vector<16xi32>
          %gather3A_1246 = tpu.vector_load_idx %arg4[%add3A_1245] : memref<32784xf32, #tpu.memory_space<vmem>>[vector<16xi32>], vector<16xf32>,
          %ge3A_1247 = arith.cmpf oge, %gather3A_1246, %broadcast_in_dim3A_70 : vector<16xf32>
          %and3A_1248 = arith.andi %ge3A_1247, %lt3A_1241 : vector<16xi1>
          %select_n3A_1249 = arith.select %and3A_1248, %broadcast_in_dim3A_1, %broadcast_in_dim3A_3 : vector<16xi1>, vector<16xi32>
          %broadcast_in_dim3A_1250 = arith.constant true
          %broadcast_in_dim3A_1251 = vector.broadcast %broadcast_in_dim3A_1250 : i1 to vector<16xi1>
          %masked_cumsum3A_1252 = tpu.scan <sum>, %select_n3A_1249 masked %broadcast_in_dim3A_1251 : vector<16xi32>, vector<16xi1> -> vector<16xi32>
          %add3A_1253 = arith.addi %add3A_1231, %masked_cumsum3A_1252 : vector<16xi32>
          %sub3A_1254 = arith.subi %add3A_1253, %select_n3A_1249 : vector<16xi32>
          tpu.vector_store_idx %arg5[%sub3A_1254], %add3A_1245 masked %and3A_1248 : memref<32768xi32, #tpu.memory_space<vmem>>[vector<16xi32>], vector<16xi32>, vector<16xi1>
          %all_reduce_population_count3A_1255 = tpu.all_reduce %and3A_1248 {dim = 0 : i64, kind = #tpu.reduction_kind<sum>} : vector<16xi1> -> vector<16xi32>
          %add3A_1256 = arith.addi %add3A_1231, %all_reduce_population_count3A_1255 : vector<16xi32>
          %mul3A_1257 = arith.constant 16 : i32
          %mul3A_1258 = arith.muli %while3A_1132, %mul3A_1257 : i32
          %add3A_1259 = arith.constant 5 : i32
          %add3A_1260 = arith.addi %mul3A_1258, %add3A_1259 : i32
          %add3A_1261 = vector.broadcast %add3A_1260 : i32 to vector<16xi32>
          %add3A_1262 = arith.addi %broadcast_in_dim3A_3, %add3A_1261 : vector<16xi32>
          %gather3A_1263 = tpu.vector_load_idx %arg7[%add3A_1262] : memref<2048xi32, #tpu.memory_space<vmem>>[vector<16xi32>], vector<16xi32>,
          %add3A_1264 = vector.broadcast %add3A_1260 : i32 to vector<16xi32>
          %add3A_1265 = arith.addi %broadcast_in_dim3A_3, %add3A_1264 : vector<16xi32>
          %lt3A_1266 = arith.cmpi slt, %add3A_1265, %scan3A_821 : vector<16xi32>
          %mul3A_1267 = arith.constant 16 : i32
          %mul3A_1268 = vector.broadcast %mul3A_1267 : i32 to vector<16xi32>
          %mul3A_1269 = arith.muli %gather3A_1263, %mul3A_1268 : vector<16xi32>
          %add3A_1270 = arith.addi %mul3A_1269, %iota3A : vector<16xi32>
          %gather3A_1271 = tpu.vector_load_idx %arg4[%add3A_1270] : memref<32784xf32, #tpu.memory_space<vmem>>[vector<16xi32>], vector<16xf32>,
          %ge3A_1272 = arith.cmpf oge, %gather3A_1271, %broadcast_in_dim3A_70 : vector<16xf32>
          %and3A_1273 = arith.andi %ge3A_1272, %lt3A_1266 : vector<16xi1>
          %select_n3A_1274 = arith.select %and3A_1273, %broadcast_in_dim3A_1, %broadcast_in_dim3A_3 : vector<16xi1>, vector<16xi32>
          %broadcast_in_dim3A_1275 = arith.constant true
          %broadcast_in_dim3A_1276 = vector.broadcast %broadcast_in_dim3A_1275 : i1 to vector<16xi1>
          %masked_cumsum3A_1277 = tpu.scan <sum>, %select_n3A_1274 masked %broadcast_in_dim3A_1276 : vector<16xi32>, vector<16xi1> -> vector<16xi32>
          %add3A_1278 = arith.addi %add3A_1256, %masked_cumsum3A_1277 : vector<16xi32>
          %sub3A_1279 = arith.subi %add3A_1278, %select_n3A_1274 : vector<16xi32>
          tpu.vector_store_idx %arg5[%sub3A_1279], %add3A_1270 masked %and3A_1273 : memref<32768xi32, #tpu.memory_space<vmem>>[vector<16xi32>], vector<16xi32>, vector<16xi1>
          %all_reduce_population_count3A_1280 = tpu.all_reduce %and3A_1273 {dim = 0 : i64, kind = #tpu.reduction_kind<sum>} : vector<16xi1> -> vector<16xi32>
          %add3A_1281 = arith.addi %add3A_1256, %all_reduce_population_count3A_1280 : vector<16xi32>
          %mul3A_1282 = arith.constant 16 : i32
          %mul3A_1283 = arith.muli %while3A_1132, %mul3A_1282 : i32
          %add3A_1284 = arith.constant 6 : i32
          %add3A_1285 = arith.addi %mul3A_1283, %add3A_1284 : i32
          %add3A_1286 = vector.broadcast %add3A_1285 : i32 to vector<16xi32>
          %add3A_1287 = arith.addi %broadcast_in_dim3A_3, %add3A_1286 : vector<16xi32>
          %gather3A_1288 = tpu.vector_load_idx %arg7[%add3A_1287] : memref<2048xi32, #tpu.memory_space<vmem>>[vector<16xi32>], vector<16xi32>,
          %add3A_1289 = vector.broadcast %add3A_1285 : i32 to vector<16xi32>
          %add3A_1290 = arith.addi %broadcast_in_dim3A_3, %add3A_1289 : vector<16xi32>
          %lt3A_1291 = arith.cmpi slt, %add3A_1290, %scan3A_821 : vector<16xi32>
          %mul3A_1292 = arith.constant 16 : i32
          %mul3A_1293 = vector.broadcast %mul3A_1292 : i32 to vector<16xi32>
          %mul3A_1294 = arith.muli %gather3A_1288, %mul3A_1293 : vector<16xi32>
          %add3A_1295 = arith.addi %mul3A_1294, %iota3A : vector<16xi32>
          %gather3A_1296 = tpu.vector_load_idx %arg4[%add3A_1295] : memref<32784xf32, #tpu.memory_space<vmem>>[vector<16xi32>], vector<16xf32>,
          %ge3A_1297 = arith.cmpf oge, %gather3A_1296, %broadcast_in_dim3A_70 : vector<16xf32>
          %and3A_1298 = arith.andi %ge3A_1297, %lt3A_1291 : vector<16xi1>
          %select_n3A_1299 = arith.select %and3A_1298, %broadcast_in_dim3A_1, %broadcast_in_dim3A_3 : vector<16xi1>, vector<16xi32>
          %broadcast_in_dim3A_1300 = arith.constant true
          %broadcast_in_dim3A_1301 = vector.broadcast %broadcast_in_dim3A_1300 : i1 to vector<16xi1>
          %masked_cumsum3A_1302 = tpu.scan <sum>, %select_n3A_1299 masked %broadcast_in_dim3A_1301 : vector<16xi32>, vector<16xi1> -> vector<16xi32>
          %add3A_1303 = arith.addi %add3A_1281, %masked_cumsum3A_1302 : vector<16xi32>
          %sub3A_1304 = arith.subi %add3A_1303, %select_n3A_1299 : vector<16xi32>
          tpu.vector_store_idx %arg5[%sub3A_1304], %add3A_1295 masked %and3A_1298 : memref<32768xi32, #tpu.memory_space<vmem>>[vector<16xi32>], vector<16xi32>, vector<16xi1>
          %all_reduce_population_count3A_1305 = tpu.all_reduce %and3A_1298 {dim = 0 : i64, kind = #tpu.reduction_kind<sum>} : vector<16xi1> -> vector<16xi32>
          %add3A_1306 = arith.addi %add3A_1281, %all_reduce_population_count3A_1305 : vector<16xi32>
          %mul3A_1307 = arith.constant 16 : i32
          %mul3A_1308 = arith.muli %while3A_1132, %mul3A_1307 : i32
          %add3A_1309 = arith.constant 7 : i32
          %add3A_1310 = arith.addi %mul3A_1308, %add3A_1309 : i32
          %add3A_1311 = vector.broadcast %add3A_1310 : i32 to vector<16xi32>
          %add3A_1312 = arith.addi %broadcast_in_dim3A_3, %add3A_1311 : vector<16xi32>
          %gather3A_1313 = tpu.vector_load_idx %arg7[%add3A_1312] : memref<2048xi32, #tpu.memory_space<vmem>>[vector<16xi32>], vector<16xi32>,
          %add3A_1314 = vector.broadcast %add3A_1310 : i32 to vector<16xi32>
          %add3A_1315 = arith.addi %broadcast_in_dim3A_3, %add3A_1314 : vector<16xi32>
          %lt3A_1316 = arith.cmpi slt, %add3A_1315, %scan3A_821 : vector<16xi32>
          %mul3A_1317 = arith.constant 16 : i32
          %mul3A_1318 = vector.broadcast %mul3A_1317 : i32 to vector<16xi32>
          %mul3A_1319 = arith.muli %gather3A_1313, %mul3A_1318 : vector<16xi32>
          %add3A_1320 = arith.addi %mul3A_1319, %iota3A : vector<16xi32>
          %gather3A_1321 = tpu.vector_load_idx %arg4[%add3A_1320] : memref<32784xf32, #tpu.memory_space<vmem>>[vector<16xi32>], vector<16xf32>,
          %ge3A_1322 = arith.cmpf oge, %gather3A_1321, %broadcast_in_dim3A_70 : vector<16xf32>
          %and3A_1323 = arith.andi %ge3A_1322, %lt3A_1316 : vector<16xi1>
          %select_n3A_1324 = arith.select %and3A_1323, %broadcast_in_dim3A_1, %broadcast_in_dim3A_3 : vector<16xi1>, vector<16xi32>
          %broadcast_in_dim3A_1325 = arith.constant true
          %broadcast_in_dim3A_1326 = vector.broadcast %broadcast_in_dim3A_1325 : i1 to vector<16xi1>
          %masked_cumsum3A_1327 = tpu.scan <sum>, %select_n3A_1324 masked %broadcast_in_dim3A_1326 : vector<16xi32>, vector<16xi1> -> vector<16xi32>
          %add3A_1328 = arith.addi %add3A_1306, %masked_cumsum3A_1327 : vector<16xi32>
          %sub3A_1329 = arith.subi %add3A_1328, %select_n3A_1324 : vector<16xi32>
          tpu.vector_store_idx %arg5[%sub3A_1329], %add3A_1320 masked %and3A_1323 : memref<32768xi32, #tpu.memory_space<vmem>>[vector<16xi32>], vector<16xi32>, vector<16xi1>
          %all_reduce_population_count3A_1330 = tpu.all_reduce %and3A_1323 {dim = 0 : i64, kind = #tpu.reduction_kind<sum>} : vector<16xi1> -> vector<16xi32>
          %add3A_1331 = arith.addi %add3A_1306, %all_reduce_population_count3A_1330 : vector<16xi32>
          %mul3A_1332 = arith.constant 16 : i32
          %mul3A_1333 = arith.muli %while3A_1132, %mul3A_1332 : i32
          %add3A_1334 = arith.constant 8 : i32
          %add3A_1335 = arith.addi %mul3A_1333, %add3A_1334 : i32
          %add3A_1336 = vector.broadcast %add3A_1335 : i32 to vector<16xi32>
          %add3A_1337 = arith.addi %broadcast_in_dim3A_3, %add3A_1336 : vector<16xi32>
          %gather3A_1338 = tpu.vector_load_idx %arg7[%add3A_1337] : memref<2048xi32, #tpu.memory_space<vmem>>[vector<16xi32>], vector<16xi32>,
          %add3A_1339 = vector.broadcast %add3A_1335 : i32 to vector<16xi32>
          %add3A_1340 = arith.addi %broadcast_in_dim3A_3, %add3A_1339 : vector<16xi32>
          %lt3A_1341 = arith.cmpi slt, %add3A_1340, %scan3A_821 : vector<16xi32>
          %mul3A_1342 = arith.constant 16 : i32
          %mul3A_1343 = vector.broadcast %mul3A_1342 : i32 to vector<16xi32>
          %mul3A_1344 = arith.muli %gather3A_1338, %mul3A_1343 : vector<16xi32>
          %add3A_1345 = arith.addi %mul3A_1344, %iota3A : vector<16xi32>
          %gather3A_1346 = tpu.vector_load_idx %arg4[%add3A_1345] : memref<32784xf32, #tpu.memory_space<vmem>>[vector<16xi32>], vector<16xf32>,
          %ge3A_1347 = arith.cmpf oge, %gather3A_1346, %broadcast_in_dim3A_70 : vector<16xf32>
          %and3A_1348 = arith.andi %ge3A_1347, %lt3A_1341 : vector<16xi1>
          %select_n3A_1349 = arith.select %and3A_1348, %broadcast_in_dim3A_1, %broadcast_in_dim3A_3 : vector<16xi1>, vector<16xi32>
          %broadcast_in_dim3A_1350 = arith.constant true
          %broadcast_in_dim3A_1351 = vector.broadcast %broadcast_in_dim3A_1350 : i1 to vector<16xi1>
          %masked_cumsum3A_1352 = tpu.scan <sum>, %select_n3A_1349 masked %broadcast_in_dim3A_1351 : vector<16xi32>, vector<16xi1> -> vector<16xi32>
          %add3A_1353 = arith.addi %add3A_1331, %masked_cumsum3A_1352 : vector<16xi32>
          %sub3A_1354 = arith.subi %add3A_1353, %select_n3A_1349 : vector<16xi32>
          tpu.vector_store_idx %arg5[%sub3A_1354], %add3A_1345 masked %and3A_1348 : memref<32768xi32, #tpu.memory_space<vmem>>[vector<16xi32>], vector<16xi32>, vector<16xi1>
          %all_reduce_population_count3A_1355 = tpu.all_reduce %and3A_1348 {dim = 0 : i64, kind = #tpu.reduction_kind<sum>} : vector<16xi1> -> vector<16xi32>
          %add3A_1356 = arith.addi %add3A_1331, %all_reduce_population_count3A_1355 : vector<16xi32>
          %mul3A_1357 = arith.constant 16 : i32
          %mul3A_1358 = arith.muli %while3A_1132, %mul3A_1357 : i32
          %add3A_1359 = arith.constant 9 : i32
          %add3A_1360 = arith.addi %mul3A_1358, %add3A_1359 : i32
          %add3A_1361 = vector.broadcast %add3A_1360 : i32 to vector<16xi32>
          %add3A_1362 = arith.addi %broadcast_in_dim3A_3, %add3A_1361 : vector<16xi32>
          %gather3A_1363 = tpu.vector_load_idx %arg7[%add3A_1362] : memref<2048xi32, #tpu.memory_space<vmem>>[vector<16xi32>], vector<16xi32>,
          %add3A_1364 = vector.broadcast %add3A_1360 : i32 to vector<16xi32>
          %add3A_1365 = arith.addi %broadcast_in_dim3A_3, %add3A_1364 : vector<16xi32>
          %lt3A_1366 = arith.cmpi slt, %add3A_1365, %scan3A_821 : vector<16xi32>
          %mul3A_1367 = arith.constant 16 : i32
          %mul3A_1368 = vector.broadcast %mul3A_1367 : i32 to vector<16xi32>
          %mul3A_1369 = arith.muli %gather3A_1363, %mul3A_1368 : vector<16xi32>
          %add3A_1370 = arith.addi %mul3A_1369, %iota3A : vector<16xi32>
          %gather3A_1371 = tpu.vector_load_idx %arg4[%add3A_1370] : memref<32784xf32, #tpu.memory_space<vmem>>[vector<16xi32>], vector<16xf32>,
          %ge3A_1372 = arith.cmpf oge, %gather3A_1371, %broadcast_in_dim3A_70 : vector<16xf32>
          %and3A_1373 = arith.andi %ge3A_1372, %lt3A_1366 : vector<16xi1>
          %select_n3A_1374 = arith.select %and3A_1373, %broadcast_in_dim3A_1, %broadcast_in_dim3A_3 : vector<16xi1>, vector<16xi32>
          %broadcast_in_dim3A_1375 = arith.constant true
          %broadcast_in_dim3A_1376 = vector.broadcast %broadcast_in_dim3A_1375 : i1 to vector<16xi1>
          %masked_cumsum3A_1377 = tpu.scan <sum>, %select_n3A_1374 masked %broadcast_in_dim3A_1376 : vector<16xi32>, vector<16xi1> -> vector<16xi32>
          %add3A_1378 = arith.addi %add3A_1356, %masked_cumsum3A_1377 : vector<16xi32>
          %sub3A_1379 = arith.subi %add3A_1378, %select_n3A_1374 : vector<16xi32>
          tpu.vector_store_idx %arg5[%sub3A_1379], %add3A_1370 masked %and3A_1373 : memref<32768xi32, #tpu.memory_space<vmem>>[vector<16xi32>], vector<16xi32>, vector<16xi1>
          %all_reduce_population_count3A_1380 = tpu.all_reduce %and3A_1373 {dim = 0 : i64, kind = #tpu.reduction_kind<sum>} : vector<16xi1> -> vector<16xi32>
          %add3A_1381 = arith.addi %add3A_1356, %all_reduce_population_count3A_1380 : vector<16xi32>
          %mul3A_1382 = arith.constant 16 : i32
          %mul3A_1383 = arith.muli %while3A_1132, %mul3A_1382 : i32
          %add3A_1384 = arith.constant 10 : i32
          %add3A_1385 = arith.addi %mul3A_1383, %add3A_1384 : i32
          %add3A_1386 = vector.broadcast %add3A_1385 : i32 to vector<16xi32>
          %add3A_1387 = arith.addi %broadcast_in_dim3A_3, %add3A_1386 : vector<16xi32>
          %gather3A_1388 = tpu.vector_load_idx %arg7[%add3A_1387] : memref<2048xi32, #tpu.memory_space<vmem>>[vector<16xi32>], vector<16xi32>,
          %add3A_1389 = vector.broadcast %add3A_1385 : i32 to vector<16xi32>
          %add3A_1390 = arith.addi %broadcast_in_dim3A_3, %add3A_1389 : vector<16xi32>
          %lt3A_1391 = arith.cmpi slt, %add3A_1390, %scan3A_821 : vector<16xi32>
          %mul3A_1392 = arith.constant 16 : i32
          %mul3A_1393 = vector.broadcast %mul3A_1392 : i32 to vector<16xi32>
          %mul3A_1394 = arith.muli %gather3A_1388, %mul3A_1393 : vector<16xi32>
          %add3A_1395 = arith.addi %mul3A_1394, %iota3A : vector<16xi32>
          %gather3A_1396 = tpu.vector_load_idx %arg4[%add3A_1395] : memref<32784xf32, #tpu.memory_space<vmem>>[vector<16xi32>], vector<16xf32>,
          %ge3A_1397 = arith.cmpf oge, %gather3A_1396, %broadcast_in_dim3A_70 : vector<16xf32>
          %and3A_1398 = arith.andi %ge3A_1397, %lt3A_1391 : vector<16xi1>
          %select_n3A_1399 = arith.select %and3A_1398, %broadcast_in_dim3A_1, %broadcast_in_dim3A_3 : vector<16xi1>, vector<16xi32>
          %broadcast_in_dim3A_1400 = arith.constant true
          %broadcast_in_dim3A_1401 = vector.broadcast %broadcast_in_dim3A_1400 : i1 to vector<16xi1>
          %masked_cumsum3A_1402 = tpu.scan <sum>, %select_n3A_1399 masked %broadcast_in_dim3A_1401 : vector<16xi32>, vector<16xi1> -> vector<16xi32>
          %add3A_1403 = arith.addi %add3A_1381, %masked_cumsum3A_1402 : vector<16xi32>
          %sub3A_1404 = arith.subi %add3A_1403, %select_n3A_1399 : vector<16xi32>
          tpu.vector_store_idx %arg5[%sub3A_1404], %add3A_1395 masked %and3A_1398 : memref<32768xi32, #tpu.memory_space<vmem>>[vector<16xi32>], vector<16xi32>, vector<16xi1>
          %all_reduce_population_count3A_1405 = tpu.all_reduce %and3A_1398 {dim = 0 : i64, kind = #tpu.reduction_kind<sum>} : vector<16xi1> -> vector<16xi32>
          %add3A_1406 = arith.addi %add3A_1381, %all_reduce_population_count3A_1405 : vector<16xi32>
          %mul3A_1407 = arith.constant 16 : i32
          %mul3A_1408 = arith.muli %while3A_1132, %mul3A_1407 : i32
          %add3A_1409 = arith.constant 11 : i32
          %add3A_1410 = arith.addi %mul3A_1408, %add3A_1409 : i32
          %add3A_1411 = vector.broadcast %add3A_1410 : i32 to vector<16xi32>
          %add3A_1412 = arith.addi %broadcast_in_dim3A_3, %add3A_1411 : vector<16xi32>
          %gather3A_1413 = tpu.vector_load_idx %arg7[%add3A_1412] : memref<2048xi32, #tpu.memory_space<vmem>>[vector<16xi32>], vector<16xi32>,
          %add3A_1414 = vector.broadcast %add3A_1410 : i32 to vector<16xi32>
          %add3A_1415 = arith.addi %broadcast_in_dim3A_3, %add3A_1414 : vector<16xi32>
          %lt3A_1416 = arith.cmpi slt, %add3A_1415, %scan3A_821 : vector<16xi32>
          %mul3A_1417 = arith.constant 16 : i32
          %mul3A_1418 = vector.broadcast %mul3A_1417 : i32 to vector<16xi32>
          %mul3A_1419 = arith.muli %gather3A_1413, %mul3A_1418 : vector<16xi32>
          %add3A_1420 = arith.addi %mul3A_1419, %iota3A : vector<16xi32>
          %gather3A_1421 = tpu.vector_load_idx %arg4[%add3A_1420] : memref<32784xf32, #tpu.memory_space<vmem>>[vector<16xi32>], vector<16xf32>,
          %ge3A_1422 = arith.cmpf oge, %gather3A_1421, %broadcast_in_dim3A_70 : vector<16xf32>
          %and3A_1423 = arith.andi %ge3A_1422, %lt3A_1416 : vector<16xi1>
          %select_n3A_1424 = arith.select %and3A_1423, %broadcast_in_dim3A_1, %broadcast_in_dim3A_3 : vector<16xi1>, vector<16xi32>
          %broadcast_in_dim3A_1425 = arith.constant true
          %broadcast_in_dim3A_1426 = vector.broadcast %broadcast_in_dim3A_1425 : i1 to vector<16xi1>
          %masked_cumsum3A_1427 = tpu.scan <sum>, %select_n3A_1424 masked %broadcast_in_dim3A_1426 : vector<16xi32>, vector<16xi1> -> vector<16xi32>
          %add3A_1428 = arith.addi %add3A_1406, %masked_cumsum3A_1427 : vector<16xi32>
          %sub3A_1429 = arith.subi %add3A_1428, %select_n3A_1424 : vector<16xi32>
          tpu.vector_store_idx %arg5[%sub3A_1429], %add3A_1420 masked %and3A_1423 : memref<32768xi32, #tpu.memory_space<vmem>>[vector<16xi32>], vector<16xi32>, vector<16xi1>
          %all_reduce_population_count3A_1430 = tpu.all_reduce %and3A_1423 {dim = 0 : i64, kind = #tpu.reduction_kind<sum>} : vector<16xi1> -> vector<16xi32>
          %add3A_1431 = arith.addi %add3A_1406, %all_reduce_population_count3A_1430 : vector<16xi32>
          %mul3A_1432 = arith.constant 16 : i32
          %mul3A_1433 = arith.muli %while3A_1132, %mul3A_1432 : i32
          %add3A_1434 = arith.constant 12 : i32
          %add3A_1435 = arith.addi %mul3A_1433, %add3A_1434 : i32
          %add3A_1436 = vector.broadcast %add3A_1435 : i32 to vector<16xi32>
          %add3A_1437 = arith.addi %broadcast_in_dim3A_3, %add3A_1436 : vector<16xi32>
          %gather3A_1438 = tpu.vector_load_idx %arg7[%add3A_1437] : memref<2048xi32, #tpu.memory_space<vmem>>[vector<16xi32>], vector<16xi32>,
          %add3A_1439 = vector.broadcast %add3A_1435 : i32 to vector<16xi32>
          %add3A_1440 = arith.addi %broadcast_in_dim3A_3, %add3A_1439 : vector<16xi32>
          %lt3A_1441 = arith.cmpi slt, %add3A_1440, %scan3A_821 : vector<16xi32>
          %mul3A_1442 = arith.constant 16 : i32
          %mul3A_1443 = vector.broadcast %mul3A_1442 : i32 to vector<16xi32>
          %mul3A_1444 = arith.muli %gather3A_1438, %mul3A_1443 : vector<16xi32>
          %add3A_1445 = arith.addi %mul3A_1444, %iota3A : vector<16xi32>
          %gather3A_1446 = tpu.vector_load_idx %arg4[%add3A_1445] : memref<32784xf32, #tpu.memory_space<vmem>>[vector<16xi32>], vector<16xf32>,
          %ge3A_1447 = arith.cmpf oge, %gather3A_1446, %broadcast_in_dim3A_70 : vector<16xf32>
          %and3A_1448 = arith.andi %ge3A_1447, %lt3A_1441 : vector<16xi1>
          %select_n3A_1449 = arith.select %and3A_1448, %broadcast_in_dim3A_1, %broadcast_in_dim3A_3 : vector<16xi1>, vector<16xi32>
          %broadcast_in_dim3A_1450 = arith.constant true
          %broadcast_in_dim3A_1451 = vector.broadcast %broadcast_in_dim3A_1450 : i1 to vector<16xi1>
          %masked_cumsum3A_1452 = tpu.scan <sum>, %select_n3A_1449 masked %broadcast_in_dim3A_1451 : vector<16xi32>, vector<16xi1> -> vector<16xi32>
          %add3A_1453 = arith.addi %add3A_1431, %masked_cumsum3A_1452 : vector<16xi32>
          %sub3A_1454 = arith.subi %add3A_1453, %select_n3A_1449 : vector<16xi32>
          tpu.vector_store_idx %arg5[%sub3A_1454], %add3A_1445 masked %and3A_1448 : memref<32768xi32, #tpu.memory_space<vmem>>[vector<16xi32>], vector<16xi32>, vector<16xi1>
          %all_reduce_population_count3A_1455 = tpu.all_reduce %and3A_1448 {dim = 0 : i64, kind = #tpu.reduction_kind<sum>} : vector<16xi1> -> vector<16xi32>
          %add3A_1456 = arith.addi %add3A_1431, %all_reduce_population_count3A_1455 : vector<16xi32>
          %mul3A_1457 = arith.constant 16 : i32
          %mul3A_1458 = arith.muli %while3A_1132, %mul3A_1457 : i32
          %add3A_1459 = arith.constant 13 : i32
          %add3A_1460 = arith.addi %mul3A_1458, %add3A_1459 : i32
          %add3A_1461 = vector.broadcast %add3A_1460 : i32 to vector<16xi32>
          %add3A_1462 = arith.addi %broadcast_in_dim3A_3, %add3A_1461 : vector<16xi32>
          %gather3A_1463 = tpu.vector_load_idx %arg7[%add3A_1462] : memref<2048xi32, #tpu.memory_space<vmem>>[vector<16xi32>], vector<16xi32>,
          %add3A_1464 = vector.broadcast %add3A_1460 : i32 to vector<16xi32>
          %add3A_1465 = arith.addi %broadcast_in_dim3A_3, %add3A_1464 : vector<16xi32>
          %lt3A_1466 = arith.cmpi slt, %add3A_1465, %scan3A_821 : vector<16xi32>
          %mul3A_1467 = arith.constant 16 : i32
          %mul3A_1468 = vector.broadcast %mul3A_1467 : i32 to vector<16xi32>
          %mul3A_1469 = arith.muli %gather3A_1463, %mul3A_1468 : vector<16xi32>
          %add3A_1470 = arith.addi %mul3A_1469, %iota3A : vector<16xi32>
          %gather3A_1471 = tpu.vector_load_idx %arg4[%add3A_1470] : memref<32784xf32, #tpu.memory_space<vmem>>[vector<16xi32>], vector<16xf32>,
          %ge3A_1472 = arith.cmpf oge, %gather3A_1471, %broadcast_in_dim3A_70 : vector<16xf32>
          %and3A_1473 = arith.andi %ge3A_1472, %lt3A_1466 : vector<16xi1>
          %select_n3A_1474 = arith.select %and3A_1473, %broadcast_in_dim3A_1, %broadcast_in_dim3A_3 : vector<16xi1>, vector<16xi32>
          %broadcast_in_dim3A_1475 = arith.constant true
          %broadcast_in_dim3A_1476 = vector.broadcast %broadcast_in_dim3A_1475 : i1 to vector<16xi1>
          %masked_cumsum3A_1477 = tpu.scan <sum>, %select_n3A_1474 masked %broadcast_in_dim3A_1476 : vector<16xi32>, vector<16xi1> -> vector<16xi32>
          %add3A_1478 = arith.addi %add3A_1456, %masked_cumsum3A_1477 : vector<16xi32>
          %sub3A_1479 = arith.subi %add3A_1478, %select_n3A_1474 : vector<16xi32>
          tpu.vector_store_idx %arg5[%sub3A_1479], %add3A_1470 masked %and3A_1473 : memref<32768xi32, #tpu.memory_space<vmem>>[vector<16xi32>], vector<16xi32>, vector<16xi1>
          %all_reduce_population_count3A_1480 = tpu.all_reduce %and3A_1473 {dim = 0 : i64, kind = #tpu.reduction_kind<sum>} : vector<16xi1> -> vector<16xi32>
          %add3A_1481 = arith.addi %add3A_1456, %all_reduce_population_count3A_1480 : vector<16xi32>
          %mul3A_1482 = arith.constant 16 : i32
          %mul3A_1483 = arith.muli %while3A_1132, %mul3A_1482 : i32
          %add3A_1484 = arith.constant 14 : i32
          %add3A_1485 = arith.addi %mul3A_1483, %add3A_1484 : i32
          %add3A_1486 = vector.broadcast %add3A_1485 : i32 to vector<16xi32>
          %add3A_1487 = arith.addi %broadcast_in_dim3A_3, %add3A_1486 : vector<16xi32>
          %gather3A_1488 = tpu.vector_load_idx %arg7[%add3A_1487] : memref<2048xi32, #tpu.memory_space<vmem>>[vector<16xi32>], vector<16xi32>,
          %add3A_1489 = vector.broadcast %add3A_1485 : i32 to vector<16xi32>
          %add3A_1490 = arith.addi %broadcast_in_dim3A_3, %add3A_1489 : vector<16xi32>
          %lt3A_1491 = arith.cmpi slt, %add3A_1490, %scan3A_821 : vector<16xi32>
          %mul3A_1492 = arith.constant 16 : i32
          %mul3A_1493 = vector.broadcast %mul3A_1492 : i32 to vector<16xi32>
          %mul3A_1494 = arith.muli %gather3A_1488, %mul3A_1493 : vector<16xi32>
          %add3A_1495 = arith.addi %mul3A_1494, %iota3A : vector<16xi32>
          %gather3A_1496 = tpu.vector_load_idx %arg4[%add3A_1495] : memref<32784xf32, #tpu.memory_space<vmem>>[vector<16xi32>], vector<16xf32>,
          %ge3A_1497 = arith.cmpf oge, %gather3A_1496, %broadcast_in_dim3A_70 : vector<16xf32>
          %and3A_1498 = arith.andi %ge3A_1497, %lt3A_1491 : vector<16xi1>
          %select_n3A_1499 = arith.select %and3A_1498, %broadcast_in_dim3A_1, %broadcast_in_dim3A_3 : vector<16xi1>, vector<16xi32>
          %broadcast_in_dim3A_1500 = arith.constant true
          %broadcast_in_dim3A_1501 = vector.broadcast %broadcast_in_dim3A_1500 : i1 to vector<16xi1>
          %masked_cumsum3A_1502 = tpu.scan <sum>, %select_n3A_1499 masked %broadcast_in_dim3A_1501 : vector<16xi32>, vector<16xi1> -> vector<16xi32>
          %add3A_1503 = arith.addi %add3A_1481, %masked_cumsum3A_1502 : vector<16xi32>
          %sub3A_1504 = arith.subi %add3A_1503, %select_n3A_1499 : vector<16xi32>
          tpu.vector_store_idx %arg5[%sub3A_1504], %add3A_1495 masked %and3A_1498 : memref<32768xi32, #tpu.memory_space<vmem>>[vector<16xi32>], vector<16xi32>, vector<16xi1>
          %all_reduce_population_count3A_1505 = tpu.all_reduce %and3A_1498 {dim = 0 : i64, kind = #tpu.reduction_kind<sum>} : vector<16xi1> -> vector<16xi32>
          %add3A_1506 = arith.addi %add3A_1481, %all_reduce_population_count3A_1505 : vector<16xi32>
          %mul3A_1507 = arith.constant 16 : i32
          %mul3A_1508 = arith.muli %while3A_1132, %mul3A_1507 : i32
          %add3A_1509 = arith.constant 15 : i32
          %add3A_1510 = arith.addi %mul3A_1508, %add3A_1509 : i32
          %add3A_1511 = vector.broadcast %add3A_1510 : i32 to vector<16xi32>
          %add3A_1512 = arith.addi %broadcast_in_dim3A_3, %add3A_1511 : vector<16xi32>
          %gather3A_1513 = tpu.vector_load_idx %arg7[%add3A_1512] : memref<2048xi32, #tpu.memory_space<vmem>>[vector<16xi32>], vector<16xi32>,
          %add3A_1514 = vector.broadcast %add3A_1510 : i32 to vector<16xi32>
          %add3A_1515 = arith.addi %broadcast_in_dim3A_3, %add3A_1514 : vector<16xi32>
          %lt3A_1516 = arith.cmpi slt, %add3A_1515, %scan3A_821 : vector<16xi32>
          %mul3A_1517 = arith.constant 16 : i32
          %mul3A_1518 = vector.broadcast %mul3A_1517 : i32 to vector<16xi32>
          %mul3A_1519 = arith.muli %gather3A_1513, %mul3A_1518 : vector<16xi32>
          %add3A_1520 = arith.addi %mul3A_1519, %iota3A : vector<16xi32>
          %gather3A_1521 = tpu.vector_load_idx %arg4[%add3A_1520] : memref<32784xf32, #tpu.memory_space<vmem>>[vector<16xi32>], vector<16xf32>,
          %ge3A_1522 = arith.cmpf oge, %gather3A_1521, %broadcast_in_dim3A_70 : vector<16xf32>
          %and3A_1523 = arith.andi %ge3A_1522, %lt3A_1516 : vector<16xi1>
          %select_n3A_1524 = arith.select %and3A_1523, %broadcast_in_dim3A_1, %broadcast_in_dim3A_3 : vector<16xi1>, vector<16xi32>
          %broadcast_in_dim3A_1525 = arith.constant true
          %broadcast_in_dim3A_1526 = vector.broadcast %broadcast_in_dim3A_1525 : i1 to vector<16xi1>
          %masked_cumsum3A_1527 = tpu.scan <sum>, %select_n3A_1524 masked %broadcast_in_dim3A_1526 : vector<16xi32>, vector<16xi1> -> vector<16xi32>
          %add3A_1528 = arith.addi %add3A_1506, %masked_cumsum3A_1527 : vector<16xi32>
          %sub3A_1529 = arith.subi %add3A_1528, %select_n3A_1524 : vector<16xi32>
          tpu.vector_store_idx %arg5[%sub3A_1529], %add3A_1520 masked %and3A_1523 : memref<32768xi32, #tpu.memory_space<vmem>>[vector<16xi32>], vector<16xi32>, vector<16xi1>
          %all_reduce_population_count3A_1530 = tpu.all_reduce %and3A_1523 {dim = 0 : i64, kind = #tpu.reduction_kind<sum>} : vector<16xi1> -> vector<16xi32>
          %add3A_1531 = arith.addi %add3A_1506, %all_reduce_population_count3A_1530 : vector<16xi32>
          scf.yield %add3A_1531 : vector<16xi32>
        }
        %ge3A_1115 = arith.cmpi sge, %while3A_1114, %broadcast_in_dim3A_7 : vector<16xi32>
        %reduce_or3A_1116 = arith.constant 1.000000e+00 : f32
        %reduce_or3A_1117 = arith.constant 0.000000e+00 : f32
        %reduce_or3A_1118 = vector.broadcast %reduce_or3A_1116 : f32 to vector<16xf32>
        %reduce_or3A_1119 = vector.broadcast %reduce_or3A_1117 : f32 to vector<16xf32>
        %reduce_or3A_1120 = arith.select %ge3A_1115, %reduce_or3A_1118, %reduce_or3A_1119 : vector<16xi1>, vector<16xf32>
        %reduce_or3A_1121 = arith.constant true
        %reduce_or3A_1122 = vector.broadcast %reduce_or3A_1121 : i1 to vector<16xi1>
        %reduce_or3A_1123 = tpu.scan <max>, %reduce_or3A_1120 masked %reduce_or3A_1122 : vector<16xf32>, vector<16xi1> -> vector<16xf32>
        %reduce_or3A_1124 = vector.extract %reduce_or3A_1123[15] : f32 from vector<16xf32>
        %reduce_or3A_1125 = arith.constant 0.000000e+00 : f32
        %reduce_or3A_1126 = arith.cmpf ogt, %reduce_or3A_1124, %reduce_or3A_1125 : f32
        %convert_element_type3A_1127 = arith.extui %reduce_or3A_1126 : i1 to i32
        %cond3A_1128 = arith.constant 0 : i32
        %cond3A_1129 = arith.constant 0 : i32
        %cond3A_1130 = arith.cmpi ne, %convert_element_type3A_1127, %cond3A_1129 : i32
        %cond3A_1131:2 = scf.if %cond3A_1130 -> (vector<16xi32>, vector<16xi32>) {
          %broadcast_in_dim3A_1132 = arith.constant 1065353216 : i32
          %broadcast_in_dim3A_1133 = vector.broadcast %broadcast_in_dim3A_1132 : i32 to vector<16xi32>
          scf.yield %while3A_1114, %broadcast_in_dim3A_1133 : vector<16xi32>, vector<16xi32>
        } else {
          "tpu.region"() ({
            %run_scoped3A = tpu.sem_alloc : memref<!tpu.dma_semaphore, #tpu.memory_space<semaphore_mem>>
            %dma_start3A_1430 = arith.constant 0 : i32
            %dma_start3A_1431 = tpu.memref_slice %arg4[%dma_start3A_1430] : memref<32784xf32, #tpu.memory_space<vmem>> -> memref<32768xf32, #tpu.memory_space<vmem>>
            %dma_start3A_1432 = arith.constant 0 : i32
            %dma_start3A_1433 = tpu.memref_slice %arg2[%add3A_56, %dma_start3A_1432] : memref<128x32768xf32, #tpu.memory_space<hbm>> -> memref<1x32768xf32, #tpu.memory_space<hbm>>
            %dma_start3A_1434 = tpu.memref_squeeze %dma_start3A_1433 : memref<1x32768xf32, #tpu.memory_space<hbm>> -> memref<32768xf32, #tpu.memory_space<hbm>>
            %dma_start3A_1435 = arith.constant 0 : i32
            %dma_start3A_1436 = tpu.memref_slice %arg4[%dma_start3A_1435] : memref<32784xf32, #tpu.memory_space<vmem>> -> memref<32768xf32, #tpu.memory_space<vmem>>
            %dma_start3A_1437 = arith.constant 0 : i32
            %dma_start3A_1438 = tpu.memref_slice %arg2[%add3A_56, %dma_start3A_1437] : memref<128x32768xf32, #tpu.memory_space<hbm>> -> memref<1x32768xf32, #tpu.memory_space<hbm>>
            %dma_start3A_1439 = tpu.memref_squeeze %dma_start3A_1438 : memref<1x32768xf32, #tpu.memory_space<hbm>> -> memref<32768xf32, #tpu.memory_space<hbm>>
            tpu.enqueue_dma source(%dma_start3A_1439 : memref<32768xf32, #tpu.memory_space<hbm>>) target(%dma_start3A_1436 : memref<32768xf32, #tpu.memory_space<vmem>>) target_semaphore(%run_scoped3A : memref<!tpu.dma_semaphore, #tpu.memory_space<semaphore_mem>>)
            %dma_wait3A_1440 = arith.constant 0 : i32
            %dma_wait3A_1441 = tpu.memref_slice %arg4[%dma_wait3A_1440] : memref<32784xf32, #tpu.memory_space<vmem>> -> memref<32768xf32, #tpu.memory_space<vmem>>
            %dma_wait3A_1442 = arith.constant 0 : i32
            %dma_wait3A_1443 = tpu.memref_slice %arg2[%add3A_56, %dma_wait3A_1442] : memref<128x32768xf32, #tpu.memory_space<hbm>> -> memref<1x32768xf32, #tpu.memory_space<hbm>>
            %dma_wait3A_1444 = tpu.memref_squeeze %dma_wait3A_1443 : memref<1x32768xf32, #tpu.memory_space<hbm>> -> memref<32768xf32, #tpu.memory_space<hbm>>
            %dma_wait3A_1445 = arith.constant 0 : i32
            %dma_wait3A_1446 = tpu.memref_slice %arg4[%dma_wait3A_1445] : memref<32784xf32, #tpu.memory_space<vmem>> -> memref<32768xf32, #tpu.memory_space<vmem>>
            %dma_wait3A_1447 = arith.constant 0 : i32
            %dma_wait3A_1448 = tpu.memref_slice %arg2[%add3A_56, %dma_wait3A_1447] : memref<128x32768xf32, #tpu.memory_space<hbm>> -> memref<1x32768xf32, #tpu.memory_space<hbm>>
            %dma_wait3A_1449 = tpu.memref_squeeze %dma_wait3A_1448 : memref<1x32768xf32, #tpu.memory_space<hbm>> -> memref<32768xf32, #tpu.memory_space<hbm>>
            tpu.wait_dma2 semaphore(%run_scoped3A : memref<!tpu.dma_semaphore, #tpu.memory_space<semaphore_mem>>) src(%dma_wait3A_1449 : memref<32768xf32, #tpu.memory_space<hbm>>) dst(%dma_wait3A_1446 : memref<32768xf32, #tpu.memory_space<vmem>>)
            tpu.yield
          }) : () -> ()
          %scan3A_1132 = arith.constant 0 : i32
          %scan3A_1133 = arith.constant 256 : i32
          %scan3A_1134 = arith.addi %scan3A_1132, %scan3A_1133 : i32
          %scan3A_1135 = arith.constant 1 : i32
          %scan3A_1136 = scf.for %scan3A_1430 = %scan3A_1132 to %scan3A_1134 step %scan3A_1135 iter_args(%scan3A_1431 = %broadcast_in_dim3A_3) -> (vector<16xi32>)  : i32 {
            %mul3A_1432 = arith.constant 8 : i32
            %mul3A_1433 = arith.muli %scan3A_1430, %mul3A_1432 : i32
            %add3A_1434 = arith.constant 0 : i32
            %add3A_1435 = arith.addi %mul3A_1433, %add3A_1434 : i32
            %mul3A_1436 = arith.constant 16 : i32
            %mul3A_1437 = arith.muli %add3A_1435, %mul3A_1436 : i32
            %get3A = arith.index_cast %mul3A_1437 : i32 to index
            %get3A_1438 = tpu.vector_load %arg4[%get3A] {strides = array<i32>} : memref<32784xf32, #tpu.memory_space<vmem>>, vector<16xf32>,
            %ge3A_1439 = arith.cmpf oge, %get3A_1438, %broadcast_in_dim3A_11 : vector<16xf32>
            %all_reduce_population_count3A = tpu.all_reduce %ge3A_1439 {dim = 0 : i64, kind = #tpu.reduction_kind<sum>} : vector<16xi1> -> vector<16xi32>
            %min3A = arith.minsi %all_reduce_population_count3A, %broadcast_in_dim3A_1 : vector<16xi32>
            %mul3A_1440 = arith.constant 8 : i32
            %mul3A_1441 = arith.muli %scan3A_1430, %mul3A_1440 : i32
            %add3A_1442 = arith.constant 1 : i32
            %add3A_1443 = arith.addi %mul3A_1441, %add3A_1442 : i32
            %mul3A_1444 = arith.constant 16 : i32
            %mul3A_1445 = arith.muli %add3A_1443, %mul3A_1444 : i32
            %get3A_1446 = arith.index_cast %mul3A_1445 : i32 to index
            %get3A_1447 = tpu.vector_load %arg4[%get3A_1446] {strides = array<i32>} : memref<32784xf32, #tpu.memory_space<vmem>>, vector<16xf32>,
            %ge3A_1448 = arith.cmpf oge, %get3A_1447, %broadcast_in_dim3A_11 : vector<16xf32>
            %all_reduce_population_count3A_1449 = tpu.all_reduce %ge3A_1448 {dim = 0 : i64, kind = #tpu.reduction_kind<sum>} : vector<16xi1> -> vector<16xi32>
            %min3A_1450 = arith.minsi %all_reduce_population_count3A_1449, %broadcast_in_dim3A_1 : vector<16xi32>
            %mul3A_1451 = arith.constant 8 : i32
            %mul3A_1452 = arith.muli %scan3A_1430, %mul3A_1451 : i32
            %add3A_1453 = arith.constant 2 : i32
            %add3A_1454 = arith.addi %mul3A_1452, %add3A_1453 : i32
            %mul3A_1455 = arith.constant 16 : i32
            %mul3A_1456 = arith.muli %add3A_1454, %mul3A_1455 : i32
            %get3A_1457 = arith.index_cast %mul3A_1456 : i32 to index
            %get3A_1458 = tpu.vector_load %arg4[%get3A_1457] {strides = array<i32>} : memref<32784xf32, #tpu.memory_space<vmem>>, vector<16xf32>,
            %ge3A_1459 = arith.cmpf oge, %get3A_1458, %broadcast_in_dim3A_11 : vector<16xf32>
            %all_reduce_population_count3A_1460 = tpu.all_reduce %ge3A_1459 {dim = 0 : i64, kind = #tpu.reduction_kind<sum>} : vector<16xi1> -> vector<16xi32>
            %min3A_1461 = arith.minsi %all_reduce_population_count3A_1460, %broadcast_in_dim3A_1 : vector<16xi32>
            %mul3A_1462 = arith.constant 8 : i32
            %mul3A_1463 = arith.muli %scan3A_1430, %mul3A_1462 : i32
            %add3A_1464 = arith.constant 3 : i32
            %add3A_1465 = arith.addi %mul3A_1463, %add3A_1464 : i32
            %mul3A_1466 = arith.constant 16 : i32
            %mul3A_1467 = arith.muli %add3A_1465, %mul3A_1466 : i32
            %get3A_1468 = arith.index_cast %mul3A_1467 : i32 to index
            %get3A_1469 = tpu.vector_load %arg4[%get3A_1468] {strides = array<i32>} : memref<32784xf32, #tpu.memory_space<vmem>>, vector<16xf32>,
            %ge3A_1470 = arith.cmpf oge, %get3A_1469, %broadcast_in_dim3A_11 : vector<16xf32>
            %all_reduce_population_count3A_1471 = tpu.all_reduce %ge3A_1470 {dim = 0 : i64, kind = #tpu.reduction_kind<sum>} : vector<16xi1> -> vector<16xi32>
            %min3A_1472 = arith.minsi %all_reduce_population_count3A_1471, %broadcast_in_dim3A_1 : vector<16xi32>
            %mul3A_1473 = arith.constant 8 : i32
            %mul3A_1474 = arith.muli %scan3A_1430, %mul3A_1473 : i32
            %add3A_1475 = arith.constant 4 : i32
            %add3A_1476 = arith.addi %mul3A_1474, %add3A_1475 : i32
            %mul3A_1477 = arith.constant 16 : i32
            %mul3A_1478 = arith.muli %add3A_1476, %mul3A_1477 : i32
            %get3A_1479 = arith.index_cast %mul3A_1478 : i32 to index
            %get3A_1480 = tpu.vector_load %arg4[%get3A_1479] {strides = array<i32>} : memref<32784xf32, #tpu.memory_space<vmem>>, vector<16xf32>,
            %ge3A_1481 = arith.cmpf oge, %get3A_1480, %broadcast_in_dim3A_11 : vector<16xf32>
            %all_reduce_population_count3A_1482 = tpu.all_reduce %ge3A_1481 {dim = 0 : i64, kind = #tpu.reduction_kind<sum>} : vector<16xi1> -> vector<16xi32>
            %min3A_1483 = arith.minsi %all_reduce_population_count3A_1482, %broadcast_in_dim3A_1 : vector<16xi32>
            %mul3A_1484 = arith.constant 8 : i32
            %mul3A_1485 = arith.muli %scan3A_1430, %mul3A_1484 : i32
            %add3A_1486 = arith.constant 5 : i32
            %add3A_1487 = arith.addi %mul3A_1485, %add3A_1486 : i32
            %mul3A_1488 = arith.constant 16 : i32
            %mul3A_1489 = arith.muli %add3A_1487, %mul3A_1488 : i32
            %get3A_1490 = arith.index_cast %mul3A_1489 : i32 to index
            %get3A_1491 = tpu.vector_load %arg4[%get3A_1490] {strides = array<i32>} : memref<32784xf32, #tpu.memory_space<vmem>>, vector<16xf32>,
            %ge3A_1492 = arith.cmpf oge, %get3A_1491, %broadcast_in_dim3A_11 : vector<16xf32>
            %all_reduce_population_count3A_1493 = tpu.all_reduce %ge3A_1492 {dim = 0 : i64, kind = #tpu.reduction_kind<sum>} : vector<16xi1> -> vector<16xi32>
            %min3A_1494 = arith.minsi %all_reduce_population_count3A_1493, %broadcast_in_dim3A_1 : vector<16xi32>
            %mul3A_1495 = arith.constant 8 : i32
            %mul3A_1496 = arith.muli %scan3A_1430, %mul3A_1495 : i32
            %add3A_1497 = arith.constant 6 : i32
            %add3A_1498 = arith.addi %mul3A_1496, %add3A_1497 : i32
            %mul3A_1499 = arith.constant 16 : i32
            %mul3A_1500 = arith.muli %add3A_1498, %mul3A_1499 : i32
            %get3A_1501 = arith.index_cast %mul3A_1500 : i32 to index
            %get3A_1502 = tpu.vector_load %arg4[%get3A_1501] {strides = array<i32>} : memref<32784xf32, #tpu.memory_space<vmem>>, vector<16xf32>,
            %ge3A_1503 = arith.cmpf oge, %get3A_1502, %broadcast_in_dim3A_11 : vector<16xf32>
            %all_reduce_population_count3A_1504 = tpu.all_reduce %ge3A_1503 {dim = 0 : i64, kind = #tpu.reduction_kind<sum>} : vector<16xi1> -> vector<16xi32>
            %min3A_1505 = arith.minsi %all_reduce_population_count3A_1504, %broadcast_in_dim3A_1 : vector<16xi32>
            %mul3A_1506 = arith.constant 8 : i32
            %mul3A_1507 = arith.muli %scan3A_1430, %mul3A_1506 : i32
            %add3A_1508 = arith.constant 7 : i32
            %add3A_1509 = arith.addi %mul3A_1507, %add3A_1508 : i32
            %mul3A_1510 = arith.constant 16 : i32
            %mul3A_1511 = arith.muli %add3A_1509, %mul3A_1510 : i32
            %get3A_1512 = arith.index_cast %mul3A_1511 : i32 to index
            %get3A_1513 = tpu.vector_load %arg4[%get3A_1512] {strides = array<i32>} : memref<32784xf32, #tpu.memory_space<vmem>>, vector<16xf32>,
            %ge3A_1514 = arith.cmpf oge, %get3A_1513, %broadcast_in_dim3A_11 : vector<16xf32>
            %all_reduce_population_count3A_1515 = tpu.all_reduce %ge3A_1514 {dim = 0 : i64, kind = #tpu.reduction_kind<sum>} : vector<16xi1> -> vector<16xi32>
            %min3A_1516 = arith.minsi %all_reduce_population_count3A_1515, %broadcast_in_dim3A_1 : vector<16xi32>
            %add3A_1517 = arith.addi %scan3A_1431, %min3A : vector<16xi32>
            %add3A_1518 = arith.addi %add3A_1517, %min3A_1450 : vector<16xi32>
            %add3A_1519 = arith.addi %add3A_1518, %min3A_1461 : vector<16xi32>
            %add3A_1520 = arith.addi %add3A_1519, %min3A_1472 : vector<16xi32>
            %add3A_1521 = arith.addi %add3A_1520, %min3A_1483 : vector<16xi32>
            %add3A_1522 = arith.addi %add3A_1521, %min3A_1494 : vector<16xi32>
            %add3A_1523 = arith.addi %add3A_1522, %min3A_1505 : vector<16xi32>
            %mul3A_1524 = arith.constant 8 : i32
            %mul3A_1525 = arith.muli %scan3A_1430, %mul3A_1524 : i32
            %add3A_1526 = arith.constant 0 : i32
            %add3A_1527 = arith.addi %mul3A_1525, %add3A_1526 : i32
            %add3A_1528 = vector.broadcast %add3A_1527 : i32 to vector<16xi32>
            %add3A_1529 = arith.addi %broadcast_in_dim3A_3, %add3A_1528 : vector<16xi32>
            tpu.vector_store_idx %arg7[%scan3A_1431], %add3A_1529 masked %lt3A : memref<2048xi32, #tpu.memory_space<vmem>>[vector<16xi32>], vector<16xi32>, vector<16xi1>
            %mul3A_1530 = arith.constant 8 : i32
            %mul3A_1531 = arith.muli %scan3A_1430, %mul3A_1530 : i32
            %add3A_1532 = arith.constant 1 : i32
            %add3A_1533 = arith.addi %mul3A_1531, %add3A_1532 : i32
            %add3A_1534 = vector.broadcast %add3A_1533 : i32 to vector<16xi32>
            %add3A_1535 = arith.addi %broadcast_in_dim3A_3, %add3A_1534 : vector<16xi32>
            tpu.vector_store_idx %arg7[%add3A_1517], %add3A_1535 masked %lt3A : memref<2048xi32, #tpu.memory_space<vmem>>[vector<16xi32>], vector<16xi32>, vector<16xi1>
            %mul3A_1536 = arith.constant 8 : i32
            %mul3A_1537 = arith.muli %scan3A_1430, %mul3A_1536 : i32
            %add3A_1538 = arith.constant 2 : i32
            %add3A_1539 = arith.addi %mul3A_1537, %add3A_1538 : i32
            %add3A_1540 = vector.broadcast %add3A_1539 : i32 to vector<16xi32>
            %add3A_1541 = arith.addi %broadcast_in_dim3A_3, %add3A_1540 : vector<16xi32>
            tpu.vector_store_idx %arg7[%add3A_1518], %add3A_1541 masked %lt3A : memref<2048xi32, #tpu.memory_space<vmem>>[vector<16xi32>], vector<16xi32>, vector<16xi1>
            %mul3A_1542 = arith.constant 8 : i32
            %mul3A_1543 = arith.muli %scan3A_1430, %mul3A_1542 : i32
            %add3A_1544 = arith.constant 3 : i32
            %add3A_1545 = arith.addi %mul3A_1543, %add3A_1544 : i32
            %add3A_1546 = vector.broadcast %add3A_1545 : i32 to vector<16xi32>
            %add3A_1547 = arith.addi %broadcast_in_dim3A_3, %add3A_1546 : vector<16xi32>
            tpu.vector_store_idx %arg7[%add3A_1519], %add3A_1547 masked %lt3A : memref<2048xi32, #tpu.memory_space<vmem>>[vector<16xi32>], vector<16xi32>, vector<16xi1>
            %mul3A_1548 = arith.constant 8 : i32
            %mul3A_1549 = arith.muli %scan3A_1430, %mul3A_1548 : i32
            %add3A_1550 = arith.constant 4 : i32
            %add3A_1551 = arith.addi %mul3A_1549, %add3A_1550 : i32
            %add3A_1552 = vector.broadcast %add3A_1551 : i32 to vector<16xi32>
            %add3A_1553 = arith.addi %broadcast_in_dim3A_3, %add3A_1552 : vector<16xi32>
            tpu.vector_store_idx %arg7[%add3A_1520], %add3A_1553 masked %lt3A : memref<2048xi32, #tpu.memory_space<vmem>>[vector<16xi32>], vector<16xi32>, vector<16xi1>
            %mul3A_1554 = arith.constant 8 : i32
            %mul3A_1555 = arith.muli %scan3A_1430, %mul3A_1554 : i32
            %add3A_1556 = arith.constant 5 : i32
            %add3A_1557 = arith.addi %mul3A_1555, %add3A_1556 : i32
            %add3A_1558 = vector.broadcast %add3A_1557 : i32 to vector<16xi32>
            %add3A_1559 = arith.addi %broadcast_in_dim3A_3, %add3A_1558 : vector<16xi32>
            tpu.vector_store_idx %arg7[%add3A_1521], %add3A_1559 masked %lt3A : memref<2048xi32, #tpu.memory_space<vmem>>[vector<16xi32>], vector<16xi32>, vector<16xi1>
            %mul3A_1560 = arith.constant 8 : i32
            %mul3A_1561 = arith.muli %scan3A_1430, %mul3A_1560 : i32
            %add3A_1562 = arith.constant 6 : i32
            %add3A_1563 = arith.addi %mul3A_1561, %add3A_1562 : i32
            %add3A_1564 = vector.broadcast %add3A_1563 : i32 to vector<16xi32>
            %add3A_1565 = arith.addi %broadcast_in_dim3A_3, %add3A_1564 : vector<16xi32>
            tpu.vector_store_idx %arg7[%add3A_1522], %add3A_1565 masked %lt3A : memref<2048xi32, #tpu.memory_space<vmem>>[vector<16xi32>], vector<16xi32>, vector<16xi1>
            %mul3A_1566 = arith.constant 8 : i32
            %mul3A_1567 = arith.muli %scan3A_1430, %mul3A_1566 : i32
            %add3A_1568 = arith.constant 7 : i32
            %add3A_1569 = arith.addi %mul3A_1567, %add3A_1568 : i32
            %add3A_1570 = vector.broadcast %add3A_1569 : i32 to vector<16xi32>
            %add3A_1571 = arith.addi %broadcast_in_dim3A_3, %add3A_1570 : vector<16xi32>
            tpu.vector_store_idx %arg7[%add3A_1523], %add3A_1571 masked %lt3A : memref<2048xi32, #tpu.memory_space<vmem>>[vector<16xi32>], vector<16xi32>, vector<16xi1>
            %add3A_1572 = arith.addi %min3A, %min3A_1450 : vector<16xi32>
            %add3A_1573 = arith.addi %min3A_1461, %min3A_1472 : vector<16xi32>
            %add3A_1574 = arith.addi %min3A_1483, %min3A_1494 : vector<16xi32>
            %add3A_1575 = arith.addi %min3A_1505, %min3A_1516 : vector<16xi32>
            %add3A_1576 = arith.addi %add3A_1572, %add3A_1573 : vector<16xi32>
            %add3A_1577 = arith.addi %add3A_1574, %add3A_1575 : vector<16xi32>
            %add3A_1578 = arith.addi %scan3A_1431, %add3A_1576 : vector<16xi32>
            %add3A_1579 = arith.addi %add3A_1578, %add3A_1577 : vector<16xi32>
            scf.yield %add3A_1579 : vector<16xi32>
          }
          %scan3A_1137 = arith.constant 256 : i32
          %and3A_1138 = arith.constant 1 : i32
          %and3A_1139 = vector.broadcast %and3A_1138 : i32 to vector<16xi32>
          %and3A_1140 = arith.andi %scan3A_1136, %and3A_1139 : vector<16xi32>
          %ne3A_1141 = arith.constant 0 : i32
          %ne3A_1142 = vector.broadcast %ne3A_1141 : i32 to vector<16xi32>
          %ne3A_1143 = arith.cmpi ne, %and3A_1140, %ne3A_1142 : vector<16xi32>
          %reduce_or3A_1144 = arith.constant 1.000000e+00 : f32
          %reduce_or3A_1145 = arith.constant 0.000000e+00 : f32
          %reduce_or3A_1146 = vector.broadcast %reduce_or3A_1144 : f32 to vector<16xf32>
          %reduce_or3A_1147 = vector.broadcast %reduce_or3A_1145 : f32 to vector<16xf32>
          %reduce_or3A_1148 = arith.select %ne3A_1143, %reduce_or3A_1146, %reduce_or3A_1147 : vector<16xi1>, vector<16xf32>
          %reduce_or3A_1149 = arith.constant true
          %reduce_or3A_1150 = vector.broadcast %reduce_or3A_1149 : i1 to vector<16xi1>
          %reduce_or3A_1151 = tpu.scan <max>, %reduce_or3A_1148 masked %reduce_or3A_1150 : vector<16xf32>, vector<16xi1> -> vector<16xf32>
          %reduce_or3A_1152 = vector.extract %reduce_or3A_1151[15] : f32 from vector<16xf32>
          %reduce_or3A_1153 = arith.constant 0.000000e+00 : f32
          %reduce_or3A_1154 = arith.cmpf ogt, %reduce_or3A_1152, %reduce_or3A_1153 : f32
          %jit3A_1155 = arith.constant 1 : i32
          %jit3A_1156 = arith.constant 0 : i32
          %select_n3A_1157 = arith.select %reduce_or3A_1154, %jit3A_1155, %jit3A_1156 : i32
          %add3A_1158 = arith.constant 0 : i32
          %add3A_1159 = arith.addi %add3A_1158, %select_n3A_1157 : i32
          %and3A_1160 = arith.constant 2 : i32
          %and3A_1161 = vector.broadcast %and3A_1160 : i32 to vector<16xi32>
          %and3A_1162 = arith.andi %scan3A_1136, %and3A_1161 : vector<16xi32>
          %ne3A_1163 = arith.constant 0 : i32
          %ne3A_1164 = vector.broadcast %ne3A_1163 : i32 to vector<16xi32>
          %ne3A_1165 = arith.cmpi ne, %and3A_1162, %ne3A_1164 : vector<16xi32>
          %reduce_or3A_1166 = arith.constant 1.000000e+00 : f32
          %reduce_or3A_1167 = arith.constant 0.000000e+00 : f32
          %reduce_or3A_1168 = vector.broadcast %reduce_or3A_1166 : f32 to vector<16xf32>
          %reduce_or3A_1169 = vector.broadcast %reduce_or3A_1167 : f32 to vector<16xf32>
          %reduce_or3A_1170 = arith.select %ne3A_1165, %reduce_or3A_1168, %reduce_or3A_1169 : vector<16xi1>, vector<16xf32>
          %reduce_or3A_1171 = arith.constant true
          %reduce_or3A_1172 = vector.broadcast %reduce_or3A_1171 : i1 to vector<16xi1>
          %reduce_or3A_1173 = tpu.scan <max>, %reduce_or3A_1170 masked %reduce_or3A_1172 : vector<16xf32>, vector<16xi1> -> vector<16xf32>
          %reduce_or3A_1174 = vector.extract %reduce_or3A_1173[15] : f32 from vector<16xf32>
          %reduce_or3A_1175 = arith.constant 0.000000e+00 : f32
          %reduce_or3A_1176 = arith.cmpf ogt, %reduce_or3A_1174, %reduce_or3A_1175 : f32
          %jit3A_1177 = arith.constant 2 : i32
          %jit3A_1178 = arith.constant 0 : i32
          %select_n3A_1179 = arith.select %reduce_or3A_1176, %jit3A_1177, %jit3A_1178 : i32
          %add3A_1180 = arith.addi %add3A_1159, %select_n3A_1179 : i32
          %and3A_1181 = arith.constant 4 : i32
          %and3A_1182 = vector.broadcast %and3A_1181 : i32 to vector<16xi32>
          %and3A_1183 = arith.andi %scan3A_1136, %and3A_1182 : vector<16xi32>
          %ne3A_1184 = arith.constant 0 : i32
          %ne3A_1185 = vector.broadcast %ne3A_1184 : i32 to vector<16xi32>
          %ne3A_1186 = arith.cmpi ne, %and3A_1183, %ne3A_1185 : vector<16xi32>
          %reduce_or3A_1187 = arith.constant 1.000000e+00 : f32
          %reduce_or3A_1188 = arith.constant 0.000000e+00 : f32
          %reduce_or3A_1189 = vector.broadcast %reduce_or3A_1187 : f32 to vector<16xf32>
          %reduce_or3A_1190 = vector.broadcast %reduce_or3A_1188 : f32 to vector<16xf32>
          %reduce_or3A_1191 = arith.select %ne3A_1186, %reduce_or3A_1189, %reduce_or3A_1190 : vector<16xi1>, vector<16xf32>
          %reduce_or3A_1192 = arith.constant true
          %reduce_or3A_1193 = vector.broadcast %reduce_or3A_1192 : i1 to vector<16xi1>
          %reduce_or3A_1194 = tpu.scan <max>, %reduce_or3A_1191 masked %reduce_or3A_1193 : vector<16xf32>, vector<16xi1> -> vector<16xf32>
          %reduce_or3A_1195 = vector.extract %reduce_or3A_1194[15] : f32 from vector<16xf32>
          %reduce_or3A_1196 = arith.constant 0.000000e+00 : f32
          %reduce_or3A_1197 = arith.cmpf ogt, %reduce_or3A_1195, %reduce_or3A_1196 : f32
          %jit3A_1198 = arith.constant 4 : i32
          %jit3A_1199 = arith.constant 0 : i32
          %select_n3A_1200 = arith.select %reduce_or3A_1197, %jit3A_1198, %jit3A_1199 : i32
          %add3A_1201 = arith.addi %add3A_1180, %select_n3A_1200 : i32
          %and3A_1202 = arith.constant 8 : i32
          %and3A_1203 = vector.broadcast %and3A_1202 : i32 to vector<16xi32>
          %and3A_1204 = arith.andi %scan3A_1136, %and3A_1203 : vector<16xi32>
          %ne3A_1205 = arith.constant 0 : i32
          %ne3A_1206 = vector.broadcast %ne3A_1205 : i32 to vector<16xi32>
          %ne3A_1207 = arith.cmpi ne, %and3A_1204, %ne3A_1206 : vector<16xi32>
          %reduce_or3A_1208 = arith.constant 1.000000e+00 : f32
          %reduce_or3A_1209 = arith.constant 0.000000e+00 : f32
          %reduce_or3A_1210 = vector.broadcast %reduce_or3A_1208 : f32 to vector<16xf32>
          %reduce_or3A_1211 = vector.broadcast %reduce_or3A_1209 : f32 to vector<16xf32>
          %reduce_or3A_1212 = arith.select %ne3A_1207, %reduce_or3A_1210, %reduce_or3A_1211 : vector<16xi1>, vector<16xf32>
          %reduce_or3A_1213 = arith.constant true
          %reduce_or3A_1214 = vector.broadcast %reduce_or3A_1213 : i1 to vector<16xi1>
          %reduce_or3A_1215 = tpu.scan <max>, %reduce_or3A_1212 masked %reduce_or3A_1214 : vector<16xf32>, vector<16xi1> -> vector<16xf32>
          %reduce_or3A_1216 = vector.extract %reduce_or3A_1215[15] : f32 from vector<16xf32>
          %reduce_or3A_1217 = arith.constant 0.000000e+00 : f32
          %reduce_or3A_1218 = arith.cmpf ogt, %reduce_or3A_1216, %reduce_or3A_1217 : f32
          %jit3A_1219 = arith.constant 8 : i32
          %jit3A_1220 = arith.constant 0 : i32
          %select_n3A_1221 = arith.select %reduce_or3A_1218, %jit3A_1219, %jit3A_1220 : i32
          %add3A_1222 = arith.addi %add3A_1201, %select_n3A_1221 : i32
          %and3A_1223 = arith.constant 16 : i32
          %and3A_1224 = vector.broadcast %and3A_1223 : i32 to vector<16xi32>
          %and3A_1225 = arith.andi %scan3A_1136, %and3A_1224 : vector<16xi32>
          %ne3A_1226 = arith.constant 0 : i32
          %ne3A_1227 = vector.broadcast %ne3A_1226 : i32 to vector<16xi32>
          %ne3A_1228 = arith.cmpi ne, %and3A_1225, %ne3A_1227 : vector<16xi32>
          %reduce_or3A_1229 = arith.constant 1.000000e+00 : f32
          %reduce_or3A_1230 = arith.constant 0.000000e+00 : f32
          %reduce_or3A_1231 = vector.broadcast %reduce_or3A_1229 : f32 to vector<16xf32>
          %reduce_or3A_1232 = vector.broadcast %reduce_or3A_1230 : f32 to vector<16xf32>
          %reduce_or3A_1233 = arith.select %ne3A_1228, %reduce_or3A_1231, %reduce_or3A_1232 : vector<16xi1>, vector<16xf32>
          %reduce_or3A_1234 = arith.constant true
          %reduce_or3A_1235 = vector.broadcast %reduce_or3A_1234 : i1 to vector<16xi1>
          %reduce_or3A_1236 = tpu.scan <max>, %reduce_or3A_1233 masked %reduce_or3A_1235 : vector<16xf32>, vector<16xi1> -> vector<16xf32>
          %reduce_or3A_1237 = vector.extract %reduce_or3A_1236[15] : f32 from vector<16xf32>
          %reduce_or3A_1238 = arith.constant 0.000000e+00 : f32
          %reduce_or3A_1239 = arith.cmpf ogt, %reduce_or3A_1237, %reduce_or3A_1238 : f32
          %jit3A_1240 = arith.constant 16 : i32
          %jit3A_1241 = arith.constant 0 : i32
          %select_n3A_1242 = arith.select %reduce_or3A_1239, %jit3A_1240, %jit3A_1241 : i32
          %add3A_1243 = arith.addi %add3A_1222, %select_n3A_1242 : i32
          %and3A_1244 = arith.constant 32 : i32
          %and3A_1245 = vector.broadcast %and3A_1244 : i32 to vector<16xi32>
          %and3A_1246 = arith.andi %scan3A_1136, %and3A_1245 : vector<16xi32>
          %ne3A_1247 = arith.constant 0 : i32
          %ne3A_1248 = vector.broadcast %ne3A_1247 : i32 to vector<16xi32>
          %ne3A_1249 = arith.cmpi ne, %and3A_1246, %ne3A_1248 : vector<16xi32>
          %reduce_or3A_1250 = arith.constant 1.000000e+00 : f32
          %reduce_or3A_1251 = arith.constant 0.000000e+00 : f32
          %reduce_or3A_1252 = vector.broadcast %reduce_or3A_1250 : f32 to vector<16xf32>
          %reduce_or3A_1253 = vector.broadcast %reduce_or3A_1251 : f32 to vector<16xf32>
          %reduce_or3A_1254 = arith.select %ne3A_1249, %reduce_or3A_1252, %reduce_or3A_1253 : vector<16xi1>, vector<16xf32>
          %reduce_or3A_1255 = arith.constant true
          %reduce_or3A_1256 = vector.broadcast %reduce_or3A_1255 : i1 to vector<16xi1>
          %reduce_or3A_1257 = tpu.scan <max>, %reduce_or3A_1254 masked %reduce_or3A_1256 : vector<16xf32>, vector<16xi1> -> vector<16xf32>
          %reduce_or3A_1258 = vector.extract %reduce_or3A_1257[15] : f32 from vector<16xf32>
          %reduce_or3A_1259 = arith.constant 0.000000e+00 : f32
          %reduce_or3A_1260 = arith.cmpf ogt, %reduce_or3A_1258, %reduce_or3A_1259 : f32
          %jit3A_1261 = arith.constant 32 : i32
          %jit3A_1262 = arith.constant 0 : i32
          %select_n3A_1263 = arith.select %reduce_or3A_1260, %jit3A_1261, %jit3A_1262 : i32
          %add3A_1264 = arith.addi %add3A_1243, %select_n3A_1263 : i32
          %and3A_1265 = arith.constant 64 : i32
          %and3A_1266 = vector.broadcast %and3A_1265 : i32 to vector<16xi32>
          %and3A_1267 = arith.andi %scan3A_1136, %and3A_1266 : vector<16xi32>
          %ne3A_1268 = arith.constant 0 : i32
          %ne3A_1269 = vector.broadcast %ne3A_1268 : i32 to vector<16xi32>
          %ne3A_1270 = arith.cmpi ne, %and3A_1267, %ne3A_1269 : vector<16xi32>
          %reduce_or3A_1271 = arith.constant 1.000000e+00 : f32
          %reduce_or3A_1272 = arith.constant 0.000000e+00 : f32
          %reduce_or3A_1273 = vector.broadcast %reduce_or3A_1271 : f32 to vector<16xf32>
          %reduce_or3A_1274 = vector.broadcast %reduce_or3A_1272 : f32 to vector<16xf32>
          %reduce_or3A_1275 = arith.select %ne3A_1270, %reduce_or3A_1273, %reduce_or3A_1274 : vector<16xi1>, vector<16xf32>
          %reduce_or3A_1276 = arith.constant true
          %reduce_or3A_1277 = vector.broadcast %reduce_or3A_1276 : i1 to vector<16xi1>
          %reduce_or3A_1278 = tpu.scan <max>, %reduce_or3A_1275 masked %reduce_or3A_1277 : vector<16xf32>, vector<16xi1> -> vector<16xf32>
          %reduce_or3A_1279 = vector.extract %reduce_or3A_1278[15] : f32 from vector<16xf32>
          %reduce_or3A_1280 = arith.constant 0.000000e+00 : f32
          %reduce_or3A_1281 = arith.cmpf ogt, %reduce_or3A_1279, %reduce_or3A_1280 : f32
          %jit3A_1282 = arith.constant 64 : i32
          %jit3A_1283 = arith.constant 0 : i32
          %select_n3A_1284 = arith.select %reduce_or3A_1281, %jit3A_1282, %jit3A_1283 : i32
          %add3A_1285 = arith.addi %add3A_1264, %select_n3A_1284 : i32
          %and3A_1286 = arith.constant 128 : i32
          %and3A_1287 = vector.broadcast %and3A_1286 : i32 to vector<16xi32>
          %and3A_1288 = arith.andi %scan3A_1136, %and3A_1287 : vector<16xi32>
          %ne3A_1289 = arith.constant 0 : i32
          %ne3A_1290 = vector.broadcast %ne3A_1289 : i32 to vector<16xi32>
          %ne3A_1291 = arith.cmpi ne, %and3A_1288, %ne3A_1290 : vector<16xi32>
          %reduce_or3A_1292 = arith.constant 1.000000e+00 : f32
          %reduce_or3A_1293 = arith.constant 0.000000e+00 : f32
          %reduce_or3A_1294 = vector.broadcast %reduce_or3A_1292 : f32 to vector<16xf32>
          %reduce_or3A_1295 = vector.broadcast %reduce_or3A_1293 : f32 to vector<16xf32>
          %reduce_or3A_1296 = arith.select %ne3A_1291, %reduce_or3A_1294, %reduce_or3A_1295 : vector<16xi1>, vector<16xf32>
          %reduce_or3A_1297 = arith.constant true
          %reduce_or3A_1298 = vector.broadcast %reduce_or3A_1297 : i1 to vector<16xi1>
          %reduce_or3A_1299 = tpu.scan <max>, %reduce_or3A_1296 masked %reduce_or3A_1298 : vector<16xf32>, vector<16xi1> -> vector<16xf32>
          %reduce_or3A_1300 = vector.extract %reduce_or3A_1299[15] : f32 from vector<16xf32>
          %reduce_or3A_1301 = arith.constant 0.000000e+00 : f32
          %reduce_or3A_1302 = arith.cmpf ogt, %reduce_or3A_1300, %reduce_or3A_1301 : f32
          %jit3A_1303 = arith.constant 128 : i32
          %jit3A_1304 = arith.constant 0 : i32
          %select_n3A_1305 = arith.select %reduce_or3A_1302, %jit3A_1303, %jit3A_1304 : i32
          %add3A_1306 = arith.addi %add3A_1285, %select_n3A_1305 : i32
          %and3A_1307 = arith.constant 256 : i32
          %and3A_1308 = vector.broadcast %and3A_1307 : i32 to vector<16xi32>
          %and3A_1309 = arith.andi %scan3A_1136, %and3A_1308 : vector<16xi32>
          %ne3A_1310 = arith.constant 0 : i32
          %ne3A_1311 = vector.broadcast %ne3A_1310 : i32 to vector<16xi32>
          %ne3A_1312 = arith.cmpi ne, %and3A_1309, %ne3A_1311 : vector<16xi32>
          %reduce_or3A_1313 = arith.constant 1.000000e+00 : f32
          %reduce_or3A_1314 = arith.constant 0.000000e+00 : f32
          %reduce_or3A_1315 = vector.broadcast %reduce_or3A_1313 : f32 to vector<16xf32>
          %reduce_or3A_1316 = vector.broadcast %reduce_or3A_1314 : f32 to vector<16xf32>
          %reduce_or3A_1317 = arith.select %ne3A_1312, %reduce_or3A_1315, %reduce_or3A_1316 : vector<16xi1>, vector<16xf32>
          %reduce_or3A_1318 = arith.constant true
          %reduce_or3A_1319 = vector.broadcast %reduce_or3A_1318 : i1 to vector<16xi1>
          %reduce_or3A_1320 = tpu.scan <max>, %reduce_or3A_1317 masked %reduce_or3A_1319 : vector<16xf32>, vector<16xi1> -> vector<16xf32>
          %reduce_or3A_1321 = vector.extract %reduce_or3A_1320[15] : f32 from vector<16xf32>
          %reduce_or3A_1322 = arith.constant 0.000000e+00 : f32
          %reduce_or3A_1323 = arith.cmpf ogt, %reduce_or3A_1321, %reduce_or3A_1322 : f32
          %jit3A_1324 = arith.constant 256 : i32
          %jit3A_1325 = arith.constant 0 : i32
          %select_n3A_1326 = arith.select %reduce_or3A_1323, %jit3A_1324, %jit3A_1325 : i32
          %add3A_1327 = arith.addi %add3A_1306, %select_n3A_1326 : i32
          %and3A_1328 = arith.constant 512 : i32
          %and3A_1329 = vector.broadcast %and3A_1328 : i32 to vector<16xi32>
          %and3A_1330 = arith.andi %scan3A_1136, %and3A_1329 : vector<16xi32>
          %ne3A_1331 = arith.constant 0 : i32
          %ne3A_1332 = vector.broadcast %ne3A_1331 : i32 to vector<16xi32>
          %ne3A_1333 = arith.cmpi ne, %and3A_1330, %ne3A_1332 : vector<16xi32>
          %reduce_or3A_1334 = arith.constant 1.000000e+00 : f32
          %reduce_or3A_1335 = arith.constant 0.000000e+00 : f32
          %reduce_or3A_1336 = vector.broadcast %reduce_or3A_1334 : f32 to vector<16xf32>
          %reduce_or3A_1337 = vector.broadcast %reduce_or3A_1335 : f32 to vector<16xf32>
          %reduce_or3A_1338 = arith.select %ne3A_1333, %reduce_or3A_1336, %reduce_or3A_1337 : vector<16xi1>, vector<16xf32>
          %reduce_or3A_1339 = arith.constant true
          %reduce_or3A_1340 = vector.broadcast %reduce_or3A_1339 : i1 to vector<16xi1>
          %reduce_or3A_1341 = tpu.scan <max>, %reduce_or3A_1338 masked %reduce_or3A_1340 : vector<16xf32>, vector<16xi1> -> vector<16xf32>
          %reduce_or3A_1342 = vector.extract %reduce_or3A_1341[15] : f32 from vector<16xf32>
          %reduce_or3A_1343 = arith.constant 0.000000e+00 : f32
          %reduce_or3A_1344 = arith.cmpf ogt, %reduce_or3A_1342, %reduce_or3A_1343 : f32
          %jit3A_1345 = arith.constant 512 : i32
          %jit3A_1346 = arith.constant 0 : i32
          %select_n3A_1347 = arith.select %reduce_or3A_1344, %jit3A_1345, %jit3A_1346 : i32
          %add3A_1348 = arith.addi %add3A_1327, %select_n3A_1347 : i32
          %and3A_1349 = arith.constant 1024 : i32
          %and3A_1350 = vector.broadcast %and3A_1349 : i32 to vector<16xi32>
          %and3A_1351 = arith.andi %scan3A_1136, %and3A_1350 : vector<16xi32>
          %ne3A_1352 = arith.constant 0 : i32
          %ne3A_1353 = vector.broadcast %ne3A_1352 : i32 to vector<16xi32>
          %ne3A_1354 = arith.cmpi ne, %and3A_1351, %ne3A_1353 : vector<16xi32>
          %reduce_or3A_1355 = arith.constant 1.000000e+00 : f32
          %reduce_or3A_1356 = arith.constant 0.000000e+00 : f32
          %reduce_or3A_1357 = vector.broadcast %reduce_or3A_1355 : f32 to vector<16xf32>
          %reduce_or3A_1358 = vector.broadcast %reduce_or3A_1356 : f32 to vector<16xf32>
          %reduce_or3A_1359 = arith.select %ne3A_1354, %reduce_or3A_1357, %reduce_or3A_1358 : vector<16xi1>, vector<16xf32>
          %reduce_or3A_1360 = arith.constant true
          %reduce_or3A_1361 = vector.broadcast %reduce_or3A_1360 : i1 to vector<16xi1>
          %reduce_or3A_1362 = tpu.scan <max>, %reduce_or3A_1359 masked %reduce_or3A_1361 : vector<16xf32>, vector<16xi1> -> vector<16xf32>
          %reduce_or3A_1363 = vector.extract %reduce_or3A_1362[15] : f32 from vector<16xf32>
          %reduce_or3A_1364 = arith.constant 0.000000e+00 : f32
          %reduce_or3A_1365 = arith.cmpf ogt, %reduce_or3A_1363, %reduce_or3A_1364 : f32
          %jit3A_1366 = arith.constant 1024 : i32
          %jit3A_1367 = arith.constant 0 : i32
          %select_n3A_1368 = arith.select %reduce_or3A_1365, %jit3A_1366, %jit3A_1367 : i32
          %add3A_1369 = arith.addi %add3A_1348, %select_n3A_1368 : i32
          %and3A_1370 = arith.constant 2048 : i32
          %and3A_1371 = vector.broadcast %and3A_1370 : i32 to vector<16xi32>
          %and3A_1372 = arith.andi %scan3A_1136, %and3A_1371 : vector<16xi32>
          %ne3A_1373 = arith.constant 0 : i32
          %ne3A_1374 = vector.broadcast %ne3A_1373 : i32 to vector<16xi32>
          %ne3A_1375 = arith.cmpi ne, %and3A_1372, %ne3A_1374 : vector<16xi32>
          %reduce_or3A_1376 = arith.constant 1.000000e+00 : f32
          %reduce_or3A_1377 = arith.constant 0.000000e+00 : f32
          %reduce_or3A_1378 = vector.broadcast %reduce_or3A_1376 : f32 to vector<16xf32>
          %reduce_or3A_1379 = vector.broadcast %reduce_or3A_1377 : f32 to vector<16xf32>
          %reduce_or3A_1380 = arith.select %ne3A_1375, %reduce_or3A_1378, %reduce_or3A_1379 : vector<16xi1>, vector<16xf32>
          %reduce_or3A_1381 = arith.constant true
          %reduce_or3A_1382 = vector.broadcast %reduce_or3A_1381 : i1 to vector<16xi1>
          %reduce_or3A_1383 = tpu.scan <max>, %reduce_or3A_1380 masked %reduce_or3A_1382 : vector<16xf32>, vector<16xi1> -> vector<16xf32>
          %reduce_or3A_1384 = vector.extract %reduce_or3A_1383[15] : f32 from vector<16xf32>
          %reduce_or3A_1385 = arith.constant 0.000000e+00 : f32
          %reduce_or3A_1386 = arith.cmpf ogt, %reduce_or3A_1384, %reduce_or3A_1385 : f32
          %jit3A_1387 = arith.constant 2048 : i32
          %jit3A_1388 = arith.constant 0 : i32
          %select_n3A_1389 = arith.select %reduce_or3A_1386, %jit3A_1387, %jit3A_1388 : i32
          %add3A_1390 = arith.addi %add3A_1369, %select_n3A_1389 : i32
          %add3A_1391 = arith.constant 16 : i32
          %add3A_1392 = arith.addi %add3A_1390, %add3A_1391 : i32
          %sub3A_1393 = arith.constant 1 : i32
          %sub3A_1394 = arith.subi %add3A_1392, %sub3A_1393 : i32
          %jit3A_1395 = arith.constant 16 : i32
          %div3A_1396 = arith.divsi %sub3A_1394, %jit3A_1395 : i32
          %sign3A_1397 = arith.constant 0 : i32
          %sign3A_1398 = arith.cmpi sgt, %sub3A_1394, %sign3A_1397 : i32
          %sign3A_1399 = arith.extui %sign3A_1398 : i1 to i32
          %sign3A_1400 = arith.constant 0 : i32
          %sign3A_1401 = arith.cmpi slt, %sub3A_1394, %sign3A_1400 : i32
          %sign3A_1402 = arith.extui %sign3A_1401 : i1 to i32
          %sign3A_1403 = arith.subi %sign3A_1399, %sign3A_1402 : i32
          %sign3A_1404 = arith.constant 0 : i32
          %sign3A_1405 = arith.cmpi sgt, %jit3A_1395, %sign3A_1404 : i32
          %sign3A_1406 = arith.extui %sign3A_1405 : i1 to i32
          %sign3A_1407 = arith.constant 0 : i32
          %sign3A_1408 = arith.cmpi slt, %jit3A_1395, %sign3A_1407 : i32
          %sign3A_1409 = arith.extui %sign3A_1408 : i1 to i32
          %sign3A_1410 = arith.subi %sign3A_1406, %sign3A_1409 : i32
          %ne3A_1411 = arith.cmpi ne, %sign3A_1403, %sign3A_1410 : i32
          %rem3A_1412 = arith.remsi %sub3A_1394, %jit3A_1395 : i32
          %ne3A_1413 = arith.constant 0 : i32
          %ne3A_1414 = arith.cmpi ne, %rem3A_1412, %ne3A_1413 : i32
          %and3A_1415 = arith.andi %ne3A_1411, %ne3A_1414 : i1
          %sub3A_1416 = arith.constant 1 : i32
          %sub3A_1417 = arith.subi %div3A_1396, %sub3A_1416 : i32
          %select_n3A_1418 = arith.select %and3A_1415, %sub3A_1417, %div3A_1396 : i32
          %while3A_1419 = arith.constant 0 : i32
          %while3A_1420 = arith.subi %select_n3A_1418, %while3A_1419 : i32
          %while3A_1421 = arith.addi %while3A_1419, %while3A_1420 : i32
          %while3A_1422 = arith.constant 1 : i32
          %while3A_1423 = arith.divsi %while3A_1420, %while3A_1422 : i32
          %while3A_1424 = arith.muli %while3A_1423, %while3A_1422 : i32
          %while3A_1425 = arith.addi %while3A_1419, %while3A_1424 : i32
          %while3A_1426 = arith.constant 1 : i32
          %while3A_1427 = scf.for %while3A_1430 = %while3A_1419 to %while3A_1425 step %while3A_1426 iter_args(%while3A_1431 = %broadcast_in_dim3A_3) -> (vector<16xi32>)  : i32 {
            %mul3A_1432 = arith.constant 16 : i32
            %mul3A_1433 = arith.muli %while3A_1430, %mul3A_1432 : i32
            %add3A_1434 = arith.constant 0 : i32
            %add3A_1435 = arith.addi %mul3A_1433, %add3A_1434 : i32
            %add3A_1436 = vector.broadcast %add3A_1435 : i32 to vector<16xi32>
            %add3A_1437 = arith.addi %broadcast_in_dim3A_3, %add3A_1436 : vector<16xi32>
            %gather3A = tpu.vector_load_idx %arg7[%add3A_1437] : memref<2048xi32, #tpu.memory_space<vmem>>[vector<16xi32>], vector<16xi32>,
            %add3A_1438 = vector.broadcast %add3A_1435 : i32 to vector<16xi32>
            %add3A_1439 = arith.addi %broadcast_in_dim3A_3, %add3A_1438 : vector<16xi32>
            %lt3A_1440 = arith.cmpi slt, %add3A_1439, %scan3A_1136 : vector<16xi32>
            %mul3A_1441 = arith.constant 16 : i32
            %mul3A_1442 = vector.broadcast %mul3A_1441 : i32 to vector<16xi32>
            %mul3A_1443 = arith.muli %gather3A, %mul3A_1442 : vector<16xi32>
            %add3A_1444 = arith.addi %mul3A_1443, %iota3A : vector<16xi32>
            %gather3A_1445 = tpu.vector_load_idx %arg4[%add3A_1444] : memref<32784xf32, #tpu.memory_space<vmem>>[vector<16xi32>], vector<16xf32>,
            %ge3A_1446 = arith.cmpf oge, %gather3A_1445, %broadcast_in_dim3A_11 : vector<16xf32>
            %and3A_1447 = arith.andi %ge3A_1446, %lt3A_1440 : vector<16xi1>
            %select_n3A_1448 = arith.select %and3A_1447, %broadcast_in_dim3A_1, %broadcast_in_dim3A_3 : vector<16xi1>, vector<16xi32>
            %broadcast_in_dim3A_1449 = arith.constant true
            %broadcast_in_dim3A_1450 = vector.broadcast %broadcast_in_dim3A_1449 : i1 to vector<16xi1>
            %masked_cumsum3A_1451 = tpu.scan <sum>, %select_n3A_1448 masked %broadcast_in_dim3A_1450 : vector<16xi32>, vector<16xi1> -> vector<16xi32>
            %add3A_1452 = arith.addi %while3A_1431, %masked_cumsum3A_1451 : vector<16xi32>
            %sub3A_1453 = arith.subi %add3A_1452, %select_n3A_1448 : vector<16xi32>
            tpu.vector_store_idx %arg5[%sub3A_1453], %add3A_1444 masked %and3A_1447 : memref<32768xi32, #tpu.memory_space<vmem>>[vector<16xi32>], vector<16xi32>, vector<16xi1>
            %all_reduce_population_count3A = tpu.all_reduce %and3A_1447 {dim = 0 : i64, kind = #tpu.reduction_kind<sum>} : vector<16xi1> -> vector<16xi32>
            %add3A_1454 = arith.addi %while3A_1431, %all_reduce_population_count3A : vector<16xi32>
            %mul3A_1455 = arith.constant 16 : i32
            %mul3A_1456 = arith.muli %while3A_1430, %mul3A_1455 : i32
            %add3A_1457 = arith.constant 1 : i32
            %add3A_1458 = arith.addi %mul3A_1456, %add3A_1457 : i32
            %add3A_1459 = vector.broadcast %add3A_1458 : i32 to vector<16xi32>
            %add3A_1460 = arith.addi %broadcast_in_dim3A_3, %add3A_1459 : vector<16xi32>
            %gather3A_1461 = tpu.vector_load_idx %arg7[%add3A_1460] : memref<2048xi32, #tpu.memory_space<vmem>>[vector<16xi32>], vector<16xi32>,
            %add3A_1462 = vector.broadcast %add3A_1458 : i32 to vector<16xi32>
            %add3A_1463 = arith.addi %broadcast_in_dim3A_3, %add3A_1462 : vector<16xi32>
            %lt3A_1464 = arith.cmpi slt, %add3A_1463, %scan3A_1136 : vector<16xi32>
            %mul3A_1465 = arith.constant 16 : i32
            %mul3A_1466 = vector.broadcast %mul3A_1465 : i32 to vector<16xi32>
            %mul3A_1467 = arith.muli %gather3A_1461, %mul3A_1466 : vector<16xi32>
            %add3A_1468 = arith.addi %mul3A_1467, %iota3A : vector<16xi32>
            %gather3A_1469 = tpu.vector_load_idx %arg4[%add3A_1468] : memref<32784xf32, #tpu.memory_space<vmem>>[vector<16xi32>], vector<16xf32>,
            %ge3A_1470 = arith.cmpf oge, %gather3A_1469, %broadcast_in_dim3A_11 : vector<16xf32>
            %and3A_1471 = arith.andi %ge3A_1470, %lt3A_1464 : vector<16xi1>
            %select_n3A_1472 = arith.select %and3A_1471, %broadcast_in_dim3A_1, %broadcast_in_dim3A_3 : vector<16xi1>, vector<16xi32>
            %broadcast_in_dim3A_1473 = arith.constant true
            %broadcast_in_dim3A_1474 = vector.broadcast %broadcast_in_dim3A_1473 : i1 to vector<16xi1>
            %masked_cumsum3A_1475 = tpu.scan <sum>, %select_n3A_1472 masked %broadcast_in_dim3A_1474 : vector<16xi32>, vector<16xi1> -> vector<16xi32>
            %add3A_1476 = arith.addi %add3A_1454, %masked_cumsum3A_1475 : vector<16xi32>
            %sub3A_1477 = arith.subi %add3A_1476, %select_n3A_1472 : vector<16xi32>
            tpu.vector_store_idx %arg5[%sub3A_1477], %add3A_1468 masked %and3A_1471 : memref<32768xi32, #tpu.memory_space<vmem>>[vector<16xi32>], vector<16xi32>, vector<16xi1>
            %all_reduce_population_count3A_1478 = tpu.all_reduce %and3A_1471 {dim = 0 : i64, kind = #tpu.reduction_kind<sum>} : vector<16xi1> -> vector<16xi32>
            %add3A_1479 = arith.addi %add3A_1454, %all_reduce_population_count3A_1478 : vector<16xi32>
            %mul3A_1480 = arith.constant 16 : i32
            %mul3A_1481 = arith.muli %while3A_1430, %mul3A_1480 : i32
            %add3A_1482 = arith.constant 2 : i32
            %add3A_1483 = arith.addi %mul3A_1481, %add3A_1482 : i32
            %add3A_1484 = vector.broadcast %add3A_1483 : i32 to vector<16xi32>
            %add3A_1485 = arith.addi %broadcast_in_dim3A_3, %add3A_1484 : vector<16xi32>
            %gather3A_1486 = tpu.vector_load_idx %arg7[%add3A_1485] : memref<2048xi32, #tpu.memory_space<vmem>>[vector<16xi32>], vector<16xi32>,
            %add3A_1487 = vector.broadcast %add3A_1483 : i32 to vector<16xi32>
            %add3A_1488 = arith.addi %broadcast_in_dim3A_3, %add3A_1487 : vector<16xi32>
            %lt3A_1489 = arith.cmpi slt, %add3A_1488, %scan3A_1136 : vector<16xi32>
            %mul3A_1490 = arith.constant 16 : i32
            %mul3A_1491 = vector.broadcast %mul3A_1490 : i32 to vector<16xi32>
            %mul3A_1492 = arith.muli %gather3A_1486, %mul3A_1491 : vector<16xi32>
            %add3A_1493 = arith.addi %mul3A_1492, %iota3A : vector<16xi32>
            %gather3A_1494 = tpu.vector_load_idx %arg4[%add3A_1493] : memref<32784xf32, #tpu.memory_space<vmem>>[vector<16xi32>], vector<16xf32>,
            %ge3A_1495 = arith.cmpf oge, %gather3A_1494, %broadcast_in_dim3A_11 : vector<16xf32>
            %and3A_1496 = arith.andi %ge3A_1495, %lt3A_1489 : vector<16xi1>
            %select_n3A_1497 = arith.select %and3A_1496, %broadcast_in_dim3A_1, %broadcast_in_dim3A_3 : vector<16xi1>, vector<16xi32>
            %broadcast_in_dim3A_1498 = arith.constant true
            %broadcast_in_dim3A_1499 = vector.broadcast %broadcast_in_dim3A_1498 : i1 to vector<16xi1>
            %masked_cumsum3A_1500 = tpu.scan <sum>, %select_n3A_1497 masked %broadcast_in_dim3A_1499 : vector<16xi32>, vector<16xi1> -> vector<16xi32>
            %add3A_1501 = arith.addi %add3A_1479, %masked_cumsum3A_1500 : vector<16xi32>
            %sub3A_1502 = arith.subi %add3A_1501, %select_n3A_1497 : vector<16xi32>
            tpu.vector_store_idx %arg5[%sub3A_1502], %add3A_1493 masked %and3A_1496 : memref<32768xi32, #tpu.memory_space<vmem>>[vector<16xi32>], vector<16xi32>, vector<16xi1>
            %all_reduce_population_count3A_1503 = tpu.all_reduce %and3A_1496 {dim = 0 : i64, kind = #tpu.reduction_kind<sum>} : vector<16xi1> -> vector<16xi32>
            %add3A_1504 = arith.addi %add3A_1479, %all_reduce_population_count3A_1503 : vector<16xi32>
            %mul3A_1505 = arith.constant 16 : i32
            %mul3A_1506 = arith.muli %while3A_1430, %mul3A_1505 : i32
            %add3A_1507 = arith.constant 3 : i32
            %add3A_1508 = arith.addi %mul3A_1506, %add3A_1507 : i32
            %add3A_1509 = vector.broadcast %add3A_1508 : i32 to vector<16xi32>
            %add3A_1510 = arith.addi %broadcast_in_dim3A_3, %add3A_1509 : vector<16xi32>
            %gather3A_1511 = tpu.vector_load_idx %arg7[%add3A_1510] : memref<2048xi32, #tpu.memory_space<vmem>>[vector<16xi32>], vector<16xi32>,
            %add3A_1512 = vector.broadcast %add3A_1508 : i32 to vector<16xi32>
            %add3A_1513 = arith.addi %broadcast_in_dim3A_3, %add3A_1512 : vector<16xi32>
            %lt3A_1514 = arith.cmpi slt, %add3A_1513, %scan3A_1136 : vector<16xi32>
            %mul3A_1515 = arith.constant 16 : i32
            %mul3A_1516 = vector.broadcast %mul3A_1515 : i32 to vector<16xi32>
            %mul3A_1517 = arith.muli %gather3A_1511, %mul3A_1516 : vector<16xi32>
            %add3A_1518 = arith.addi %mul3A_1517, %iota3A : vector<16xi32>
            %gather3A_1519 = tpu.vector_load_idx %arg4[%add3A_1518] : memref<32784xf32, #tpu.memory_space<vmem>>[vector<16xi32>], vector<16xf32>,
            %ge3A_1520 = arith.cmpf oge, %gather3A_1519, %broadcast_in_dim3A_11 : vector<16xf32>
            %and3A_1521 = arith.andi %ge3A_1520, %lt3A_1514 : vector<16xi1>
            %select_n3A_1522 = arith.select %and3A_1521, %broadcast_in_dim3A_1, %broadcast_in_dim3A_3 : vector<16xi1>, vector<16xi32>
            %broadcast_in_dim3A_1523 = arith.constant true
            %broadcast_in_dim3A_1524 = vector.broadcast %broadcast_in_dim3A_1523 : i1 to vector<16xi1>
            %masked_cumsum3A_1525 = tpu.scan <sum>, %select_n3A_1522 masked %broadcast_in_dim3A_1524 : vector<16xi32>, vector<16xi1> -> vector<16xi32>
            %add3A_1526 = arith.addi %add3A_1504, %masked_cumsum3A_1525 : vector<16xi32>
            %sub3A_1527 = arith.subi %add3A_1526, %select_n3A_1522 : vector<16xi32>
            tpu.vector_store_idx %arg5[%sub3A_1527], %add3A_1518 masked %and3A_1521 : memref<32768xi32, #tpu.memory_space<vmem>>[vector<16xi32>], vector<16xi32>, vector<16xi1>
            %all_reduce_population_count3A_1528 = tpu.all_reduce %and3A_1521 {dim = 0 : i64, kind = #tpu.reduction_kind<sum>} : vector<16xi1> -> vector<16xi32>
            %add3A_1529 = arith.addi %add3A_1504, %all_reduce_population_count3A_1528 : vector<16xi32>
            %mul3A_1530 = arith.constant 16 : i32
            %mul3A_1531 = arith.muli %while3A_1430, %mul3A_1530 : i32
            %add3A_1532 = arith.constant 4 : i32
            %add3A_1533 = arith.addi %mul3A_1531, %add3A_1532 : i32
            %add3A_1534 = vector.broadcast %add3A_1533 : i32 to vector<16xi32>
            %add3A_1535 = arith.addi %broadcast_in_dim3A_3, %add3A_1534 : vector<16xi32>
            %gather3A_1536 = tpu.vector_load_idx %arg7[%add3A_1535] : memref<2048xi32, #tpu.memory_space<vmem>>[vector<16xi32>], vector<16xi32>,
            %add3A_1537 = vector.broadcast %add3A_1533 : i32 to vector<16xi32>
            %add3A_1538 = arith.addi %broadcast_in_dim3A_3, %add3A_1537 : vector<16xi32>
            %lt3A_1539 = arith.cmpi slt, %add3A_1538, %scan3A_1136 : vector<16xi32>
            %mul3A_1540 = arith.constant 16 : i32
            %mul3A_1541 = vector.broadcast %mul3A_1540 : i32 to vector<16xi32>
            %mul3A_1542 = arith.muli %gather3A_1536, %mul3A_1541 : vector<16xi32>
            %add3A_1543 = arith.addi %mul3A_1542, %iota3A : vector<16xi32>
            %gather3A_1544 = tpu.vector_load_idx %arg4[%add3A_1543] : memref<32784xf32, #tpu.memory_space<vmem>>[vector<16xi32>], vector<16xf32>,
            %ge3A_1545 = arith.cmpf oge, %gather3A_1544, %broadcast_in_dim3A_11 : vector<16xf32>
            %and3A_1546 = arith.andi %ge3A_1545, %lt3A_1539 : vector<16xi1>
            %select_n3A_1547 = arith.select %and3A_1546, %broadcast_in_dim3A_1, %broadcast_in_dim3A_3 : vector<16xi1>, vector<16xi32>
            %broadcast_in_dim3A_1548 = arith.constant true
            %broadcast_in_dim3A_1549 = vector.broadcast %broadcast_in_dim3A_1548 : i1 to vector<16xi1>
            %masked_cumsum3A_1550 = tpu.scan <sum>, %select_n3A_1547 masked %broadcast_in_dim3A_1549 : vector<16xi32>, vector<16xi1> -> vector<16xi32>
            %add3A_1551 = arith.addi %add3A_1529, %masked_cumsum3A_1550 : vector<16xi32>
            %sub3A_1552 = arith.subi %add3A_1551, %select_n3A_1547 : vector<16xi32>
            tpu.vector_store_idx %arg5[%sub3A_1552], %add3A_1543 masked %and3A_1546 : memref<32768xi32, #tpu.memory_space<vmem>>[vector<16xi32>], vector<16xi32>, vector<16xi1>
            %all_reduce_population_count3A_1553 = tpu.all_reduce %and3A_1546 {dim = 0 : i64, kind = #tpu.reduction_kind<sum>} : vector<16xi1> -> vector<16xi32>
            %add3A_1554 = arith.addi %add3A_1529, %all_reduce_population_count3A_1553 : vector<16xi32>
            %mul3A_1555 = arith.constant 16 : i32
            %mul3A_1556 = arith.muli %while3A_1430, %mul3A_1555 : i32
            %add3A_1557 = arith.constant 5 : i32
            %add3A_1558 = arith.addi %mul3A_1556, %add3A_1557 : i32
            %add3A_1559 = vector.broadcast %add3A_1558 : i32 to vector<16xi32>
            %add3A_1560 = arith.addi %broadcast_in_dim3A_3, %add3A_1559 : vector<16xi32>
            %gather3A_1561 = tpu.vector_load_idx %arg7[%add3A_1560] : memref<2048xi32, #tpu.memory_space<vmem>>[vector<16xi32>], vector<16xi32>,
            %add3A_1562 = vector.broadcast %add3A_1558 : i32 to vector<16xi32>
            %add3A_1563 = arith.addi %broadcast_in_dim3A_3, %add3A_1562 : vector<16xi32>
            %lt3A_1564 = arith.cmpi slt, %add3A_1563, %scan3A_1136 : vector<16xi32>
            %mul3A_1565 = arith.constant 16 : i32
            %mul3A_1566 = vector.broadcast %mul3A_1565 : i32 to vector<16xi32>
            %mul3A_1567 = arith.muli %gather3A_1561, %mul3A_1566 : vector<16xi32>
            %add3A_1568 = arith.addi %mul3A_1567, %iota3A : vector<16xi32>
            %gather3A_1569 = tpu.vector_load_idx %arg4[%add3A_1568] : memref<32784xf32, #tpu.memory_space<vmem>>[vector<16xi32>], vector<16xf32>,
            %ge3A_1570 = arith.cmpf oge, %gather3A_1569, %broadcast_in_dim3A_11 : vector<16xf32>
            %and3A_1571 = arith.andi %ge3A_1570, %lt3A_1564 : vector<16xi1>
            %select_n3A_1572 = arith.select %and3A_1571, %broadcast_in_dim3A_1, %broadcast_in_dim3A_3 : vector<16xi1>, vector<16xi32>
            %broadcast_in_dim3A_1573 = arith.constant true
            %broadcast_in_dim3A_1574 = vector.broadcast %broadcast_in_dim3A_1573 : i1 to vector<16xi1>
            %masked_cumsum3A_1575 = tpu.scan <sum>, %select_n3A_1572 masked %broadcast_in_dim3A_1574 : vector<16xi32>, vector<16xi1> -> vector<16xi32>
            %add3A_1576 = arith.addi %add3A_1554, %masked_cumsum3A_1575 : vector<16xi32>
            %sub3A_1577 = arith.subi %add3A_1576, %select_n3A_1572 : vector<16xi32>
            tpu.vector_store_idx %arg5[%sub3A_1577], %add3A_1568 masked %and3A_1571 : memref<32768xi32, #tpu.memory_space<vmem>>[vector<16xi32>], vector<16xi32>, vector<16xi1>
            %all_reduce_population_count3A_1578 = tpu.all_reduce %and3A_1571 {dim = 0 : i64, kind = #tpu.reduction_kind<sum>} : vector<16xi1> -> vector<16xi32>
            %add3A_1579 = arith.addi %add3A_1554, %all_reduce_population_count3A_1578 : vector<16xi32>
            %mul3A_1580 = arith.constant 16 : i32
            %mul3A_1581 = arith.muli %while3A_1430, %mul3A_1580 : i32
            %add3A_1582 = arith.constant 6 : i32
            %add3A_1583 = arith.addi %mul3A_1581, %add3A_1582 : i32
            %add3A_1584 = vector.broadcast %add3A_1583 : i32 to vector<16xi32>
            %add3A_1585 = arith.addi %broadcast_in_dim3A_3, %add3A_1584 : vector<16xi32>
            %gather3A_1586 = tpu.vector_load_idx %arg7[%add3A_1585] : memref<2048xi32, #tpu.memory_space<vmem>>[vector<16xi32>], vector<16xi32>,
            %add3A_1587 = vector.broadcast %add3A_1583 : i32 to vector<16xi32>
            %add3A_1588 = arith.addi %broadcast_in_dim3A_3, %add3A_1587 : vector<16xi32>
            %lt3A_1589 = arith.cmpi slt, %add3A_1588, %scan3A_1136 : vector<16xi32>
            %mul3A_1590 = arith.constant 16 : i32
            %mul3A_1591 = vector.broadcast %mul3A_1590 : i32 to vector<16xi32>
            %mul3A_1592 = arith.muli %gather3A_1586, %mul3A_1591 : vector<16xi32>
            %add3A_1593 = arith.addi %mul3A_1592, %iota3A : vector<16xi32>
            %gather3A_1594 = tpu.vector_load_idx %arg4[%add3A_1593] : memref<32784xf32, #tpu.memory_space<vmem>>[vector<16xi32>], vector<16xf32>,
            %ge3A_1595 = arith.cmpf oge, %gather3A_1594, %broadcast_in_dim3A_11 : vector<16xf32>
            %and3A_1596 = arith.andi %ge3A_1595, %lt3A_1589 : vector<16xi1>
            %select_n3A_1597 = arith.select %and3A_1596, %broadcast_in_dim3A_1, %broadcast_in_dim3A_3 : vector<16xi1>, vector<16xi32>
            %broadcast_in_dim3A_1598 = arith.constant true
            %broadcast_in_dim3A_1599 = vector.broadcast %broadcast_in_dim3A_1598 : i1 to vector<16xi1>
            %masked_cumsum3A_1600 = tpu.scan <sum>, %select_n3A_1597 masked %broadcast_in_dim3A_1599 : vector<16xi32>, vector<16xi1> -> vector<16xi32>
            %add3A_1601 = arith.addi %add3A_1579, %masked_cumsum3A_1600 : vector<16xi32>
            %sub3A_1602 = arith.subi %add3A_1601, %select_n3A_1597 : vector<16xi32>
            tpu.vector_store_idx %arg5[%sub3A_1602], %add3A_1593 masked %and3A_1596 : memref<32768xi32, #tpu.memory_space<vmem>>[vector<16xi32>], vector<16xi32>, vector<16xi1>
            %all_reduce_population_count3A_1603 = tpu.all_reduce %and3A_1596 {dim = 0 : i64, kind = #tpu.reduction_kind<sum>} : vector<16xi1> -> vector<16xi32>
            %add3A_1604 = arith.addi %add3A_1579, %all_reduce_population_count3A_1603 : vector<16xi32>
            %mul3A_1605 = arith.constant 16 : i32
            %mul3A_1606 = arith.muli %while3A_1430, %mul3A_1605 : i32
            %add3A_1607 = arith.constant 7 : i32
            %add3A_1608 = arith.addi %mul3A_1606, %add3A_1607 : i32
            %add3A_1609 = vector.broadcast %add3A_1608 : i32 to vector<16xi32>
            %add3A_1610 = arith.addi %broadcast_in_dim3A_3, %add3A_1609 : vector<16xi32>
            %gather3A_1611 = tpu.vector_load_idx %arg7[%add3A_1610] : memref<2048xi32, #tpu.memory_space<vmem>>[vector<16xi32>], vector<16xi32>,
            %add3A_1612 = vector.broadcast %add3A_1608 : i32 to vector<16xi32>
            %add3A_1613 = arith.addi %broadcast_in_dim3A_3, %add3A_1612 : vector<16xi32>
            %lt3A_1614 = arith.cmpi slt, %add3A_1613, %scan3A_1136 : vector<16xi32>
            %mul3A_1615 = arith.constant 16 : i32
            %mul3A_1616 = vector.broadcast %mul3A_1615 : i32 to vector<16xi32>
            %mul3A_1617 = arith.muli %gather3A_1611, %mul3A_1616 : vector<16xi32>
            %add3A_1618 = arith.addi %mul3A_1617, %iota3A : vector<16xi32>
            %gather3A_1619 = tpu.vector_load_idx %arg4[%add3A_1618] : memref<32784xf32, #tpu.memory_space<vmem>>[vector<16xi32>], vector<16xf32>,
            %ge3A_1620 = arith.cmpf oge, %gather3A_1619, %broadcast_in_dim3A_11 : vector<16xf32>
            %and3A_1621 = arith.andi %ge3A_1620, %lt3A_1614 : vector<16xi1>
            %select_n3A_1622 = arith.select %and3A_1621, %broadcast_in_dim3A_1, %broadcast_in_dim3A_3 : vector<16xi1>, vector<16xi32>
            %broadcast_in_dim3A_1623 = arith.constant true
            %broadcast_in_dim3A_1624 = vector.broadcast %broadcast_in_dim3A_1623 : i1 to vector<16xi1>
            %masked_cumsum3A_1625 = tpu.scan <sum>, %select_n3A_1622 masked %broadcast_in_dim3A_1624 : vector<16xi32>, vector<16xi1> -> vector<16xi32>
            %add3A_1626 = arith.addi %add3A_1604, %masked_cumsum3A_1625 : vector<16xi32>
            %sub3A_1627 = arith.subi %add3A_1626, %select_n3A_1622 : vector<16xi32>
            tpu.vector_store_idx %arg5[%sub3A_1627], %add3A_1618 masked %and3A_1621 : memref<32768xi32, #tpu.memory_space<vmem>>[vector<16xi32>], vector<16xi32>, vector<16xi1>
            %all_reduce_population_count3A_1628 = tpu.all_reduce %and3A_1621 {dim = 0 : i64, kind = #tpu.reduction_kind<sum>} : vector<16xi1> -> vector<16xi32>
            %add3A_1629 = arith.addi %add3A_1604, %all_reduce_population_count3A_1628 : vector<16xi32>
            %mul3A_1630 = arith.constant 16 : i32
            %mul3A_1631 = arith.muli %while3A_1430, %mul3A_1630 : i32
            %add3A_1632 = arith.constant 8 : i32
            %add3A_1633 = arith.addi %mul3A_1631, %add3A_1632 : i32
            %add3A_1634 = vector.broadcast %add3A_1633 : i32 to vector<16xi32>
            %add3A_1635 = arith.addi %broadcast_in_dim3A_3, %add3A_1634 : vector<16xi32>
            %gather3A_1636 = tpu.vector_load_idx %arg7[%add3A_1635] : memref<2048xi32, #tpu.memory_space<vmem>>[vector<16xi32>], vector<16xi32>,
            %add3A_1637 = vector.broadcast %add3A_1633 : i32 to vector<16xi32>
            %add3A_1638 = arith.addi %broadcast_in_dim3A_3, %add3A_1637 : vector<16xi32>
            %lt3A_1639 = arith.cmpi slt, %add3A_1638, %scan3A_1136 : vector<16xi32>
            %mul3A_1640 = arith.constant 16 : i32
            %mul3A_1641 = vector.broadcast %mul3A_1640 : i32 to vector<16xi32>
            %mul3A_1642 = arith.muli %gather3A_1636, %mul3A_1641 : vector<16xi32>
            %add3A_1643 = arith.addi %mul3A_1642, %iota3A : vector<16xi32>
            %gather3A_1644 = tpu.vector_load_idx %arg4[%add3A_1643] : memref<32784xf32, #tpu.memory_space<vmem>>[vector<16xi32>], vector<16xf32>,
            %ge3A_1645 = arith.cmpf oge, %gather3A_1644, %broadcast_in_dim3A_11 : vector<16xf32>
            %and3A_1646 = arith.andi %ge3A_1645, %lt3A_1639 : vector<16xi1>
            %select_n3A_1647 = arith.select %and3A_1646, %broadcast_in_dim3A_1, %broadcast_in_dim3A_3 : vector<16xi1>, vector<16xi32>
            %broadcast_in_dim3A_1648 = arith.constant true
            %broadcast_in_dim3A_1649 = vector.broadcast %broadcast_in_dim3A_1648 : i1 to vector<16xi1>
            %masked_cumsum3A_1650 = tpu.scan <sum>, %select_n3A_1647 masked %broadcast_in_dim3A_1649 : vector<16xi32>, vector<16xi1> -> vector<16xi32>
            %add3A_1651 = arith.addi %add3A_1629, %masked_cumsum3A_1650 : vector<16xi32>
            %sub3A_1652 = arith.subi %add3A_1651, %select_n3A_1647 : vector<16xi32>
            tpu.vector_store_idx %arg5[%sub3A_1652], %add3A_1643 masked %and3A_1646 : memref<32768xi32, #tpu.memory_space<vmem>>[vector<16xi32>], vector<16xi32>, vector<16xi1>
            %all_reduce_population_count3A_1653 = tpu.all_reduce %and3A_1646 {dim = 0 : i64, kind = #tpu.reduction_kind<sum>} : vector<16xi1> -> vector<16xi32>
            %add3A_1654 = arith.addi %add3A_1629, %all_reduce_population_count3A_1653 : vector<16xi32>
            %mul3A_1655 = arith.constant 16 : i32
            %mul3A_1656 = arith.muli %while3A_1430, %mul3A_1655 : i32
            %add3A_1657 = arith.constant 9 : i32
            %add3A_1658 = arith.addi %mul3A_1656, %add3A_1657 : i32
            %add3A_1659 = vector.broadcast %add3A_1658 : i32 to vector<16xi32>
            %add3A_1660 = arith.addi %broadcast_in_dim3A_3, %add3A_1659 : vector<16xi32>
            %gather3A_1661 = tpu.vector_load_idx %arg7[%add3A_1660] : memref<2048xi32, #tpu.memory_space<vmem>>[vector<16xi32>], vector<16xi32>,
            %add3A_1662 = vector.broadcast %add3A_1658 : i32 to vector<16xi32>
            %add3A_1663 = arith.addi %broadcast_in_dim3A_3, %add3A_1662 : vector<16xi32>
            %lt3A_1664 = arith.cmpi slt, %add3A_1663, %scan3A_1136 : vector<16xi32>
            %mul3A_1665 = arith.constant 16 : i32
            %mul3A_1666 = vector.broadcast %mul3A_1665 : i32 to vector<16xi32>
            %mul3A_1667 = arith.muli %gather3A_1661, %mul3A_1666 : vector<16xi32>
            %add3A_1668 = arith.addi %mul3A_1667, %iota3A : vector<16xi32>
            %gather3A_1669 = tpu.vector_load_idx %arg4[%add3A_1668] : memref<32784xf32, #tpu.memory_space<vmem>>[vector<16xi32>], vector<16xf32>,
            %ge3A_1670 = arith.cmpf oge, %gather3A_1669, %broadcast_in_dim3A_11 : vector<16xf32>
            %and3A_1671 = arith.andi %ge3A_1670, %lt3A_1664 : vector<16xi1>
            %select_n3A_1672 = arith.select %and3A_1671, %broadcast_in_dim3A_1, %broadcast_in_dim3A_3 : vector<16xi1>, vector<16xi32>
            %broadcast_in_dim3A_1673 = arith.constant true
            %broadcast_in_dim3A_1674 = vector.broadcast %broadcast_in_dim3A_1673 : i1 to vector<16xi1>
            %masked_cumsum3A_1675 = tpu.scan <sum>, %select_n3A_1672 masked %broadcast_in_dim3A_1674 : vector<16xi32>, vector<16xi1> -> vector<16xi32>
            %add3A_1676 = arith.addi %add3A_1654, %masked_cumsum3A_1675 : vector<16xi32>
            %sub3A_1677 = arith.subi %add3A_1676, %select_n3A_1672 : vector<16xi32>
            tpu.vector_store_idx %arg5[%sub3A_1677], %add3A_1668 masked %and3A_1671 : memref<32768xi32, #tpu.memory_space<vmem>>[vector<16xi32>], vector<16xi32>, vector<16xi1>
            %all_reduce_population_count3A_1678 = tpu.all_reduce %and3A_1671 {dim = 0 : i64, kind = #tpu.reduction_kind<sum>} : vector<16xi1> -> vector<16xi32>
            %add3A_1679 = arith.addi %add3A_1654, %all_reduce_population_count3A_1678 : vector<16xi32>
            %mul3A_1680 = arith.constant 16 : i32
            %mul3A_1681 = arith.muli %while3A_1430, %mul3A_1680 : i32
            %add3A_1682 = arith.constant 10 : i32
            %add3A_1683 = arith.addi %mul3A_1681, %add3A_1682 : i32
            %add3A_1684 = vector.broadcast %add3A_1683 : i32 to vector<16xi32>
            %add3A_1685 = arith.addi %broadcast_in_dim3A_3, %add3A_1684 : vector<16xi32>
            %gather3A_1686 = tpu.vector_load_idx %arg7[%add3A_1685] : memref<2048xi32, #tpu.memory_space<vmem>>[vector<16xi32>], vector<16xi32>,
            %add3A_1687 = vector.broadcast %add3A_1683 : i32 to vector<16xi32>
            %add3A_1688 = arith.addi %broadcast_in_dim3A_3, %add3A_1687 : vector<16xi32>
            %lt3A_1689 = arith.cmpi slt, %add3A_1688, %scan3A_1136 : vector<16xi32>
            %mul3A_1690 = arith.constant 16 : i32
            %mul3A_1691 = vector.broadcast %mul3A_1690 : i32 to vector<16xi32>
            %mul3A_1692 = arith.muli %gather3A_1686, %mul3A_1691 : vector<16xi32>
            %add3A_1693 = arith.addi %mul3A_1692, %iota3A : vector<16xi32>
            %gather3A_1694 = tpu.vector_load_idx %arg4[%add3A_1693] : memref<32784xf32, #tpu.memory_space<vmem>>[vector<16xi32>], vector<16xf32>,
            %ge3A_1695 = arith.cmpf oge, %gather3A_1694, %broadcast_in_dim3A_11 : vector<16xf32>
            %and3A_1696 = arith.andi %ge3A_1695, %lt3A_1689 : vector<16xi1>
            %select_n3A_1697 = arith.select %and3A_1696, %broadcast_in_dim3A_1, %broadcast_in_dim3A_3 : vector<16xi1>, vector<16xi32>
            %broadcast_in_dim3A_1698 = arith.constant true
            %broadcast_in_dim3A_1699 = vector.broadcast %broadcast_in_dim3A_1698 : i1 to vector<16xi1>
            %masked_cumsum3A_1700 = tpu.scan <sum>, %select_n3A_1697 masked %broadcast_in_dim3A_1699 : vector<16xi32>, vector<16xi1> -> vector<16xi32>
            %add3A_1701 = arith.addi %add3A_1679, %masked_cumsum3A_1700 : vector<16xi32>
            %sub3A_1702 = arith.subi %add3A_1701, %select_n3A_1697 : vector<16xi32>
            tpu.vector_store_idx %arg5[%sub3A_1702], %add3A_1693 masked %and3A_1696 : memref<32768xi32, #tpu.memory_space<vmem>>[vector<16xi32>], vector<16xi32>, vector<16xi1>
            %all_reduce_population_count3A_1703 = tpu.all_reduce %and3A_1696 {dim = 0 : i64, kind = #tpu.reduction_kind<sum>} : vector<16xi1> -> vector<16xi32>
            %add3A_1704 = arith.addi %add3A_1679, %all_reduce_population_count3A_1703 : vector<16xi32>
            %mul3A_1705 = arith.constant 16 : i32
            %mul3A_1706 = arith.muli %while3A_1430, %mul3A_1705 : i32
            %add3A_1707 = arith.constant 11 : i32
            %add3A_1708 = arith.addi %mul3A_1706, %add3A_1707 : i32
            %add3A_1709 = vector.broadcast %add3A_1708 : i32 to vector<16xi32>
            %add3A_1710 = arith.addi %broadcast_in_dim3A_3, %add3A_1709 : vector<16xi32>
            %gather3A_1711 = tpu.vector_load_idx %arg7[%add3A_1710] : memref<2048xi32, #tpu.memory_space<vmem>>[vector<16xi32>], vector<16xi32>,
            %add3A_1712 = vector.broadcast %add3A_1708 : i32 to vector<16xi32>
            %add3A_1713 = arith.addi %broadcast_in_dim3A_3, %add3A_1712 : vector<16xi32>
            %lt3A_1714 = arith.cmpi slt, %add3A_1713, %scan3A_1136 : vector<16xi32>
            %mul3A_1715 = arith.constant 16 : i32
            %mul3A_1716 = vector.broadcast %mul3A_1715 : i32 to vector<16xi32>
            %mul3A_1717 = arith.muli %gather3A_1711, %mul3A_1716 : vector<16xi32>
            %add3A_1718 = arith.addi %mul3A_1717, %iota3A : vector<16xi32>
            %gather3A_1719 = tpu.vector_load_idx %arg4[%add3A_1718] : memref<32784xf32, #tpu.memory_space<vmem>>[vector<16xi32>], vector<16xf32>,
            %ge3A_1720 = arith.cmpf oge, %gather3A_1719, %broadcast_in_dim3A_11 : vector<16xf32>
            %and3A_1721 = arith.andi %ge3A_1720, %lt3A_1714 : vector<16xi1>
            %select_n3A_1722 = arith.select %and3A_1721, %broadcast_in_dim3A_1, %broadcast_in_dim3A_3 : vector<16xi1>, vector<16xi32>
            %broadcast_in_dim3A_1723 = arith.constant true
            %broadcast_in_dim3A_1724 = vector.broadcast %broadcast_in_dim3A_1723 : i1 to vector<16xi1>
            %masked_cumsum3A_1725 = tpu.scan <sum>, %select_n3A_1722 masked %broadcast_in_dim3A_1724 : vector<16xi32>, vector<16xi1> -> vector<16xi32>
            %add3A_1726 = arith.addi %add3A_1704, %masked_cumsum3A_1725 : vector<16xi32>
            %sub3A_1727 = arith.subi %add3A_1726, %select_n3A_1722 : vector<16xi32>
            tpu.vector_store_idx %arg5[%sub3A_1727], %add3A_1718 masked %and3A_1721 : memref<32768xi32, #tpu.memory_space<vmem>>[vector<16xi32>], vector<16xi32>, vector<16xi1>
            %all_reduce_population_count3A_1728 = tpu.all_reduce %and3A_1721 {dim = 0 : i64, kind = #tpu.reduction_kind<sum>} : vector<16xi1> -> vector<16xi32>
            %add3A_1729 = arith.addi %add3A_1704, %all_reduce_population_count3A_1728 : vector<16xi32>
            %mul3A_1730 = arith.constant 16 : i32
            %mul3A_1731 = arith.muli %while3A_1430, %mul3A_1730 : i32
            %add3A_1732 = arith.constant 12 : i32
            %add3A_1733 = arith.addi %mul3A_1731, %add3A_1732 : i32
            %add3A_1734 = vector.broadcast %add3A_1733 : i32 to vector<16xi32>
            %add3A_1735 = arith.addi %broadcast_in_dim3A_3, %add3A_1734 : vector<16xi32>
            %gather3A_1736 = tpu.vector_load_idx %arg7[%add3A_1735] : memref<2048xi32, #tpu.memory_space<vmem>>[vector<16xi32>], vector<16xi32>,
            %add3A_1737 = vector.broadcast %add3A_1733 : i32 to vector<16xi32>
            %add3A_1738 = arith.addi %broadcast_in_dim3A_3, %add3A_1737 : vector<16xi32>
            %lt3A_1739 = arith.cmpi slt, %add3A_1738, %scan3A_1136 : vector<16xi32>
            %mul3A_1740 = arith.constant 16 : i32
            %mul3A_1741 = vector.broadcast %mul3A_1740 : i32 to vector<16xi32>
            %mul3A_1742 = arith.muli %gather3A_1736, %mul3A_1741 : vector<16xi32>
            %add3A_1743 = arith.addi %mul3A_1742, %iota3A : vector<16xi32>
            %gather3A_1744 = tpu.vector_load_idx %arg4[%add3A_1743] : memref<32784xf32, #tpu.memory_space<vmem>>[vector<16xi32>], vector<16xf32>,
            %ge3A_1745 = arith.cmpf oge, %gather3A_1744, %broadcast_in_dim3A_11 : vector<16xf32>
            %and3A_1746 = arith.andi %ge3A_1745, %lt3A_1739 : vector<16xi1>
            %select_n3A_1747 = arith.select %and3A_1746, %broadcast_in_dim3A_1, %broadcast_in_dim3A_3 : vector<16xi1>, vector<16xi32>
            %broadcast_in_dim3A_1748 = arith.constant true
            %broadcast_in_dim3A_1749 = vector.broadcast %broadcast_in_dim3A_1748 : i1 to vector<16xi1>
            %masked_cumsum3A_1750 = tpu.scan <sum>, %select_n3A_1747 masked %broadcast_in_dim3A_1749 : vector<16xi32>, vector<16xi1> -> vector<16xi32>
            %add3A_1751 = arith.addi %add3A_1729, %masked_cumsum3A_1750 : vector<16xi32>
            %sub3A_1752 = arith.subi %add3A_1751, %select_n3A_1747 : vector<16xi32>
            tpu.vector_store_idx %arg5[%sub3A_1752], %add3A_1743 masked %and3A_1746 : memref<32768xi32, #tpu.memory_space<vmem>>[vector<16xi32>], vector<16xi32>, vector<16xi1>
            %all_reduce_population_count3A_1753 = tpu.all_reduce %and3A_1746 {dim = 0 : i64, kind = #tpu.reduction_kind<sum>} : vector<16xi1> -> vector<16xi32>
            %add3A_1754 = arith.addi %add3A_1729, %all_reduce_population_count3A_1753 : vector<16xi32>
            %mul3A_1755 = arith.constant 16 : i32
            %mul3A_1756 = arith.muli %while3A_1430, %mul3A_1755 : i32
            %add3A_1757 = arith.constant 13 : i32
            %add3A_1758 = arith.addi %mul3A_1756, %add3A_1757 : i32
            %add3A_1759 = vector.broadcast %add3A_1758 : i32 to vector<16xi32>
            %add3A_1760 = arith.addi %broadcast_in_dim3A_3, %add3A_1759 : vector<16xi32>
            %gather3A_1761 = tpu.vector_load_idx %arg7[%add3A_1760] : memref<2048xi32, #tpu.memory_space<vmem>>[vector<16xi32>], vector<16xi32>,
            %add3A_1762 = vector.broadcast %add3A_1758 : i32 to vector<16xi32>
            %add3A_1763 = arith.addi %broadcast_in_dim3A_3, %add3A_1762 : vector<16xi32>
            %lt3A_1764 = arith.cmpi slt, %add3A_1763, %scan3A_1136 : vector<16xi32>
            %mul3A_1765 = arith.constant 16 : i32
            %mul3A_1766 = vector.broadcast %mul3A_1765 : i32 to vector<16xi32>
            %mul3A_1767 = arith.muli %gather3A_1761, %mul3A_1766 : vector<16xi32>
            %add3A_1768 = arith.addi %mul3A_1767, %iota3A : vector<16xi32>
            %gather3A_1769 = tpu.vector_load_idx %arg4[%add3A_1768] : memref<32784xf32, #tpu.memory_space<vmem>>[vector<16xi32>], vector<16xf32>,
            %ge3A_1770 = arith.cmpf oge, %gather3A_1769, %broadcast_in_dim3A_11 : vector<16xf32>
            %and3A_1771 = arith.andi %ge3A_1770, %lt3A_1764 : vector<16xi1>
            %select_n3A_1772 = arith.select %and3A_1771, %broadcast_in_dim3A_1, %broadcast_in_dim3A_3 : vector<16xi1>, vector<16xi32>
            %broadcast_in_dim3A_1773 = arith.constant true
            %broadcast_in_dim3A_1774 = vector.broadcast %broadcast_in_dim3A_1773 : i1 to vector<16xi1>
            %masked_cumsum3A_1775 = tpu.scan <sum>, %select_n3A_1772 masked %broadcast_in_dim3A_1774 : vector<16xi32>, vector<16xi1> -> vector<16xi32>
            %add3A_1776 = arith.addi %add3A_1754, %masked_cumsum3A_1775 : vector<16xi32>
            %sub3A_1777 = arith.subi %add3A_1776, %select_n3A_1772 : vector<16xi32>
            tpu.vector_store_idx %arg5[%sub3A_1777], %add3A_1768 masked %and3A_1771 : memref<32768xi32, #tpu.memory_space<vmem>>[vector<16xi32>], vector<16xi32>, vector<16xi1>
            %all_reduce_population_count3A_1778 = tpu.all_reduce %and3A_1771 {dim = 0 : i64, kind = #tpu.reduction_kind<sum>} : vector<16xi1> -> vector<16xi32>
            %add3A_1779 = arith.addi %add3A_1754, %all_reduce_population_count3A_1778 : vector<16xi32>
            %mul3A_1780 = arith.constant 16 : i32
            %mul3A_1781 = arith.muli %while3A_1430, %mul3A_1780 : i32
            %add3A_1782 = arith.constant 14 : i32
            %add3A_1783 = arith.addi %mul3A_1781, %add3A_1782 : i32
            %add3A_1784 = vector.broadcast %add3A_1783 : i32 to vector<16xi32>
            %add3A_1785 = arith.addi %broadcast_in_dim3A_3, %add3A_1784 : vector<16xi32>
            %gather3A_1786 = tpu.vector_load_idx %arg7[%add3A_1785] : memref<2048xi32, #tpu.memory_space<vmem>>[vector<16xi32>], vector<16xi32>,
            %add3A_1787 = vector.broadcast %add3A_1783 : i32 to vector<16xi32>
            %add3A_1788 = arith.addi %broadcast_in_dim3A_3, %add3A_1787 : vector<16xi32>
            %lt3A_1789 = arith.cmpi slt, %add3A_1788, %scan3A_1136 : vector<16xi32>
            %mul3A_1790 = arith.constant 16 : i32
            %mul3A_1791 = vector.broadcast %mul3A_1790 : i32 to vector<16xi32>
            %mul3A_1792 = arith.muli %gather3A_1786, %mul3A_1791 : vector<16xi32>
            %add3A_1793 = arith.addi %mul3A_1792, %iota3A : vector<16xi32>
            %gather3A_1794 = tpu.vector_load_idx %arg4[%add3A_1793] : memref<32784xf32, #tpu.memory_space<vmem>>[vector<16xi32>], vector<16xf32>,
            %ge3A_1795 = arith.cmpf oge, %gather3A_1794, %broadcast_in_dim3A_11 : vector<16xf32>
            %and3A_1796 = arith.andi %ge3A_1795, %lt3A_1789 : vector<16xi1>
            %select_n3A_1797 = arith.select %and3A_1796, %broadcast_in_dim3A_1, %broadcast_in_dim3A_3 : vector<16xi1>, vector<16xi32>
            %broadcast_in_dim3A_1798 = arith.constant true
            %broadcast_in_dim3A_1799 = vector.broadcast %broadcast_in_dim3A_1798 : i1 to vector<16xi1>
            %masked_cumsum3A_1800 = tpu.scan <sum>, %select_n3A_1797 masked %broadcast_in_dim3A_1799 : vector<16xi32>, vector<16xi1> -> vector<16xi32>
            %add3A_1801 = arith.addi %add3A_1779, %masked_cumsum3A_1800 : vector<16xi32>
            %sub3A_1802 = arith.subi %add3A_1801, %select_n3A_1797 : vector<16xi32>
            tpu.vector_store_idx %arg5[%sub3A_1802], %add3A_1793 masked %and3A_1796 : memref<32768xi32, #tpu.memory_space<vmem>>[vector<16xi32>], vector<16xi32>, vector<16xi1>
            %all_reduce_population_count3A_1803 = tpu.all_reduce %and3A_1796 {dim = 0 : i64, kind = #tpu.reduction_kind<sum>} : vector<16xi1> -> vector<16xi32>
            %add3A_1804 = arith.addi %add3A_1779, %all_reduce_population_count3A_1803 : vector<16xi32>
            %mul3A_1805 = arith.constant 16 : i32
            %mul3A_1806 = arith.muli %while3A_1430, %mul3A_1805 : i32
            %add3A_1807 = arith.constant 15 : i32
            %add3A_1808 = arith.addi %mul3A_1806, %add3A_1807 : i32
            %add3A_1809 = vector.broadcast %add3A_1808 : i32 to vector<16xi32>
            %add3A_1810 = arith.addi %broadcast_in_dim3A_3, %add3A_1809 : vector<16xi32>
            %gather3A_1811 = tpu.vector_load_idx %arg7[%add3A_1810] : memref<2048xi32, #tpu.memory_space<vmem>>[vector<16xi32>], vector<16xi32>,
            %add3A_1812 = vector.broadcast %add3A_1808 : i32 to vector<16xi32>
            %add3A_1813 = arith.addi %broadcast_in_dim3A_3, %add3A_1812 : vector<16xi32>
            %lt3A_1814 = arith.cmpi slt, %add3A_1813, %scan3A_1136 : vector<16xi32>
            %mul3A_1815 = arith.constant 16 : i32
            %mul3A_1816 = vector.broadcast %mul3A_1815 : i32 to vector<16xi32>
            %mul3A_1817 = arith.muli %gather3A_1811, %mul3A_1816 : vector<16xi32>
            %add3A_1818 = arith.addi %mul3A_1817, %iota3A : vector<16xi32>
            %gather3A_1819 = tpu.vector_load_idx %arg4[%add3A_1818] : memref<32784xf32, #tpu.memory_space<vmem>>[vector<16xi32>], vector<16xf32>,
            %ge3A_1820 = arith.cmpf oge, %gather3A_1819, %broadcast_in_dim3A_11 : vector<16xf32>
            %and3A_1821 = arith.andi %ge3A_1820, %lt3A_1814 : vector<16xi1>
            %select_n3A_1822 = arith.select %and3A_1821, %broadcast_in_dim3A_1, %broadcast_in_dim3A_3 : vector<16xi1>, vector<16xi32>
            %broadcast_in_dim3A_1823 = arith.constant true
            %broadcast_in_dim3A_1824 = vector.broadcast %broadcast_in_dim3A_1823 : i1 to vector<16xi1>
            %masked_cumsum3A_1825 = tpu.scan <sum>, %select_n3A_1822 masked %broadcast_in_dim3A_1824 : vector<16xi32>, vector<16xi1> -> vector<16xi32>
            %add3A_1826 = arith.addi %add3A_1804, %masked_cumsum3A_1825 : vector<16xi32>
            %sub3A_1827 = arith.subi %add3A_1826, %select_n3A_1822 : vector<16xi32>
            tpu.vector_store_idx %arg5[%sub3A_1827], %add3A_1818 masked %and3A_1821 : memref<32768xi32, #tpu.memory_space<vmem>>[vector<16xi32>], vector<16xi32>, vector<16xi1>
            %all_reduce_population_count3A_1828 = tpu.all_reduce %and3A_1821 {dim = 0 : i64, kind = #tpu.reduction_kind<sum>} : vector<16xi1> -> vector<16xi32>
            %add3A_1829 = arith.addi %add3A_1804, %all_reduce_population_count3A_1828 : vector<16xi32>
            scf.yield %add3A_1829 : vector<16xi32>
          }
          %while3A_1428 = arith.constant 1 : i32
          %while3A_1429 = scf.for %while3A_1430 = %while3A_1425 to %while3A_1421 step %while3A_1428 iter_args(%while3A_1431 = %while3A_1427) -> (vector<16xi32>)  : i32 {
            %mul3A_1432 = arith.constant 16 : i32
            %mul3A_1433 = arith.muli %while3A_1430, %mul3A_1432 : i32
            %add3A_1434 = arith.constant 0 : i32
            %add3A_1435 = arith.addi %mul3A_1433, %add3A_1434 : i32
            %add3A_1436 = vector.broadcast %add3A_1435 : i32 to vector<16xi32>
            %add3A_1437 = arith.addi %broadcast_in_dim3A_3, %add3A_1436 : vector<16xi32>
            %gather3A = tpu.vector_load_idx %arg7[%add3A_1437] : memref<2048xi32, #tpu.memory_space<vmem>>[vector<16xi32>], vector<16xi32>,
            %add3A_1438 = vector.broadcast %add3A_1435 : i32 to vector<16xi32>
            %add3A_1439 = arith.addi %broadcast_in_dim3A_3, %add3A_1438 : vector<16xi32>
            %lt3A_1440 = arith.cmpi slt, %add3A_1439, %scan3A_1136 : vector<16xi32>
            %mul3A_1441 = arith.constant 16 : i32
            %mul3A_1442 = vector.broadcast %mul3A_1441 : i32 to vector<16xi32>
            %mul3A_1443 = arith.muli %gather3A, %mul3A_1442 : vector<16xi32>
            %add3A_1444 = arith.addi %mul3A_1443, %iota3A : vector<16xi32>
            %gather3A_1445 = tpu.vector_load_idx %arg4[%add3A_1444] : memref<32784xf32, #tpu.memory_space<vmem>>[vector<16xi32>], vector<16xf32>,
            %ge3A_1446 = arith.cmpf oge, %gather3A_1445, %broadcast_in_dim3A_11 : vector<16xf32>
            %and3A_1447 = arith.andi %ge3A_1446, %lt3A_1440 : vector<16xi1>
            %select_n3A_1448 = arith.select %and3A_1447, %broadcast_in_dim3A_1, %broadcast_in_dim3A_3 : vector<16xi1>, vector<16xi32>
            %broadcast_in_dim3A_1449 = arith.constant true
            %broadcast_in_dim3A_1450 = vector.broadcast %broadcast_in_dim3A_1449 : i1 to vector<16xi1>
            %masked_cumsum3A_1451 = tpu.scan <sum>, %select_n3A_1448 masked %broadcast_in_dim3A_1450 : vector<16xi32>, vector<16xi1> -> vector<16xi32>
            %add3A_1452 = arith.addi %while3A_1431, %masked_cumsum3A_1451 : vector<16xi32>
            %sub3A_1453 = arith.subi %add3A_1452, %select_n3A_1448 : vector<16xi32>
            tpu.vector_store_idx %arg5[%sub3A_1453], %add3A_1444 masked %and3A_1447 : memref<32768xi32, #tpu.memory_space<vmem>>[vector<16xi32>], vector<16xi32>, vector<16xi1>
            %all_reduce_population_count3A = tpu.all_reduce %and3A_1447 {dim = 0 : i64, kind = #tpu.reduction_kind<sum>} : vector<16xi1> -> vector<16xi32>
            %add3A_1454 = arith.addi %while3A_1431, %all_reduce_population_count3A : vector<16xi32>
            %mul3A_1455 = arith.constant 16 : i32
            %mul3A_1456 = arith.muli %while3A_1430, %mul3A_1455 : i32
            %add3A_1457 = arith.constant 1 : i32
            %add3A_1458 = arith.addi %mul3A_1456, %add3A_1457 : i32
            %add3A_1459 = vector.broadcast %add3A_1458 : i32 to vector<16xi32>
            %add3A_1460 = arith.addi %broadcast_in_dim3A_3, %add3A_1459 : vector<16xi32>
            %gather3A_1461 = tpu.vector_load_idx %arg7[%add3A_1460] : memref<2048xi32, #tpu.memory_space<vmem>>[vector<16xi32>], vector<16xi32>,
            %add3A_1462 = vector.broadcast %add3A_1458 : i32 to vector<16xi32>
            %add3A_1463 = arith.addi %broadcast_in_dim3A_3, %add3A_1462 : vector<16xi32>
            %lt3A_1464 = arith.cmpi slt, %add3A_1463, %scan3A_1136 : vector<16xi32>
            %mul3A_1465 = arith.constant 16 : i32
            %mul3A_1466 = vector.broadcast %mul3A_1465 : i32 to vector<16xi32>
            %mul3A_1467 = arith.muli %gather3A_1461, %mul3A_1466 : vector<16xi32>
            %add3A_1468 = arith.addi %mul3A_1467, %iota3A : vector<16xi32>
            %gather3A_1469 = tpu.vector_load_idx %arg4[%add3A_1468] : memref<32784xf32, #tpu.memory_space<vmem>>[vector<16xi32>], vector<16xf32>,
            %ge3A_1470 = arith.cmpf oge, %gather3A_1469, %broadcast_in_dim3A_11 : vector<16xf32>
            %and3A_1471 = arith.andi %ge3A_1470, %lt3A_1464 : vector<16xi1>
            %select_n3A_1472 = arith.select %and3A_1471, %broadcast_in_dim3A_1, %broadcast_in_dim3A_3 : vector<16xi1>, vector<16xi32>
            %broadcast_in_dim3A_1473 = arith.constant true
            %broadcast_in_dim3A_1474 = vector.broadcast %broadcast_in_dim3A_1473 : i1 to vector<16xi1>
            %masked_cumsum3A_1475 = tpu.scan <sum>, %select_n3A_1472 masked %broadcast_in_dim3A_1474 : vector<16xi32>, vector<16xi1> -> vector<16xi32>
            %add3A_1476 = arith.addi %add3A_1454, %masked_cumsum3A_1475 : vector<16xi32>
            %sub3A_1477 = arith.subi %add3A_1476, %select_n3A_1472 : vector<16xi32>
            tpu.vector_store_idx %arg5[%sub3A_1477], %add3A_1468 masked %and3A_1471 : memref<32768xi32, #tpu.memory_space<vmem>>[vector<16xi32>], vector<16xi32>, vector<16xi1>
            %all_reduce_population_count3A_1478 = tpu.all_reduce %and3A_1471 {dim = 0 : i64, kind = #tpu.reduction_kind<sum>} : vector<16xi1> -> vector<16xi32>
            %add3A_1479 = arith.addi %add3A_1454, %all_reduce_population_count3A_1478 : vector<16xi32>
            %mul3A_1480 = arith.constant 16 : i32
            %mul3A_1481 = arith.muli %while3A_1430, %mul3A_1480 : i32
            %add3A_1482 = arith.constant 2 : i32
            %add3A_1483 = arith.addi %mul3A_1481, %add3A_1482 : i32
            %add3A_1484 = vector.broadcast %add3A_1483 : i32 to vector<16xi32>
            %add3A_1485 = arith.addi %broadcast_in_dim3A_3, %add3A_1484 : vector<16xi32>
            %gather3A_1486 = tpu.vector_load_idx %arg7[%add3A_1485] : memref<2048xi32, #tpu.memory_space<vmem>>[vector<16xi32>], vector<16xi32>,
            %add3A_1487 = vector.broadcast %add3A_1483 : i32 to vector<16xi32>
            %add3A_1488 = arith.addi %broadcast_in_dim3A_3, %add3A_1487 : vector<16xi32>
            %lt3A_1489 = arith.cmpi slt, %add3A_1488, %scan3A_1136 : vector<16xi32>
            %mul3A_1490 = arith.constant 16 : i32
            %mul3A_1491 = vector.broadcast %mul3A_1490 : i32 to vector<16xi32>
            %mul3A_1492 = arith.muli %gather3A_1486, %mul3A_1491 : vector<16xi32>
            %add3A_1493 = arith.addi %mul3A_1492, %iota3A : vector<16xi32>
            %gather3A_1494 = tpu.vector_load_idx %arg4[%add3A_1493] : memref<32784xf32, #tpu.memory_space<vmem>>[vector<16xi32>], vector<16xf32>,
            %ge3A_1495 = arith.cmpf oge, %gather3A_1494, %broadcast_in_dim3A_11 : vector<16xf32>
            %and3A_1496 = arith.andi %ge3A_1495, %lt3A_1489 : vector<16xi1>
            %select_n3A_1497 = arith.select %and3A_1496, %broadcast_in_dim3A_1, %broadcast_in_dim3A_3 : vector<16xi1>, vector<16xi32>
            %broadcast_in_dim3A_1498 = arith.constant true
            %broadcast_in_dim3A_1499 = vector.broadcast %broadcast_in_dim3A_1498 : i1 to vector<16xi1>
            %masked_cumsum3A_1500 = tpu.scan <sum>, %select_n3A_1497 masked %broadcast_in_dim3A_1499 : vector<16xi32>, vector<16xi1> -> vector<16xi32>
            %add3A_1501 = arith.addi %add3A_1479, %masked_cumsum3A_1500 : vector<16xi32>
            %sub3A_1502 = arith.subi %add3A_1501, %select_n3A_1497 : vector<16xi32>
            tpu.vector_store_idx %arg5[%sub3A_1502], %add3A_1493 masked %and3A_1496 : memref<32768xi32, #tpu.memory_space<vmem>>[vector<16xi32>], vector<16xi32>, vector<16xi1>
            %all_reduce_population_count3A_1503 = tpu.all_reduce %and3A_1496 {dim = 0 : i64, kind = #tpu.reduction_kind<sum>} : vector<16xi1> -> vector<16xi32>
            %add3A_1504 = arith.addi %add3A_1479, %all_reduce_population_count3A_1503 : vector<16xi32>
            %mul3A_1505 = arith.constant 16 : i32
            %mul3A_1506 = arith.muli %while3A_1430, %mul3A_1505 : i32
            %add3A_1507 = arith.constant 3 : i32
            %add3A_1508 = arith.addi %mul3A_1506, %add3A_1507 : i32
            %add3A_1509 = vector.broadcast %add3A_1508 : i32 to vector<16xi32>
            %add3A_1510 = arith.addi %broadcast_in_dim3A_3, %add3A_1509 : vector<16xi32>
            %gather3A_1511 = tpu.vector_load_idx %arg7[%add3A_1510] : memref<2048xi32, #tpu.memory_space<vmem>>[vector<16xi32>], vector<16xi32>,
            %add3A_1512 = vector.broadcast %add3A_1508 : i32 to vector<16xi32>
            %add3A_1513 = arith.addi %broadcast_in_dim3A_3, %add3A_1512 : vector<16xi32>
            %lt3A_1514 = arith.cmpi slt, %add3A_1513, %scan3A_1136 : vector<16xi32>
            %mul3A_1515 = arith.constant 16 : i32
            %mul3A_1516 = vector.broadcast %mul3A_1515 : i32 to vector<16xi32>
            %mul3A_1517 = arith.muli %gather3A_1511, %mul3A_1516 : vector<16xi32>
            %add3A_1518 = arith.addi %mul3A_1517, %iota3A : vector<16xi32>
            %gather3A_1519 = tpu.vector_load_idx %arg4[%add3A_1518] : memref<32784xf32, #tpu.memory_space<vmem>>[vector<16xi32>], vector<16xf32>,
            %ge3A_1520 = arith.cmpf oge, %gather3A_1519, %broadcast_in_dim3A_11 : vector<16xf32>
            %and3A_1521 = arith.andi %ge3A_1520, %lt3A_1514 : vector<16xi1>
            %select_n3A_1522 = arith.select %and3A_1521, %broadcast_in_dim3A_1, %broadcast_in_dim3A_3 : vector<16xi1>, vector<16xi32>
            %broadcast_in_dim3A_1523 = arith.constant true
            %broadcast_in_dim3A_1524 = vector.broadcast %broadcast_in_dim3A_1523 : i1 to vector<16xi1>
            %masked_cumsum3A_1525 = tpu.scan <sum>, %select_n3A_1522 masked %broadcast_in_dim3A_1524 : vector<16xi32>, vector<16xi1> -> vector<16xi32>
            %add3A_1526 = arith.addi %add3A_1504, %masked_cumsum3A_1525 : vector<16xi32>
            %sub3A_1527 = arith.subi %add3A_1526, %select_n3A_1522 : vector<16xi32>
            tpu.vector_store_idx %arg5[%sub3A_1527], %add3A_1518 masked %and3A_1521 : memref<32768xi32, #tpu.memory_space<vmem>>[vector<16xi32>], vector<16xi32>, vector<16xi1>
            %all_reduce_population_count3A_1528 = tpu.all_reduce %and3A_1521 {dim = 0 : i64, kind = #tpu.reduction_kind<sum>} : vector<16xi1> -> vector<16xi32>
            %add3A_1529 = arith.addi %add3A_1504, %all_reduce_population_count3A_1528 : vector<16xi32>
            %mul3A_1530 = arith.constant 16 : i32
            %mul3A_1531 = arith.muli %while3A_1430, %mul3A_1530 : i32
            %add3A_1532 = arith.constant 4 : i32
            %add3A_1533 = arith.addi %mul3A_1531, %add3A_1532 : i32
            %add3A_1534 = vector.broadcast %add3A_1533 : i32 to vector<16xi32>
            %add3A_1535 = arith.addi %broadcast_in_dim3A_3, %add3A_1534 : vector<16xi32>
            %gather3A_1536 = tpu.vector_load_idx %arg7[%add3A_1535] : memref<2048xi32, #tpu.memory_space<vmem>>[vector<16xi32>], vector<16xi32>,
            %add3A_1537 = vector.broadcast %add3A_1533 : i32 to vector<16xi32>
            %add3A_1538 = arith.addi %broadcast_in_dim3A_3, %add3A_1537 : vector<16xi32>
            %lt3A_1539 = arith.cmpi slt, %add3A_1538, %scan3A_1136 : vector<16xi32>
            %mul3A_1540 = arith.constant 16 : i32
            %mul3A_1541 = vector.broadcast %mul3A_1540 : i32 to vector<16xi32>
            %mul3A_1542 = arith.muli %gather3A_1536, %mul3A_1541 : vector<16xi32>
            %add3A_1543 = arith.addi %mul3A_1542, %iota3A : vector<16xi32>
            %gather3A_1544 = tpu.vector_load_idx %arg4[%add3A_1543] : memref<32784xf32, #tpu.memory_space<vmem>>[vector<16xi32>], vector<16xf32>,
            %ge3A_1545 = arith.cmpf oge, %gather3A_1544, %broadcast_in_dim3A_11 : vector<16xf32>
            %and3A_1546 = arith.andi %ge3A_1545, %lt3A_1539 : vector<16xi1>
            %select_n3A_1547 = arith.select %and3A_1546, %broadcast_in_dim3A_1, %broadcast_in_dim3A_3 : vector<16xi1>, vector<16xi32>
            %broadcast_in_dim3A_1548 = arith.constant true
            %broadcast_in_dim3A_1549 = vector.broadcast %broadcast_in_dim3A_1548 : i1 to vector<16xi1>
            %masked_cumsum3A_1550 = tpu.scan <sum>, %select_n3A_1547 masked %broadcast_in_dim3A_1549 : vector<16xi32>, vector<16xi1> -> vector<16xi32>
            %add3A_1551 = arith.addi %add3A_1529, %masked_cumsum3A_1550 : vector<16xi32>
            %sub3A_1552 = arith.subi %add3A_1551, %select_n3A_1547 : vector<16xi32>
            tpu.vector_store_idx %arg5[%sub3A_1552], %add3A_1543 masked %and3A_1546 : memref<32768xi32, #tpu.memory_space<vmem>>[vector<16xi32>], vector<16xi32>, vector<16xi1>
            %all_reduce_population_count3A_1553 = tpu.all_reduce %and3A_1546 {dim = 0 : i64, kind = #tpu.reduction_kind<sum>} : vector<16xi1> -> vector<16xi32>
            %add3A_1554 = arith.addi %add3A_1529, %all_reduce_population_count3A_1553 : vector<16xi32>
            %mul3A_1555 = arith.constant 16 : i32
            %mul3A_1556 = arith.muli %while3A_1430, %mul3A_1555 : i32
            %add3A_1557 = arith.constant 5 : i32
            %add3A_1558 = arith.addi %mul3A_1556, %add3A_1557 : i32
            %add3A_1559 = vector.broadcast %add3A_1558 : i32 to vector<16xi32>
            %add3A_1560 = arith.addi %broadcast_in_dim3A_3, %add3A_1559 : vector<16xi32>
            %gather3A_1561 = tpu.vector_load_idx %arg7[%add3A_1560] : memref<2048xi32, #tpu.memory_space<vmem>>[vector<16xi32>], vector<16xi32>,
            %add3A_1562 = vector.broadcast %add3A_1558 : i32 to vector<16xi32>
            %add3A_1563 = arith.addi %broadcast_in_dim3A_3, %add3A_1562 : vector<16xi32>
            %lt3A_1564 = arith.cmpi slt, %add3A_1563, %scan3A_1136 : vector<16xi32>
            %mul3A_1565 = arith.constant 16 : i32
            %mul3A_1566 = vector.broadcast %mul3A_1565 : i32 to vector<16xi32>
            %mul3A_1567 = arith.muli %gather3A_1561, %mul3A_1566 : vector<16xi32>
            %add3A_1568 = arith.addi %mul3A_1567, %iota3A : vector<16xi32>
            %gather3A_1569 = tpu.vector_load_idx %arg4[%add3A_1568] : memref<32784xf32, #tpu.memory_space<vmem>>[vector<16xi32>], vector<16xf32>,
            %ge3A_1570 = arith.cmpf oge, %gather3A_1569, %broadcast_in_dim3A_11 : vector<16xf32>
            %and3A_1571 = arith.andi %ge3A_1570, %lt3A_1564 : vector<16xi1>
            %select_n3A_1572 = arith.select %and3A_1571, %broadcast_in_dim3A_1, %broadcast_in_dim3A_3 : vector<16xi1>, vector<16xi32>
            %broadcast_in_dim3A_1573 = arith.constant true
            %broadcast_in_dim3A_1574 = vector.broadcast %broadcast_in_dim3A_1573 : i1 to vector<16xi1>
            %masked_cumsum3A_1575 = tpu.scan <sum>, %select_n3A_1572 masked %broadcast_in_dim3A_1574 : vector<16xi32>, vector<16xi1> -> vector<16xi32>
            %add3A_1576 = arith.addi %add3A_1554, %masked_cumsum3A_1575 : vector<16xi32>
            %sub3A_1577 = arith.subi %add3A_1576, %select_n3A_1572 : vector<16xi32>
            tpu.vector_store_idx %arg5[%sub3A_1577], %add3A_1568 masked %and3A_1571 : memref<32768xi32, #tpu.memory_space<vmem>>[vector<16xi32>], vector<16xi32>, vector<16xi1>
            %all_reduce_population_count3A_1578 = tpu.all_reduce %and3A_1571 {dim = 0 : i64, kind = #tpu.reduction_kind<sum>} : vector<16xi1> -> vector<16xi32>
            %add3A_1579 = arith.addi %add3A_1554, %all_reduce_population_count3A_1578 : vector<16xi32>
            %mul3A_1580 = arith.constant 16 : i32
            %mul3A_1581 = arith.muli %while3A_1430, %mul3A_1580 : i32
            %add3A_1582 = arith.constant 6 : i32
            %add3A_1583 = arith.addi %mul3A_1581, %add3A_1582 : i32
            %add3A_1584 = vector.broadcast %add3A_1583 : i32 to vector<16xi32>
            %add3A_1585 = arith.addi %broadcast_in_dim3A_3, %add3A_1584 : vector<16xi32>
            %gather3A_1586 = tpu.vector_load_idx %arg7[%add3A_1585] : memref<2048xi32, #tpu.memory_space<vmem>>[vector<16xi32>], vector<16xi32>,
            %add3A_1587 = vector.broadcast %add3A_1583 : i32 to vector<16xi32>
            %add3A_1588 = arith.addi %broadcast_in_dim3A_3, %add3A_1587 : vector<16xi32>
            %lt3A_1589 = arith.cmpi slt, %add3A_1588, %scan3A_1136 : vector<16xi32>
            %mul3A_1590 = arith.constant 16 : i32
            %mul3A_1591 = vector.broadcast %mul3A_1590 : i32 to vector<16xi32>
            %mul3A_1592 = arith.muli %gather3A_1586, %mul3A_1591 : vector<16xi32>
            %add3A_1593 = arith.addi %mul3A_1592, %iota3A : vector<16xi32>
            %gather3A_1594 = tpu.vector_load_idx %arg4[%add3A_1593] : memref<32784xf32, #tpu.memory_space<vmem>>[vector<16xi32>], vector<16xf32>,
            %ge3A_1595 = arith.cmpf oge, %gather3A_1594, %broadcast_in_dim3A_11 : vector<16xf32>
            %and3A_1596 = arith.andi %ge3A_1595, %lt3A_1589 : vector<16xi1>
            %select_n3A_1597 = arith.select %and3A_1596, %broadcast_in_dim3A_1, %broadcast_in_dim3A_3 : vector<16xi1>, vector<16xi32>
            %broadcast_in_dim3A_1598 = arith.constant true
            %broadcast_in_dim3A_1599 = vector.broadcast %broadcast_in_dim3A_1598 : i1 to vector<16xi1>
            %masked_cumsum3A_1600 = tpu.scan <sum>, %select_n3A_1597 masked %broadcast_in_dim3A_1599 : vector<16xi32>, vector<16xi1> -> vector<16xi32>
            %add3A_1601 = arith.addi %add3A_1579, %masked_cumsum3A_1600 : vector<16xi32>
            %sub3A_1602 = arith.subi %add3A_1601, %select_n3A_1597 : vector<16xi32>
            tpu.vector_store_idx %arg5[%sub3A_1602], %add3A_1593 masked %and3A_1596 : memref<32768xi32, #tpu.memory_space<vmem>>[vector<16xi32>], vector<16xi32>, vector<16xi1>
            %all_reduce_population_count3A_1603 = tpu.all_reduce %and3A_1596 {dim = 0 : i64, kind = #tpu.reduction_kind<sum>} : vector<16xi1> -> vector<16xi32>
            %add3A_1604 = arith.addi %add3A_1579, %all_reduce_population_count3A_1603 : vector<16xi32>
            %mul3A_1605 = arith.constant 16 : i32
            %mul3A_1606 = arith.muli %while3A_1430, %mul3A_1605 : i32
            %add3A_1607 = arith.constant 7 : i32
            %add3A_1608 = arith.addi %mul3A_1606, %add3A_1607 : i32
            %add3A_1609 = vector.broadcast %add3A_1608 : i32 to vector<16xi32>
            %add3A_1610 = arith.addi %broadcast_in_dim3A_3, %add3A_1609 : vector<16xi32>
            %gather3A_1611 = tpu.vector_load_idx %arg7[%add3A_1610] : memref<2048xi32, #tpu.memory_space<vmem>>[vector<16xi32>], vector<16xi32>,
            %add3A_1612 = vector.broadcast %add3A_1608 : i32 to vector<16xi32>
            %add3A_1613 = arith.addi %broadcast_in_dim3A_3, %add3A_1612 : vector<16xi32>
            %lt3A_1614 = arith.cmpi slt, %add3A_1613, %scan3A_1136 : vector<16xi32>
            %mul3A_1615 = arith.constant 16 : i32
            %mul3A_1616 = vector.broadcast %mul3A_1615 : i32 to vector<16xi32>
            %mul3A_1617 = arith.muli %gather3A_1611, %mul3A_1616 : vector<16xi32>
            %add3A_1618 = arith.addi %mul3A_1617, %iota3A : vector<16xi32>
            %gather3A_1619 = tpu.vector_load_idx %arg4[%add3A_1618] : memref<32784xf32, #tpu.memory_space<vmem>>[vector<16xi32>], vector<16xf32>,
            %ge3A_1620 = arith.cmpf oge, %gather3A_1619, %broadcast_in_dim3A_11 : vector<16xf32>
            %and3A_1621 = arith.andi %ge3A_1620, %lt3A_1614 : vector<16xi1>
            %select_n3A_1622 = arith.select %and3A_1621, %broadcast_in_dim3A_1, %broadcast_in_dim3A_3 : vector<16xi1>, vector<16xi32>
            %broadcast_in_dim3A_1623 = arith.constant true
            %broadcast_in_dim3A_1624 = vector.broadcast %broadcast_in_dim3A_1623 : i1 to vector<16xi1>
            %masked_cumsum3A_1625 = tpu.scan <sum>, %select_n3A_1622 masked %broadcast_in_dim3A_1624 : vector<16xi32>, vector<16xi1> -> vector<16xi32>
            %add3A_1626 = arith.addi %add3A_1604, %masked_cumsum3A_1625 : vector<16xi32>
            %sub3A_1627 = arith.subi %add3A_1626, %select_n3A_1622 : vector<16xi32>
            tpu.vector_store_idx %arg5[%sub3A_1627], %add3A_1618 masked %and3A_1621 : memref<32768xi32, #tpu.memory_space<vmem>>[vector<16xi32>], vector<16xi32>, vector<16xi1>
            %all_reduce_population_count3A_1628 = tpu.all_reduce %and3A_1621 {dim = 0 : i64, kind = #tpu.reduction_kind<sum>} : vector<16xi1> -> vector<16xi32>
            %add3A_1629 = arith.addi %add3A_1604, %all_reduce_population_count3A_1628 : vector<16xi32>
            %mul3A_1630 = arith.constant 16 : i32
            %mul3A_1631 = arith.muli %while3A_1430, %mul3A_1630 : i32
            %add3A_1632 = arith.constant 8 : i32
            %add3A_1633 = arith.addi %mul3A_1631, %add3A_1632 : i32
            %add3A_1634 = vector.broadcast %add3A_1633 : i32 to vector<16xi32>
            %add3A_1635 = arith.addi %broadcast_in_dim3A_3, %add3A_1634 : vector<16xi32>
            %gather3A_1636 = tpu.vector_load_idx %arg7[%add3A_1635] : memref<2048xi32, #tpu.memory_space<vmem>>[vector<16xi32>], vector<16xi32>,
            %add3A_1637 = vector.broadcast %add3A_1633 : i32 to vector<16xi32>
            %add3A_1638 = arith.addi %broadcast_in_dim3A_3, %add3A_1637 : vector<16xi32>
            %lt3A_1639 = arith.cmpi slt, %add3A_1638, %scan3A_1136 : vector<16xi32>
            %mul3A_1640 = arith.constant 16 : i32
            %mul3A_1641 = vector.broadcast %mul3A_1640 : i32 to vector<16xi32>
            %mul3A_1642 = arith.muli %gather3A_1636, %mul3A_1641 : vector<16xi32>
            %add3A_1643 = arith.addi %mul3A_1642, %iota3A : vector<16xi32>
            %gather3A_1644 = tpu.vector_load_idx %arg4[%add3A_1643] : memref<32784xf32, #tpu.memory_space<vmem>>[vector<16xi32>], vector<16xf32>,
            %ge3A_1645 = arith.cmpf oge, %gather3A_1644, %broadcast_in_dim3A_11 : vector<16xf32>
            %and3A_1646 = arith.andi %ge3A_1645, %lt3A_1639 : vector<16xi1>
            %select_n3A_1647 = arith.select %and3A_1646, %broadcast_in_dim3A_1, %broadcast_in_dim3A_3 : vector<16xi1>, vector<16xi32>
            %broadcast_in_dim3A_1648 = arith.constant true
            %broadcast_in_dim3A_1649 = vector.broadcast %broadcast_in_dim3A_1648 : i1 to vector<16xi1>
            %masked_cumsum3A_1650 = tpu.scan <sum>, %select_n3A_1647 masked %broadcast_in_dim3A_1649 : vector<16xi32>, vector<16xi1> -> vector<16xi32>
            %add3A_1651 = arith.addi %add3A_1629, %masked_cumsum3A_1650 : vector<16xi32>
            %sub3A_1652 = arith.subi %add3A_1651, %select_n3A_1647 : vector<16xi32>
            tpu.vector_store_idx %arg5[%sub3A_1652], %add3A_1643 masked %and3A_1646 : memref<32768xi32, #tpu.memory_space<vmem>>[vector<16xi32>], vector<16xi32>, vector<16xi1>
            %all_reduce_population_count3A_1653 = tpu.all_reduce %and3A_1646 {dim = 0 : i64, kind = #tpu.reduction_kind<sum>} : vector<16xi1> -> vector<16xi32>
            %add3A_1654 = arith.addi %add3A_1629, %all_reduce_population_count3A_1653 : vector<16xi32>
            %mul3A_1655 = arith.constant 16 : i32
            %mul3A_1656 = arith.muli %while3A_1430, %mul3A_1655 : i32
            %add3A_1657 = arith.constant 9 : i32
            %add3A_1658 = arith.addi %mul3A_1656, %add3A_1657 : i32
            %add3A_1659 = vector.broadcast %add3A_1658 : i32 to vector<16xi32>
            %add3A_1660 = arith.addi %broadcast_in_dim3A_3, %add3A_1659 : vector<16xi32>
            %gather3A_1661 = tpu.vector_load_idx %arg7[%add3A_1660] : memref<2048xi32, #tpu.memory_space<vmem>>[vector<16xi32>], vector<16xi32>,
            %add3A_1662 = vector.broadcast %add3A_1658 : i32 to vector<16xi32>
            %add3A_1663 = arith.addi %broadcast_in_dim3A_3, %add3A_1662 : vector<16xi32>
            %lt3A_1664 = arith.cmpi slt, %add3A_1663, %scan3A_1136 : vector<16xi32>
            %mul3A_1665 = arith.constant 16 : i32
            %mul3A_1666 = vector.broadcast %mul3A_1665 : i32 to vector<16xi32>
            %mul3A_1667 = arith.muli %gather3A_1661, %mul3A_1666 : vector<16xi32>
            %add3A_1668 = arith.addi %mul3A_1667, %iota3A : vector<16xi32>
            %gather3A_1669 = tpu.vector_load_idx %arg4[%add3A_1668] : memref<32784xf32, #tpu.memory_space<vmem>>[vector<16xi32>], vector<16xf32>,
            %ge3A_1670 = arith.cmpf oge, %gather3A_1669, %broadcast_in_dim3A_11 : vector<16xf32>
            %and3A_1671 = arith.andi %ge3A_1670, %lt3A_1664 : vector<16xi1>
            %select_n3A_1672 = arith.select %and3A_1671, %broadcast_in_dim3A_1, %broadcast_in_dim3A_3 : vector<16xi1>, vector<16xi32>
            %broadcast_in_dim3A_1673 = arith.constant true
            %broadcast_in_dim3A_1674 = vector.broadcast %broadcast_in_dim3A_1673 : i1 to vector<16xi1>
            %masked_cumsum3A_1675 = tpu.scan <sum>, %select_n3A_1672 masked %broadcast_in_dim3A_1674 : vector<16xi32>, vector<16xi1> -> vector<16xi32>
            %add3A_1676 = arith.addi %add3A_1654, %masked_cumsum3A_1675 : vector<16xi32>
            %sub3A_1677 = arith.subi %add3A_1676, %select_n3A_1672 : vector<16xi32>
            tpu.vector_store_idx %arg5[%sub3A_1677], %add3A_1668 masked %and3A_1671 : memref<32768xi32, #tpu.memory_space<vmem>>[vector<16xi32>], vector<16xi32>, vector<16xi1>
            %all_reduce_population_count3A_1678 = tpu.all_reduce %and3A_1671 {dim = 0 : i64, kind = #tpu.reduction_kind<sum>} : vector<16xi1> -> vector<16xi32>
            %add3A_1679 = arith.addi %add3A_1654, %all_reduce_population_count3A_1678 : vector<16xi32>
            %mul3A_1680 = arith.constant 16 : i32
            %mul3A_1681 = arith.muli %while3A_1430, %mul3A_1680 : i32
            %add3A_1682 = arith.constant 10 : i32
            %add3A_1683 = arith.addi %mul3A_1681, %add3A_1682 : i32
            %add3A_1684 = vector.broadcast %add3A_1683 : i32 to vector<16xi32>
            %add3A_1685 = arith.addi %broadcast_in_dim3A_3, %add3A_1684 : vector<16xi32>
            %gather3A_1686 = tpu.vector_load_idx %arg7[%add3A_1685] : memref<2048xi32, #tpu.memory_space<vmem>>[vector<16xi32>], vector<16xi32>,
            %add3A_1687 = vector.broadcast %add3A_1683 : i32 to vector<16xi32>
            %add3A_1688 = arith.addi %broadcast_in_dim3A_3, %add3A_1687 : vector<16xi32>
            %lt3A_1689 = arith.cmpi slt, %add3A_1688, %scan3A_1136 : vector<16xi32>
            %mul3A_1690 = arith.constant 16 : i32
            %mul3A_1691 = vector.broadcast %mul3A_1690 : i32 to vector<16xi32>
            %mul3A_1692 = arith.muli %gather3A_1686, %mul3A_1691 : vector<16xi32>
            %add3A_1693 = arith.addi %mul3A_1692, %iota3A : vector<16xi32>
            %gather3A_1694 = tpu.vector_load_idx %arg4[%add3A_1693] : memref<32784xf32, #tpu.memory_space<vmem>>[vector<16xi32>], vector<16xf32>,
            %ge3A_1695 = arith.cmpf oge, %gather3A_1694, %broadcast_in_dim3A_11 : vector<16xf32>
            %and3A_1696 = arith.andi %ge3A_1695, %lt3A_1689 : vector<16xi1>
            %select_n3A_1697 = arith.select %and3A_1696, %broadcast_in_dim3A_1, %broadcast_in_dim3A_3 : vector<16xi1>, vector<16xi32>
            %broadcast_in_dim3A_1698 = arith.constant true
            %broadcast_in_dim3A_1699 = vector.broadcast %broadcast_in_dim3A_1698 : i1 to vector<16xi1>
            %masked_cumsum3A_1700 = tpu.scan <sum>, %select_n3A_1697 masked %broadcast_in_dim3A_1699 : vector<16xi32>, vector<16xi1> -> vector<16xi32>
            %add3A_1701 = arith.addi %add3A_1679, %masked_cumsum3A_1700 : vector<16xi32>
            %sub3A_1702 = arith.subi %add3A_1701, %select_n3A_1697 : vector<16xi32>
            tpu.vector_store_idx %arg5[%sub3A_1702], %add3A_1693 masked %and3A_1696 : memref<32768xi32, #tpu.memory_space<vmem>>[vector<16xi32>], vector<16xi32>, vector<16xi1>
            %all_reduce_population_count3A_1703 = tpu.all_reduce %and3A_1696 {dim = 0 : i64, kind = #tpu.reduction_kind<sum>} : vector<16xi1> -> vector<16xi32>
            %add3A_1704 = arith.addi %add3A_1679, %all_reduce_population_count3A_1703 : vector<16xi32>
            %mul3A_1705 = arith.constant 16 : i32
            %mul3A_1706 = arith.muli %while3A_1430, %mul3A_1705 : i32
            %add3A_1707 = arith.constant 11 : i32
            %add3A_1708 = arith.addi %mul3A_1706, %add3A_1707 : i32
            %add3A_1709 = vector.broadcast %add3A_1708 : i32 to vector<16xi32>
            %add3A_1710 = arith.addi %broadcast_in_dim3A_3, %add3A_1709 : vector<16xi32>
            %gather3A_1711 = tpu.vector_load_idx %arg7[%add3A_1710] : memref<2048xi32, #tpu.memory_space<vmem>>[vector<16xi32>], vector<16xi32>,
            %add3A_1712 = vector.broadcast %add3A_1708 : i32 to vector<16xi32>
            %add3A_1713 = arith.addi %broadcast_in_dim3A_3, %add3A_1712 : vector<16xi32>
            %lt3A_1714 = arith.cmpi slt, %add3A_1713, %scan3A_1136 : vector<16xi32>
            %mul3A_1715 = arith.constant 16 : i32
            %mul3A_1716 = vector.broadcast %mul3A_1715 : i32 to vector<16xi32>
            %mul3A_1717 = arith.muli %gather3A_1711, %mul3A_1716 : vector<16xi32>
            %add3A_1718 = arith.addi %mul3A_1717, %iota3A : vector<16xi32>
            %gather3A_1719 = tpu.vector_load_idx %arg4[%add3A_1718] : memref<32784xf32, #tpu.memory_space<vmem>>[vector<16xi32>], vector<16xf32>,
            %ge3A_1720 = arith.cmpf oge, %gather3A_1719, %broadcast_in_dim3A_11 : vector<16xf32>
            %and3A_1721 = arith.andi %ge3A_1720, %lt3A_1714 : vector<16xi1>
            %select_n3A_1722 = arith.select %and3A_1721, %broadcast_in_dim3A_1, %broadcast_in_dim3A_3 : vector<16xi1>, vector<16xi32>
            %broadcast_in_dim3A_1723 = arith.constant true
            %broadcast_in_dim3A_1724 = vector.broadcast %broadcast_in_dim3A_1723 : i1 to vector<16xi1>
            %masked_cumsum3A_1725 = tpu.scan <sum>, %select_n3A_1722 masked %broadcast_in_dim3A_1724 : vector<16xi32>, vector<16xi1> -> vector<16xi32>
            %add3A_1726 = arith.addi %add3A_1704, %masked_cumsum3A_1725 : vector<16xi32>
            %sub3A_1727 = arith.subi %add3A_1726, %select_n3A_1722 : vector<16xi32>
            tpu.vector_store_idx %arg5[%sub3A_1727], %add3A_1718 masked %and3A_1721 : memref<32768xi32, #tpu.memory_space<vmem>>[vector<16xi32>], vector<16xi32>, vector<16xi1>
            %all_reduce_population_count3A_1728 = tpu.all_reduce %and3A_1721 {dim = 0 : i64, kind = #tpu.reduction_kind<sum>} : vector<16xi1> -> vector<16xi32>
            %add3A_1729 = arith.addi %add3A_1704, %all_reduce_population_count3A_1728 : vector<16xi32>
            %mul3A_1730 = arith.constant 16 : i32
            %mul3A_1731 = arith.muli %while3A_1430, %mul3A_1730 : i32
            %add3A_1732 = arith.constant 12 : i32
            %add3A_1733 = arith.addi %mul3A_1731, %add3A_1732 : i32
            %add3A_1734 = vector.broadcast %add3A_1733 : i32 to vector<16xi32>
            %add3A_1735 = arith.addi %broadcast_in_dim3A_3, %add3A_1734 : vector<16xi32>
            %gather3A_1736 = tpu.vector_load_idx %arg7[%add3A_1735] : memref<2048xi32, #tpu.memory_space<vmem>>[vector<16xi32>], vector<16xi32>,
            %add3A_1737 = vector.broadcast %add3A_1733 : i32 to vector<16xi32>
            %add3A_1738 = arith.addi %broadcast_in_dim3A_3, %add3A_1737 : vector<16xi32>
            %lt3A_1739 = arith.cmpi slt, %add3A_1738, %scan3A_1136 : vector<16xi32>
            %mul3A_1740 = arith.constant 16 : i32
            %mul3A_1741 = vector.broadcast %mul3A_1740 : i32 to vector<16xi32>
            %mul3A_1742 = arith.muli %gather3A_1736, %mul3A_1741 : vector<16xi32>
            %add3A_1743 = arith.addi %mul3A_1742, %iota3A : vector<16xi32>
            %gather3A_1744 = tpu.vector_load_idx %arg4[%add3A_1743] : memref<32784xf32, #tpu.memory_space<vmem>>[vector<16xi32>], vector<16xf32>,
            %ge3A_1745 = arith.cmpf oge, %gather3A_1744, %broadcast_in_dim3A_11 : vector<16xf32>
            %and3A_1746 = arith.andi %ge3A_1745, %lt3A_1739 : vector<16xi1>
            %select_n3A_1747 = arith.select %and3A_1746, %broadcast_in_dim3A_1, %broadcast_in_dim3A_3 : vector<16xi1>, vector<16xi32>
            %broadcast_in_dim3A_1748 = arith.constant true
            %broadcast_in_dim3A_1749 = vector.broadcast %broadcast_in_dim3A_1748 : i1 to vector<16xi1>
            %masked_cumsum3A_1750 = tpu.scan <sum>, %select_n3A_1747 masked %broadcast_in_dim3A_1749 : vector<16xi32>, vector<16xi1> -> vector<16xi32>
            %add3A_1751 = arith.addi %add3A_1729, %masked_cumsum3A_1750 : vector<16xi32>
            %sub3A_1752 = arith.subi %add3A_1751, %select_n3A_1747 : vector<16xi32>
            tpu.vector_store_idx %arg5[%sub3A_1752], %add3A_1743 masked %and3A_1746 : memref<32768xi32, #tpu.memory_space<vmem>>[vector<16xi32>], vector<16xi32>, vector<16xi1>
            %all_reduce_population_count3A_1753 = tpu.all_reduce %and3A_1746 {dim = 0 : i64, kind = #tpu.reduction_kind<sum>} : vector<16xi1> -> vector<16xi32>
            %add3A_1754 = arith.addi %add3A_1729, %all_reduce_population_count3A_1753 : vector<16xi32>
            %mul3A_1755 = arith.constant 16 : i32
            %mul3A_1756 = arith.muli %while3A_1430, %mul3A_1755 : i32
            %add3A_1757 = arith.constant 13 : i32
            %add3A_1758 = arith.addi %mul3A_1756, %add3A_1757 : i32
            %add3A_1759 = vector.broadcast %add3A_1758 : i32 to vector<16xi32>
            %add3A_1760 = arith.addi %broadcast_in_dim3A_3, %add3A_1759 : vector<16xi32>
            %gather3A_1761 = tpu.vector_load_idx %arg7[%add3A_1760] : memref<2048xi32, #tpu.memory_space<vmem>>[vector<16xi32>], vector<16xi32>,
            %add3A_1762 = vector.broadcast %add3A_1758 : i32 to vector<16xi32>
            %add3A_1763 = arith.addi %broadcast_in_dim3A_3, %add3A_1762 : vector<16xi32>
            %lt3A_1764 = arith.cmpi slt, %add3A_1763, %scan3A_1136 : vector<16xi32>
            %mul3A_1765 = arith.constant 16 : i32
            %mul3A_1766 = vector.broadcast %mul3A_1765 : i32 to vector<16xi32>
            %mul3A_1767 = arith.muli %gather3A_1761, %mul3A_1766 : vector<16xi32>
            %add3A_1768 = arith.addi %mul3A_1767, %iota3A : vector<16xi32>
            %gather3A_1769 = tpu.vector_load_idx %arg4[%add3A_1768] : memref<32784xf32, #tpu.memory_space<vmem>>[vector<16xi32>], vector<16xf32>,
            %ge3A_1770 = arith.cmpf oge, %gather3A_1769, %broadcast_in_dim3A_11 : vector<16xf32>
            %and3A_1771 = arith.andi %ge3A_1770, %lt3A_1764 : vector<16xi1>
            %select_n3A_1772 = arith.select %and3A_1771, %broadcast_in_dim3A_1, %broadcast_in_dim3A_3 : vector<16xi1>, vector<16xi32>
            %broadcast_in_dim3A_1773 = arith.constant true
            %broadcast_in_dim3A_1774 = vector.broadcast %broadcast_in_dim3A_1773 : i1 to vector<16xi1>
            %masked_cumsum3A_1775 = tpu.scan <sum>, %select_n3A_1772 masked %broadcast_in_dim3A_1774 : vector<16xi32>, vector<16xi1> -> vector<16xi32>
            %add3A_1776 = arith.addi %add3A_1754, %masked_cumsum3A_1775 : vector<16xi32>
            %sub3A_1777 = arith.subi %add3A_1776, %select_n3A_1772 : vector<16xi32>
            tpu.vector_store_idx %arg5[%sub3A_1777], %add3A_1768 masked %and3A_1771 : memref<32768xi32, #tpu.memory_space<vmem>>[vector<16xi32>], vector<16xi32>, vector<16xi1>
            %all_reduce_population_count3A_1778 = tpu.all_reduce %and3A_1771 {dim = 0 : i64, kind = #tpu.reduction_kind<sum>} : vector<16xi1> -> vector<16xi32>
            %add3A_1779 = arith.addi %add3A_1754, %all_reduce_population_count3A_1778 : vector<16xi32>
            %mul3A_1780 = arith.constant 16 : i32
            %mul3A_1781 = arith.muli %while3A_1430, %mul3A_1780 : i32
            %add3A_1782 = arith.constant 14 : i32
            %add3A_1783 = arith.addi %mul3A_1781, %add3A_1782 : i32
            %add3A_1784 = vector.broadcast %add3A_1783 : i32 to vector<16xi32>
            %add3A_1785 = arith.addi %broadcast_in_dim3A_3, %add3A_1784 : vector<16xi32>
            %gather3A_1786 = tpu.vector_load_idx %arg7[%add3A_1785] : memref<2048xi32, #tpu.memory_space<vmem>>[vector<16xi32>], vector<16xi32>,
            %add3A_1787 = vector.broadcast %add3A_1783 : i32 to vector<16xi32>
            %add3A_1788 = arith.addi %broadcast_in_dim3A_3, %add3A_1787 : vector<16xi32>
            %lt3A_1789 = arith.cmpi slt, %add3A_1788, %scan3A_1136 : vector<16xi32>
            %mul3A_1790 = arith.constant 16 : i32
            %mul3A_1791 = vector.broadcast %mul3A_1790 : i32 to vector<16xi32>
            %mul3A_1792 = arith.muli %gather3A_1786, %mul3A_1791 : vector<16xi32>
            %add3A_1793 = arith.addi %mul3A_1792, %iota3A : vector<16xi32>
            %gather3A_1794 = tpu.vector_load_idx %arg4[%add3A_1793] : memref<32784xf32, #tpu.memory_space<vmem>>[vector<16xi32>], vector<16xf32>,
            %ge3A_1795 = arith.cmpf oge, %gather3A_1794, %broadcast_in_dim3A_11 : vector<16xf32>
            %and3A_1796 = arith.andi %ge3A_1795, %lt3A_1789 : vector<16xi1>
            %select_n3A_1797 = arith.select %and3A_1796, %broadcast_in_dim3A_1, %broadcast_in_dim3A_3 : vector<16xi1>, vector<16xi32>
            %broadcast_in_dim3A_1798 = arith.constant true
            %broadcast_in_dim3A_1799 = vector.broadcast %broadcast_in_dim3A_1798 : i1 to vector<16xi1>
            %masked_cumsum3A_1800 = tpu.scan <sum>, %select_n3A_1797 masked %broadcast_in_dim3A_1799 : vector<16xi32>, vector<16xi1> -> vector<16xi32>
            %add3A_1801 = arith.addi %add3A_1779, %masked_cumsum3A_1800 : vector<16xi32>
            %sub3A_1802 = arith.subi %add3A_1801, %select_n3A_1797 : vector<16xi32>
            tpu.vector_store_idx %arg5[%sub3A_1802], %add3A_1793 masked %and3A_1796 : memref<32768xi32, #tpu.memory_space<vmem>>[vector<16xi32>], vector<16xi32>, vector<16xi1>
            %all_reduce_population_count3A_1803 = tpu.all_reduce %and3A_1796 {dim = 0 : i64, kind = #tpu.reduction_kind<sum>} : vector<16xi1> -> vector<16xi32>
            %add3A_1804 = arith.addi %add3A_1779, %all_reduce_population_count3A_1803 : vector<16xi32>
            %mul3A_1805 = arith.constant 16 : i32
            %mul3A_1806 = arith.muli %while3A_1430, %mul3A_1805 : i32
            %add3A_1807 = arith.constant 15 : i32
            %add3A_1808 = arith.addi %mul3A_1806, %add3A_1807 : i32
            %add3A_1809 = vector.broadcast %add3A_1808 : i32 to vector<16xi32>
            %add3A_1810 = arith.addi %broadcast_in_dim3A_3, %add3A_1809 : vector<16xi32>
            %gather3A_1811 = tpu.vector_load_idx %arg7[%add3A_1810] : memref<2048xi32, #tpu.memory_space<vmem>>[vector<16xi32>], vector<16xi32>,
            %add3A_1812 = vector.broadcast %add3A_1808 : i32 to vector<16xi32>
            %add3A_1813 = arith.addi %broadcast_in_dim3A_3, %add3A_1812 : vector<16xi32>
            %lt3A_1814 = arith.cmpi slt, %add3A_1813, %scan3A_1136 : vector<16xi32>
            %mul3A_1815 = arith.constant 16 : i32
            %mul3A_1816 = vector.broadcast %mul3A_1815 : i32 to vector<16xi32>
            %mul3A_1817 = arith.muli %gather3A_1811, %mul3A_1816 : vector<16xi32>
            %add3A_1818 = arith.addi %mul3A_1817, %iota3A : vector<16xi32>
            %gather3A_1819 = tpu.vector_load_idx %arg4[%add3A_1818] : memref<32784xf32, #tpu.memory_space<vmem>>[vector<16xi32>], vector<16xf32>,
            %ge3A_1820 = arith.cmpf oge, %gather3A_1819, %broadcast_in_dim3A_11 : vector<16xf32>
            %and3A_1821 = arith.andi %ge3A_1820, %lt3A_1814 : vector<16xi1>
            %select_n3A_1822 = arith.select %and3A_1821, %broadcast_in_dim3A_1, %broadcast_in_dim3A_3 : vector<16xi1>, vector<16xi32>
            %broadcast_in_dim3A_1823 = arith.constant true
            %broadcast_in_dim3A_1824 = vector.broadcast %broadcast_in_dim3A_1823 : i1 to vector<16xi1>
            %masked_cumsum3A_1825 = tpu.scan <sum>, %select_n3A_1822 masked %broadcast_in_dim3A_1824 : vector<16xi32>, vector<16xi1> -> vector<16xi32>
            %add3A_1826 = arith.addi %add3A_1804, %masked_cumsum3A_1825 : vector<16xi32>
            %sub3A_1827 = arith.subi %add3A_1826, %select_n3A_1822 : vector<16xi32>
            tpu.vector_store_idx %arg5[%sub3A_1827], %add3A_1818 masked %and3A_1821 : memref<32768xi32, #tpu.memory_space<vmem>>[vector<16xi32>], vector<16xi32>, vector<16xi1>
            %all_reduce_population_count3A_1828 = tpu.all_reduce %and3A_1821 {dim = 0 : i64, kind = #tpu.reduction_kind<sum>} : vector<16xi1> -> vector<16xi32>
            %add3A_1829 = arith.addi %add3A_1804, %all_reduce_population_count3A_1828 : vector<16xi32>
            scf.yield %add3A_1829 : vector<16xi32>
          }
          scf.yield %while3A_1429, %broadcast_in_dim3A_3 : vector<16xi32>, vector<16xi32>
        }
        scf.yield %cond3A_1131#0, %cond3A_1131#1 : vector<16xi32>, vector<16xi32>
      }
      %and3A_400 = arith.constant 1 : i32
      %and3A_401 = vector.broadcast %and3A_400 : i32 to vector<16xi32>
      %and3A_402 = arith.andi %cond3A_399#0, %and3A_401 : vector<16xi32>
      %ne3A_403 = arith.constant 0 : i32
      %ne3A_404 = vector.broadcast %ne3A_403 : i32 to vector<16xi32>
      %ne3A_405 = arith.cmpi ne, %and3A_402, %ne3A_404 : vector<16xi32>
      %reduce_or3A_406 = arith.constant 1.000000e+00 : f32
      %reduce_or3A_407 = arith.constant 0.000000e+00 : f32
      %reduce_or3A_408 = vector.broadcast %reduce_or3A_406 : f32 to vector<16xf32>
      %reduce_or3A_409 = vector.broadcast %reduce_or3A_407 : f32 to vector<16xf32>
      %reduce_or3A_410 = arith.select %ne3A_405, %reduce_or3A_408, %reduce_or3A_409 : vector<16xi1>, vector<16xf32>
      %reduce_or3A_411 = arith.constant true
      %reduce_or3A_412 = vector.broadcast %reduce_or3A_411 : i1 to vector<16xi1>
      %reduce_or3A_413 = tpu.scan <max>, %reduce_or3A_410 masked %reduce_or3A_412 : vector<16xf32>, vector<16xi1> -> vector<16xf32>
      %reduce_or3A_414 = vector.extract %reduce_or3A_413[15] : f32 from vector<16xf32>
      %reduce_or3A_415 = arith.constant 0.000000e+00 : f32
      %reduce_or3A_416 = arith.cmpf ogt, %reduce_or3A_414, %reduce_or3A_415 : f32
      %jit3A_417 = arith.constant 1 : i32
      %jit3A_418 = arith.constant 0 : i32
      %select_n3A_419 = arith.select %reduce_or3A_416, %jit3A_417, %jit3A_418 : i32
      %add3A_420 = arith.constant 0 : i32
      %add3A_421 = arith.addi %add3A_420, %select_n3A_419 : i32
      %and3A_422 = arith.constant 2 : i32
      %and3A_423 = vector.broadcast %and3A_422 : i32 to vector<16xi32>
      %and3A_424 = arith.andi %cond3A_399#0, %and3A_423 : vector<16xi32>
      %ne3A_425 = arith.constant 0 : i32
      %ne3A_426 = vector.broadcast %ne3A_425 : i32 to vector<16xi32>
      %ne3A_427 = arith.cmpi ne, %and3A_424, %ne3A_426 : vector<16xi32>
      %reduce_or3A_428 = arith.constant 1.000000e+00 : f32
      %reduce_or3A_429 = arith.constant 0.000000e+00 : f32
      %reduce_or3A_430 = vector.broadcast %reduce_or3A_428 : f32 to vector<16xf32>
      %reduce_or3A_431 = vector.broadcast %reduce_or3A_429 : f32 to vector<16xf32>
      %reduce_or3A_432 = arith.select %ne3A_427, %reduce_or3A_430, %reduce_or3A_431 : vector<16xi1>, vector<16xf32>
      %reduce_or3A_433 = arith.constant true
      %reduce_or3A_434 = vector.broadcast %reduce_or3A_433 : i1 to vector<16xi1>
      %reduce_or3A_435 = tpu.scan <max>, %reduce_or3A_432 masked %reduce_or3A_434 : vector<16xf32>, vector<16xi1> -> vector<16xf32>
      %reduce_or3A_436 = vector.extract %reduce_or3A_435[15] : f32 from vector<16xf32>
      %reduce_or3A_437 = arith.constant 0.000000e+00 : f32
      %reduce_or3A_438 = arith.cmpf ogt, %reduce_or3A_436, %reduce_or3A_437 : f32
      %jit3A_439 = arith.constant 2 : i32
      %jit3A_440 = arith.constant 0 : i32
      %select_n3A_441 = arith.select %reduce_or3A_438, %jit3A_439, %jit3A_440 : i32
      %add3A_442 = arith.addi %add3A_421, %select_n3A_441 : i32
      %and3A_443 = arith.constant 4 : i32
      %and3A_444 = vector.broadcast %and3A_443 : i32 to vector<16xi32>
      %and3A_445 = arith.andi %cond3A_399#0, %and3A_444 : vector<16xi32>
      %ne3A_446 = arith.constant 0 : i32
      %ne3A_447 = vector.broadcast %ne3A_446 : i32 to vector<16xi32>
      %ne3A_448 = arith.cmpi ne, %and3A_445, %ne3A_447 : vector<16xi32>
      %reduce_or3A_449 = arith.constant 1.000000e+00 : f32
      %reduce_or3A_450 = arith.constant 0.000000e+00 : f32
      %reduce_or3A_451 = vector.broadcast %reduce_or3A_449 : f32 to vector<16xf32>
      %reduce_or3A_452 = vector.broadcast %reduce_or3A_450 : f32 to vector<16xf32>
      %reduce_or3A_453 = arith.select %ne3A_448, %reduce_or3A_451, %reduce_or3A_452 : vector<16xi1>, vector<16xf32>
      %reduce_or3A_454 = arith.constant true
      %reduce_or3A_455 = vector.broadcast %reduce_or3A_454 : i1 to vector<16xi1>
      %reduce_or3A_456 = tpu.scan <max>, %reduce_or3A_453 masked %reduce_or3A_455 : vector<16xf32>, vector<16xi1> -> vector<16xf32>
      %reduce_or3A_457 = vector.extract %reduce_or3A_456[15] : f32 from vector<16xf32>
      %reduce_or3A_458 = arith.constant 0.000000e+00 : f32
      %reduce_or3A_459 = arith.cmpf ogt, %reduce_or3A_457, %reduce_or3A_458 : f32
      %jit3A_460 = arith.constant 4 : i32
      %jit3A_461 = arith.constant 0 : i32
      %select_n3A_462 = arith.select %reduce_or3A_459, %jit3A_460, %jit3A_461 : i32
      %add3A_463 = arith.addi %add3A_442, %select_n3A_462 : i32
      %and3A_464 = arith.constant 8 : i32
      %and3A_465 = vector.broadcast %and3A_464 : i32 to vector<16xi32>
      %and3A_466 = arith.andi %cond3A_399#0, %and3A_465 : vector<16xi32>
      %ne3A_467 = arith.constant 0 : i32
      %ne3A_468 = vector.broadcast %ne3A_467 : i32 to vector<16xi32>
      %ne3A_469 = arith.cmpi ne, %and3A_466, %ne3A_468 : vector<16xi32>
      %reduce_or3A_470 = arith.constant 1.000000e+00 : f32
      %reduce_or3A_471 = arith.constant 0.000000e+00 : f32
      %reduce_or3A_472 = vector.broadcast %reduce_or3A_470 : f32 to vector<16xf32>
      %reduce_or3A_473 = vector.broadcast %reduce_or3A_471 : f32 to vector<16xf32>
      %reduce_or3A_474 = arith.select %ne3A_469, %reduce_or3A_472, %reduce_or3A_473 : vector<16xi1>, vector<16xf32>
      %reduce_or3A_475 = arith.constant true
      %reduce_or3A_476 = vector.broadcast %reduce_or3A_475 : i1 to vector<16xi1>
      %reduce_or3A_477 = tpu.scan <max>, %reduce_or3A_474 masked %reduce_or3A_476 : vector<16xf32>, vector<16xi1> -> vector<16xf32>
      %reduce_or3A_478 = vector.extract %reduce_or3A_477[15] : f32 from vector<16xf32>
      %reduce_or3A_479 = arith.constant 0.000000e+00 : f32
      %reduce_or3A_480 = arith.cmpf ogt, %reduce_or3A_478, %reduce_or3A_479 : f32
      %jit3A_481 = arith.constant 8 : i32
      %jit3A_482 = arith.constant 0 : i32
      %select_n3A_483 = arith.select %reduce_or3A_480, %jit3A_481, %jit3A_482 : i32
      %add3A_484 = arith.addi %add3A_463, %select_n3A_483 : i32
      %and3A_485 = arith.constant 16 : i32
      %and3A_486 = vector.broadcast %and3A_485 : i32 to vector<16xi32>
      %and3A_487 = arith.andi %cond3A_399#0, %and3A_486 : vector<16xi32>
      %ne3A_488 = arith.constant 0 : i32
      %ne3A_489 = vector.broadcast %ne3A_488 : i32 to vector<16xi32>
      %ne3A_490 = arith.cmpi ne, %and3A_487, %ne3A_489 : vector<16xi32>
      %reduce_or3A_491 = arith.constant 1.000000e+00 : f32
      %reduce_or3A_492 = arith.constant 0.000000e+00 : f32
      %reduce_or3A_493 = vector.broadcast %reduce_or3A_491 : f32 to vector<16xf32>
      %reduce_or3A_494 = vector.broadcast %reduce_or3A_492 : f32 to vector<16xf32>
      %reduce_or3A_495 = arith.select %ne3A_490, %reduce_or3A_493, %reduce_or3A_494 : vector<16xi1>, vector<16xf32>
      %reduce_or3A_496 = arith.constant true
      %reduce_or3A_497 = vector.broadcast %reduce_or3A_496 : i1 to vector<16xi1>
      %reduce_or3A_498 = tpu.scan <max>, %reduce_or3A_495 masked %reduce_or3A_497 : vector<16xf32>, vector<16xi1> -> vector<16xf32>
      %reduce_or3A_499 = vector.extract %reduce_or3A_498[15] : f32 from vector<16xf32>
      %reduce_or3A_500 = arith.constant 0.000000e+00 : f32
      %reduce_or3A_501 = arith.cmpf ogt, %reduce_or3A_499, %reduce_or3A_500 : f32
      %jit3A_502 = arith.constant 16 : i32
      %jit3A_503 = arith.constant 0 : i32
      %select_n3A_504 = arith.select %reduce_or3A_501, %jit3A_502, %jit3A_503 : i32
      %add3A_505 = arith.addi %add3A_484, %select_n3A_504 : i32
      %and3A_506 = arith.constant 32 : i32
      %and3A_507 = vector.broadcast %and3A_506 : i32 to vector<16xi32>
      %and3A_508 = arith.andi %cond3A_399#0, %and3A_507 : vector<16xi32>
      %ne3A_509 = arith.constant 0 : i32
      %ne3A_510 = vector.broadcast %ne3A_509 : i32 to vector<16xi32>
      %ne3A_511 = arith.cmpi ne, %and3A_508, %ne3A_510 : vector<16xi32>
      %reduce_or3A_512 = arith.constant 1.000000e+00 : f32
      %reduce_or3A_513 = arith.constant 0.000000e+00 : f32
      %reduce_or3A_514 = vector.broadcast %reduce_or3A_512 : f32 to vector<16xf32>
      %reduce_or3A_515 = vector.broadcast %reduce_or3A_513 : f32 to vector<16xf32>
      %reduce_or3A_516 = arith.select %ne3A_511, %reduce_or3A_514, %reduce_or3A_515 : vector<16xi1>, vector<16xf32>
      %reduce_or3A_517 = arith.constant true
      %reduce_or3A_518 = vector.broadcast %reduce_or3A_517 : i1 to vector<16xi1>
      %reduce_or3A_519 = tpu.scan <max>, %reduce_or3A_516 masked %reduce_or3A_518 : vector<16xf32>, vector<16xi1> -> vector<16xf32>
      %reduce_or3A_520 = vector.extract %reduce_or3A_519[15] : f32 from vector<16xf32>
      %reduce_or3A_521 = arith.constant 0.000000e+00 : f32
      %reduce_or3A_522 = arith.cmpf ogt, %reduce_or3A_520, %reduce_or3A_521 : f32
      %jit3A_523 = arith.constant 32 : i32
      %jit3A_524 = arith.constant 0 : i32
      %select_n3A_525 = arith.select %reduce_or3A_522, %jit3A_523, %jit3A_524 : i32
      %add3A_526 = arith.addi %add3A_505, %select_n3A_525 : i32
      %and3A_527 = arith.constant 64 : i32
      %and3A_528 = vector.broadcast %and3A_527 : i32 to vector<16xi32>
      %and3A_529 = arith.andi %cond3A_399#0, %and3A_528 : vector<16xi32>
      %ne3A_530 = arith.constant 0 : i32
      %ne3A_531 = vector.broadcast %ne3A_530 : i32 to vector<16xi32>
      %ne3A_532 = arith.cmpi ne, %and3A_529, %ne3A_531 : vector<16xi32>
      %reduce_or3A_533 = arith.constant 1.000000e+00 : f32
      %reduce_or3A_534 = arith.constant 0.000000e+00 : f32
      %reduce_or3A_535 = vector.broadcast %reduce_or3A_533 : f32 to vector<16xf32>
      %reduce_or3A_536 = vector.broadcast %reduce_or3A_534 : f32 to vector<16xf32>
      %reduce_or3A_537 = arith.select %ne3A_532, %reduce_or3A_535, %reduce_or3A_536 : vector<16xi1>, vector<16xf32>
      %reduce_or3A_538 = arith.constant true
      %reduce_or3A_539 = vector.broadcast %reduce_or3A_538 : i1 to vector<16xi1>
      %reduce_or3A_540 = tpu.scan <max>, %reduce_or3A_537 masked %reduce_or3A_539 : vector<16xf32>, vector<16xi1> -> vector<16xf32>
      %reduce_or3A_541 = vector.extract %reduce_or3A_540[15] : f32 from vector<16xf32>
      %reduce_or3A_542 = arith.constant 0.000000e+00 : f32
      %reduce_or3A_543 = arith.cmpf ogt, %reduce_or3A_541, %reduce_or3A_542 : f32
      %jit3A_544 = arith.constant 64 : i32
      %jit3A_545 = arith.constant 0 : i32
      %select_n3A_546 = arith.select %reduce_or3A_543, %jit3A_544, %jit3A_545 : i32
      %add3A_547 = arith.addi %add3A_526, %select_n3A_546 : i32
      %and3A_548 = arith.constant 128 : i32
      %and3A_549 = vector.broadcast %and3A_548 : i32 to vector<16xi32>
      %and3A_550 = arith.andi %cond3A_399#0, %and3A_549 : vector<16xi32>
      %ne3A_551 = arith.constant 0 : i32
      %ne3A_552 = vector.broadcast %ne3A_551 : i32 to vector<16xi32>
      %ne3A_553 = arith.cmpi ne, %and3A_550, %ne3A_552 : vector<16xi32>
      %reduce_or3A_554 = arith.constant 1.000000e+00 : f32
      %reduce_or3A_555 = arith.constant 0.000000e+00 : f32
      %reduce_or3A_556 = vector.broadcast %reduce_or3A_554 : f32 to vector<16xf32>
      %reduce_or3A_557 = vector.broadcast %reduce_or3A_555 : f32 to vector<16xf32>
      %reduce_or3A_558 = arith.select %ne3A_553, %reduce_or3A_556, %reduce_or3A_557 : vector<16xi1>, vector<16xf32>
      %reduce_or3A_559 = arith.constant true
      %reduce_or3A_560 = vector.broadcast %reduce_or3A_559 : i1 to vector<16xi1>
      %reduce_or3A_561 = tpu.scan <max>, %reduce_or3A_558 masked %reduce_or3A_560 : vector<16xf32>, vector<16xi1> -> vector<16xf32>
      %reduce_or3A_562 = vector.extract %reduce_or3A_561[15] : f32 from vector<16xf32>
      %reduce_or3A_563 = arith.constant 0.000000e+00 : f32
      %reduce_or3A_564 = arith.cmpf ogt, %reduce_or3A_562, %reduce_or3A_563 : f32
      %jit3A_565 = arith.constant 128 : i32
      %jit3A_566 = arith.constant 0 : i32
      %select_n3A_567 = arith.select %reduce_or3A_564, %jit3A_565, %jit3A_566 : i32
      %add3A_568 = arith.addi %add3A_547, %select_n3A_567 : i32
      %and3A_569 = arith.constant 256 : i32
      %and3A_570 = vector.broadcast %and3A_569 : i32 to vector<16xi32>
      %and3A_571 = arith.andi %cond3A_399#0, %and3A_570 : vector<16xi32>
      %ne3A_572 = arith.constant 0 : i32
      %ne3A_573 = vector.broadcast %ne3A_572 : i32 to vector<16xi32>
      %ne3A_574 = arith.cmpi ne, %and3A_571, %ne3A_573 : vector<16xi32>
      %reduce_or3A_575 = arith.constant 1.000000e+00 : f32
      %reduce_or3A_576 = arith.constant 0.000000e+00 : f32
      %reduce_or3A_577 = vector.broadcast %reduce_or3A_575 : f32 to vector<16xf32>
      %reduce_or3A_578 = vector.broadcast %reduce_or3A_576 : f32 to vector<16xf32>
      %reduce_or3A_579 = arith.select %ne3A_574, %reduce_or3A_577, %reduce_or3A_578 : vector<16xi1>, vector<16xf32>
      %reduce_or3A_580 = arith.constant true
      %reduce_or3A_581 = vector.broadcast %reduce_or3A_580 : i1 to vector<16xi1>
      %reduce_or3A_582 = tpu.scan <max>, %reduce_or3A_579 masked %reduce_or3A_581 : vector<16xf32>, vector<16xi1> -> vector<16xf32>
      %reduce_or3A_583 = vector.extract %reduce_or3A_582[15] : f32 from vector<16xf32>
      %reduce_or3A_584 = arith.constant 0.000000e+00 : f32
      %reduce_or3A_585 = arith.cmpf ogt, %reduce_or3A_583, %reduce_or3A_584 : f32
      %jit3A_586 = arith.constant 256 : i32
      %jit3A_587 = arith.constant 0 : i32
      %select_n3A_588 = arith.select %reduce_or3A_585, %jit3A_586, %jit3A_587 : i32
      %add3A_589 = arith.addi %add3A_568, %select_n3A_588 : i32
      %and3A_590 = arith.constant 512 : i32
      %and3A_591 = vector.broadcast %and3A_590 : i32 to vector<16xi32>
      %and3A_592 = arith.andi %cond3A_399#0, %and3A_591 : vector<16xi32>
      %ne3A_593 = arith.constant 0 : i32
      %ne3A_594 = vector.broadcast %ne3A_593 : i32 to vector<16xi32>
      %ne3A_595 = arith.cmpi ne, %and3A_592, %ne3A_594 : vector<16xi32>
      %reduce_or3A_596 = arith.constant 1.000000e+00 : f32
      %reduce_or3A_597 = arith.constant 0.000000e+00 : f32
      %reduce_or3A_598 = vector.broadcast %reduce_or3A_596 : f32 to vector<16xf32>
      %reduce_or3A_599 = vector.broadcast %reduce_or3A_597 : f32 to vector<16xf32>
      %reduce_or3A_600 = arith.select %ne3A_595, %reduce_or3A_598, %reduce_or3A_599 : vector<16xi1>, vector<16xf32>
      %reduce_or3A_601 = arith.constant true
      %reduce_or3A_602 = vector.broadcast %reduce_or3A_601 : i1 to vector<16xi1>
      %reduce_or3A_603 = tpu.scan <max>, %reduce_or3A_600 masked %reduce_or3A_602 : vector<16xf32>, vector<16xi1> -> vector<16xf32>
      %reduce_or3A_604 = vector.extract %reduce_or3A_603[15] : f32 from vector<16xf32>
      %reduce_or3A_605 = arith.constant 0.000000e+00 : f32
      %reduce_or3A_606 = arith.cmpf ogt, %reduce_or3A_604, %reduce_or3A_605 : f32
      %jit3A_607 = arith.constant 512 : i32
      %jit3A_608 = arith.constant 0 : i32
      %select_n3A_609 = arith.select %reduce_or3A_606, %jit3A_607, %jit3A_608 : i32
      %add3A_610 = arith.addi %add3A_589, %select_n3A_609 : i32
      %and3A_611 = arith.constant 1024 : i32
      %and3A_612 = vector.broadcast %and3A_611 : i32 to vector<16xi32>
      %and3A_613 = arith.andi %cond3A_399#0, %and3A_612 : vector<16xi32>
      %ne3A_614 = arith.constant 0 : i32
      %ne3A_615 = vector.broadcast %ne3A_614 : i32 to vector<16xi32>
      %ne3A_616 = arith.cmpi ne, %and3A_613, %ne3A_615 : vector<16xi32>
      %reduce_or3A_617 = arith.constant 1.000000e+00 : f32
      %reduce_or3A_618 = arith.constant 0.000000e+00 : f32
      %reduce_or3A_619 = vector.broadcast %reduce_or3A_617 : f32 to vector<16xf32>
      %reduce_or3A_620 = vector.broadcast %reduce_or3A_618 : f32 to vector<16xf32>
      %reduce_or3A_621 = arith.select %ne3A_616, %reduce_or3A_619, %reduce_or3A_620 : vector<16xi1>, vector<16xf32>
      %reduce_or3A_622 = arith.constant true
      %reduce_or3A_623 = vector.broadcast %reduce_or3A_622 : i1 to vector<16xi1>
      %reduce_or3A_624 = tpu.scan <max>, %reduce_or3A_621 masked %reduce_or3A_623 : vector<16xf32>, vector<16xi1> -> vector<16xf32>
      %reduce_or3A_625 = vector.extract %reduce_or3A_624[15] : f32 from vector<16xf32>
      %reduce_or3A_626 = arith.constant 0.000000e+00 : f32
      %reduce_or3A_627 = arith.cmpf ogt, %reduce_or3A_625, %reduce_or3A_626 : f32
      %jit3A_628 = arith.constant 1024 : i32
      %jit3A_629 = arith.constant 0 : i32
      %select_n3A_630 = arith.select %reduce_or3A_627, %jit3A_628, %jit3A_629 : i32
      %add3A_631 = arith.addi %add3A_610, %select_n3A_630 : i32
      %and3A_632 = arith.constant 2048 : i32
      %and3A_633 = vector.broadcast %and3A_632 : i32 to vector<16xi32>
      %and3A_634 = arith.andi %cond3A_399#0, %and3A_633 : vector<16xi32>
      %ne3A_635 = arith.constant 0 : i32
      %ne3A_636 = vector.broadcast %ne3A_635 : i32 to vector<16xi32>
      %ne3A_637 = arith.cmpi ne, %and3A_634, %ne3A_636 : vector<16xi32>
      %reduce_or3A_638 = arith.constant 1.000000e+00 : f32
      %reduce_or3A_639 = arith.constant 0.000000e+00 : f32
      %reduce_or3A_640 = vector.broadcast %reduce_or3A_638 : f32 to vector<16xf32>
      %reduce_or3A_641 = vector.broadcast %reduce_or3A_639 : f32 to vector<16xf32>
      %reduce_or3A_642 = arith.select %ne3A_637, %reduce_or3A_640, %reduce_or3A_641 : vector<16xi1>, vector<16xf32>
      %reduce_or3A_643 = arith.constant true
      %reduce_or3A_644 = vector.broadcast %reduce_or3A_643 : i1 to vector<16xi1>
      %reduce_or3A_645 = tpu.scan <max>, %reduce_or3A_642 masked %reduce_or3A_644 : vector<16xf32>, vector<16xi1> -> vector<16xf32>
      %reduce_or3A_646 = vector.extract %reduce_or3A_645[15] : f32 from vector<16xf32>
      %reduce_or3A_647 = arith.constant 0.000000e+00 : f32
      %reduce_or3A_648 = arith.cmpf ogt, %reduce_or3A_646, %reduce_or3A_647 : f32
      %jit3A_649 = arith.constant 2048 : i32
      %jit3A_650 = arith.constant 0 : i32
      %select_n3A_651 = arith.select %reduce_or3A_648, %jit3A_649, %jit3A_650 : i32
      %add3A_652 = arith.addi %add3A_631, %select_n3A_651 : i32
      %and3A_653 = arith.constant 4096 : i32
      %and3A_654 = vector.broadcast %and3A_653 : i32 to vector<16xi32>
      %and3A_655 = arith.andi %cond3A_399#0, %and3A_654 : vector<16xi32>
      %ne3A_656 = arith.constant 0 : i32
      %ne3A_657 = vector.broadcast %ne3A_656 : i32 to vector<16xi32>
      %ne3A_658 = arith.cmpi ne, %and3A_655, %ne3A_657 : vector<16xi32>
      %reduce_or3A_659 = arith.constant 1.000000e+00 : f32
      %reduce_or3A_660 = arith.constant 0.000000e+00 : f32
      %reduce_or3A_661 = vector.broadcast %reduce_or3A_659 : f32 to vector<16xf32>
      %reduce_or3A_662 = vector.broadcast %reduce_or3A_660 : f32 to vector<16xf32>
      %reduce_or3A_663 = arith.select %ne3A_658, %reduce_or3A_661, %reduce_or3A_662 : vector<16xi1>, vector<16xf32>
      %reduce_or3A_664 = arith.constant true
      %reduce_or3A_665 = vector.broadcast %reduce_or3A_664 : i1 to vector<16xi1>
      %reduce_or3A_666 = tpu.scan <max>, %reduce_or3A_663 masked %reduce_or3A_665 : vector<16xf32>, vector<16xi1> -> vector<16xf32>
      %reduce_or3A_667 = vector.extract %reduce_or3A_666[15] : f32 from vector<16xf32>
      %reduce_or3A_668 = arith.constant 0.000000e+00 : f32
      %reduce_or3A_669 = arith.cmpf ogt, %reduce_or3A_667, %reduce_or3A_668 : f32
      %jit3A_670 = arith.constant 4096 : i32
      %jit3A_671 = arith.constant 0 : i32
      %select_n3A_672 = arith.select %reduce_or3A_669, %jit3A_670, %jit3A_671 : i32
      %add3A_673 = arith.addi %add3A_652, %select_n3A_672 : i32
      %and3A_674 = arith.constant 8192 : i32
      %and3A_675 = vector.broadcast %and3A_674 : i32 to vector<16xi32>
      %and3A_676 = arith.andi %cond3A_399#0, %and3A_675 : vector<16xi32>
      %ne3A_677 = arith.constant 0 : i32
      %ne3A_678 = vector.broadcast %ne3A_677 : i32 to vector<16xi32>
      %ne3A_679 = arith.cmpi ne, %and3A_676, %ne3A_678 : vector<16xi32>
      %reduce_or3A_680 = arith.constant 1.000000e+00 : f32
      %reduce_or3A_681 = arith.constant 0.000000e+00 : f32
      %reduce_or3A_682 = vector.broadcast %reduce_or3A_680 : f32 to vector<16xf32>
      %reduce_or3A_683 = vector.broadcast %reduce_or3A_681 : f32 to vector<16xf32>
      %reduce_or3A_684 = arith.select %ne3A_679, %reduce_or3A_682, %reduce_or3A_683 : vector<16xi1>, vector<16xf32>
      %reduce_or3A_685 = arith.constant true
      %reduce_or3A_686 = vector.broadcast %reduce_or3A_685 : i1 to vector<16xi1>
      %reduce_or3A_687 = tpu.scan <max>, %reduce_or3A_684 masked %reduce_or3A_686 : vector<16xf32>, vector<16xi1> -> vector<16xf32>
      %reduce_or3A_688 = vector.extract %reduce_or3A_687[15] : f32 from vector<16xf32>
      %reduce_or3A_689 = arith.constant 0.000000e+00 : f32
      %reduce_or3A_690 = arith.cmpf ogt, %reduce_or3A_688, %reduce_or3A_689 : f32
      %jit3A_691 = arith.constant 8192 : i32
      %jit3A_692 = arith.constant 0 : i32
      %select_n3A_693 = arith.select %reduce_or3A_690, %jit3A_691, %jit3A_692 : i32
      %add3A_694 = arith.addi %add3A_673, %select_n3A_693 : i32
      %and3A_695 = arith.constant 16384 : i32
      %and3A_696 = vector.broadcast %and3A_695 : i32 to vector<16xi32>
      %and3A_697 = arith.andi %cond3A_399#0, %and3A_696 : vector<16xi32>
      %ne3A_698 = arith.constant 0 : i32
      %ne3A_699 = vector.broadcast %ne3A_698 : i32 to vector<16xi32>
      %ne3A_700 = arith.cmpi ne, %and3A_697, %ne3A_699 : vector<16xi32>
      %reduce_or3A_701 = arith.constant 1.000000e+00 : f32
      %reduce_or3A_702 = arith.constant 0.000000e+00 : f32
      %reduce_or3A_703 = vector.broadcast %reduce_or3A_701 : f32 to vector<16xf32>
      %reduce_or3A_704 = vector.broadcast %reduce_or3A_702 : f32 to vector<16xf32>
      %reduce_or3A_705 = arith.select %ne3A_700, %reduce_or3A_703, %reduce_or3A_704 : vector<16xi1>, vector<16xf32>
      %reduce_or3A_706 = arith.constant true
      %reduce_or3A_707 = vector.broadcast %reduce_or3A_706 : i1 to vector<16xi1>
      %reduce_or3A_708 = tpu.scan <max>, %reduce_or3A_705 masked %reduce_or3A_707 : vector<16xf32>, vector<16xi1> -> vector<16xf32>
      %reduce_or3A_709 = vector.extract %reduce_or3A_708[15] : f32 from vector<16xf32>
      %reduce_or3A_710 = arith.constant 0.000000e+00 : f32
      %reduce_or3A_711 = arith.cmpf ogt, %reduce_or3A_709, %reduce_or3A_710 : f32
      %jit3A_712 = arith.constant 16384 : i32
      %jit3A_713 = arith.constant 0 : i32
      %select_n3A_714 = arith.select %reduce_or3A_711, %jit3A_712, %jit3A_713 : i32
      %add3A_715 = arith.addi %add3A_694, %select_n3A_714 : i32
      %and3A_716 = arith.constant 32768 : i32
      %and3A_717 = vector.broadcast %and3A_716 : i32 to vector<16xi32>
      %and3A_718 = arith.andi %cond3A_399#0, %and3A_717 : vector<16xi32>
      %ne3A_719 = arith.constant 0 : i32
      %ne3A_720 = vector.broadcast %ne3A_719 : i32 to vector<16xi32>
      %ne3A_721 = arith.cmpi ne, %and3A_718, %ne3A_720 : vector<16xi32>
      %reduce_or3A_722 = arith.constant 1.000000e+00 : f32
      %reduce_or3A_723 = arith.constant 0.000000e+00 : f32
      %reduce_or3A_724 = vector.broadcast %reduce_or3A_722 : f32 to vector<16xf32>
      %reduce_or3A_725 = vector.broadcast %reduce_or3A_723 : f32 to vector<16xf32>
      %reduce_or3A_726 = arith.select %ne3A_721, %reduce_or3A_724, %reduce_or3A_725 : vector<16xi1>, vector<16xf32>
      %reduce_or3A_727 = arith.constant true
      %reduce_or3A_728 = vector.broadcast %reduce_or3A_727 : i1 to vector<16xi1>
      %reduce_or3A_729 = tpu.scan <max>, %reduce_or3A_726 masked %reduce_or3A_728 : vector<16xf32>, vector<16xi1> -> vector<16xf32>
      %reduce_or3A_730 = vector.extract %reduce_or3A_729[15] : f32 from vector<16xf32>
      %reduce_or3A_731 = arith.constant 0.000000e+00 : f32
      %reduce_or3A_732 = arith.cmpf ogt, %reduce_or3A_730, %reduce_or3A_731 : f32
      %jit3A_733 = arith.constant 32768 : i32
      %jit3A_734 = arith.constant 0 : i32
      %select_n3A_735 = arith.select %reduce_or3A_732, %jit3A_733, %jit3A_734 : i32
      %add3A_736 = arith.addi %add3A_715, %select_n3A_735 : i32
      %add3A_737 = arith.constant 16 : i32
      %add3A_738 = arith.addi %add3A_736, %add3A_737 : i32
      %sub3A_739 = arith.constant 1 : i32
      %sub3A_740 = arith.subi %add3A_738, %sub3A_739 : i32
      %jit3A_741 = arith.constant 16 : i32
      %div3A_742 = arith.divsi %sub3A_740, %jit3A_741 : i32
      %sign3A_743 = arith.constant 0 : i32
      %sign3A_744 = arith.cmpi sgt, %sub3A_740, %sign3A_743 : i32
      %sign3A_745 = arith.extui %sign3A_744 : i1 to i32
      %sign3A_746 = arith.constant 0 : i32
      %sign3A_747 = arith.cmpi slt, %sub3A_740, %sign3A_746 : i32
      %sign3A_748 = arith.extui %sign3A_747 : i1 to i32
      %sign3A_749 = arith.subi %sign3A_745, %sign3A_748 : i32
      %sign3A_750 = arith.constant 0 : i32
      %sign3A_751 = arith.cmpi sgt, %jit3A_741, %sign3A_750 : i32
      %sign3A_752 = arith.extui %sign3A_751 : i1 to i32
      %sign3A_753 = arith.constant 0 : i32
      %sign3A_754 = arith.cmpi slt, %jit3A_741, %sign3A_753 : i32
      %sign3A_755 = arith.extui %sign3A_754 : i1 to i32
      %sign3A_756 = arith.subi %sign3A_752, %sign3A_755 : i32
      %ne3A_757 = arith.cmpi ne, %sign3A_749, %sign3A_756 : i32
      %rem3A_758 = arith.remsi %sub3A_740, %jit3A_741 : i32
      %ne3A_759 = arith.constant 0 : i32
      %ne3A_760 = arith.cmpi ne, %rem3A_758, %ne3A_759 : i32
      %and3A_761 = arith.andi %ne3A_757, %ne3A_760 : i1
      %sub3A_762 = arith.constant 1 : i32
      %sub3A_763 = arith.subi %div3A_742, %sub3A_762 : i32
      %select_n3A_764 = arith.select %and3A_761, %sub3A_763, %div3A_742 : i32
      %while3A_765:2 = scf.while (%while3A_817 = %cond3A_399#1, %while3A_818 = %max3A) : (vector<16xi32>, vector<16xi32>) -> (vector<16xi32>, vector<16xi32>) {
        %sub3A_819 = arith.subi %while3A_818, %while3A_817 : vector<16xi32>
        %gt3A_820 = arith.cmpi sgt, %sub3A_819, %broadcast_in_dim3A_1 : vector<16xi32>
        %reduce_or3A_821 = arith.constant 1.000000e+00 : f32
        %reduce_or3A_822 = arith.constant 0.000000e+00 : f32
        %reduce_or3A_823 = vector.broadcast %reduce_or3A_821 : f32 to vector<16xf32>
        %reduce_or3A_824 = vector.broadcast %reduce_or3A_822 : f32 to vector<16xf32>
        %reduce_or3A_825 = arith.select %gt3A_820, %reduce_or3A_823, %reduce_or3A_824 : vector<16xi1>, vector<16xf32>
        %reduce_or3A_826 = arith.constant true
        %reduce_or3A_827 = vector.broadcast %reduce_or3A_826 : i1 to vector<16xi1>
        %reduce_or3A_828 = tpu.scan <max>, %reduce_or3A_825 masked %reduce_or3A_827 : vector<16xf32>, vector<16xi1> -> vector<16xf32>
        %reduce_or3A_829 = vector.extract %reduce_or3A_828[15] : f32 from vector<16xf32>
        %reduce_or3A_830 = arith.constant 0.000000e+00 : f32
        %reduce_or3A_831 = arith.cmpf ogt, %reduce_or3A_829, %reduce_or3A_830 : f32
        scf.condition(%reduce_or3A_831) %while3A_817, %while3A_818 : vector<16xi32>, vector<16xi32>
      } do {
      ^bb0(%while3A_817: vector<16xi32>, %while3A_818: vector<16xi32>):
        %sub3A_819 = arith.subi %while3A_818, %while3A_817 : vector<16xi32>
        %shift_right_logical3A = arith.constant 2 : i32
        %shift_right_logical3A_820 = vector.broadcast %shift_right_logical3A : i32 to vector<16xi32>
        %shift_right_logical3A_821 = arith.shrui %sub3A_819, %shift_right_logical3A_820 : vector<16xi32>
        %add3A_822 = arith.addi %while3A_817, %shift_right_logical3A_821 : vector<16xi32>
        %shift_right_logical3A_823 = arith.constant 1 : i32
        %shift_right_logical3A_824 = vector.broadcast %shift_right_logical3A_823 : i32 to vector<16xi32>
        %shift_right_logical3A_825 = arith.shrui %sub3A_819, %shift_right_logical3A_824 : vector<16xi32>
        %add3A_826 = arith.addi %while3A_817, %shift_right_logical3A_825 : vector<16xi32>
        %shift_right_logical3A_827 = arith.constant 2 : i32
        %shift_right_logical3A_828 = vector.broadcast %shift_right_logical3A_827 : i32 to vector<16xi32>
        %shift_right_logical3A_829 = arith.shrui %sub3A_819, %shift_right_logical3A_828 : vector<16xi32>
        %add3A_830 = arith.addi %add3A_826, %shift_right_logical3A_829 : vector<16xi32>
        %while3A_831 = arith.constant 0 : i32
        %while3A_832 = arith.subi %select_n3A_764, %while3A_831 : i32
        %while3A_833 = arith.addi %while3A_831, %while3A_832 : i32
        %while3A_834 = arith.constant 1 : i32
        %while3A_835 = arith.divsi %while3A_832, %while3A_834 : i32
        %while3A_836 = arith.muli %while3A_835, %while3A_834 : i32
        %while3A_837 = arith.addi %while3A_831, %while3A_836 : i32
        %while3A_838 = arith.constant 1 : i32
        %while3A_839:3 = scf.for %while3A_896 = %while3A_831 to %while3A_837 step %while3A_838 iter_args(%while3A_897 = %broadcast_in_dim3A_3, %while3A_898 = %broadcast_in_dim3A_3, %while3A_899 = %broadcast_in_dim3A_3) -> (vector<16xi32>, vector<16xi32>, vector<16xi32>)  : i32 {
          %mul3A_900 = arith.constant 16 : i32
          %mul3A_901 = arith.muli %while3A_896, %mul3A_900 : i32
          %add3A_902 = vector.broadcast %mul3A_901 : i32 to vector<16xi32>
          %add3A_903 = arith.addi %iota3A, %add3A_902 : vector<16xi32>
          %lt3A_904 = arith.cmpi slt, %add3A_903, %cond3A_399#0 : vector<16xi32>
          %mul3A_905 = arith.constant 16 : i32
          %mul3A_906 = arith.muli %while3A_896, %mul3A_905 : i32
          %get3A = arith.index_cast %mul3A_906 : i32 to index
          %get3A_907 = tpu.vector_load %arg5[%get3A] {strides = array<i32>} : memref<32768xi32, #tpu.memory_space<vmem>>, vector<16xi32>,
          %gather3A = tpu.vector_load_idx %arg4[%get3A_907] masked %lt3A_904 : memref<32784xf32, #tpu.memory_space<vmem>>[vector<16xi32>], vector<16xf32>, vector<16xi1>
          %bitcast3A_908 = vector.bitcast %gather3A : vector<16xf32> to vector<16xi32>
          %ge3A_909 = arith.cmpi sge, %bitcast3A_908, %add3A_822 : vector<16xi32>
          %and3A_910 = arith.andi %ge3A_909, %lt3A_904 : vector<16xi1>
          %select_n3A_911 = arith.select %and3A_910, %broadcast_in_dim3A_1, %broadcast_in_dim3A_3 : vector<16xi1>, vector<16xi32>
          %add3A_912 = arith.addi %while3A_897, %select_n3A_911 : vector<16xi32>
          %ge3A_913 = arith.cmpi sge, %bitcast3A_908, %add3A_826 : vector<16xi32>
          %and3A_914 = arith.andi %ge3A_913, %lt3A_904 : vector<16xi1>
          %select_n3A_915 = arith.select %and3A_914, %broadcast_in_dim3A_1, %broadcast_in_dim3A_3 : vector<16xi1>, vector<16xi32>
          %add3A_916 = arith.addi %while3A_898, %select_n3A_915 : vector<16xi32>
          %ge3A_917 = arith.cmpi sge, %bitcast3A_908, %add3A_830 : vector<16xi32>
          %and3A_918 = arith.andi %ge3A_917, %lt3A_904 : vector<16xi1>
          %select_n3A_919 = arith.select %and3A_918, %broadcast_in_dim3A_1, %broadcast_in_dim3A_3 : vector<16xi1>, vector<16xi32>
          %add3A_920 = arith.addi %while3A_899, %select_n3A_919 : vector<16xi32>
          scf.yield %add3A_912, %add3A_916, %add3A_920 : vector<16xi32>, vector<16xi32>, vector<16xi32>
        }
        %while3A_840 = arith.constant 1 : i32
        %while3A_841:3 = scf.for %while3A_896 = %while3A_837 to %while3A_833 step %while3A_840 iter_args(%while3A_897 = %while3A_839#0, %while3A_898 = %while3A_839#1, %while3A_899 = %while3A_839#2) -> (vector<16xi32>, vector<16xi32>, vector<16xi32>)  : i32 {
          %mul3A_900 = arith.constant 16 : i32
          %mul3A_901 = arith.muli %while3A_896, %mul3A_900 : i32
          %add3A_902 = vector.broadcast %mul3A_901 : i32 to vector<16xi32>
          %add3A_903 = arith.addi %iota3A, %add3A_902 : vector<16xi32>
          %lt3A_904 = arith.cmpi slt, %add3A_903, %cond3A_399#0 : vector<16xi32>
          %mul3A_905 = arith.constant 16 : i32
          %mul3A_906 = arith.muli %while3A_896, %mul3A_905 : i32
          %get3A = arith.index_cast %mul3A_906 : i32 to index
          %get3A_907 = tpu.vector_load %arg5[%get3A] {strides = array<i32>} : memref<32768xi32, #tpu.memory_space<vmem>>, vector<16xi32>,
          %gather3A = tpu.vector_load_idx %arg4[%get3A_907] masked %lt3A_904 : memref<32784xf32, #tpu.memory_space<vmem>>[vector<16xi32>], vector<16xf32>, vector<16xi1>
          %bitcast3A_908 = vector.bitcast %gather3A : vector<16xf32> to vector<16xi32>
          %ge3A_909 = arith.cmpi sge, %bitcast3A_908, %add3A_822 : vector<16xi32>
          %and3A_910 = arith.andi %ge3A_909, %lt3A_904 : vector<16xi1>
          %select_n3A_911 = arith.select %and3A_910, %broadcast_in_dim3A_1, %broadcast_in_dim3A_3 : vector<16xi1>, vector<16xi32>
          %add3A_912 = arith.addi %while3A_897, %select_n3A_911 : vector<16xi32>
          %ge3A_913 = arith.cmpi sge, %bitcast3A_908, %add3A_826 : vector<16xi32>
          %and3A_914 = arith.andi %ge3A_913, %lt3A_904 : vector<16xi1>
          %select_n3A_915 = arith.select %and3A_914, %broadcast_in_dim3A_1, %broadcast_in_dim3A_3 : vector<16xi1>, vector<16xi32>
          %add3A_916 = arith.addi %while3A_898, %select_n3A_915 : vector<16xi32>
          %ge3A_917 = arith.cmpi sge, %bitcast3A_908, %add3A_830 : vector<16xi32>
          %and3A_918 = arith.andi %ge3A_917, %lt3A_904 : vector<16xi1>
          %select_n3A_919 = arith.select %and3A_918, %broadcast_in_dim3A_1, %broadcast_in_dim3A_3 : vector<16xi1>, vector<16xi32>
          %add3A_920 = arith.addi %while3A_899, %select_n3A_919 : vector<16xi32>
          scf.yield %add3A_912, %add3A_916, %add3A_920 : vector<16xi32>, vector<16xi32>, vector<16xi32>
        }
        %broadcast_in_dim3A_842 = arith.constant true
        %broadcast_in_dim3A_843 = vector.broadcast %broadcast_in_dim3A_842 : i1 to vector<16xi1>
        %masked_cumsum3A_844 = tpu.scan <sum>, %while3A_841#0 masked %broadcast_in_dim3A_843 : vector<16xi32>, vector<16xi1> -> vector<16xi32>
        %rev3A_845 = arith.constant 15 : i32
        %rev3A_846 = vector.broadcast %rev3A_845 : i32 to vector<16xi32>
        %rev3A_847 = tpu.iota {dimensions = array<i32: 0>} : vector<16xi32>
        %rev3A_848 = arith.subi %rev3A_846, %rev3A_847 : vector<16xi32>
        %rev3A_849 = tpu.dynamic_gather %masked_cumsum3A_844[%rev3A_848] in [0] : vector<16xi32>, vector<16xi32> -> vector<16xi32>
        %broadcast_in_dim3A_850 = arith.constant true
        %broadcast_in_dim3A_851 = vector.broadcast %broadcast_in_dim3A_850 : i1 to vector<16xi1>
        %masked_cummax3A_852 = arith.constant -2147483648 : i32
        %masked_cummax3A_853 = vector.broadcast %masked_cummax3A_852 : i32 to vector<16xi32>
        %masked_cummax3A_854 = arith.xori %rev3A_849, %masked_cummax3A_853 : vector<16xi32>
        %masked_cummax3A_855 = tpu.scan <max>, %masked_cummax3A_854 masked %broadcast_in_dim3A_851 : vector<16xi32>, vector<16xi1> -> vector<16xi32>
        %masked_cummax3A_856 = arith.xori %masked_cummax3A_855, %masked_cummax3A_853 : vector<16xi32>
        %ge3A_857 = arith.cmpi sge, %masked_cummax3A_856, %broadcast_in_dim3A_7 : vector<16xi32>
        %broadcast_in_dim3A_858 = arith.constant true
        %broadcast_in_dim3A_859 = vector.broadcast %broadcast_in_dim3A_858 : i1 to vector<16xi1>
        %masked_cumsum3A_860 = tpu.scan <sum>, %while3A_841#1 masked %broadcast_in_dim3A_859 : vector<16xi32>, vector<16xi1> -> vector<16xi32>
        %rev3A_861 = arith.constant 15 : i32
        %rev3A_862 = vector.broadcast %rev3A_861 : i32 to vector<16xi32>
        %rev3A_863 = tpu.iota {dimensions = array<i32: 0>} : vector<16xi32>
        %rev3A_864 = arith.subi %rev3A_862, %rev3A_863 : vector<16xi32>
        %rev3A_865 = tpu.dynamic_gather %masked_cumsum3A_860[%rev3A_864] in [0] : vector<16xi32>, vector<16xi32> -> vector<16xi32>
        %broadcast_in_dim3A_866 = arith.constant true
        %broadcast_in_dim3A_867 = vector.broadcast %broadcast_in_dim3A_866 : i1 to vector<16xi1>
        %masked_cummax3A_868 = arith.constant -2147483648 : i32
        %masked_cummax3A_869 = vector.broadcast %masked_cummax3A_868 : i32 to vector<16xi32>
        %masked_cummax3A_870 = arith.xori %rev3A_865, %masked_cummax3A_869 : vector<16xi32>
        %masked_cummax3A_871 = tpu.scan <max>, %masked_cummax3A_870 masked %broadcast_in_dim3A_867 : vector<16xi32>, vector<16xi1> -> vector<16xi32>
        %masked_cummax3A_872 = arith.xori %masked_cummax3A_871, %masked_cummax3A_869 : vector<16xi32>
        %ge3A_873 = arith.cmpi sge, %masked_cummax3A_872, %broadcast_in_dim3A_7 : vector<16xi32>
        %broadcast_in_dim3A_874 = arith.constant true
        %broadcast_in_dim3A_875 = vector.broadcast %broadcast_in_dim3A_874 : i1 to vector<16xi1>
        %masked_cumsum3A_876 = tpu.scan <sum>, %while3A_841#2 masked %broadcast_in_dim3A_875 : vector<16xi32>, vector<16xi1> -> vector<16xi32>
        %rev3A_877 = arith.constant 15 : i32
        %rev3A_878 = vector.broadcast %rev3A_877 : i32 to vector<16xi32>
        %rev3A_879 = tpu.iota {dimensions = array<i32: 0>} : vector<16xi32>
        %rev3A_880 = arith.subi %rev3A_878, %rev3A_879 : vector<16xi32>
        %rev3A_881 = tpu.dynamic_gather %masked_cumsum3A_876[%rev3A_880] in [0] : vector<16xi32>, vector<16xi32> -> vector<16xi32>
        %broadcast_in_dim3A_882 = arith.constant true
        %broadcast_in_dim3A_883 = vector.broadcast %broadcast_in_dim3A_882 : i1 to vector<16xi1>
        %masked_cummax3A_884 = arith.constant -2147483648 : i32
        %masked_cummax3A_885 = vector.broadcast %masked_cummax3A_884 : i32 to vector<16xi32>
        %masked_cummax3A_886 = arith.xori %rev3A_881, %masked_cummax3A_885 : vector<16xi32>
        %masked_cummax3A_887 = tpu.scan <max>, %masked_cummax3A_886 masked %broadcast_in_dim3A_883 : vector<16xi32>, vector<16xi1> -> vector<16xi32>
        %masked_cummax3A_888 = arith.xori %masked_cummax3A_887, %masked_cummax3A_885 : vector<16xi32>
        %ge3A_889 = arith.cmpi sge, %masked_cummax3A_888, %broadcast_in_dim3A_7 : vector<16xi32>
        %select_n3A_890 = arith.select %ge3A_857, %add3A_822, %while3A_817 : vector<16xi1>, vector<16xi32>
        %select_n3A_891 = arith.select %ge3A_873, %add3A_826, %select_n3A_890 : vector<16xi1>, vector<16xi32>
        %select_n3A_892 = arith.select %ge3A_889, %add3A_830, %select_n3A_891 : vector<16xi1>, vector<16xi32>
        %select_n3A_893 = arith.select %ge3A_857, %add3A_826, %add3A_822 : vector<16xi1>, vector<16xi32>
        %select_n3A_894 = arith.select %ge3A_873, %add3A_830, %select_n3A_893 : vector<16xi1>, vector<16xi32>
        %select_n3A_895 = arith.select %ge3A_889, %while3A_818, %select_n3A_894 : vector<16xi1>, vector<16xi32>
        scf.yield %select_n3A_892, %select_n3A_895 : vector<16xi32>, vector<16xi32>
      }
      %add3A_766 = arith.addi %while3A_765#0, %broadcast_in_dim3A_1 : vector<16xi32>
      %while3A_767 = arith.constant 0 : i32
      %while3A_768 = arith.subi %select_n3A_764, %while3A_767 : i32
      %while3A_769 = arith.addi %while3A_767, %while3A_768 : i32
      %while3A_770 = arith.constant 1 : i32
      %while3A_771 = arith.divsi %while3A_768, %while3A_770 : i32
      %while3A_772 = arith.muli %while3A_771, %while3A_770 : i32
      %while3A_773 = arith.addi %while3A_767, %while3A_772 : i32
      %while3A_774 = arith.constant 1 : i32
      %while3A_775 = scf.for %while3A_817 = %while3A_767 to %while3A_773 step %while3A_774 iter_args(%while3A_818 = %broadcast_in_dim3A_3) -> (vector<16xi32>)  : i32 {
        %mul3A_819 = arith.constant 16 : i32
        %mul3A_820 = arith.muli %while3A_817, %mul3A_819 : i32
        %add3A_821 = vector.broadcast %mul3A_820 : i32 to vector<16xi32>
        %add3A_822 = arith.addi %iota3A, %add3A_821 : vector<16xi32>
        %lt3A_823 = arith.cmpi slt, %add3A_822, %cond3A_399#0 : vector<16xi32>
        %mul3A_824 = arith.constant 16 : i32
        %mul3A_825 = arith.muli %while3A_817, %mul3A_824 : i32
        %get3A = arith.index_cast %mul3A_825 : i32 to index
        %get3A_826 = tpu.vector_load %arg5[%get3A] {strides = array<i32>} : memref<32768xi32, #tpu.memory_space<vmem>>, vector<16xi32>,
        %gather3A = tpu.vector_load_idx %arg4[%get3A_826] masked %lt3A_823 : memref<32784xf32, #tpu.memory_space<vmem>>[vector<16xi32>], vector<16xf32>, vector<16xi1>
        %bitcast3A_827 = vector.bitcast %gather3A : vector<16xf32> to vector<16xi32>
        %ge3A_828 = arith.cmpi sge, %bitcast3A_827, %add3A_766 : vector<16xi32>
        %and3A_829 = arith.andi %ge3A_828, %lt3A_823 : vector<16xi1>
        %select_n3A_830 = arith.select %and3A_829, %broadcast_in_dim3A_1, %broadcast_in_dim3A_3 : vector<16xi1>, vector<16xi32>
        %add3A_831 = arith.addi %while3A_818, %select_n3A_830 : vector<16xi32>
        scf.yield %add3A_831 : vector<16xi32>
      }
      %while3A_776 = arith.constant 1 : i32
      %while3A_777 = scf.for %while3A_817 = %while3A_773 to %while3A_769 step %while3A_776 iter_args(%while3A_818 = %while3A_775) -> (vector<16xi32>)  : i32 {
        %mul3A_819 = arith.constant 16 : i32
        %mul3A_820 = arith.muli %while3A_817, %mul3A_819 : i32
        %add3A_821 = vector.broadcast %mul3A_820 : i32 to vector<16xi32>
        %add3A_822 = arith.addi %iota3A, %add3A_821 : vector<16xi32>
        %lt3A_823 = arith.cmpi slt, %add3A_822, %cond3A_399#0 : vector<16xi32>
        %mul3A_824 = arith.constant 16 : i32
        %mul3A_825 = arith.muli %while3A_817, %mul3A_824 : i32
        %get3A = arith.index_cast %mul3A_825 : i32 to index
        %get3A_826 = tpu.vector_load %arg5[%get3A] {strides = array<i32>} : memref<32768xi32, #tpu.memory_space<vmem>>, vector<16xi32>,
        %gather3A = tpu.vector_load_idx %arg4[%get3A_826] masked %lt3A_823 : memref<32784xf32, #tpu.memory_space<vmem>>[vector<16xi32>], vector<16xf32>, vector<16xi1>
        %bitcast3A_827 = vector.bitcast %gather3A : vector<16xf32> to vector<16xi32>
        %ge3A_828 = arith.cmpi sge, %bitcast3A_827, %add3A_766 : vector<16xi32>
        %and3A_829 = arith.andi %ge3A_828, %lt3A_823 : vector<16xi1>
        %select_n3A_830 = arith.select %and3A_829, %broadcast_in_dim3A_1, %broadcast_in_dim3A_3 : vector<16xi1>, vector<16xi32>
        %add3A_831 = arith.addi %while3A_818, %select_n3A_830 : vector<16xi32>
        scf.yield %add3A_831 : vector<16xi32>
      }
      %broadcast_in_dim3A_778 = arith.constant true
      %broadcast_in_dim3A_779 = vector.broadcast %broadcast_in_dim3A_778 : i1 to vector<16xi1>
      %masked_cumsum3A = tpu.scan <sum>, %while3A_777 masked %broadcast_in_dim3A_779 : vector<16xi32>, vector<16xi1> -> vector<16xi32>
      %rev3A_780 = arith.constant 15 : i32
      %rev3A_781 = vector.broadcast %rev3A_780 : i32 to vector<16xi32>
      %rev3A_782 = tpu.iota {dimensions = array<i32: 0>} : vector<16xi32>
      %rev3A_783 = arith.subi %rev3A_781, %rev3A_782 : vector<16xi32>
      %rev3A_784 = tpu.dynamic_gather %masked_cumsum3A[%rev3A_783] in [0] : vector<16xi32>, vector<16xi32> -> vector<16xi32>
      %broadcast_in_dim3A_785 = arith.constant true
      %broadcast_in_dim3A_786 = vector.broadcast %broadcast_in_dim3A_785 : i1 to vector<16xi1>
      %masked_cummax3A_787 = arith.constant -2147483648 : i32
      %masked_cummax3A_788 = vector.broadcast %masked_cummax3A_787 : i32 to vector<16xi32>
      %masked_cummax3A_789 = arith.xori %rev3A_784, %masked_cummax3A_788 : vector<16xi32>
      %masked_cummax3A_790 = tpu.scan <max>, %masked_cummax3A_789 masked %broadcast_in_dim3A_786 : vector<16xi32>, vector<16xi1> -> vector<16xi32>
      %masked_cummax3A_791 = arith.xori %masked_cummax3A_790, %masked_cummax3A_788 : vector<16xi32>
      %sub3A_792 = arith.subi %broadcast_in_dim3A_7, %masked_cummax3A_791 : vector<16xi32>
      %while3A_793 = arith.constant 0 : i32
      %while3A_794 = arith.subi %select_n3A_764, %while3A_793 : i32
      %while3A_795 = arith.addi %while3A_793, %while3A_794 : i32
      %while3A_796 = arith.constant 1 : i32
      %while3A_797 = arith.divsi %while3A_794, %while3A_796 : i32
      %while3A_798 = arith.muli %while3A_797, %while3A_796 : i32
      %while3A_799 = arith.addi %while3A_793, %while3A_798 : i32
      %while3A_800 = arith.constant 1 : i32
      %while3A_801 = scf.for %while3A_817 = %while3A_793 to %while3A_799 step %while3A_800 iter_args(%while3A_818 = %broadcast_in_dim3A_3) -> (vector<16xi32>)  : i32 {
        %mul3A_819 = arith.constant 16 : i32
        %mul3A_820 = arith.muli %while3A_817, %mul3A_819 : i32
        %add3A_821 = vector.broadcast %mul3A_820 : i32 to vector<16xi32>
        %add3A_822 = arith.addi %iota3A, %add3A_821 : vector<16xi32>
        %lt3A_823 = arith.cmpi slt, %add3A_822, %cond3A_399#0 : vector<16xi32>
        %mul3A_824 = arith.constant 16 : i32
        %mul3A_825 = arith.muli %while3A_817, %mul3A_824 : i32
        %get3A = arith.index_cast %mul3A_825 : i32 to index
        %get3A_826 = tpu.vector_load %arg5[%get3A] {strides = array<i32>} : memref<32768xi32, #tpu.memory_space<vmem>>, vector<16xi32>,
        %gather3A = tpu.vector_load_idx %arg4[%get3A_826] masked %lt3A_823 : memref<32784xf32, #tpu.memory_space<vmem>>[vector<16xi32>], vector<16xf32>, vector<16xi1>
        %bitcast3A_827 = vector.bitcast %gather3A : vector<16xf32> to vector<16xi32>
        %gt3A_828 = arith.cmpi sgt, %bitcast3A_827, %while3A_765#0 : vector<16xi32>
        %and3A_829 = arith.andi %gt3A_828, %lt3A_823 : vector<16xi1>
        %eq3A = arith.cmpi eq, %bitcast3A_827, %while3A_765#0 : vector<16xi32>
        %and3A_830 = arith.andi %eq3A, %lt3A_823 : vector<16xi1>
        %select_n3A_831 = arith.select %and3A_830, %broadcast_in_dim3A_1, %broadcast_in_dim3A_3 : vector<16xi1>, vector<16xi32>
        %broadcast_in_dim3A_832 = arith.constant true
        %broadcast_in_dim3A_833 = vector.broadcast %broadcast_in_dim3A_832 : i1 to vector<16xi1>
        %masked_cumsum3A_834 = tpu.scan <sum>, %select_n3A_831 masked %broadcast_in_dim3A_833 : vector<16xi32>, vector<16xi1> -> vector<16xi32>
        %add3A_835 = arith.addi %masked_cumsum3A_834, %while3A_818 : vector<16xi32>
        %le3A = arith.cmpi sle, %add3A_835, %sub3A_792 : vector<16xi32>
        %and3A_836 = arith.andi %and3A_830, %le3A : vector<16xi1>
        %or3A = arith.ori %and3A_829, %and3A_836 : vector<16xi1>
        %max3A_837 = arith.constant 0.000000e+00 : f32
        %max3A_838 = vector.broadcast %max3A_837 : f32 to vector<16xf32>
        %max3A_839 = arith.maximumf %gather3A, %max3A_838 : vector<16xf32>
        tpu.vector_store_idx %arg6[%get3A_826], %max3A_839 masked %or3A : memref<32768xf32, #tpu.memory_space<vmem>>[vector<16xi32>], vector<16xf32>, vector<16xi1>
        %all_reduce_population_count3A = tpu.all_reduce %and3A_830 {dim = 0 : i64, kind = #tpu.reduction_kind<sum>} : vector<16xi1> -> vector<16xi32>
        %add3A_840 = arith.addi %while3A_818, %all_reduce_population_count3A : vector<16xi32>
        scf.yield %add3A_840 : vector<16xi32>
      }
      %while3A_802 = arith.constant 1 : i32
      %while3A_803 = scf.for %while3A_817 = %while3A_799 to %while3A_795 step %while3A_802 iter_args(%while3A_818 = %while3A_801) -> (vector<16xi32>)  : i32 {
        %mul3A_819 = arith.constant 16 : i32
        %mul3A_820 = arith.muli %while3A_817, %mul3A_819 : i32
        %add3A_821 = vector.broadcast %mul3A_820 : i32 to vector<16xi32>
        %add3A_822 = arith.addi %iota3A, %add3A_821 : vector<16xi32>
        %lt3A_823 = arith.cmpi slt, %add3A_822, %cond3A_399#0 : vector<16xi32>
        %mul3A_824 = arith.constant 16 : i32
        %mul3A_825 = arith.muli %while3A_817, %mul3A_824 : i32
        %get3A = arith.index_cast %mul3A_825 : i32 to index
        %get3A_826 = tpu.vector_load %arg5[%get3A] {strides = array<i32>} : memref<32768xi32, #tpu.memory_space<vmem>>, vector<16xi32>,
        %gather3A = tpu.vector_load_idx %arg4[%get3A_826] masked %lt3A_823 : memref<32784xf32, #tpu.memory_space<vmem>>[vector<16xi32>], vector<16xf32>, vector<16xi1>
        %bitcast3A_827 = vector.bitcast %gather3A : vector<16xf32> to vector<16xi32>
        %gt3A_828 = arith.cmpi sgt, %bitcast3A_827, %while3A_765#0 : vector<16xi32>
        %and3A_829 = arith.andi %gt3A_828, %lt3A_823 : vector<16xi1>
        %eq3A = arith.cmpi eq, %bitcast3A_827, %while3A_765#0 : vector<16xi32>
        %and3A_830 = arith.andi %eq3A, %lt3A_823 : vector<16xi1>
        %select_n3A_831 = arith.select %and3A_830, %broadcast_in_dim3A_1, %broadcast_in_dim3A_3 : vector<16xi1>, vector<16xi32>
        %broadcast_in_dim3A_832 = arith.constant true
        %broadcast_in_dim3A_833 = vector.broadcast %broadcast_in_dim3A_832 : i1 to vector<16xi1>
        %masked_cumsum3A_834 = tpu.scan <sum>, %select_n3A_831 masked %broadcast_in_dim3A_833 : vector<16xi32>, vector<16xi1> -> vector<16xi32>
        %add3A_835 = arith.addi %masked_cumsum3A_834, %while3A_818 : vector<16xi32>
        %le3A = arith.cmpi sle, %add3A_835, %sub3A_792 : vector<16xi32>
        %and3A_836 = arith.andi %and3A_830, %le3A : vector<16xi1>
        %or3A = arith.ori %and3A_829, %and3A_836 : vector<16xi1>
        %max3A_837 = arith.constant 0.000000e+00 : f32
        %max3A_838 = vector.broadcast %max3A_837 : f32 to vector<16xf32>
        %max3A_839 = arith.maximumf %gather3A, %max3A_838 : vector<16xf32>
        tpu.vector_store_idx %arg6[%get3A_826], %max3A_839 masked %or3A : memref<32768xf32, #tpu.memory_space<vmem>>[vector<16xi32>], vector<16xf32>, vector<16xi1>
        %all_reduce_population_count3A = tpu.all_reduce %and3A_830 {dim = 0 : i64, kind = #tpu.reduction_kind<sum>} : vector<16xi1> -> vector<16xi32>
        %add3A_840 = arith.addi %while3A_818, %all_reduce_population_count3A : vector<16xi32>
        scf.yield %add3A_840 : vector<16xi32>
      }
      %dma_start3A_804 = arith.constant 0 : i32
      %dma_start3A_805 = tpu.memref_slice %arg3[%add3A_56, %dma_start3A_804] : memref<128x32768xf32, #tpu.memory_space<hbm>> -> memref<1x32768xf32, #tpu.memory_space<hbm>>
      %dma_start3A_806 = tpu.memref_squeeze %dma_start3A_805 : memref<1x32768xf32, #tpu.memory_space<hbm>> -> memref<32768xf32, #tpu.memory_space<hbm>>
      %dma_start3A_807 = arith.constant 0 : i32
      %dma_start3A_808 = tpu.memref_slice %arg3[%add3A_56, %dma_start3A_807] : memref<128x32768xf32, #tpu.memory_space<hbm>> -> memref<1x32768xf32, #tpu.memory_space<hbm>>
      %dma_start3A_809 = tpu.memref_squeeze %dma_start3A_808 : memref<1x32768xf32, #tpu.memory_space<hbm>> -> memref<32768xf32, #tpu.memory_space<hbm>>
      tpu.enqueue_dma source(%arg6 : memref<32768xf32, #tpu.memory_space<vmem>>) target(%dma_start3A_809 : memref<32768xf32, #tpu.memory_space<hbm>>) target_semaphore(%arg9 : memref<!tpu.dma_semaphore, #tpu.memory_space<semaphore_mem>>)
      %lt3A_810 = arith.constant 3 : i32
      %lt3A_811 = arith.cmpi slt, %scan3A_51, %lt3A_810 : i32
      %convert_element_type3A_812 = arith.extui %lt3A_811 : i1 to i32
      %cond3A_813 = arith.constant 0 : i32
      %cond3A_814 = arith.constant 0 : i32
      %cond3A_815 = arith.cmpi ne, %convert_element_type3A_812, %cond3A_814 : i32
      %cond3A_816 = scf.if %cond3A_815 -> (i32) {
        %add3A_817 = arith.constant 1 : i32
        %add3A_818 = arith.addi %add3A_56, %add3A_817 : i32
        %dma_start3A_819 = arith.constant 0 : i32
        %dma_start3A_820 = tpu.memref_slice %arg4[%dma_start3A_819] : memref<32784xf32, #tpu.memory_space<vmem>> -> memref<32768xf32, #tpu.memory_space<vmem>>
        %dma_start3A_821 = arith.constant 0 : i32
        %dma_start3A_822 = tpu.memref_slice %arg2[%add3A_818, %dma_start3A_821] : memref<128x32768xf32, #tpu.memory_space<hbm>> -> memref<1x32768xf32, #tpu.memory_space<hbm>>
        %dma_start3A_823 = tpu.memref_squeeze %dma_start3A_822 : memref<1x32768xf32, #tpu.memory_space<hbm>> -> memref<32768xf32, #tpu.memory_space<hbm>>
        %dma_start3A_824 = arith.constant 0 : i32
        %dma_start3A_825 = tpu.memref_slice %arg4[%dma_start3A_824] : memref<32784xf32, #tpu.memory_space<vmem>> -> memref<32768xf32, #tpu.memory_space<vmem>>
        %dma_start3A_826 = arith.constant 0 : i32
        %dma_start3A_827 = tpu.memref_slice %arg2[%add3A_818, %dma_start3A_826] : memref<128x32768xf32, #tpu.memory_space<hbm>> -> memref<1x32768xf32, #tpu.memory_space<hbm>>
        %dma_start3A_828 = tpu.memref_squeeze %dma_start3A_827 : memref<1x32768xf32, #tpu.memory_space<hbm>> -> memref<32768xf32, #tpu.memory_space<hbm>>
        tpu.enqueue_dma source(%dma_start3A_828 : memref<32768xf32, #tpu.memory_space<hbm>>) target(%dma_start3A_825 : memref<32768xf32, #tpu.memory_space<vmem>>) target_semaphore(%arg8 : memref<!tpu.dma_semaphore, #tpu.memory_space<semaphore_mem>>)
        %cond3A_829 = arith.constant 0 : i32
        scf.yield %cond3A_829 : i32
      } else {
        %cond3A_817 = arith.constant 0 : i32
        scf.yield %cond3A_817 : i32
      }
      scf.yield %cond3A_399#0, %select_n3A_764 : vector<16xi32>, i32
    }
    %scan3A_40 = arith.constant 4 : i32
    %mul3A_41 = arith.constant 4 : i32
    %mul3A_42 = arith.muli %add3A, %mul3A_41 : i32
    %add3A_43 = arith.constant 4 : i32
    %add3A_44 = arith.addi %mul3A_42, %add3A_43 : i32
    %sub3A = arith.constant 1 : i32
    %sub3A_45 = arith.subi %add3A_44, %sub3A : i32
    %dma_wait3A = arith.constant 0 : i32
    %dma_wait3A_46 = tpu.memref_slice %arg3[%sub3A_45, %dma_wait3A] : memref<128x32768xf32, #tpu.memory_space<hbm>> -> memref<1x32768xf32, #tpu.memory_space<hbm>>
    %dma_wait3A_47 = tpu.memref_squeeze %dma_wait3A_46 : memref<1x32768xf32, #tpu.memory_space<hbm>> -> memref<32768xf32, #tpu.memory_space<hbm>>
    %dma_wait3A_48 = arith.constant 0 : i32
    %dma_wait3A_49 = tpu.memref_slice %arg3[%sub3A_45, %dma_wait3A_48] : memref<128x32768xf32, #tpu.memory_space<hbm>> -> memref<1x32768xf32, #tpu.memory_space<hbm>>
    %dma_wait3A_50 = tpu.memref_squeeze %dma_wait3A_49 : memref<1x32768xf32, #tpu.memory_space<hbm>> -> memref<32768xf32, #tpu.memory_space<hbm>>
    tpu.wait_dma2 semaphore(%arg9 : memref<!tpu.dma_semaphore, #tpu.memory_space<semaphore_mem>>) src(%arg6 : memref<32768xf32, #tpu.memory_space<vmem>>) dst(%dma_wait3A_50 : memref<32768xf32, #tpu.memory_space<hbm>>)
    return
  }
}

</mosaic_0001>

<sc_bundles>
// kernel: kernel.3.cloned.1.call-start
scs
__scs_entry_jumppad:
0x0: {  	(pc) =	sbr.rel $0x88, $3  }
0x1: {  	(tag) =	ssettag $0x0;
	lr =	simm.s32 $0x1  }
0x2: {  	[smem:$0x3FA0] =	sst lr;
	_ =	strace $0xD0000000  }
0x3: {  	_ = 	snop  }
0x4: {  	_ = 	snop  }
0x5: {  	_ = 	snop  }
0x6: {  	_ = 	snop  }
0x7: {  	_ = 	snop  }
__scs_overlays_trampoline_lowered:
0x8: {  	[smem:$0x3FAF] =	sst s0  }
0x9: {  	[smem:$0x3FB0] =	sst s1  }
0xa: {  	[smem:$0x3FB1] =	sst s2  }
0xb: {  	[smem:$0x3FB2] =	sst s3  }
0xc: {  	[smem:$0x3FB3] =	sst s4  }
0xd: {  	[smem:$0x3FB4] =	sst s5  }
0xe: {  	[smem:$0x3FB5] =	sst s6  }
0xf: {  	[smem:$0x3FB6] =	sst s7  }
0x10: {  	[smem:$0x3FB7] =	sst s8  }
0x11: {  	[smem:$0x3FB8] =	sst s9;
	s0 =	simm.s32 @!p0 $0x0  }
0x12: {  	s1 =	sld [smem:$0x3F9E];
	s0 =	simm.s32 @p0 $0x1  }
0x13: {  	[smem:$0x3FB9] =	sst s0;
	s0 =	simm.s32 @!p1 $0x0  }
0x14: {  	s2 =	sld [smem:$0x3F9D];
	s0 =	simm.s32 @p1 $0x1  }
0x15: {  	[smem:$0x3FBA] =	sst s0;
	s0 =	simm.s32 @!p2 $0x0  }
0x16: {  	s3 =	sld [smem:$0x3FDB];
	s0 =	simm.s32 @p2 $0x1  }
0x17: {  	s4 =	simm.s32 $0x1BF5;
	[smem:$0x3FBC] =	sst s0  }
0x18: {  	s0 =	sld [smem:$0x3F9F];
	_ =	swait.ge [sflag:s4], $0x0  }
0x19: {  	s7 =	sld [smem:$0x3FA0]  }
0x1a: {  	s8 =	sadd.s32 $0xFFFFE003, lr  }
0x1b: {  	s9 =	sadd.s32 $0xFFFFFEF7, lr;
	s5 =	simm.s32 $0xFFFFFFFF;
	p2 =	slt.u32 s8, $0xFFFFF086  }
0x1c: {  	p1 =	slt.u32 s9, $0xF7A;
	s5 =	simm.s32 @!p2 $0x0  }
0x1d: {  	s5 =	simm.s32 @p1 $0x1;
	p0 =	seq.s32 s7, s2  }
0x1e: {  	s7 =	smul.u32 @!p0 $0xF7A, s2;
	p2 =	seq.s32 @!p0 s5, $0x0  }
0x1f: {  	s9 =	smul.u32 $0xF7A, s1;
	s8 =	simm.s32 @!p0 $0x1BF5;
	p2 =	por !p2, p0  }
0x20: {  	[sflag:s8] =	ssyncset.s32 @!p0 $0xFFFFF086;
	s6 =	sadd.s32 @!p0 s3, s7;
	s7 =	simm.s32 @!p0 $0x108  }
0x21: {  	s3 =	sadd.s32 s3, s9;
	s6 =	sadd.s32 @!p0 $0x88, s6;
	s7 =	simm.s32 @p2 $0x1082  }
0x22: {  	[simem:s7], [sflag:s8] =	dma.local @!p0 [hbm:s6], $0xF7A  }
0x23: {  	s9 =	sor.u32 $0xD0000000, s2;
	s6 =	simm.s32 $0x108;
	_ =	swait.ge @!p0 [sflag:s8], $0x0  }
0x24: {  	s3 =	sadd.s32 $0x88, s3;
	s6 =	simm.s32 @!p1 $0x1082;
	[sflag:s4] =	ssyncset.s32 $0xFFFFF086  }
0x25: {  	[simem:s6], [sflag:s4] =	dma.local [hbm:s3], $0xF7A  }
0x26: {  	[smem:$0x3FA0] =	sst s1;
	(tag) =	ssettag s2;
	_ =	strace s9  }
0x27: {  	s1 =	sld [smem:$0x3FB0]  }
0x28: {  	s2 =	sld [smem:$0x3FB1]  }
0x29: {  	s4 =	sld [smem:$0x3FB3]  }
0x2a: {  	p0 =	seq.s32 s5, $0x0;
	s5 =	sld [smem:$0x3FB4]  }
0x2b: {  	s6 =	sld [smem:$0x3FB5]  }
0x2c: {  	s7 =	sld [smem:$0x3FB6]  }
0x2d: {  	s3 =	simm.s32 $0x108;
	s8 =	sld [smem:$0x3FB7]  }
0x2e: {  	s3 =	simm.s32 @!p0 $0x1082;
	s9 =	sld [smem:$0x3FB8]  }
0x2f: {  	lr =	sadd.s32 s0, s3;
	s0 =	sld [smem:$0x3FAF]  }
0x30: {  	s3 =	sld [smem:$0x3FB2]  }
0x31: {  	[smem:$0x3FBB] =	sst s10  }
0x32: {  	s10 =	sld [smem:$0x3FB9];
	_ =	sdelay $0x3  }
0x33: {  	p0 =	seq.s32 s10, $0x1;
	s10 =	sld [smem:$0x3FBB];
	_ =	sdelay $0x3  }
0x34: {  	[smem:$0x3FBB] =	sst s10  }
0x35: {  	s10 =	sld [smem:$0x3FBA];
	_ =	sdelay $0x3  }
0x36: {  	p1 =	seq.s32 s10, $0x1;
	s10 =	sld [smem:$0x3FBB];
	_ =	sdelay $0x3  }
0x37: {  	[smem:$0x3FBB] =	sst s10  }
0x38: {  	s10 =	sld [smem:$0x3FBC]  }
0x39: {  	_ = 	snop;
	(pc) =	sbr.ind lr, $3  }
0x3a: {  	_ = 	snop  }
0x3b: {  	_ = 	snop  }
0x3c: {  	p2 =	seq.s32 s10, $0x1;
	s10 =	sld [smem:$0x3FBB]  }
0x3d: {  	_ =	shalt  }
0x3e: {  	_ =	shalt  }
0x3f: {  	_ =	shalt  }
0x40: {  	_ =	shalt  }
0x41: {  	_ =	shalt  }
0x42: {  	_ =	shalt  }
0x43: {  	_ =	shalt  }
0x44: {  	_ =	shalt  }
0x45: {  	_ =	shalt  }
0x46: {  	_ =	shalt  }
0x47: {  	_ =	shalt  }
0x48: {  	_ =	shalt  }
0x49: {  	_ =	shalt  }
0x4a: {  	_ =	shalt  }
0x4b: {  	_ =	shalt  }
0x4c: {  	_ =	shalt  }
0x4d: {  	_ =	shalt  }
0x4e: {  	_ =	shalt  }
0x4f: {  	_ =	shalt  }
0x50: {  	_ =	shalt  }
0x51: {  	_ =	shalt  }
0x52: {  	_ =	shalt  }
0x53: {  	_ =	shalt  }
0x54: {  	_ =	shalt  }
0x55: {  	_ =	shalt  }
0x56: {  	_ =	shalt  }
0x57: {  	_ =	shalt  }
0x58: {  	_ =	shalt  }
0x59: {  	_ =	shalt  }
0x5a: {  	_ =	shalt  }
0x5b: {  	_ =	shalt  }
0x5c: {  	_ =	shalt  }
0x5d: {  	_ =	shalt  }
0x5e: {  	_ =	shalt  }
0x5f: {  	_ =	shalt  }
0x60: {  	_ =	shalt  }
0x61: {  	_ =	shalt  }
0x62: {  	_ =	shalt  }
0x63: {  	_ =	shalt  }
0x64: {  	_ =	shalt  }
0x65: {  	_ =	shalt  }
0x66: {  	_ =	shalt  }
0x67: {  	_ =	shalt  }
0x68: {  	_ =	shalt  }
0x69: {  	_ =	shalt  }
0x6a: {  	_ =	shalt  }
0x6b: {  	_ =	shalt  }
0x6c: {  	_ =	shalt  }
0x6d: {  	_ =	shalt  }
0x6e: {  	_ =	shalt  }
0x6f: {  	_ =	shalt  }
0x70: {  	_ =	shalt  }
0x71: {  	_ =	shalt  }
0x72: {  	_ =	shalt  }
0x73: {  	_ =	shalt  }
0x74: {  	_ =	shalt  }
0x75: {  	_ =	shalt  }
0x76: {  	_ =	shalt  }
0x77: {  	_ =	shalt  }
0x78: {  	_ =	shalt  }
0x79: {  	_ =	shalt  }
0x7a: {  	_ =	shalt  }
0x7b: {  	_ =	shalt  }
0x7c: {  	_ =	shalt  }
0x7d: {  	_ =	shalt  }
0x7e: {  	_ =	shalt  }
0x7f: {  	_ =	shalt  }
0x80: {  	_ =	shalt  }
0x81: {  	_ =	shalt  }
0x82: {  	_ =	shalt  }
0x83: {  	_ =	shalt  }
0x84: {  	_ =	shalt  }
0x85: {  	_ =	shalt  }
0x86: {  	_ =	shalt  }
0x87: {  	_ =	shalt  }
.Lfunc_end0:
.L_simem_size_0:
called_computation_lowered:
.L_overlay_start_0:
0x88: {  	s2 =	sld [smem:$0x3FD9]  }
0x89: {  	s3 =	sld [smem:$0x3FFE];
	_ =	sdelay $0x1  }
0x8a: {  	s1 =	srdreg.scid  }
0x8b: {  	s0 =	sand.u32 $0x1, s1  }
0x8c: {  	s18 =	sshll.u32 s0, $0xA;
	s2 =	sadd.s32 s3, s2  }
0x8d: {  	s2 =	sadd.s32 s2, s18  }
0x8e: {  	[smem:$0x3FC7] =	sst s2  }
0x8f: {  	_ = 	snop  }
0x90: {  	s2 =	sld [smem:$0x3FC9]  }
0x91: {  	s19 =	sld [smem:$0x3FD0];
	(tm) =	ssettm $0x1  }
0x92: {  	s4 =	sld [smem:$0x3FFB];
	_ =	sdelay $0x3  }
0x93: {  	_ =	strace s4  }
0x94: {  	s4 =	sld [smem:$0x3FFC];
	_ =	sdelay $0x3  }
0x95: {  	_ =	strace s4  }
0x96: {  	s4 =	sld [smem:$0x3FFD];
	_ =	sdelay $0x3  }
0x97: {  	_ =	strace s4  }
0x98: {  	_ =	strace $0x8FFFFFFF  }
0x99: {  	s20 =	sld [smem:$0x3FDB];
	_ =	sdelay $0x1  }
0x9a: {  	s5 =	simm.s32 $_scs_section_size  }
0x9b: {  	s6 =	simm.s32 $_size__tile_overlayer_lowered;
	s7 =	simm.s32 $_tile_overlayer_lowered  }
0x9c: {  	s23 =	simm.s32 $0x1BFF;
	s22 =	sshll.u32 s7, $0x1;
	s4 =	sadd.s32 s5, s20  }
0x9d: {  	s8 =	simm.s32 $0x0;
	s21 =	sshll.u32 s6, $0x1;
	s6 =	sadd.s32 s22, s4  }
0x9e: {  	[timem:s8], [sflag:s23] =	dma.local [hbm:s6], s21  }
0x9f: {  	_ =	swait.ge [sflag:s23], s21  }
0xa0: {  	s5 =	ssub.s32 $0x0, s21;
	[sflag:s23] =	ssyncset.done $0x0  }
0xa1: {  	[sflag:s23] =	ssyncadd.s32 s5;
	_ =	sdelay $0x1  }
0xa2: {  	s24 =	simm.s32 $0x1B8B  }
0xa3: {  	_ =	swait.ge [sflag:s24], $0x1  }
0xa4: {  	[sflag:s24] =	ssyncset.done $0x0  }
0xa5: {  	s25 =	simm.s32 $0x1B8E;
	[sflag:s24] =	ssyncadd.s32 $0xFFFFFFFF  }
0xa6: {  	s26 =	simm.s32 $execute0_lowered;
	[smem:$0x3FD2] =	sst s25  }
0xa7: {  	s5 =	sshll.u32 s26, $0x1;
	_ =	strace $0x80000046;
	[dreg:$0x1] =	wrdreg $0xFFFFFFFF  }
0xa8: {  	s28 =	simm.s32 $_size_execute0_lowered;
	s4 =	sadd.s32 s4, s5;
	[dreg:$0x0] =	wrdreg $0x0  }
0xa9: {  	s5 =	sshll.u32 s28, $0x1;
	[dreg:$0x2] =	wrdreg s4  }
0xaa: {  	[dreg:$0x3] =	wrdreg s5  }
0xab: {  	[dreg:$0x4] =	wrdreg $0xC0  }
0xac: {  	_ =	task [dreg:s8], $0x5FFFF  }
0xad: {  	[dreg:$0x1] =	wrdreg $0xFFFFFFFF  }
0xae: {  	[dreg:$0x0] =	wrdreg $0x60  }
0xaf: {  	[dreg:$0x2] =	wrdreg s2  }
0xb0: {  	[dreg:$0x3] =	wrdreg s19  }
0xb1: {  	[dreg:$0x4] =	wrdreg $0x9  }
0xb2: {  	_ =	task.clear_ibuf [dreg:s8], $0x5FFFF;
	_ =	strace $0x90000046  }
0xb3: {  	s29 =	simm.s32 $0x9;
	_ =	strace $0x80000048  }
0xb4: {  	_ =	swait.ge [sflag:s29], $0x1  }
0xb5: {  	[sflag:s29] =	ssyncadd.s32 $0xFFFFFFFF  }
0xb6: {  	_ =	strace $0x90000048  }
0xb7: {  	_ =	sfence  }
0xb8: {  	s30 =	sld [smem:$0x0];
	_ =	sdelay $0x2  }
0xb9: {  	s31 =	sshll.u32 s1, $0xD;
	s1 =	sshrl.u32 s1, $0x2  }
0xba: {  	s3 =	sand.u32 $0x4000, s31;
	s1 =	sadd.s32 s1, s30  }
0xbb: {  	s0 =	sor.u32 s3, s0;
	s1 =	sshll.u32 s1, $0x11  }
0xbc: {  	s0 =	sor.u32 s1, s0  }
0xbd: {  	s0 =	sadd.s32 $0x8F2B, s0  }
0xbe: {  	[sflag:s0] =	ssyncadd.remote.s32 $0x1  }
0xbf: {  	_ =	sfence.sel $0xFFFF  }
0xc0: {  	[dreg:$0x0] =	wrdreg $0xFFFFFFFF;
	(pc) =	sbr.abs _section_cstart, $3  }
0xc1: {  	[dreg:$0x1] =	wrdreg $0xFFFFFFFF  }
0xc2: {  	_ =	task.clear_ibuf [dreg:s8], $0x2FFFF;
	_ =	strace $0x9FFFFFFF  }
0xc3: {  	(tm) =	ssettm $0x7FFFFFFF  }
tec
execute0_lowered:
.L_overlay_start_1:
0x0: {  	(tag) =	ssettag $0x1  }
0x1: {  	s1 =	rddreg [dreg:$0x0];
	s3 =	simm.s32 $0x0  }
0x2: {  	[smem:$0x7FF] =	sst s3  }
0x3: {  	s2 =	rddreg [dreg:$0x1];
	s4 =	srdreg.scid;
	v0 =	vimm.s32 $0x0;
	_ =	strace $0x80000047  }
0x4: {  	s0 =	stileid.u32;
	s10 =	simm.s32 $0x400;
	s11 =	simm.s32 $0x1;
	(xrf0) =	vadd.scan.msk.s32 $0xffff, v0  }
0x5: {  	s12 =	simm.s32 $0x18080;
	s14 =	simm.s32 $0x10080;
	s5 =	sand.u32 $0x1, s4  }
0x6: {  	s15 =	simm.s32 $0x3;
	s6 =	ssub.s32 $0x2, s5;
	s30 =	sshll.u32 s5, $0x6  }
.Ltmp0:
0x7: {  	s9 =	sshll.u32 s5, $0x2;
	s7 =	sshrl.u32 s6, $0x1;
	(pc) =	sbr.rel .LBB2_1-.Ltmp0, $4  }
0x8: {  	v1 =	vlaneseq.u32;
	s5 =	sshll.u32 s0, $0xF;
	s8 =	ssub.s32 s6, s7;
	s7 =	sadd.s32 s1, s30  }
0x9: {  	s16 =	simm.s32 $0x8080;
	s29 =	sshll.u32 s0, $0x3;
	v3 =	vmul.u32 $0xFFFFFFFF, v1;
	s0 =	sadd.s32 s5, s7  }
0xa: {  	s6 =	sor.u32 s9, s29;
	s31 =	smax.u32 s8, $0x1;
	[dreg:$0x3] =	wrdreg s0;
	_, v2, _ =	vpop (xrf0)  }
0xb: {  	v4 =	vimm.f32 $1.000000000e+00;
	v3 =	vadd.s32 $0xF, v3;
	s9 =	simm.s32 $0x80;
	s7 =	simm.s32 $0x0;
	[dreg:$0x4] =	wrdreg s31;
	v2 =	vimm.f32 $0.0e+00  }
.LBB2_44:
0xc: {  	s4 =	simm.s32 $0x2  }
0xd: {  	_ =	swait.ge [sflag:s4], $0x8000  }
0xe: {  	s7 =	rddreg [dreg:$0x5]  }
0xf: {  	s0 =	rddreg [dreg:$0x4];
	s7 =	sadd.s32 $0x1, s7  }
0x10: {  	p0 =	sne.s32 s7, s0  }
.Ltmp1:
0x11: {  	_ = 	snop;
	(pc) =	sbr.rel @!p0 .LBB2_45-.Ltmp1, $3  }
0x12: {  	_ =	sdelay $0x1  }
0x13: {  	[sflag:s4] =	ssyncset.done $0x0  }
0x14: {  	[sflag:s4] =	ssyncadd.s32 $0xFFFF8000  }
.LBB2_1:
0x15: {  	s19 =	simm.s32 $0x100C0  }
0x16: {  	[tilespmem:s19+$0xFFFFFFC0] =	vst v2  }
0x17: {  	[tilespmem:s19+$0x30] =	vst v2  }
0x18: {  	[tilespmem:s19+$0x20] =	vst v2  }
0x19: {  	[tilespmem:s19+$0x10] =	vst v2  }
0x1a: {  	[tilespmem:s19+$0x0] =	vst v2  }
0x1b: {  	[tilespmem:s19+$0xFFFFFFF0] =	vst v2  }
0x1c: {  	[dreg:$0x5] =	wrdreg s7;
	s20 =	simm.s32 $0x0;
	[tilespmem:s19+$0xFFFFFFE0] =	vst v2  }
.LBB2_2:
0x1d: {  	s20 =	sadd.s32 $0x8, s20;
	[tilespmem:s19+$0xFFFFFFD0] =	vst v2;
	s19 =	sadd.s32 $0x80, s19;
	s18 =	simm.s32 $0x180C0  }
0x1e: {  	[tilespmem:s19+$0xFFFFFFC0] =	vst v2;
	p0 =	slt.u32 s20, $0x7F8  }
0x1f: {  	[tilespmem:s19+$0x30] =	vst v2  }
.Ltmp2:
0x20: {  	[tilespmem:s19+$0x20] =	vst v2;
	(pc) =	sbr.rel @p0 .LBB2_2-.Ltmp2, $4  }
0x21: {  	[tilespmem:s19+$0x10] =	vst v2  }
0x22: {  	[tilespmem:s19+$0x0] =	vst v2  }
0x23: {  	[tilespmem:s19+$0xFFFFFFF0] =	vst v2  }
0x24: {  	[tilespmem:s19+$0xFFFFFFE0] =	vst v2  }
0x25: {  	[tilespmem:s19+$0xFFFFFFD0] =	vst v2  }
0x26: {  	[tilespmem:s18+$0xFFFFFFC0] =	vst v0  }
0x27: {  	[tilespmem:s18+$0x30] =	vst v0  }
0x28: {  	[tilespmem:s18+$0x20] =	vst v0  }
0x29: {  	[tilespmem:s18+$0x10] =	vst v0  }
0x2a: {  	[tilespmem:s18+$0x0] =	vst v0  }
0x2b: {  	[tilespmem:s18+$0xFFFFFFF0] =	vst v0  }
0x2c: {  	s19 =	simm.s32 $0x0;
	[tilespmem:s18+$0xFFFFFFE0] =	vst v0  }
.LBB2_4:
0x2d: {  	s19 =	sadd.s32 $0x8, s19;
	[tilespmem:s18+$0xFFFFFFD0] =	vst v0;
	s18 =	sadd.s32 $0x80, s18  }
0x2e: {  	[tilespmem:s18+$0xFFFFFFC0] =	vst v0;
	p0 =	slt.u32 s19, $0x78  }
0x2f: {  	[tilespmem:s18+$0x30] =	vst v0  }
.Ltmp3:
0x30: {  	[tilespmem:s18+$0x20] =	vst v0;
	(pc) =	sbr.rel @p0 .LBB2_4-.Ltmp3, $4  }
0x31: {  	[tilespmem:s18+$0x10] =	vst v0  }
0x32: {  	[tilespmem:s18+$0x0] =	vst v0  }
0x33: {  	[tilespmem:s18+$0xFFFFFFF0] =	vst v0  }
0x34: {  	[tilespmem:s18+$0xFFFFFFE0] =	vst v0  }
0x35: {  	[tilespmem:s18+$0xFFFFFFD0] =	vst v0;
	s22 =	simm.s32 $0x0;
	s0 =	rddreg [dreg:$0x3];
	s18 =	simm.s32 $0x0  }
0x36: {  	v6 =	vimm.s32 $0x0;
	[tilespmem:s22], [sflag:$0x1] =	stream.strided.gather [hbm4b:s0+s9], $0x8000, s10, s9, $0x38;
	[tilespmem:$0x18880] =	vst v63  }
.LBB2_6:
0x37: {  	s19 =	sadd.s32 s6, s18  }
0x38: {  	_ =	swait.ge [sflag:s11], $0x8000;
	s23 =	simm.s32 $0x7;
	s20 =	sshll.u32 s19, $0x4  }
0x39: {  	s26 =	simm.s32 $0x0;
	s24 =	simm.s32 $0x40;
	s20 =	sand.u32 $0x70, s20  }
0x3a: {  	s25 =	simm.s32 $0xF;
	[sflag:s11] =	ssyncset.done $0x0;
	s20 =	sor.u32 s5, s20  }
0x3b: {  	v8 =	vimm.f32 $-Inf;
	v7 =	vimm.s32 $0x0;
	v5 =	vmov s26;
	s26 =	simm.s32 $0x40;
	[sflag:s11] =	ssyncadd.s32 $0xFFFF8000;
	s21 =	sadd.s32 s1, s20  }
.LBB2_7:
0x3c: {  	p0 =	sne.s32 s25, $0x7FF  }
0x3d: {  	v9 =	vld [tilespmem:s24+$0x10];
	s26 =	sadd.s32 $0x80, s26;
	s28 =	smov.u32 s25;
	s25 =	sadd.s32 $0x8, s25  }
0x3e: {  	v10 =	vld [tilespmem:s24+$0xFFFFFFD0]  }
0x3f: {  	v11 =	vld [tilespmem:s24+$0xFFFFFFC0]  }
0x40: {  	s29 =	sadd.s32 $0xFFFFFFFA, s23;
	v12 =	vld [tilespmem:s24+$0xFFFFFFF0]  }
0x41: {  	v13 =	vld [tilespmem:s24+$0xFFFFFFE0]  }
0x42: {  	v14 =	vld [tilespmem:s24+$0x0];
	vm0 =	vge.f32 v9, $2.500000000e+00  }
0x43: {  	v16 =	vmov s29;
	vm1 =	vge.f32 v10, $2.500000000e+00;
	v15 =	vld [tilespmem:s24+$0x30]  }
0x44: {  	v18 =	vmpcnt.ones.xlane vm0;
	vm2 =	vge.f32 v11, $2.500000000e+00;
	v17 =	vmpcnt.ones.xlane vm1;
	v19 =	vld [tilespmem:s24+$0x20];
	s24 =	smov.u32 s26  }
0x45: {  	v8 =	vmax.f32 v8, v11;
	v20 =	vmpcnt.ones.xlane vm2;
	vm0 =	vge.f32 v12, $2.500000000e+00;
	[tilespmem:v7+s12+$0x0] =	vst.idx.msk $0x1, v5  }
0x46: {  	vm1 =	vlt.s32 v17, $0x1;
	vm2 =	vge.f32 v13, $2.500000000e+00;
	v5 =	vmpcnt.ones.xlane vm0  }
0x47: {  	v8 =	vmax.f32 v8, v10;
	vm0 =	vlt.s32 v20, $0x1;
	vm3 =	vge.f32 v14, $2.500000000e+00  }
0x48: {  	v11 =	vmpcnt.ones.xlane vm2;
	v10 =	vnsel vm0, $0x1, v20;
	vm0 =	vlt.s32 v5, $0x1  }
0x49: {  	v17 =	vnsel vm1, $0x1, v17;
	v20 =	vmpcnt.ones.xlane vm3;
	v7 =	vadd.s32 v7, v10  }
0x4a: {  	vm1 =	vlt.s32 v11, $0x1;
	vm2 =	vge.f32 v19, $2.500000000e+00;
	v10 =	vadd.s32 v7, v17  }
0x4b: {  	v11 =	vnsel vm1, $0x1, v11;
	vm1 =	vlt.s32 v20, $0x1;
	v17 =	vmpcnt.ones.xlane vm2  }
0x4c: {  	v5 =	vnsel vm0, $0x1, v5;
	vm0 =	vlt.s32 v18, $0x1;
	v20 =	vnsel vm1, $0x1, v20  }
0x4d: {  	s29 =	sadd.s32 $0xFFFFFFFB, s23;
	v18 =	vnsel vm0, $0x1, v18;
	v11 =	vadd.s32 v10, v11;
	vm0 =	vlt.s32 v17, $0x1  }
0x4e: {  	s30 =	sadd.s32 $0xFFFFFFF9, s28;
	v21 =	vadd.s32 v11, v5;
	v17 =	vnsel vm0, $0x1, v17;
	[tilespmem:v7+s12+$0x0] =	vst.idx.msk $0x1, v16;
	v7 =	vmov s29  }
0x4f: {  	v5 =	vmov s30;
	vm0 =	vge.f32 v15, $2.500000000e+00;
	s29 =	sadd.s32 $0xFFFFFFFC, s23;
	v16 =	vadd.s32 v21, v20;
	[tilespmem:v10+s12+$0x0] =	vst.idx.msk $0x1, v7  }
0x50: {  	v7 =	vmax.f32 v8, v13;
	v8 =	vmpcnt.ones.xlane vm0;
	v10 =	vadd.s32 v16, v18  }
0x51: {  	s30 =	sadd.s32 $0xFFFFFFFD, s23;
	v13 =	vmov s29;
	v7 =	vmax.f32 v7, v12;
	v12 =	vadd.s32 v10, v17  }
.Ltmp4:
0x52: {  	s29 =	sadd.s32 $0xFFFFFFFE, s23;
	v7 =	vmax.f32 v7, v14;
	vm0 =	vlt.s32 v8, $0x1;
	[tilespmem:v11+s12+$0x0] =	vst.idx.msk $0x1, v13;
	v11 =	vmov s30;
	(pc) =	sbr.rel @p0 .LBB2_7-.Ltmp4, $4  }
0x53: {  	v7 =	vmax.f32 v7, v9;
	s30 =	sadd.s32 $0xFFFFFFFF, s23;
	v8 =	vnsel vm0, $0x1, v8;
	v9 =	vmov s29;
	[tilespmem:v21+s12+$0x0] =	vst.idx.msk $0x1, v11  }
0x54: {  	v11 =	vmax.f32 v7, v19;
	v7 =	vadd.s32 v8, v12;
	[tilespmem:v16+s12+$0x0] =	vst.idx.msk $0x1, v9;
	v9 =	vmov s30  }
0x55: {  	v8 =	vmax.f32 v11, v15;
	[tilespmem:v10+s12+$0x0] =	vst.idx.msk $0x1, v9;
	v9 =	vmov s23;
	s23 =	smov.u32 s28  }
0x56: {  	[tilespmem:v12+s12+$0x0] =	vst.idx.msk $0x1, v9  }
0x57: {  	v9 =	vld [tilespmem:s24+$0x10]  }
0x58: {  	v10 =	vld [tilespmem:s24+$0xFFFFFFC0]  }
0x59: {  	v11 =	vld [tilespmem:s24+$0xFFFFFFD0]  }
0x5a: {  	v12 =	vld [tilespmem:s24+$0xFFFFFFE0]  }
0x5b: {  	v13 =	vld [tilespmem:s24+$0xFFFFFFF0]  }
0x5c: {  	v14 =	vld [tilespmem:s24+$0x0]  }
0x5d: {  	v8 =	vmax.f32 v8, v10  }
0x5e: {  	v15 =	vld [tilespmem:s24+$0x20];
	s26 =	sadd.s32 $0xFFFFFFFA, s23;
	v8 =	vmax.f32 v8, v11  }
0x5f: {  	v16 =	vld [tilespmem:s24+$0x30];
	v54 =	vmov s26;
	v8 =	vmax.f32 v8, v12  }
0x60: {  	vm0 =	vge.f32 v9, $2.500000000e+00;
	vm1 =	vge.f32 v11, $2.500000000e+00;
	v8 =	vmax.f32 v8, v13  }
0x61: {  	vm2 =	vge.f32 v10, $2.500000000e+00;
	vm6 =	vge.f32 v13, $2.500000000e+00;
	v8 =	vmax.f32 v8, v14  }
0x62: {  	vm7 =	vge.f32 v12, $2.500000000e+00;
	vm3 =	vge.f32 v14, $2.500000000e+00;
	v8 =	vmax.f32 v8, v9  }
0x63: {  	vm11 =	vge.f32 v15, $2.500000000e+00;
	v17 =	vmpcnt.ones.xlane vm2;
	v8 =	vmax.f32 v8, v15  }
0x64: {  	v55 =	vmpcnt.ones.xlane vm1;
	v56 =	vmpcnt.ones.xlane vm0;
	v8 =	vmax.f32 v8, v16  }
0x65: {  	v57 =	vmpcnt.ones.xlane vm6;
	vm8 =	vlt.s32 v17, $0x1;
	(xrf0) =	vmax.scan.msk.f32 $0xffff, v8;
	v8 =	vmpcnt.ones.xlane vm7  }
0x66: {  	vm1 =	vlt.s32 v55, $0x1;
	v58 =	vnsel vm8, $0x1, v17;
	v14 =	vmpcnt.ones.xlane vm3  }
0x67: {  	v9 =	vnsel vm1, $0x1, v55;
	v13 =	vadd.s32 v7, v58;
	vm10 =	vlt.s32 v8, $0x1  }
0x68: {  	vm9 =	vlt.s32 v57, $0x1;
	v9 =	vadd.s32 v13, v9;
	v8 =	vnsel vm10, $0x1, v8  }
0x69: {  	v12 =	vnsel vm9, $0x1, v57;
	vm12 =	vlt.s32 v14, $0x1;
	v8 =	vadd.s32 v9, v8  }
0x6a: {  	vm13 =	vlt.s32 v56, $0x1;
	v14 =	vnsel vm12, $0x1, v14;
	v12 =	vadd.s32 v8, v12  }
0x6b: {  	[tilespmem:v7+s12+$0x0] =	vst.idx.msk $0x1, v5;
	s28 =	sadd.s32 $0xFFFFFFFB, s23;
	v5 =	vnsel vm13, $0x1, v56;
	v15 =	vmpcnt.ones.xlane vm11;
	v59, _, _ =	vpop (xrf0);
	v60 =	vadd.s32 v12, v14  }
0x6c: {  	s29 =	sadd.s32 $0xFFFFFFFC, s23;
	v61 =	vmov s28;
	[tilespmem:v13+s12+$0x0] =	vst.idx.msk $0x1, v54;
	v17 =	vperm.xlane v59, v3;
	v5 =	vadd.s32 v60, v5  }
0x6d: {  	s25 =	sadd.s32 $0xFFFFFFFD, s23;
	v62 =	vmov s29;
	vm14 =	vlt.s32 v15, $0x1;
	[tilespmem:v9+s12+$0x0] =	vst.idx.msk $0x1, v61  }
0x6e: {  	s30 =	sadd.s32 $0xFFFFFFFE, s23;
	v7 =	vnsel vm14, $0x1, v15;
	(xrf0) =	vmax.scan.msk.f32 $0xffff, v17;
	[tilespmem:v8+s12+$0x0] =	vst.idx.msk $0x1, v62;
	v8 =	vmov s25  }
0x6f: {  	s31 =	sadd.s32 $0xFFFFFFFF, s23;
	v7 =	vadd.s32 v5, v7;
	[tilespmem:v12+s12+$0x0] =	vst.idx.msk $0x1, v8;
	v8 =	vmov s30  }
0x70: {  	[tilespmem:v60+s12+$0x0] =	vst.idx.msk $0x1, v8;
	v8 =	vmov s31  }
0x71: {  	[tilespmem:v5+s12+$0x0] =	vst.idx.msk $0x1, v8;
	v5 =	vmov s23  }
0x72: {  	p1 =	seq.s32 s22, $0x0;
	vm15 =	vge.f32 v16, $2.500000000e+00  }
.Ltmp5:
0x73: {  	p0 =	seq.s32 s18, $0x0;
	v63 =	vmpcnt.ones.xlane vm15;
	(pc) =	sbr.rel @p1 .LBB2_12-.Ltmp5, $4  }
0x74: {  	s23 =	simm.s32 @!p0 $0x2;
	[tilespmem:v7+s12+$0x0] =	vst.idx.msk $0x1, v5;
	v5, _, _ =	vpop (xrf0)  }
0x75: {  	vm0 =	vlt.s32 v63, $0x1;
	_ =	swait.ge @!p0 [sflag:s23], $0x8000  }
0x76: {  	v8 =	vnsel vm0, $0x1, v63;
	[sflag:s23] =	ssyncset.done @!p0 $0x0  }
0x77: {  	v7 =	vadd.s32 v8, v7;
	[sflag:s23] =	ssyncadd.s32 @!p0 $0xFFFF8000  }
0x78: {  	p0 =	sne.s32 s22, $0x1  }
.Ltmp6:
0x79: {  	_ = 	snop;
	(pc) =	sbr.rel @!p0 .LBB2_11-.Ltmp6, $3  }
0x7a: {  	_ =	sdelay $0x1  }
0x7b: {  	s23 =	simm.s32 $0x8080  }
0x7c: {  	s24 =	simm.s32 $0x0;
	s22 =	sadd.s32 $0xFFFFFFFF, s22;
	v8 =	vld [tilespmem:s23+$0x0]  }
.LBB2_10:
0x7d: {  	p0 =	sne.s32 s22, $0x1;
	v9 =	vor.u32 s24, v1  }
0x7e: {  	vm0 =	vlt.s32 v9, v6;
	_ =	sdelay $0x2  }
.Ltmp7:
0x7f: {  	(pc) =	sbr.rel @p0 .LBB2_10-.Ltmp7, $3  }
0x80: {  	_ =	sdelay $0x1  }
0x81: {  	s23 =	sadd.s32 $0x10, s23;
	[tilespmem:v8+s14+$0x0] =	vst.idx.msk vm0, v2  }
0x82: {  	s22 =	sadd.s32 $0xFFFFFFFF, s22;
	s24 =	sadd.s32 $0x10, s24;
	v8 =	vld [tilespmem:s23+$0x0]  }
.LBB2_11:
0x83: {  	_ = 	snop  }
0x84: {  	v9 =	vor.u32 s24, v1  }
0x85: {  	vm0 =	vlt.s32 v9, v6;
	_ =	sdelay $0x5  }
0x86: {  	[tilespmem:v8+s14+$0x0] =	vst.idx.msk vm0, v2  }
.LBB2_12:
0x87: {  	v6 =	vand.u32 $0x1, v7  }
0x88: {  	vm0 =	veq.s32 v6, $0x0;
	v6 =	vand.u32 $0x2, v7  }
0x89: {  	vm5 =	veq.s32 v6, $0x0;
	v6 =	vand.u32 $0x4, v7  }
0x8a: {  	v8 =	vsel vm0, $0x0, v4;
	vm6 =	veq.s32 v6, $0x0;
	v6 =	vand.u32 $0x8, v7  }
0x8b: {  	(xrf0) =	vmax.scan.msk.f32 $0xffff, v8;
	v8 =	vsel vm5, $0x0, v4;
	vm7 =	veq.s32 v6, $0x0;
	v6 =	vand.u32 $0x10, v7  }
0x8c: {  	(xrf0) =	vmax.scan.msk.f32 $0xffff, v8;
	v8 =	vsel vm6, $0x0, v4;
	vm8 =	veq.s32 v6, $0x0;
	v6 =	vand.u32 $0x20, v7  }
0x8d: {  	(xrf0) =	vmax.scan.msk.f32 $0xffff, v8;
	v8 =	vsel vm7, $0x0, v4;
	vm9 =	veq.s32 v6, $0x0;
	v6 =	vand.u32 $0x40, v7  }
0x8e: {  	(xrf0) =	vmax.scan.msk.f32 $0xffff, v8;
	v8 =	vsel vm8, $0x0, v4;
	vm10 =	veq.s32 v6, $0x0;
	v6 =	vand.u32 $0x80, v7  }
0x8f: {  	(xrf0) =	vmax.scan.msk.f32 $0xffff, v8;
	v8 =	vsel vm9, $0x0, v4;
	vm11 =	veq.s32 v6, $0x0;
	v6 =	vand.u32 $0x100, v7  }
0x90: {  	(xrf0) =	vmax.scan.msk.f32 $0xffff, v8;
	v8 =	vsel vm10, $0x0, v4;
	vm12 =	veq.s32 v6, $0x0;
	v6 =	vand.u32 $0x200, v7  }
0x91: {  	v9, _, _ =	vpop (xrf0);
	(xrf0) =	vmax.scan.msk.f32 $0xffff, v8;
	v8 =	vsel vm11, $0x0, v4  }
0x92: {  	v62, _, _ =	vpop (xrf0);
	(xrf0) =	vmax.scan.msk.f32 $0xffff, v8;
	v8 =	vsel vm12, $0x0, v4;
	vm13 =	veq.s32 v6, $0x0  }
0x93: {  	(v2sf) =	vpush v9, $0xF;
	v6, _, _ =	vpop (xrf0);
	(xrf0) =	vmax.scan.msk.f32 $0xffff, v8;
	v8 =	vsel vm13, $0x0, v4  }
0x94: {  	(v2sf) =	vpush v62, $0xF  }
0x95: {  	(v2sf) =	vpush v6, $0xF;
	v6, _, _ =	vpop (xrf0)  }
0x96: {  	(xrf0) =	vmax.scan.msk.f32 $0xffff, v8;
	(v2sf) =	vpush v6, $0xF;
	v8, _, _ =	vpop (xrf0)  }
0x97: {  	(v2sf) =	vpush v8, $0xF;
	v8 =	vand.u32 $0x400, v7  }
0x98: {  	vm14 =	veq.s32 v8, $0x0  }
0x99: {  	v6, _, _ =	vpop (xrf0);
	v8 =	vsel vm14, $0x0, v4  }
0x9a: {  	v63, _, _ =	vpop (xrf0);
	(v2sf) =	vpush v6, $0xF;
	(xrf0) =	vmax.scan.msk.f32 $0xffff, v8  }
0x9b: {  	v6, _, _ =	vpop (xrf0);
	(v2sf) =	vpush v63, $0xF  }
0x9c: {  	(v2sf) =	vpush v6, $0xF;
	v6, _, _ =	vpop (xrf0)  }
0x9d: {  	(v2sf) =	vpush v6, $0xF;
	v6 =	vand.u32 $0x800, v7;
	_ =	sdelay $0x1  }
0x9e: {  	v8, _, _ =	vpop (xrf0)  }
0x9f: {  	vm15 =	veq.s32 v6, $0x0;
	(v2sf) =	vpush v8, $0xF;
	v6, _, _ =	vpop (xrf0)  }
0xa0: {  	(v2sf) =	vpush v6, $0xF;
	v6 =	vsel vm15, $0x0, v4  }
0xa1: {  	(xrf0) =	vmax.scan.msk.f32 $0xffff, v6;
	_ =	sdelay $0x4  }
0xa2: {  	s22 =	spop (v2sf)  }
0xa3: {  	s23 =	spop (v2sf);
	v6, _, _ =	vpop (xrf0)  }
0xa4: {  	s0 =	simm.s32 $0x2;
	p0 =	sgt.f32 s23, $0.0e+00;
	s24 =	spop (v2sf);
	(v2sf) =	vpush v6, $0xF  }
0xa5: {  	s4 =	simm.s32 $0x10;
	s25 =	spop (v2sf);
	p1 =	sgt.f32 s24, $0.0e+00  }
0xa6: {  	s0 =	simm.s32 @!p0 $0x0;
	s24 =	simm.s32 $0x4;
	p0 =	sgt.f32 s25, $0.0e+00  }
0xa7: {  	s25 =	simm.s32 $0x8;
	s26 =	spop (v2sf);
	s24 =	simm.s32 @!p1 $0x0  }
0xa8: {  	s28 =	spop (v2sf);
	p1 =	sgt.f32 s26, $0.0e+00;
	s25 =	simm.s32 @!p0 $0x0  }
0xa9: {  	p0 =	sgt.f32 s22, $0.0e+00;
	s22 =	simm.s32 $0x10;
	s29 =	spop (v2sf)  }
0xaa: {  	s23 =	simm.s32 $0x200;
	s30 =	spop (v2sf);
	s22 =	simm.s32 @!p1 $0x0  }
0xab: {  	p1 =	sgt.f32 s28, $0.0e+00;
	s28 =	simm.s32 $0x20;
	s4 =	simm.s32 @!p0 $0xF  }
0xac: {  	p0 =	sgt.f32 s29, $0.0e+00;
	s29 =	simm.s32 $0x80;
	s31 =	spop (v2sf)  }
0xad: {  	s0 =	sadd.s32 s0, s4;
	s4 =	simm.s32 $0x40;
	s28 =	simm.s32 @!p1 $0x0  }
0xae: {  	p1 =	sgt.f32 s30, $0.0e+00;
	s0 =	sadd.s32 s24, s0;
	s4 =	simm.s32 @!p0 $0x0  }
0xaf: {  	p0 =	sgt.f32 s31, $0.0e+00;
	s24 =	simm.s32 $0x400;
	s0 =	sadd.s32 s25, s0  }
0xb0: {  	s13 =	spop (v2sf);
	s29 =	simm.s32 @!p1 $0x0;
	s0 =	sadd.s32 s22, s0  }
0xb1: {  	p1 =	sgt.f32 s13, $0.0e+00;
	s22 =	simm.s32 $0x100;
	s0 =	sadd.s32 s28, s0  }
0xb2: {  	s22 =	simm.s32 @!p0 $0x0;
	s0 =	sadd.s32 s4, s0;
	s17 =	spop (v2sf)  }
0xb3: {  	s0 =	sadd.s32 s29, s0;
	p0 =	sgt.f32 s17, $0.0e+00;
	s31 =	spop (v2sf)  }
0xb4: {  	s23 =	simm.s32 @!p1 $0x0;
	s0 =	sadd.s32 s22, s0;
	p1 =	sgt.f32 s31, $0.0e+00  }
0xb5: {  	s4 =	simm.s32 $0x800;
	s0 =	sadd.s32 s23, s0;
	s24 =	simm.s32 @!p0 $0x0  }
0xb6: {  	s0 =	sadd.s32 s24, s0;
	s4 =	simm.s32 @!p1 $0x0  }
0xb7: {  	s0 =	sadd.s32 s4, s0  }
0xb8: {  	s22 =	sshrl.u32 s0, $0x4  }
0xb9: {  	p0 =	seq.s32 s22, $0x0  }
.Ltmp8:
0xba: {  	_ = 	snop;
	(pc) =	sbr.rel @p0 .LBB2_13-.Ltmp8, $1  }
0xbb: {  	_ =	sdelay $0x3  }
0xbc: {  	s22 =	sshll.u32 s22, $0x4;
	v6 =	vimm.s32 $0x0;
	s23 =	simm.s32 $0x0  }
.LBB2_15:
0xbd: {  	v8 =	vmov s23;
	_ =	sdelay $0x4  }
0xbe: {  	v9 =	vld.idx.msk [tilespmem:v8+s12+$0x0], $0xffff;
	_ =	sdelay $0x4  }
0xbf: {  	v9 =	vshll.u32 v9, $0x4  }
0xc0: {  	v9 =	vor.u32 v1, v9;
	_ =	sdelay $0x4  }
0xc1: {  	v10 =	vld.idx.msk [tilespmem:v9+s3+$0x0], $0xffff;
	_ =	sdelay $0x4  }
0xc2: {  	vm0 =	vlt.s32 v8, v7;
	vm1 =	vge.f32 v10, $2.500000000e+00  }
0xc3: {  	vm0 =	vmand vm0, vm1  }
0xc4: {  	v8 =	vsel vm0, $0x1, v0  }
0xc5: {  	(xrf0) =	vadd.scan.msk.s32 $0xffff, v8;
	_ =	sdelay $0x4  }
0xc6: {  	v8 =	vsel vm0, $0xFFFFFFFF, v0  }
0xc7: {  	v8 =	vadd.s32 v8, v6;
	v39, _, _ =	vpop (xrf0)  }
0xc8: {  	s0 =	sadd.s32 $0x1, s23;
	v8 =	vadd.s32 v39, v8  }
0xc9: {  	v40 =	vmov s0;
	_ =	sdelay $0x3  }
0xca: {  	[tilespmem:v8+s16+$0x0] =	vst.idx.msk vm0, v9  }
0xcb: {  	v8 =	vld.idx.msk [tilespmem:v40+s12+$0x0], $0xffff;
	_ =	sdelay $0x4  }
0xcc: {  	v8 =	vshll.u32 v8, $0x4  }
0xcd: {  	v8 =	vor.u32 v1, v8;
	_ =	sdelay $0x4  }
0xce: {  	v9 =	vld.idx.msk [tilespmem:v8+s3+$0x0], $0xffff;
	_ =	sdelay $0x4  }
0xcf: {  	vm11 =	vlt.s32 v40, v7;
	vm2 =	vge.f32 v9, $2.500000000e+00  }
0xd0: {  	vm1 =	vmand vm11, vm2  }
0xd1: {  	v41 =	vsel vm1, $0x1, v0  }
0xd2: {  	(xrf0) =	vadd.scan.msk.s32 $0xffff, v41;
	_ =	sdelay $0x2  }
0xd3: {  	v42 =	vmpcnt.ones.xlane vm0;
	_ =	sdelay $0x1  }
0xd4: {  	v6 =	vadd.s32 v6, v42;
	v43 =	vsel vm1, $0xFFFFFFFF, v0  }
0xd5: {  	v9 =	vadd.s32 v43, v6;
	v44, _, _ =	vpop (xrf0)  }
0xd6: {  	s30 =	sadd.s32 $0x2, s23;
	v9 =	vadd.s32 v44, v9  }
0xd7: {  	v45 =	vmov s30;
	_ =	sdelay $0x3  }
0xd8: {  	[tilespmem:v9+s16+$0x0] =	vst.idx.msk vm1, v8  }
0xd9: {  	v8 =	vld.idx.msk [tilespmem:v45+s12+$0x0], $0xffff;
	_ =	sdelay $0x4  }
0xda: {  	v8 =	vshll.u32 v8, $0x4  }
0xdb: {  	v8 =	vor.u32 v1, v8;
	_ =	sdelay $0x4  }
0xdc: {  	v9 =	vld.idx.msk [tilespmem:v8+s3+$0x0], $0xffff;
	_ =	sdelay $0x4  }
0xdd: {  	vm12 =	vlt.s32 v45, v7;
	vm13 =	vge.f32 v9, $2.500000000e+00  }
0xde: {  	vm0 =	vmand vm12, vm13  }
0xdf: {  	v46 =	vsel vm0, $0x1, v0  }
0xe0: {  	(xrf0) =	vadd.scan.msk.s32 $0xffff, v46;
	_ =	sdelay $0x2  }
0xe1: {  	v47 =	vmpcnt.ones.xlane vm1;
	_ =	sdelay $0x1  }
0xe2: {  	v6 =	vadd.s32 v6, v47;
	v48 =	vsel vm0, $0xFFFFFFFF, v0  }
0xe3: {  	v9 =	vadd.s32 v48, v6;
	v49, _, _ =	vpop (xrf0)  }
0xe4: {  	s31 =	sadd.s32 $0x3, s23;
	v9 =	vadd.s32 v49, v9  }
0xe5: {  	v50 =	vmov s31;
	_ =	sdelay $0x3  }
0xe6: {  	[tilespmem:v9+s16+$0x0] =	vst.idx.msk vm0, v8  }
0xe7: {  	v8 =	vld.idx.msk [tilespmem:v50+s12+$0x0], $0xffff;
	_ =	sdelay $0x4  }
0xe8: {  	v8 =	vshll.u32 v8, $0x4  }
0xe9: {  	v8 =	vor.u32 v1, v8;
	_ =	sdelay $0x4  }
0xea: {  	v9 =	vld.idx.msk [tilespmem:v8+s3+$0x0], $0xffff;
	_ =	sdelay $0x4  }
0xeb: {  	vm14 =	vlt.s32 v50, v7;
	vm15 =	vge.f32 v9, $2.500000000e+00  }
0xec: {  	vm1 =	vmand vm14, vm15  }
0xed: {  	v51 =	vsel vm1, $0x1, v0  }
0xee: {  	(xrf0) =	vadd.scan.msk.s32 $0xffff, v51;
	_ =	sdelay $0x2  }
0xef: {  	v52 =	vmpcnt.ones.xlane vm0;
	_ =	sdelay $0x1  }
0xf0: {  	v6 =	vadd.s32 v6, v52;
	v53 =	vsel vm1, $0xFFFFFFFF, v0  }
0xf1: {  	v9 =	vadd.s32 v53, v6;
	v54, _, _ =	vpop (xrf0)  }
0xf2: {  	s4 =	sadd.s32 $0x4, s23;
	v9 =	vadd.s32 v54, v9  }
0xf3: {  	v55 =	vmov s4;
	_ =	sdelay $0x3  }
0xf4: {  	[tilespmem:v9+s16+$0x0] =	vst.idx.msk vm1, v8  }
0xf5: {  	v8 =	vld.idx.msk [tilespmem:v55+s12+$0x0], $0xffff;
	_ =	sdelay $0x4  }
0xf6: {  	v8 =	vshll.u32 v8, $0x4  }
0xf7: {  	v8 =	vor.u32 v1, v8;
	_ =	sdelay $0x4  }
0xf8: {  	v9 =	vld.idx.msk [tilespmem:v8+s3+$0x0], $0xffff;
	_ =	sdelay $0x4  }
0xf9: {  	vm4 =	vlt.s32 v55, v7;
	vm5 =	vge.f32 v9, $2.500000000e+00  }
0xfa: {  	vm0 =	vmand vm4, vm5  }
0xfb: {  	v56 =	vsel vm0, $0x1, v0  }
0xfc: {  	(xrf0) =	vadd.scan.msk.s32 $0xffff, v56;
	_ =	sdelay $0x2  }
0xfd: {  	v57 =	vmpcnt.ones.xlane vm1;
	_ =	sdelay $0x1  }
0xfe: {  	v6 =	vadd.s32 v6, v57;
	v58 =	vsel vm0, $0xFFFFFFFF, v0  }
0xff: {  	v9 =	vadd.s32 v58, v6;
	v59, _, _ =	vpop (xrf0)  }
0x100: {  	s7 =	sadd.s32 $0x5, s23;
	v9 =	vadd.s32 v59, v9  }
0x101: {  	v60 =	vmov s7;
	_ =	sdelay $0x3  }
0x102: {  	[tilespmem:v9+s16+$0x0] =	vst.idx.msk vm0, v8  }
0x103: {  	v8 =	vld.idx.msk [tilespmem:v60+s12+$0x0], $0xffff;
	_ =	sdelay $0x4  }
0x104: {  	v8 =	vshll.u32 v8, $0x4  }
0x105: {  	v8 =	vor.u32 v1, v8;
	_ =	sdelay $0x4  }
0x106: {  	v9 =	vld.idx.msk [tilespmem:v8+s3+$0x0], $0xffff;
	_ =	sdelay $0x4  }
0x107: {  	vm6 =	vlt.s32 v60, v7;
	vm7 =	vge.f32 v9, $2.500000000e+00  }
0x108: {  	vm1 =	vmand vm6, vm7  }
0x109: {  	v61 =	vsel vm1, $0x1, v0  }
0x10a: {  	(xrf0) =	vadd.scan.msk.s32 $0xffff, v61;
	_ =	sdelay $0x2  }
0x10b: {  	v62 =	vmpcnt.ones.xlane vm0;
	_ =	sdelay $0x1  }
0x10c: {  	v6 =	vadd.s32 v6, v62;
	v63 =	vsel vm1, $0xFFFFFFFF, v0  }
0x10d: {  	v9 =	vadd.s32 v63, v6;
	v12, _, _ =	vpop (xrf0)  }
0x10e: {  	s8 =	sadd.s32 $0x6, s23;
	v9 =	vadd.s32 v12, v9  }
0x10f: {  	v13 =	vmov s8;
	_ =	sdelay $0x3  }
0x110: {  	[tilespmem:v9+s16+$0x0] =	vst.idx.msk vm1, v8  }
0x111: {  	v8 =	vld.idx.msk [tilespmem:v13+s12+$0x0], $0xffff;
	_ =	sdelay $0x4  }
0x112: {  	v8 =	vshll.u32 v8, $0x4  }
0x113: {  	v8 =	vor.u32 v1, v8;
	_ =	sdelay $0x4  }
0x114: {  	v9 =	vld.idx.msk [tilespmem:v8+s3+$0x0], $0xffff;
	_ =	sdelay $0x4  }
0x115: {  	vm8 =	vlt.s32 v13, v7;
	vm9 =	vge.f32 v9, $2.500000000e+00  }
0x116: {  	vm0 =	vmand vm8, vm9  }
0x117: {  	v14 =	vsel vm0, $0x1, v0  }
0x118: {  	(xrf0) =	vadd.scan.msk.s32 $0xffff, v14;
	_ =	sdelay $0x2  }
0x119: {  	v15 =	vmpcnt.ones.xlane vm1;
	_ =	sdelay $0x1  }
0x11a: {  	v6 =	vadd.s32 v6, v15;
	v16 =	vsel vm0, $0xFFFFFFFF, v0  }
0x11b: {  	v9 =	vadd.s32 v16, v6;
	v17, _, _ =	vpop (xrf0)  }
0x11c: {  	s13 =	sadd.s32 $0x7, s23;
	v9 =	vadd.s32 v17, v9  }
0x11d: {  	v18 =	vmov s13;
	_ =	sdelay $0x3  }
0x11e: {  	[tilespmem:v9+s16+$0x0] =	vst.idx.msk vm0, v8  }
0x11f: {  	v8 =	vld.idx.msk [tilespmem:v18+s12+$0x0], $0xffff;
	_ =	sdelay $0x4  }
0x120: {  	v8 =	vshll.u32 v8, $0x4  }
0x121: {  	v8 =	vor.u32 v1, v8;
	_ =	sdelay $0x4  }
0x122: {  	v9 =	vld.idx.msk [tilespmem:v8+s3+$0x0], $0xffff;
	_ =	sdelay $0x4  }
0x123: {  	vm10 =	vlt.s32 v18, v7;
	vm11 =	vge.f32 v9, $2.500000000e+00  }
0x124: {  	vm1 =	vmand vm10, vm11  }
0x125: {  	v19 =	vsel vm1, $0x1, v0  }
0x126: {  	(xrf0) =	vadd.scan.msk.s32 $0xffff, v19;
	_ =	sdelay $0x2  }
0x127: {  	v20 =	vmpcnt.ones.xlane vm0;
	_ =	sdelay $0x1  }
0x128: {  	v6 =	vadd.s32 v6, v20;
	v21 =	vsel vm1, $0xFFFFFFFF, v0  }
0x129: {  	v9 =	vadd.s32 v21, v6;
	v22, _, _ =	vpop (xrf0)  }
0x12a: {  	s17 =	sadd.s32 $0x8, s23;
	v9 =	vadd.s32 v22, v9  }
0x12b: {  	v23 =	vmov s17;
	_ =	sdelay $0x3  }
0x12c: {  	[tilespmem:v9+s16+$0x0] =	vst.idx.msk vm1, v8  }
0x12d: {  	v8 =	vld.idx.msk [tilespmem:v23+s12+$0x0], $0xffff;
	_ =	sdelay $0x4  }
0x12e: {  	v8 =	vshll.u32 v8, $0x4  }
0x12f: {  	v8 =	vor.u32 v1, v8;
	_ =	sdelay $0x4  }
0x130: {  	v9 =	vld.idx.msk [tilespmem:v8+s3+$0x0], $0xffff;
	_ =	sdelay $0x4  }
0x131: {  	vm12 =	vlt.s32 v23, v7;
	vm13 =	vge.f32 v9, $2.500000000e+00  }
0x132: {  	vm0 =	vmand vm12, vm13  }
0x133: {  	v24 =	vsel vm0, $0x1, v0  }
0x134: {  	(xrf0) =	vadd.scan.msk.s32 $0xffff, v24;
	_ =	sdelay $0x2  }
0x135: {  	v25 =	vmpcnt.ones.xlane vm1;
	_ =	sdelay $0x1  }
0x136: {  	v6 =	vadd.s32 v6, v25;
	v26 =	vsel vm0, $0xFFFFFFFF, v0  }
0x137: {  	v9 =	vadd.s32 v26, v6;
	v27, _, _ =	vpop (xrf0)  }
0x138: {  	s24 =	sadd.s32 $0x9, s23;
	v9 =	vadd.s32 v27, v9  }
0x139: {  	v28 =	vmov s24;
	_ =	sdelay $0x3  }
0x13a: {  	[tilespmem:v9+s16+$0x0] =	vst.idx.msk vm0, v8  }
0x13b: {  	v8 =	vld.idx.msk [tilespmem:v28+s12+$0x0], $0xffff;
	_ =	sdelay $0x4  }
0x13c: {  	v8 =	vshll.u32 v8, $0x4  }
0x13d: {  	v8 =	vor.u32 v1, v8;
	_ =	sdelay $0x4  }
0x13e: {  	v9 =	vld.idx.msk [tilespmem:v8+s3+$0x0], $0xffff;
	_ =	sdelay $0x4  }
0x13f: {  	vm14 =	vlt.s32 v28, v7;
	vm15 =	vge.f32 v9, $2.500000000e+00  }
0x140: {  	vm1 =	vmand vm14, vm15  }
0x141: {  	v29 =	vsel vm1, $0x1, v0  }
0x142: {  	(xrf0) =	vadd.scan.msk.s32 $0xffff, v29;
	_ =	sdelay $0x2  }
0x143: {  	v30 =	vmpcnt.ones.xlane vm0;
	_ =	sdelay $0x1  }
0x144: {  	v6 =	vadd.s32 v6, v30;
	v31 =	vsel vm1, $0xFFFFFFFF, v0  }
0x145: {  	v9 =	vadd.s32 v31, v6;
	v32, _, _ =	vpop (xrf0)  }
0x146: {  	s25 =	sadd.s32 $0xA, s23;
	v9 =	vadd.s32 v32, v9  }
0x147: {  	v33 =	vmov s25;
	_ =	sdelay $0x3  }
0x148: {  	[tilespmem:v9+s16+$0x0] =	vst.idx.msk vm1, v8  }
0x149: {  	v8 =	vld.idx.msk [tilespmem:v33+s12+$0x0], $0xffff;
	_ =	sdelay $0x4  }
0x14a: {  	v8 =	vshll.u32 v8, $0x4  }
0x14b: {  	v8 =	vor.u32 v1, v8;
	_ =	sdelay $0x4  }
0x14c: {  	v9 =	vld.idx.msk [tilespmem:v8+s3+$0x0], $0xffff;
	_ =	sdelay $0x4  }
0x14d: {  	vm4 =	vlt.s32 v33, v7;
	vm5 =	vge.f32 v9, $2.500000000e+00  }
0x14e: {  	vm0 =	vmand vm4, vm5  }
0x14f: {  	v34 =	vsel vm0, $0x1, v0  }
0x150: {  	(xrf0) =	vadd.scan.msk.s32 $0xffff, v34;
	_ =	sdelay $0x2  }
0x151: {  	v35 =	vmpcnt.ones.xlane vm1;
	_ =	sdelay $0x1  }
0x152: {  	v6 =	vadd.s32 v6, v35;
	v36 =	vsel vm0, $0xFFFFFFFF, v0  }
0x153: {  	v9 =	vadd.s32 v36, v6;
	v37, _, _ =	vpop (xrf0)  }
0x154: {  	s26 =	sadd.s32 $0xB, s23;
	v9 =	vadd.s32 v37, v9  }
0x155: {  	v38 =	vmov s26;
	_ =	sdelay $0x3  }
0x156: {  	[tilespmem:v9+s16+$0x0] =	vst.idx.msk vm0, v8  }
0x157: {  	v8 =	vld.idx.msk [tilespmem:v38+s12+$0x0], $0xffff;
	_ =	sdelay $0x4  }
0x158: {  	v8 =	vshll.u32 v8, $0x4  }
0x159: {  	v8 =	vor.u32 v1, v8;
	_ =	sdelay $0x4  }
0x15a: {  	v9 =	vld.idx.msk [tilespmem:v8+s3+$0x0], $0xffff;
	_ =	sdelay $0x4  }
0x15b: {  	vm6 =	vlt.s32 v38, v7;
	vm7 =	vge.f32 v9, $2.500000000e+00  }
0x15c: {  	vm1 =	vmand vm6, vm7  }
0x15d: {  	v39 =	vsel vm1, $0x1, v0  }
0x15e: {  	(xrf0) =	vadd.scan.msk.s32 $0xffff, v39;
	_ =	sdelay $0x2  }
0x15f: {  	v40 =	vmpcnt.ones.xlane vm0;
	_ =	sdelay $0x1  }
0x160: {  	v6 =	vadd.s32 v6, v40;
	v41 =	vsel vm1, $0xFFFFFFFF, v0  }
0x161: {  	v9 =	vadd.s32 v41, v6;
	v42, _, _ =	vpop (xrf0)  }
0x162: {  	s28 =	sadd.s32 $0xC, s23;
	v9 =	vadd.s32 v42, v9  }
0x163: {  	v43 =	vmov s28;
	_ =	sdelay $0x3  }
0x164: {  	[tilespmem:v9+s16+$0x0] =	vst.idx.msk vm1, v8  }
0x165: {  	v8 =	vld.idx.msk [tilespmem:v43+s12+$0x0], $0xffff;
	_ =	sdelay $0x4  }
0x166: {  	v8 =	vshll.u32 v8, $0x4  }
0x167: {  	v8 =	vor.u32 v1, v8;
	_ =	sdelay $0x4  }
0x168: {  	v9 =	vld.idx.msk [tilespmem:v8+s3+$0x0], $0xffff;
	_ =	sdelay $0x4  }
0x169: {  	vm8 =	vlt.s32 v43, v7;
	vm9 =	vge.f32 v9, $2.500000000e+00  }
0x16a: {  	vm0 =	vmand vm8, vm9  }
0x16b: {  	v44 =	vsel vm0, $0x1, v0  }
0x16c: {  	(xrf0) =	vadd.scan.msk.s32 $0xffff, v44;
	_ =	sdelay $0x2  }
0x16d: {  	v45 =	vmpcnt.ones.xlane vm1;
	_ =	sdelay $0x1  }
0x16e: {  	v6 =	vadd.s32 v6, v45;
	v46 =	vsel vm0, $0xFFFFFFFF, v0  }
0x16f: {  	v9 =	vadd.s32 v46, v6;
	v47, _, _ =	vpop (xrf0)  }
0x170: {  	s29 =	sadd.s32 $0xD, s23;
	v9 =	vadd.s32 v47, v9  }
0x171: {  	v48 =	vmov s29;
	_ =	sdelay $0x3  }
0x172: {  	[tilespmem:v9+s16+$0x0] =	vst.idx.msk vm0, v8  }
0x173: {  	v8 =	vld.idx.msk [tilespmem:v48+s12+$0x0], $0xffff;
	_ =	sdelay $0x4  }
0x174: {  	v8 =	vshll.u32 v8, $0x4  }
0x175: {  	v8 =	vor.u32 v1, v8;
	_ =	sdelay $0x4  }
0x176: {  	v9 =	vld.idx.msk [tilespmem:v8+s3+$0x0], $0xffff;
	_ =	sdelay $0x4  }
0x177: {  	vm10 =	vlt.s32 v48, v7;
	vm11 =	vge.f32 v9, $2.500000000e+00  }
0x178: {  	vm1 =	vmand vm10, vm11  }
0x179: {  	v49 =	vsel vm1, $0x1, v0  }
0x17a: {  	(xrf0) =	vadd.scan.msk.s32 $0xffff, v49;
	_ =	sdelay $0x2  }
0x17b: {  	v50 =	vmpcnt.ones.xlane vm0;
	_ =	sdelay $0x1  }
0x17c: {  	v6 =	vadd.s32 v6, v50;
	v51 =	vsel vm1, $0xFFFFFFFF, v0  }
0x17d: {  	v9 =	vadd.s32 v51, v6;
	v52, _, _ =	vpop (xrf0)  }
0x17e: {  	s30 =	sadd.s32 $0xE, s23;
	v9 =	vadd.s32 v52, v9  }
0x17f: {  	v53 =	vmov s30;
	_ =	sdelay $0x3  }
0x180: {  	[tilespmem:v9+s16+$0x0] =	vst.idx.msk vm1, v8  }
0x181: {  	v8 =	vld.idx.msk [tilespmem:v53+s12+$0x0], $0xffff;
	_ =	sdelay $0x4  }
0x182: {  	v8 =	vshll.u32 v8, $0x4  }
0x183: {  	v8 =	vor.u32 v1, v8;
	_ =	sdelay $0x4  }
0x184: {  	v9 =	vld.idx.msk [tilespmem:v8+s3+$0x0], $0xffff;
	_ =	sdelay $0x4  }
0x185: {  	vm12 =	vlt.s32 v53, v7;
	vm13 =	vge.f32 v9, $2.500000000e+00  }
0x186: {  	vm0 =	vmand vm12, vm13  }
0x187: {  	v54 =	vsel vm0, $0x1, v0  }
0x188: {  	(xrf0) =	vadd.scan.msk.s32 $0xffff, v54;
	_ =	sdelay $0x2  }
0x189: {  	v55 =	vmpcnt.ones.xlane vm1;
	_ =	sdelay $0x1  }
0x18a: {  	v6 =	vadd.s32 v6, v55;
	v56 =	vsel vm0, $0xFFFFFFFF, v0  }
0x18b: {  	v9 =	vadd.s32 v56, v6;
	v57, _, _ =	vpop (xrf0)  }
0x18c: {  	s31 =	sadd.s32 $0xF, s23;
	v9 =	vadd.s32 v57, v9  }
0x18d: {  	v58 =	vmov s31;
	_ =	sdelay $0x3  }
0x18e: {  	[tilespmem:v9+s16+$0x0] =	vst.idx.msk vm0, v8  }
0x18f: {  	v8 =	vld.idx.msk [tilespmem:v58+s12+$0x0], $0xffff;
	_ =	sdelay $0x4  }
0x190: {  	v8 =	vshll.u32 v8, $0x4  }
0x191: {  	v8 =	vor.u32 v1, v8;
	_ =	sdelay $0x4  }
0x192: {  	v9 =	vld.idx.msk [tilespmem:v8+s3+$0x0], $0xffff;
	_ =	sdelay $0x4  }
0x193: {  	vm14 =	vlt.s32 v58, v7;
	vm15 =	vge.f32 v9, $2.500000000e+00  }
0x194: {  	vm1 =	vmand vm14, vm15  }
0x195: {  	v59 =	vsel vm1, $0x1, v0  }
0x196: {  	(xrf0) =	vadd.scan.msk.s32 $0xffff, v59;
	_ =	sdelay $0x2  }
0x197: {  	v60 =	vmpcnt.ones.xlane vm0;
	_ =	sdelay $0x1  }
0x198: {  	v6 =	vadd.s32 v6, v60;
	v61 =	vsel vm1, $0xFFFFFFFF, v0  }
0x199: {  	s23 =	sadd.s32 $0x10, s23;
	v9 =	vadd.s32 v61, v6;
	v62, _, _ =	vpop (xrf0)  }
0x19a: {  	p0 =	sne.s32 s22, s23;
	v9 =	vadd.s32 v62, v9  }
.Ltmp9:
0x19b: {  	_ = 	snop;
	(pc) =	sbr.rel @p0 .LBB2_15-.Ltmp9, $3  }
0x19c: {  	_ = 	snop  }
0x19d: {  	v63 =	vmpcnt.ones.xlane vm1;
	_ =	sdelay $0x1  }
0x19e: {  	v6 =	vadd.s32 v6, v63;
	[tilespmem:v9+s16+$0x0] =	vst.idx.msk vm1, v8  }
.Ltmp10:
0x19f: {  	_ = 	snop;
	(pc) =	sbr.rel .LBB2_16-.Ltmp10, $1  }
0x1a0: {  	_ =	sdelay $0x3  }
.LBB2_13:
0x1a1: {  	v6 =	vimm.s32 $0x0  }
.LBB2_16:
0x1a2: {  	vm0 =	vgt.s32 v6, $0x3F  }
0x1a3: {  	v7 =	vsel vm0, $0x3F800000, v2  }
0x1a4: {  	(xrf0) =	vmax.scan.msk.f32 $0xffff, v7;
	_ =	sdelay $0x5  }
0x1a5: {  	v7, _, _ =	vpop (xrf0)  }
0x1a6: {  	(v2sf) =	vpush v7, $0xF;
	_ =	sdelay $0xe  }
0x1a7: {  	s0 =	spop (v2sf)  }
0x1a8: {  	p0 =	sgt.f32 s0, $0.0e+00  }
.Ltmp11:
0x1a9: {  	_ = 	snop;
	(pc) =	sbr.rel @p0 .LBB2_30-.Ltmp11, $4  }
0x1aa: {  	_ = 	snop  }
0x1ab: {  	v5 =	vadd.s32 $0x1, v5  }
0x1ac: {  	vm15 =	vgt.s32 v5, $0x1  }
0x1ad: {  	v5 =	vnsel vm15, $0x1, v5;
	v7 =	vimm.s32 $0x40200000  }
0x1ae: {  	[tilespmem:s3], [sflag:$0x3] =	stream.strided.gather [hbm4b:s21+s9], $0x8000, s10, s9, $0x38;
	[tilespmem:$0x18880] =	vst v63  }
0x1af: {  	_ =	swait.ge [sflag:s15], $0x8000  }
0x1b0: {  	[sflag:s15] =	ssyncset.done $0x0  }
0x1b1: {  	s23 =	simm.s32 $0x40;
	[sflag:s15] =	ssyncadd.s32 $0xFFFF8000  }
0x1b2: {  	v7 =	vld [tilespmem:s23+$0xFFFFFFE0]  }
0x1b3: {  	s0 =	simm.s32 $0x0;
	v9 =	vld [tilespmem:s23+$0xFFFFFFD0]  }
0x1b4: {  	v6 =	vimm.s32 $0x0;
	s22 =	simm.s32 $0x7;
	s24 =	simm.s32 $0xF;
	s25 =	simm.s32 $0x40;
	v8 =	vmov s0;
	v10 =	vld [tilespmem:s23+$0xFFFFFFC0]  }
.LBB2_18:
0x1b5: {  	p0 =	sne.s32 s24, $0x7FF  }
0x1b6: {  	v11 =	vld [tilespmem:s23+$0xFFFFFFF0];
	s25 =	sadd.s32 $0x80, s25;
	s26 =	smov.u32 s24;
	s24 =	sadd.s32 $0x8, s24  }
0x1b7: {  	s0 =	sadd.s32 $0xFFFFFFFA, s22;
	v12 =	vld [tilespmem:s23+$0x0]  }
0x1b8: {  	vm0 =	vge.f32 v7, $1.000000000e+00;
	v7 =	vld [tilespmem:s23+$0x20]  }
0x1b9: {  	vm1 =	vge.f32 v9, $1.000000000e+00;
	v9 =	vmpcnt.ones.xlane vm0  }
0x1ba: {  	v14 =	vmov s0;
	vm0 =	vge.f32 v10, $1.000000000e+00;
	v10 =	vmpcnt.ones.xlane vm1;
	v13 =	vld [tilespmem:s23+$0x30]  }
0x1bb: {  	v15 =	vmpcnt.ones.xlane vm0;
	vm0 =	vlt.s32 v9, $0x1;
	vm1 =	vge.f32 v11, $1.000000000e+00;
	v11 =	vld [tilespmem:s23+$0x10];
	s23 =	smov.u32 s25  }
0x1bc: {  	vm2 =	vlt.s32 v10, $0x1;
	v16 =	vmpcnt.ones.xlane vm1;
	vm1 =	vge.f32 v12, $1.000000000e+00;
	[tilespmem:v6+s12+$0x0] =	vst.idx.msk $0x1, v8  }
0x1bd: {  	vm3 =	vlt.s32 v15, $0x1;
	v8 =	vnsel vm2, $0x1, v10;
	v10 =	vmpcnt.ones.xlane vm1  }
0x1be: {  	v9 =	vnsel vm0, $0x1, v9;
	v12 =	vnsel vm3, $0x1, v15;
	vm0 =	vlt.s32 v16, $0x1  }
0x1bf: {  	v15 =	vnsel vm0, $0x1, v16;
	vm0 =	vlt.s32 v10, $0x1;
	v6 =	vadd.s32 v6, v12  }
0x1c0: {  	v10 =	vnsel vm0, $0x1, v10;
	vm0 =	vge.f32 v11, $1.000000000e+00;
	v8 =	vadd.s32 v6, v8  }
0x1c1: {  	v11 =	vmpcnt.ones.xlane vm0;
	vm0 =	vge.f32 v7, $1.000000000e+00;
	v7 =	vadd.s32 v8, v9  }
0x1c2: {  	s0 =	sadd.s32 $0xFFFFFFFB, s22;
	v9 =	vmpcnt.ones.xlane vm0;
	vm0 =	vge.f32 v13, $1.000000000e+00;
	v12 =	vadd.s32 v7, v15  }
0x1c3: {  	v15 =	vmov s0;
	vm1 =	vlt.s32 v11, $0x1;
	v13 =	vmpcnt.ones.xlane vm0  }
0x1c4: {  	s0 =	sadd.s32 $0xFFFFFFFC, s22;
	v10 =	vadd.s32 v12, v10;
	v11 =	vnsel vm1, $0x1, v11;
	vm0 =	vlt.s32 v9, $0x1;
	[tilespmem:v6+s12+$0x0] =	vst.idx.msk $0x1, v14  }
0x1c5: {  	v6 =	vnsel vm0, $0x1, v9;
	vm0 =	vlt.s32 v13, $0x1;
	v9 =	vadd.s32 v10, v11;
	[tilespmem:v8+s12+$0x0] =	vst.idx.msk $0x1, v15  }
0x1c6: {  	s4 =	sadd.s32 $0xFFFFFFFD, s22;
	v8 =	vnsel vm0, $0x1, v13;
	v11 =	vadd.s32 v9, v6;
	v6 =	vmov s0  }
0x1c7: {  	s28 =	sadd.s32 $0xFFFFFFFE, s22;
	s0 =	sadd.s32 $0xFFFFFFF9, s26;
	[tilespmem:v7+s12+$0x0] =	vst.idx.msk $0x1, v6;
	v7 =	vmov s4;
	v6 =	vadd.s32 v8, v11  }
0x1c8: {  	v8 =	vmov s0;
	s0 =	sadd.s32 $0xFFFFFFFF, s22;
	[tilespmem:v12+s12+$0x0] =	vst.idx.msk $0x1, v7;
	v7 =	vmov s28  }
0x1c9: {  	[tilespmem:v10+s12+$0x0] =	vst.idx.msk $0x1, v7;
	v7 =	vmov s0  }
.Ltmp12:
0x1ca: {  	[tilespmem:v9+s12+$0x0] =	vst.idx.msk $0x1, v7;
	v7 =	vmov s22;
	s22 =	smov.u32 s26;
	(pc) =	sbr.rel @p0 .LBB2_18-.Ltmp12, $4  }
0x1cb: {  	[tilespmem:v11+s12+$0x0] =	vst.idx.msk $0x1, v7  }
0x1cc: {  	v7 =	vld [tilespmem:s25+$0xFFFFFFE0]  }
0x1cd: {  	v9 =	vld [tilespmem:s25+$0xFFFFFFD0]  }
0x1ce: {  	v10 =	vld [tilespmem:s25+$0xFFFFFFC0]  }
0x1cf: {  	v11 =	vld [tilespmem:s23+$0xFFFFFFF0]  }
0x1d0: {  	v12 =	vld [tilespmem:s23+$0x0]  }
0x1d1: {  	v22 =	vld [tilespmem:s23+$0x10]  }
0x1d2: {  	v13 =	vld [tilespmem:s23+$0x20]  }
0x1d3: {  	v23 =	vld [tilespmem:s23+$0x30]  }
0x1d4: {  	vm0 =	vge.f32 v7, $1.000000000e+00  }
0x1d5: {  	vm1 =	vge.f32 v9, $1.000000000e+00;
	v7 =	vmpcnt.ones.xlane vm0;
	vm4 =	vge.f32 v10, $1.000000000e+00  }
0x1d6: {  	v9 =	vmpcnt.ones.xlane vm1;
	v10 =	vmpcnt.ones.xlane vm4;
	vm5 =	vge.f32 v11, $1.000000000e+00  }
0x1d7: {  	vm6 =	vlt.s32 v7, $0x1;
	vm7 =	vge.f32 v12, $1.000000000e+00;
	vm10 =	vge.f32 v22, $1.000000000e+00  }
0x1d8: {  	vm11 =	vge.f32 v13, $1.000000000e+00;
	vm12 =	vge.f32 v23, $1.000000000e+00;
	v14 =	vmpcnt.ones.xlane vm5  }
0x1d9: {  	vm2 =	vlt.s32 v9, $0x1;
	v16 =	vmpcnt.ones.xlane vm7;
	vm3 =	vlt.s32 v10, $0x1  }
0x1da: {  	v7 =	vnsel vm6, $0x1, v7;
	v26 =	vmpcnt.ones.xlane vm10;
	v10 =	vnsel vm3, $0x1, v10  }
0x1db: {  	v29 =	vmpcnt.ones.xlane vm12;
	v9 =	vnsel vm2, $0x1, v9;
	v15 =	vadd.s32 v6, v10  }
0x1dc: {  	vm8 =	vlt.s32 v14, $0x1;
	vm9 =	vlt.s32 v16, $0x1;
	v25 =	vadd.s32 v15, v9  }
0x1dd: {  	v17 =	vnsel vm8, $0x1, v14;
	v27 =	vadd.s32 v25, v7;
	v7 =	vmpcnt.ones.xlane vm11  }
0x1de: {  	vm13 =	vlt.s32 v26, $0x1;
	v24 =	vnsel vm9, $0x1, v16;
	v28 =	vadd.s32 v27, v17  }
0x1df: {  	v30 =	vnsel vm13, $0x1, v26;
	vm14 =	vlt.s32 v7, $0x1;
	v31 =	vadd.s32 v28, v24  }
0x1e0: {  	vm15 =	vlt.s32 v29, $0x1;
	v7 =	vnsel vm14, $0x1, v7;
	v13 =	vadd.s32 v31, v30  }
0x1e1: {  	v32 =	vnsel vm15, $0x1, v29;
	v33 =	vadd.s32 v13, v7  }
0x1e2: {  	v7 =	vadd.s32 v32, v33  }
0x1e3: {  	v16 =	vand.u32 $0x1, v7  }
0x1e4: {  	vm4 =	veq.s32 v16, $0x0  }
0x1e5: {  	v16 =	vsel vm4, $0x0, v4  }
0x1e6: {  	(xrf0) =	vmax.scan.msk.f32 $0xffff, v16;
	_ =	sdelay $0x2  }
0x1e7: {  	v34 =	vand.u32 $0x2, v7  }
0x1e8: {  	v35 =	vand.u32 $0x4, v7;
	vm5 =	veq.s32 v34, $0x0  }
0x1e9: {  	v36 =	vand.u32 $0x8, v7;
	vm6 =	veq.s32 v35, $0x0;
	v17 =	vsel vm5, $0x0, v4  }
0x1ea: {  	v38 =	vand.u32 $0x10, v7;
	vm7 =	veq.s32 v36, $0x0;
	v37 =	vsel vm6, $0x0, v4;
	v16, _, _ =	vpop (xrf0);
	(xrf0) =	vmax.scan.msk.f32 $0xffff, v17  }
0x1eb: {  	vm8 =	veq.s32 v38, $0x0;
	v39 =	vsel vm7, $0x0, v4;
	(xrf0) =	vmax.scan.msk.f32 $0xffff, v37  }
0x1ec: {  	v40 =	vand.u32 $0x20, v7;
	v41 =	vsel vm8, $0x0, v4;
	(xrf0) =	vmax.scan.msk.f32 $0xffff, v39  }
0x1ed: {  	v42 =	vand.u32 $0x40, v7;
	vm9 =	veq.s32 v40, $0x0;
	(xrf0) =	vmax.scan.msk.f32 $0xffff, v41  }
0x1ee: {  	vm10 =	veq.s32 v42, $0x0;
	v43 =	vsel vm9, $0x0, v4  }
0x1ef: {  	v44 =	vand.u32 $0x80, v7;
	v45 =	vsel vm10, $0x0, v4;
	(xrf0) =	vmax.scan.msk.f32 $0xffff, v43  }
0x1f0: {  	v46 =	vand.u32 $0x100, v7;
	vm11 =	veq.s32 v44, $0x0;
	(v2sf) =	vpush v16, $0xF;
	(xrf0) =	vmax.scan.msk.f32 $0xffff, v45;
	v18, _, _ =	vpop (xrf0)  }
0x1f1: {  	vm12 =	veq.s32 v46, $0x0;
	v47 =	vsel vm11, $0x0, v4;
	(v2sf) =	vpush v18, $0xF;
	v51, _, _ =	vpop (xrf0)  }
0x1f2: {  	v48 =	vand.u32 $0x200, v7;
	v49 =	vsel vm12, $0x0, v4;
	(xrf0) =	vmax.scan.msk.f32 $0xffff, v47;
	(v2sf) =	vpush v51, $0xF;
	v53, _, _ =	vpop (xrf0)  }
0x1f3: {  	vm13 =	veq.s32 v48, $0x0;
	(xrf0) =	vmax.scan.msk.f32 $0xffff, v49;
	(v2sf) =	vpush v53, $0xF;
	v55, _, _ =	vpop (xrf0)  }
0x1f4: {  	v50 =	vand.u32 $0x400, v7;
	v52 =	vsel vm13, $0x0, v4;
	(v2sf) =	vpush v55, $0xF  }
0x1f5: {  	vm14 =	veq.s32 v50, $0x0;
	(xrf0) =	vmax.scan.msk.f32 $0xffff, v52;
	v56, _, _ =	vpop (xrf0)  }
0x1f6: {  	v54 =	vsel vm14, $0x0, v4;
	v57, _, _ =	vpop (xrf0);
	(v2sf) =	vpush v56, $0xF  }
0x1f7: {  	(xrf0) =	vmax.scan.msk.f32 $0xffff, v54;
	(v2sf) =	vpush v57, $0xF  }
0x1f8: {  	v58, _, _ =	vpop (xrf0)  }
0x1f9: {  	v62 =	vand.u32 $0x800, v7;
	v59, _, _ =	vpop (xrf0);
	(v2sf) =	vpush v58, $0xF  }
0x1fa: {  	vm15 =	veq.s32 v62, $0x0;
	(v2sf) =	vpush v59, $0xF  }
0x1fb: {  	v16 =	vsel vm15, $0x0, v4;
	v60, _, _ =	vpop (xrf0)  }
0x1fc: {  	(xrf0) =	vmax.scan.msk.f32 $0xffff, v16;
	(v2sf) =	vpush v60, $0xF  }
0x1fd: {  	v61, _, _ =	vpop (xrf0)  }
0x1fe: {  	(v2sf) =	vpush v61, $0xF  }
0x1ff: {  	s0 =	spop (v2sf)  }
0x200: {  	s4 =	spop (v2sf)  }
0x201: {  	s17 =	spop (v2sf)  }
0x202: {  	v16, _, _ =	vpop (xrf0);
	p0 =	sgt.f32 s4, $0.0e+00;
	s24 =	spop (v2sf)  }
0x203: {  	s23 =	simm.s32 $0x2;
	(v2sf) =	vpush v16, $0xF;
	p1 =	sgt.f32 s17, $0.0e+00;
	s25 =	spop (v2sf)  }
0x204: {  	s23 =	simm.s32 @!p0 $0x0;
	p0 =	sgt.f32 s24, $0.0e+00;
	s24 =	simm.s32 $0x4  }
0x205: {  	s26 =	spop (v2sf);
	s24 =	simm.s32 @!p1 $0x0  }
0x206: {  	p1 =	sgt.f32 s25, $0.0e+00;
	s25 =	simm.s32 $0x8;
	s28 =	spop (v2sf)  }
0x207: {  	s25 =	simm.s32 @!p0 $0x0;
	p0 =	sgt.f32 s26, $0.0e+00;
	s26 =	simm.s32 $0x10  }
0x208: {  	s29 =	spop (v2sf);
	s26 =	simm.s32 @!p1 $0x0  }
0x209: {  	p1 =	sgt.f32 s0, $0.0e+00;
	s0 =	simm.s32 $0x20;
	s30 =	spop (v2sf)  }
0x20a: {  	s0 =	simm.s32 @!p0 $0x0;
	p0 =	sgt.f32 s28, $0.0e+00;
	s28 =	simm.s32 $0x10  }
0x20b: {  	s4 =	sadd.s32 $0xFFFFFFFA, s22;
	s31 =	spop (v2sf);
	s28 =	simm.s32 @!p1 $0xF  }
0x20c: {  	p1 =	sgt.f32 s29, $0.0e+00;
	s29 =	simm.s32 $0x40;
	s23 =	sadd.s32 s23, s28  }
0x20d: {  	s7 =	spop (v2sf);
	s29 =	simm.s32 @!p0 $0x0;
	s23 =	sadd.s32 s24, s23  }
0x20e: {  	p0 =	sgt.f32 s30, $0.0e+00;
	s23 =	sadd.s32 s25, s23;
	s25 =	simm.s32 $0x80  }
0x20f: {  	s25 =	simm.s32 @!p1 $0x0;
	p1 =	sgt.f32 s31, $0.0e+00;
	s23 =	sadd.s32 s26, s23  }
0x210: {  	s26 =	simm.s32 $0x100;
	s31 =	simm.s32 $0x200;
	s0 =	sadd.s32 s0, s23  }
0x211: {  	s26 =	simm.s32 @!p0 $0x0;
	p0 =	sgt.f32 s7, $0.0e+00;
	s0 =	sadd.s32 s29, s0  }
0x212: {  	s7 =	simm.s32 $0x400;
	s29 =	spop (v2sf);
	s0 =	sadd.s32 s25, s0  }
0x213: {  	s31 =	simm.s32 @!p1 $0x0;
	p1 =	sgt.f32 s29, $0.0e+00;
	s0 =	sadd.s32 s26, s0  }
0x214: {  	v63 =	vmov s4;
	s4 =	simm.s32 $0x800;
	s7 =	simm.s32 @!p0 $0x0;
	s0 =	sadd.s32 s31, s0  }
0x215: {  	s4 =	simm.s32 @!p1 $0x0;
	s0 =	sadd.s32 s7, s0  }
0x216: {  	s8 =	sadd.s32 $0xFFFFFFFB, s22;
	[tilespmem:v6+s12+$0x0] =	vst.idx.msk $0x1, v8;
	s0 =	sadd.s32 s4, s0  }
0x217: {  	s13 =	sadd.s32 $0xFFFFFFFC, s22;
	v6 =	vmov s8;
	[tilespmem:v15+s12+$0x0] =	vst.idx.msk $0x1, v63;
	s23 =	sshrl.u32 s0, $0x4  }
0x218: {  	s17 =	sadd.s32 $0xFFFFFFFD, s22;
	[tilespmem:v25+s12+$0x0] =	vst.idx.msk $0x1, v6;
	v6 =	vmov s13;
	p0 =	seq.s32 s23, $0x0  }
.Ltmp13:
0x219: {  	[tilespmem:v27+s12+$0x0] =	vst.idx.msk $0x1, v6;
	v6 =	vmov s17;
	s30 =	sadd.s32 $0xFFFFFFFE, s22;
	(pc) =	sbr.rel @p0 .LBB2_20-.Ltmp13, $4  }
0x21a: {  	[tilespmem:v28+s12+$0x0] =	vst.idx.msk $0x1, v6;
	v6 =	vmov s30;
	s31 =	sadd.s32 $0xFFFFFFFF, s22  }
0x21b: {  	[tilespmem:v31+s12+$0x0] =	vst.idx.msk $0x1, v6;
	v6 =	vmov s31  }
0x21c: {  	[tilespmem:v13+s12+$0x0] =	vst.idx.msk $0x1, v6;
	v6 =	vmov s22  }
0x21d: {  	[tilespmem:v33+s12+$0x0] =	vst.idx.msk $0x1, v6  }
0x21e: {  	s22 =	sshll.u32 s23, $0x4;
	v6 =	vimm.s32 $0x0;
	s23 =	simm.s32 $0x0  }
.LBB2_22:
0x21f: {  	v8 =	vmov s23;
	_ =	sdelay $0x4  }
0x220: {  	v9 =	vld.idx.msk [tilespmem:v8+s12+$0x0], $0xffff;
	_ =	sdelay $0x4  }
0x221: {  	v9 =	vshll.u32 v9, $0x4  }
0x222: {  	v9 =	vor.u32 v1, v9;
	_ =	sdelay $0x4  }
0x223: {  	v10 =	vld.idx.msk [tilespmem:v9+s3+$0x0], $0xffff;
	_ =	sdelay $0x4  }
0x224: {  	vm0 =	vlt.s32 v8, v7;
	vm1 =	vge.f32 v10, $1.000000000e+00  }
0x225: {  	vm0 =	vmand vm0, vm1  }
0x226: {  	v8 =	vsel vm0, $0x1, v0  }
0x227: {  	(xrf0) =	vadd.scan.msk.s32 $0xffff, v8;
	_ =	sdelay $0x4  }
0x228: {  	v8 =	vsel vm0, $0xFFFFFFFF, v0  }
0x229: {  	v8 =	vadd.s32 v8, v6;
	v39, _, _ =	vpop (xrf0)  }
0x22a: {  	s0 =	sadd.s32 $0x1, s23;
	v8 =	vadd.s32 v39, v8  }
0x22b: {  	v40 =	vmov s0;
	_ =	sdelay $0x3  }
0x22c: {  	[tilespmem:v8+s16+$0x0] =	vst.idx.msk vm0, v9  }
0x22d: {  	v8 =	vld.idx.msk [tilespmem:v40+s12+$0x0], $0xffff;
	_ =	sdelay $0x4  }
0x22e: {  	v8 =	vshll.u32 v8, $0x4  }
0x22f: {  	v8 =	vor.u32 v1, v8;
	_ =	sdelay $0x4  }
0x230: {  	v9 =	vld.idx.msk [tilespmem:v8+s3+$0x0], $0xffff;
	_ =	sdelay $0x4  }
0x231: {  	vm11 =	vlt.s32 v40, v7;
	vm2 =	vge.f32 v9, $1.000000000e+00  }
0x232: {  	vm1 =	vmand vm11, vm2  }
0x233: {  	v41 =	vsel vm1, $0x1, v0  }
0x234: {  	(xrf0) =	vadd.scan.msk.s32 $0xffff, v41;
	_ =	sdelay $0x2  }
0x235: {  	v42 =	vmpcnt.ones.xlane vm0;
	_ =	sdelay $0x1  }
0x236: {  	v6 =	vadd.s32 v6, v42;
	v43 =	vsel vm1, $0xFFFFFFFF, v0  }
0x237: {  	v9 =	vadd.s32 v43, v6;
	v44, _, _ =	vpop (xrf0)  }
0x238: {  	s30 =	sadd.s32 $0x2, s23;
	v9 =	vadd.s32 v44, v9  }
0x239: {  	v45 =	vmov s30;
	_ =	sdelay $0x3  }
0x23a: {  	[tilespmem:v9+s16+$0x0] =	vst.idx.msk vm1, v8  }
0x23b: {  	v8 =	vld.idx.msk [tilespmem:v45+s12+$0x0], $0xffff;
	_ =	sdelay $0x4  }
0x23c: {  	v8 =	vshll.u32 v8, $0x4  }
0x23d: {  	v8 =	vor.u32 v1, v8;
	_ =	sdelay $0x4  }
0x23e: {  	v9 =	vld.idx.msk [tilespmem:v8+s3+$0x0], $0xffff;
	_ =	sdelay $0x4  }
0x23f: {  	vm12 =	vlt.s32 v45, v7;
	vm13 =	vge.f32 v9, $1.000000000e+00  }
0x240: {  	vm0 =	vmand vm12, vm13  }
0x241: {  	v46 =	vsel vm0, $0x1, v0  }
0x242: {  	(xrf0) =	vadd.scan.msk.s32 $0xffff, v46;
	_ =	sdelay $0x2  }
0x243: {  	v47 =	vmpcnt.ones.xlane vm1;
	_ =	sdelay $0x1  }
0x244: {  	v6 =	vadd.s32 v6, v47;
	v48 =	vsel vm0, $0xFFFFFFFF, v0  }
0x245: {  	v9 =	vadd.s32 v48, v6;
	v49, _, _ =	vpop (xrf0)  }
0x246: {  	s31 =	sadd.s32 $0x3, s23;
	v9 =	vadd.s32 v49, v9  }
0x247: {  	v50 =	vmov s31;
	_ =	sdelay $0x3  }
0x248: {  	[tilespmem:v9+s16+$0x0] =	vst.idx.msk vm0, v8  }
0x249: {  	v8 =	vld.idx.msk [tilespmem:v50+s12+$0x0], $0xffff;
	_ =	sdelay $0x4  }
0x24a: {  	v8 =	vshll.u32 v8, $0x4  }
0x24b: {  	v8 =	vor.u32 v1, v8;
	_ =	sdelay $0x4  }
0x24c: {  	v9 =	vld.idx.msk [tilespmem:v8+s3+$0x0], $0xffff;
	_ =	sdelay $0x4  }
0x24d: {  	vm14 =	vlt.s32 v50, v7;
	vm15 =	vge.f32 v9, $1.000000000e+00  }
0x24e: {  	vm1 =	vmand vm14, vm15  }
0x24f: {  	v51 =	vsel vm1, $0x1, v0  }
0x250: {  	(xrf0) =	vadd.scan.msk.s32 $0xffff, v51;
	_ =	sdelay $0x2  }
0x251: {  	v52 =	vmpcnt.ones.xlane vm0;
	_ =	sdelay $0x1  }
0x252: {  	v6 =	vadd.s32 v6, v52;
	v53 =	vsel vm1, $0xFFFFFFFF, v0  }
0x253: {  	v9 =	vadd.s32 v53, v6;
	v54, _, _ =	vpop (xrf0)  }
0x254: {  	s4 =	sadd.s32 $0x4, s23;
	v9 =	vadd.s32 v54, v9  }
0x255: {  	v55 =	vmov s4;
	_ =	sdelay $0x3  }
0x256: {  	[tilespmem:v9+s16+$0x0] =	vst.idx.msk vm1, v8  }
0x257: {  	v8 =	vld.idx.msk [tilespmem:v55+s12+$0x0], $0xffff;
	_ =	sdelay $0x4  }
0x258: {  	v8 =	vshll.u32 v8, $0x4  }
0x259: {  	v8 =	vor.u32 v1, v8;
	_ =	sdelay $0x4  }
0x25a: {  	v9 =	vld.idx.msk [tilespmem:v8+s3+$0x0], $0xffff;
	_ =	sdelay $0x4  }
0x25b: {  	vm4 =	vlt.s32 v55, v7;
	vm5 =	vge.f32 v9, $1.000000000e+00  }
0x25c: {  	vm0 =	vmand vm4, vm5  }
0x25d: {  	v56 =	vsel vm0, $0x1, v0  }
0x25e: {  	(xrf0) =	vadd.scan.msk.s32 $0xffff, v56;
	_ =	sdelay $0x2  }
0x25f: {  	v57 =	vmpcnt.ones.xlane vm1;
	_ =	sdelay $0x1  }
0x260: {  	v6 =	vadd.s32 v6, v57;
	v58 =	vsel vm0, $0xFFFFFFFF, v0  }
0x261: {  	v9 =	vadd.s32 v58, v6;
	v59, _, _ =	vpop (xrf0)  }
0x262: {  	s7 =	sadd.s32 $0x5, s23;
	v9 =	vadd.s32 v59, v9  }
0x263: {  	v60 =	vmov s7;
	_ =	sdelay $0x3  }
0x264: {  	[tilespmem:v9+s16+$0x0] =	vst.idx.msk vm0, v8  }
0x265: {  	v8 =	vld.idx.msk [tilespmem:v60+s12+$0x0], $0xffff;
	_ =	sdelay $0x4  }
0x266: {  	v8 =	vshll.u32 v8, $0x4  }
0x267: {  	v8 =	vor.u32 v1, v8;
	_ =	sdelay $0x4  }
0x268: {  	v9 =	vld.idx.msk [tilespmem:v8+s3+$0x0], $0xffff;
	_ =	sdelay $0x4  }
0x269: {  	vm6 =	vlt.s32 v60, v7;
	vm7 =	vge.f32 v9, $1.000000000e+00  }
0x26a: {  	vm1 =	vmand vm6, vm7  }
0x26b: {  	v61 =	vsel vm1, $0x1, v0  }
0x26c: {  	(xrf0) =	vadd.scan.msk.s32 $0xffff, v61;
	_ =	sdelay $0x2  }
0x26d: {  	v62 =	vmpcnt.ones.xlane vm0;
	_ =	sdelay $0x1  }
0x26e: {  	v6 =	vadd.s32 v6, v62;
	v63 =	vsel vm1, $0xFFFFFFFF, v0  }
0x26f: {  	v9 =	vadd.s32 v63, v6;
	v12, _, _ =	vpop (xrf0)  }
0x270: {  	s8 =	sadd.s32 $0x6, s23;
	v9 =	vadd.s32 v12, v9  }
0x271: {  	v13 =	vmov s8;
	_ =	sdelay $0x3  }
0x272: {  	[tilespmem:v9+s16+$0x0] =	vst.idx.msk vm1, v8  }
0x273: {  	v8 =	vld.idx.msk [tilespmem:v13+s12+$0x0], $0xffff;
	_ =	sdelay $0x4  }
0x274: {  	v8 =	vshll.u32 v8, $0x4  }
0x275: {  	v8 =	vor.u32 v1, v8;
	_ =	sdelay $0x4  }
0x276: {  	v9 =	vld.idx.msk [tilespmem:v8+s3+$0x0], $0xffff;
	_ =	sdelay $0x4  }
0x277: {  	vm8 =	vlt.s32 v13, v7;
	vm9 =	vge.f32 v9, $1.000000000e+00  }
0x278: {  	vm0 =	vmand vm8, vm9  }
0x279: {  	v14 =	vsel vm0, $0x1, v0  }
0x27a: {  	(xrf0) =	vadd.scan.msk.s32 $0xffff, v14;
	_ =	sdelay $0x2  }
0x27b: {  	v15 =	vmpcnt.ones.xlane vm1;
	_ =	sdelay $0x1  }
0x27c: {  	v6 =	vadd.s32 v6, v15;
	v16 =	vsel vm0, $0xFFFFFFFF, v0  }
0x27d: {  	v9 =	vadd.s32 v16, v6;
	v17, _, _ =	vpop (xrf0)  }
0x27e: {  	s13 =	sadd.s32 $0x7, s23;
	v9 =	vadd.s32 v17, v9  }
0x27f: {  	v18 =	vmov s13;
	_ =	sdelay $0x3  }
0x280: {  	[tilespmem:v9+s16+$0x0] =	vst.idx.msk vm0, v8  }
0x281: {  	v8 =	vld.idx.msk [tilespmem:v18+s12+$0x0], $0xffff;
	_ =	sdelay $0x4  }
0x282: {  	v8 =	vshll.u32 v8, $0x4  }
0x283: {  	v8 =	vor.u32 v1, v8;
	_ =	sdelay $0x4  }
0x284: {  	v9 =	vld.idx.msk [tilespmem:v8+s3+$0x0], $0xffff;
	_ =	sdelay $0x4  }
0x285: {  	vm10 =	vlt.s32 v18, v7;
	vm11 =	vge.f32 v9, $1.000000000e+00  }
0x286: {  	vm1 =	vmand vm10, vm11  }
0x287: {  	v19 =	vsel vm1, $0x1, v0  }
0x288: {  	(xrf0) =	vadd.scan.msk.s32 $0xffff, v19;
	_ =	sdelay $0x2  }
0x289: {  	v20 =	vmpcnt.ones.xlane vm0;
	_ =	sdelay $0x1  }
0x28a: {  	v6 =	vadd.s32 v6, v20;
	v21 =	vsel vm1, $0xFFFFFFFF, v0  }
0x28b: {  	v9 =	vadd.s32 v21, v6;
	v22, _, _ =	vpop (xrf0)  }
0x28c: {  	s17 =	sadd.s32 $0x8, s23;
	v9 =	vadd.s32 v22, v9  }
0x28d: {  	v23 =	vmov s17;
	_ =	sdelay $0x3  }
0x28e: {  	[tilespmem:v9+s16+$0x0] =	vst.idx.msk vm1, v8  }
0x28f: {  	v8 =	vld.idx.msk [tilespmem:v23+s12+$0x0], $0xffff;
	_ =	sdelay $0x4  }
0x290: {  	v8 =	vshll.u32 v8, $0x4  }
0x291: {  	v8 =	vor.u32 v1, v8;
	_ =	sdelay $0x4  }
0x292: {  	v9 =	vld.idx.msk [tilespmem:v8+s3+$0x0], $0xffff;
	_ =	sdelay $0x4  }
0x293: {  	vm12 =	vlt.s32 v23, v7;
	vm13 =	vge.f32 v9, $1.000000000e+00  }
0x294: {  	vm0 =	vmand vm12, vm13  }
0x295: {  	v24 =	vsel vm0, $0x1, v0  }
0x296: {  	(xrf0) =	vadd.scan.msk.s32 $0xffff, v24;
	_ =	sdelay $0x2  }
0x297: {  	v25 =	vmpcnt.ones.xlane vm1;
	_ =	sdelay $0x1  }
0x298: {  	v6 =	vadd.s32 v6, v25;
	v26 =	vsel vm0, $0xFFFFFFFF, v0  }
0x299: {  	v9 =	vadd.s32 v26, v6;
	v27, _, _ =	vpop (xrf0)  }
0x29a: {  	s24 =	sadd.s32 $0x9, s23;
	v9 =	vadd.s32 v27, v9  }
0x29b: {  	v28 =	vmov s24;
	_ =	sdelay $0x3  }
0x29c: {  	[tilespmem:v9+s16+$0x0] =	vst.idx.msk vm0, v8  }
0x29d: {  	v8 =	vld.idx.msk [tilespmem:v28+s12+$0x0], $0xffff;
	_ =	sdelay $0x4  }
0x29e: {  	v8 =	vshll.u32 v8, $0x4  }
0x29f: {  	v8 =	vor.u32 v1, v8;
	_ =	sdelay $0x4  }
0x2a0: {  	v9 =	vld.idx.msk [tilespmem:v8+s3+$0x0], $0xffff;
	_ =	sdelay $0x4  }
0x2a1: {  	vm14 =	vlt.s32 v28, v7;
	vm15 =	vge.f32 v9, $1.000000000e+00  }
0x2a2: {  	vm1 =	vmand vm14, vm15  }
0x2a3: {  	v29 =	vsel vm1, $0x1, v0  }
0x2a4: {  	(xrf0) =	vadd.scan.msk.s32 $0xffff, v29;
	_ =	sdelay $0x2  }
0x2a5: {  	v30 =	vmpcnt.ones.xlane vm0;
	_ =	sdelay $0x1  }
0x2a6: {  	v6 =	vadd.s32 v6, v30;
	v31 =	vsel vm1, $0xFFFFFFFF, v0  }
0x2a7: {  	v9 =	vadd.s32 v31, v6;
	v32, _, _ =	vpop (xrf0)  }
0x2a8: {  	s25 =	sadd.s32 $0xA, s23;
	v9 =	vadd.s32 v32, v9  }
0x2a9: {  	v33 =	vmov s25;
	_ =	sdelay $0x3  }
0x2aa: {  	[tilespmem:v9+s16+$0x0] =	vst.idx.msk vm1, v8  }
0x2ab: {  	v8 =	vld.idx.msk [tilespmem:v33+s12+$0x0], $0xffff;
	_ =	sdelay $0x4  }
0x2ac: {  	v8 =	vshll.u32 v8, $0x4  }
0x2ad: {  	v8 =	vor.u32 v1, v8;
	_ =	sdelay $0x4  }
0x2ae: {  	v9 =	vld.idx.msk [tilespmem:v8+s3+$0x0], $0xffff;
	_ =	sdelay $0x4  }
0x2af: {  	vm4 =	vlt.s32 v33, v7;
	vm5 =	vge.f32 v9, $1.000000000e+00  }
0x2b0: {  	vm0 =	vmand vm4, vm5  }
0x2b1: {  	v34 =	vsel vm0, $0x1, v0  }
0x2b2: {  	(xrf0) =	vadd.scan.msk.s32 $0xffff, v34;
	_ =	sdelay $0x2  }
0x2b3: {  	v35 =	vmpcnt.ones.xlane vm1;
	_ =	sdelay $0x1  }
0x2b4: {  	v6 =	vadd.s32 v6, v35;
	v36 =	vsel vm0, $0xFFFFFFFF, v0  }
0x2b5: {  	v9 =	vadd.s32 v36, v6;
	v37, _, _ =	vpop (xrf0)  }
0x2b6: {  	s26 =	sadd.s32 $0xB, s23;
	v9 =	vadd.s32 v37, v9  }
0x2b7: {  	v38 =	vmov s26;
	_ =	sdelay $0x3  }
0x2b8: {  	[tilespmem:v9+s16+$0x0] =	vst.idx.msk vm0, v8  }
0x2b9: {  	v8 =	vld.idx.msk [tilespmem:v38+s12+$0x0], $0xffff;
	_ =	sdelay $0x4  }
0x2ba: {  	v8 =	vshll.u32 v8, $0x4  }
0x2bb: {  	v8 =	vor.u32 v1, v8;
	_ =	sdelay $0x4  }
0x2bc: {  	v9 =	vld.idx.msk [tilespmem:v8+s3+$0x0], $0xffff;
	_ =	sdelay $0x4  }
0x2bd: {  	vm6 =	vlt.s32 v38, v7;
	vm7 =	vge.f32 v9, $1.000000000e+00  }
0x2be: {  	vm1 =	vmand vm6, vm7  }
0x2bf: {  	v39 =	vsel vm1, $0x1, v0  }
0x2c0: {  	(xrf0) =	vadd.scan.msk.s32 $0xffff, v39;
	_ =	sdelay $0x2  }
0x2c1: {  	v40 =	vmpcnt.ones.xlane vm0;
	_ =	sdelay $0x1  }
0x2c2: {  	v6 =	vadd.s32 v6, v40;
	v41 =	vsel vm1, $0xFFFFFFFF, v0  }
0x2c3: {  	v9 =	vadd.s32 v41, v6;
	v42, _, _ =	vpop (xrf0)  }
0x2c4: {  	s28 =	sadd.s32 $0xC, s23;
	v9 =	vadd.s32 v42, v9  }
0x2c5: {  	v43 =	vmov s28;
	_ =	sdelay $0x3  }
0x2c6: {  	[tilespmem:v9+s16+$0x0] =	vst.idx.msk vm1, v8  }
0x2c7: {  	v8 =	vld.idx.msk [tilespmem:v43+s12+$0x0], $0xffff;
	_ =	sdelay $0x4  }
0x2c8: {  	v8 =	vshll.u32 v8, $0x4  }
0x2c9: {  	v8 =	vor.u32 v1, v8;
	_ =	sdelay $0x4  }
0x2ca: {  	v9 =	vld.idx.msk [tilespmem:v8+s3+$0x0], $0xffff;
	_ =	sdelay $0x4  }
0x2cb: {  	vm8 =	vlt.s32 v43, v7;
	vm9 =	vge.f32 v9, $1.000000000e+00  }
0x2cc: {  	vm0 =	vmand vm8, vm9  }
0x2cd: {  	v44 =	vsel vm0, $0x1, v0  }
0x2ce: {  	(xrf0) =	vadd.scan.msk.s32 $0xffff, v44;
	_ =	sdelay $0x2  }
0x2cf: {  	v45 =	vmpcnt.ones.xlane vm1;
	_ =	sdelay $0x1  }
0x2d0: {  	v6 =	vadd.s32 v6, v45;
	v46 =	vsel vm0, $0xFFFFFFFF, v0  }
0x2d1: {  	v9 =	vadd.s32 v46, v6;
	v47, _, _ =	vpop (xrf0)  }
0x2d2: {  	s29 =	sadd.s32 $0xD, s23;
	v9 =	vadd.s32 v47, v9  }
0x2d3: {  	v48 =	vmov s29;
	_ =	sdelay $0x3  }
0x2d4: {  	[tilespmem:v9+s16+$0x0] =	vst.idx.msk vm0, v8  }
0x2d5: {  	v8 =	vld.idx.msk [tilespmem:v48+s12+$0x0], $0xffff;
	_ =	sdelay $0x4  }
0x2d6: {  	v8 =	vshll.u32 v8, $0x4  }
0x2d7: {  	v8 =	vor.u32 v1, v8;
	_ =	sdelay $0x4  }
0x2d8: {  	v9 =	vld.idx.msk [tilespmem:v8+s3+$0x0], $0xffff;
	_ =	sdelay $0x4  }
0x2d9: {  	vm10 =	vlt.s32 v48, v7;
	vm11 =	vge.f32 v9, $1.000000000e+00  }
0x2da: {  	vm1 =	vmand vm10, vm11  }
0x2db: {  	v49 =	vsel vm1, $0x1, v0  }
0x2dc: {  	(xrf0) =	vadd.scan.msk.s32 $0xffff, v49;
	_ =	sdelay $0x2  }
0x2dd: {  	v50 =	vmpcnt.ones.xlane vm0;
	_ =	sdelay $0x1  }
0x2de: {  	v6 =	vadd.s32 v6, v50;
	v51 =	vsel vm1, $0xFFFFFFFF, v0  }
0x2df: {  	v9 =	vadd.s32 v51, v6;
	v52, _, _ =	vpop (xrf0)  }
0x2e0: {  	s30 =	sadd.s32 $0xE, s23;
	v9 =	vadd.s32 v52, v9  }
0x2e1: {  	v53 =	vmov s30;
	_ =	sdelay $0x3  }
0x2e2: {  	[tilespmem:v9+s16+$0x0] =	vst.idx.msk vm1, v8  }
0x2e3: {  	v8 =	vld.idx.msk [tilespmem:v53+s12+$0x0], $0xffff;
	_ =	sdelay $0x4  }
0x2e4: {  	v8 =	vshll.u32 v8, $0x4  }
0x2e5: {  	v8 =	vor.u32 v1, v8;
	_ =	sdelay $0x4  }
0x2e6: {  	v9 =	vld.idx.msk [tilespmem:v8+s3+$0x0], $0xffff;
	_ =	sdelay $0x4  }
0x2e7: {  	vm12 =	vlt.s32 v53, v7;
	vm13 =	vge.f32 v9, $1.000000000e+00  }
0x2e8: {  	vm0 =	vmand vm12, vm13  }
0x2e9: {  	v54 =	vsel vm0, $0x1, v0  }
0x2ea: {  	(xrf0) =	vadd.scan.msk.s32 $0xffff, v54;
	_ =	sdelay $0x2  }
0x2eb: {  	v55 =	vmpcnt.ones.xlane vm1;
	_ =	sdelay $0x1  }
0x2ec: {  	v6 =	vadd.s32 v6, v55;
	v56 =	vsel vm0, $0xFFFFFFFF, v0  }
0x2ed: {  	v9 =	vadd.s32 v56, v6;
	v57, _, _ =	vpop (xrf0)  }
0x2ee: {  	s31 =	sadd.s32 $0xF, s23;
	v9 =	vadd.s32 v57, v9  }
0x2ef: {  	v58 =	vmov s31;
	_ =	sdelay $0x3  }
0x2f0: {  	[tilespmem:v9+s16+$0x0] =	vst.idx.msk vm0, v8  }
0x2f1: {  	v8 =	vld.idx.msk [tilespmem:v58+s12+$0x0], $0xffff;
	_ =	sdelay $0x4  }
0x2f2: {  	v8 =	vshll.u32 v8, $0x4  }
0x2f3: {  	v8 =	vor.u32 v1, v8;
	_ =	sdelay $0x4  }
0x2f4: {  	v9 =	vld.idx.msk [tilespmem:v8+s3+$0x0], $0xffff;
	_ =	sdelay $0x4  }
0x2f5: {  	vm14 =	vlt.s32 v58, v7;
	vm15 =	vge.f32 v9, $1.000000000e+00  }
0x2f6: {  	vm1 =	vmand vm14, vm15  }
0x2f7: {  	v59 =	vsel vm1, $0x1, v0  }
0x2f8: {  	(xrf0) =	vadd.scan.msk.s32 $0xffff, v59;
	_ =	sdelay $0x2  }
0x2f9: {  	v60 =	vmpcnt.ones.xlane vm0;
	_ =	sdelay $0x1  }
0x2fa: {  	v6 =	vadd.s32 v6, v60;
	v61 =	vsel vm1, $0xFFFFFFFF, v0  }
0x2fb: {  	s23 =	sadd.s32 $0x10, s23;
	v9 =	vadd.s32 v61, v6;
	v62, _, _ =	vpop (xrf0)  }
0x2fc: {  	p0 =	sne.s32 s22, s23;
	v9 =	vadd.s32 v62, v9  }
.Ltmp14:
0x2fd: {  	_ = 	snop;
	(pc) =	sbr.rel @p0 .LBB2_22-.Ltmp14, $3  }
0x2fe: {  	_ = 	snop  }
0x2ff: {  	v63 =	vmpcnt.ones.xlane vm1;
	_ =	sdelay $0x1  }
0x300: {  	v6 =	vadd.s32 v6, v63;
	[tilespmem:v9+s16+$0x0] =	vst.idx.msk vm1, v8  }
.Ltmp15:
0x301: {  	_ = 	snop;
	(pc) =	sbr.rel .LBB2_23-.Ltmp15, $1  }
0x302: {  	_ =	sdelay $0x3  }
.LBB2_20:
0x303: {  	v6 =	vimm.s32 $0x0  }
.LBB2_23:
0x304: {  	vm0 =	vgt.s32 v6, $0x3F  }
0x305: {  	v7 =	vsel vm0, $0x3F800000, v2  }
0x306: {  	(xrf0) =	vmax.scan.msk.f32 $0xffff, v7;
	_ =	sdelay $0x5  }
0x307: {  	v7, _, _ =	vpop (xrf0)  }
0x308: {  	(v2sf) =	vpush v7, $0xF;
	_ =	sdelay $0xe  }
0x309: {  	s0 =	spop (v2sf)  }
0x30a: {  	p0 =	sgt.f32 s0, $0.0e+00  }
.Ltmp16:
0x30b: {  	_ = 	snop;
	(pc) =	sbr.rel @p0 .LBB2_30-.Ltmp16, $2  }
0x30c: {  	_ =	sdelay $0x2  }
0x30d: {  	v7 =	vimm.s32 $0x3F800000  }
0x30e: {  	[tilespmem:s3], [sflag:$0x3] =	stream.strided.gather [hbm4b:s21+s9], $0x8000, s10, s9, $0x38;
	[tilespmem:$0x18880] =	vst v63  }
0x30f: {  	_ =	swait.ge [sflag:s15], $0x8000  }
0x310: {  	[sflag:s15] =	ssyncset.done $0x0  }
0x311: {  	s22 =	simm.s32 $0x40;
	[sflag:s15] =	ssyncadd.s32 $0xFFFF8000  }
0x312: {  	v6 =	vld [tilespmem:s22+$0xFFFFFFC0]  }
0x313: {  	v8 =	vld [tilespmem:s22+$0xFFFFFFD0]  }
0x314: {  	v9 =	vld [tilespmem:s22+$0xFFFFFFE0]  }
0x315: {  	v7 =	vld [tilespmem:s22+$0x10]  }
0x316: {  	v10 =	vld [tilespmem:s22+$0xFFFFFFF0]  }
0x317: {  	v11 =	vimm.s32 $0x0;
	vm0 =	vmmov $0xffff;
	s0 =	simm.s32 $0x0;
	vm1 =	veq.f32 v6, v6  }
0x318: {  	v15 =	vmov s0;
	vm3 =	veq.f32 v8, v8;
	vm1 =	vmand vm1, vm0  }
0x319: {  	v6 =	vmpcnt.ones.xlane vm1;
	vm1 =	vmand vm3, vm0;
	vm3 =	veq.f32 v9, v9  }
0x31a: {  	vm2 =	veq.f32 v7, v7;
	v7 =	vld [tilespmem:s22+$0x0];
	v8 =	vmpcnt.ones.xlane vm1;
	vm1 =	vmand vm3, vm0  }
0x31b: {  	vm2 =	vmand vm2, vm0;
	vm3 =	veq.f32 v10, v10;
	v9 =	vmpcnt.ones.xlane vm1  }
0x31c: {  	v10 =	vld [tilespmem:s22+$0x20];
	vm4 =	vlt.s32 v6, $0x1;
	vm3 =	vmand vm3, vm0;
	vm1 =	vlt.s32 v8, $0x1  }
0x31d: {  	v6 =	vnsel vm4, $0x1, v6;
	v8 =	vnsel vm1, $0x1, v8;
	vm1 =	vlt.s32 v9, $0x1  }
0x31e: {  	s30 =	simm.s32 $0x2;
	v12 =	vadd.s32 v11, v6;
	v6 =	vnsel vm1, $0x1, v9;
	v9 =	vmpcnt.ones.xlane vm3  }
0x31f: {  	v17 =	vmov s30;
	v13 =	vmpcnt.ones.xlane vm2;
	vm1 =	veq.f32 v7, v7  }
0x320: {  	v14 =	vld [tilespmem:s22+$0x30];
	v8 =	vadd.s32 v12, v8;
	vm1 =	vmand vm1, vm0;
	vm2 =	vlt.s32 v9, $0x1  }
0x321: {  	v7 =	vnsel vm2, $0x1, v9;
	v9 =	vmpcnt.ones.xlane vm1;
	vm1 =	veq.f32 v10, v10  }
0x322: {  	v6 =	vadd.s32 v8, v6;
	vm2 =	vlt.s32 v13, $0x1;
	vm1 =	vmand vm1, vm0  }
0x323: {  	s29 =	simm.s32 $0x1;
	v13 =	vnsel vm2, $0x1, v13;
	vm2 =	vlt.s32 v9, $0x1;
	v16 =	vmpcnt.ones.xlane vm1  }
0x324: {  	v10 =	vmov s29;
	v7 =	vadd.s32 v6, v7;
	v9 =	vnsel vm2, $0x1, v9  }
0x325: {  	[tilespmem:v11+s12+$0x0] =	vst.idx.msk $0x1, v15;
	vm2 =	veq.f32 v14, v14;
	vm1 =	vlt.s32 v16, $0x1;
	v9 =	vadd.s32 v7, v9  }
0x326: {  	s31 =	simm.s32 $0x3;
	[tilespmem:v12+s12+$0x0] =	vst.idx.msk $0x1, v10;
	v11 =	vnsel vm1, $0x1, v16;
	vm1 =	vmand vm2, vm0;
	v10 =	vadd.s32 v9, v13  }
0x327: {  	s21 =	simm.s32 $0x7;
	s24 =	simm.s32 $0xF;
	s23 =	simm.s32 $0x4;
	v12 =	vmov s31;
	[tilespmem:v8+s12+$0x0] =	vst.idx.msk $0x1, v17;
	v8 =	vmpcnt.ones.xlane vm1;
	v11 =	vadd.s32 v10, v11  }
.LBB2_25:
0x328: {  	p0 =	sne.s32 s24, $0x7FF;
	s0 =	sadd.s32 $0xFFFFFFFE, s21;
	[tilespmem:v6+s12+$0x0] =	vst.idx.msk $0x1, v12;
	v6 =	vmov s23;
	s22 =	sadd.s32 $0x80, s22  }
0x329: {  	s4 =	sadd.s32 $0xFFFFFFFF, s21;
	vm1 =	vlt.s32 v8, $0x1;
	[tilespmem:v7+s12+$0x0] =	vst.idx.msk $0x1, v6;
	v6 =	vmov s0;
	s0 =	smov.u32 s24;
	s24 =	sadd.s32 $0x8, s24  }
0x32a: {  	v7 =	vnsel vm1, $0x1, v8;
	[tilespmem:v9+s12+$0x0] =	vst.idx.msk $0x1, v6;
	v6 =	vmov s4  }
0x32b: {  	[tilespmem:v10+s12+$0x0] =	vst.idx.msk $0x1, v6;
	v6 =	vmov s21;
	v7 =	vadd.s32 v7, v11;
	s21 =	smov.u32 s0  }
0x32c: {  	[tilespmem:v11+s12+$0x0] =	vst.idx.msk $0x1, v6  }
0x32d: {  	v6 =	vld [tilespmem:s22+$0xFFFFFFC0]  }
0x32e: {  	v8 =	vld [tilespmem:s22+$0x10]  }
0x32f: {  	v9 =	vld [tilespmem:s22+$0xFFFFFFD0]  }
0x330: {  	v10 =	vld [tilespmem:s22+$0xFFFFFFE0]  }
0x331: {  	v11 =	vld [tilespmem:s22+$0xFFFFFFF0]  }
0x332: {  	v12 =	vld [tilespmem:s22+$0x0]  }
0x333: {  	vm1 =	veq.f32 v6, v6;
	vm2 =	veq.f32 v8, v8  }
0x334: {  	vm1 =	vmand vm1, vm0;
	vm3 =	veq.f32 v9, v9;
	vm2 =	vmand vm2, vm0  }
0x335: {  	v6 =	vmpcnt.ones.xlane vm1;
	vm1 =	vmand vm3, vm0;
	vm3 =	veq.f32 v10, v10  }
0x336: {  	v8 =	vmpcnt.ones.xlane vm1;
	vm1 =	vmand vm3, vm0;
	vm3 =	veq.f32 v11, v11  }
0x337: {  	v10 =	vmpcnt.ones.xlane vm2;
	vm4 =	vlt.s32 v6, $0x1;
	v9 =	vmpcnt.ones.xlane vm1  }
0x338: {  	v6 =	vnsel vm4, $0x1, v6;
	vm2 =	vmand vm3, vm0;
	vm1 =	vlt.s32 v8, $0x1;
	v11 =	vld [tilespmem:s22+$0x20]  }
0x339: {  	v13 =	vadd.s32 v7, v6;
	v8 =	vnsel vm1, $0x1, v8;
	vm1 =	vlt.s32 v9, $0x1  }
0x33a: {  	v6 =	vnsel vm1, $0x1, v9;
	v9 =	vmpcnt.ones.xlane vm2;
	v8 =	vadd.s32 v13, v8  }
0x33b: {  	s0 =	sadd.s32 $0xFFFFFFF9, s21;
	vm1 =	veq.f32 v12, v12;
	v6 =	vadd.s32 v8, v6  }
0x33c: {  	s4 =	sadd.s32 $0xFFFFFFFA, s21;
	v14 =	vmov s0;
	vm1 =	vmand vm1, vm0;
	vm2 =	vlt.s32 v9, $0x1;
	v12 =	vld [tilespmem:s22+$0x30]  }
0x33d: {  	v15 =	vmpcnt.ones.xlane vm1;
	v9 =	vnsel vm2, $0x1, v9;
	vm1 =	veq.f32 v11, v11;
	[tilespmem:v7+s12+$0x0] =	vst.idx.msk $0x1, v14  }
0x33e: {  	s0 =	sadd.s32 $0xFFFFFFFB, s21;
	vm2 =	vlt.s32 v10, $0x1;
	v7 =	vmov s4;
	vm1 =	vmand vm1, vm0  }
.Ltmp17:
0x33f: {  	vm3 =	vlt.s32 v15, $0x1;
	v10 =	vnsel vm2, $0x1, v10;
	v11 =	vmpcnt.ones.xlane vm1;
	[tilespmem:v13+s12+$0x0] =	vst.idx.msk $0x1, v7;
	(pc) =	sbr.rel @p0 .LBB2_25-.Ltmp17, $4  }
0x340: {  	s4 =	sadd.s32 $0xFFFFFFFC, s21;
	v14 =	vmov s0;
	v13 =	vnsel vm3, $0x1, v15;
	v7 =	vadd.s32 v6, v9  }
0x341: {  	v9 =	vadd.s32 v7, v13;
	vm1 =	vlt.s32 v11, $0x1;
	vm2 =	veq.f32 v12, v12;
	[tilespmem:v8+s12+$0x0] =	vst.idx.msk $0x1, v14  }
0x342: {  	v10 =	vadd.s32 v9, v10;
	v11 =	vnsel vm1, $0x1, v11;
	vm1 =	vmand vm2, vm0  }
0x343: {  	s23 =	sadd.s32 $0xFFFFFFFD, s21;
	v12 =	vmov s4;
	v8 =	vmpcnt.ones.xlane vm1;
	v11 =	vadd.s32 v10, v11  }
0x344: {  	_ = 	snop  }
0x345: {  	vm1 =	vlt.s32 v8, $0x1  }
0x346: {  	v8 =	vnsel vm1, $0x1, v8  }
0x347: {  	v8 =	vadd.s32 v8, v11  }
0x348: {  	v13 =	vand.u32 $0x1, v8  }
0x349: {  	vm1 =	veq.s32 v13, $0x0  }
0x34a: {  	v13 =	vsel vm1, $0x0, v4  }
0x34b: {  	(xrf0) =	vmax.scan.msk.f32 $0xffff, v13;
	_ =	sdelay $0x2  }
0x34c: {  	v14 =	vand.u32 $0x2, v8  }
0x34d: {  	v36 =	vand.u32 $0x4, v8;
	vm1 =	veq.s32 v14, $0x0  }
0x34e: {  	v37 =	vand.u32 $0x8, v8;
	v14 =	vsel vm1, $0x0, v4;
	vm1 =	veq.s32 v36, $0x0  }
0x34f: {  	v39 =	vand.u32 $0x10, v8;
	v38 =	vsel vm1, $0x0, v4;
	vm1 =	veq.s32 v37, $0x0;
	v13, _, _ =	vpop (xrf0);
	(xrf0) =	vmax.scan.msk.f32 $0xffff, v14  }
0x350: {  	v40 =	vsel vm1, $0x0, v4;
	vm1 =	veq.s32 v39, $0x0;
	(xrf0) =	vmax.scan.msk.f32 $0xffff, v38  }
0x351: {  	v41 =	vand.u32 $0x20, v8;
	v42 =	vsel vm1, $0x0, v4;
	(xrf0) =	vmax.scan.msk.f32 $0xffff, v40  }
0x352: {  	v43 =	vand.u32 $0x40, v8;
	vm1 =	veq.s32 v41, $0x0;
	(xrf0) =	vmax.scan.msk.f32 $0xffff, v42  }
0x353: {  	v44 =	vsel vm1, $0x0, v4;
	vm1 =	veq.s32 v43, $0x0  }
0x354: {  	v45 =	vand.u32 $0x80, v8;
	v46 =	vsel vm1, $0x0, v4;
	(xrf0) =	vmax.scan.msk.f32 $0xffff, v44  }
0x355: {  	v47 =	vand.u32 $0x100, v8;
	vm1 =	veq.s32 v45, $0x0;
	(v2sf) =	vpush v13, $0xF;
	(xrf0) =	vmax.scan.msk.f32 $0xffff, v46;
	v15, _, _ =	vpop (xrf0)  }
0x356: {  	v48 =	vsel vm1, $0x0, v4;
	vm1 =	veq.s32 v47, $0x0;
	(v2sf) =	vpush v15, $0xF;
	v52, _, _ =	vpop (xrf0)  }
0x357: {  	v49 =	vand.u32 $0x200, v8;
	v50 =	vsel vm1, $0x0, v4;
	(xrf0) =	vmax.scan.msk.f32 $0xffff, v48;
	(v2sf) =	vpush v52, $0xF;
	v54, _, _ =	vpop (xrf0)  }
0x358: {  	vm1 =	veq.s32 v49, $0x0;
	(xrf0) =	vmax.scan.msk.f32 $0xffff, v50;
	(v2sf) =	vpush v54, $0xF;
	v56, _, _ =	vpop (xrf0)  }
0x359: {  	v51 =	vand.u32 $0x400, v8;
	v53 =	vsel vm1, $0x0, v4;
	(v2sf) =	vpush v56, $0xF  }
0x35a: {  	vm1 =	veq.s32 v51, $0x0;
	(xrf0) =	vmax.scan.msk.f32 $0xffff, v53;
	v57, _, _ =	vpop (xrf0)  }
0x35b: {  	v55 =	vsel vm1, $0x0, v4;
	v58, _, _ =	vpop (xrf0);
	(v2sf) =	vpush v57, $0xF  }
0x35c: {  	(xrf0) =	vmax.scan.msk.f32 $0xffff, v55;
	(v2sf) =	vpush v58, $0xF  }
0x35d: {  	v59, _, _ =	vpop (xrf0)  }
0x35e: {  	v63 =	vand.u32 $0x800, v8;
	v60, _, _ =	vpop (xrf0);
	(v2sf) =	vpush v59, $0xF  }
0x35f: {  	vm1 =	veq.s32 v63, $0x0;
	(v2sf) =	vpush v60, $0xF  }
0x360: {  	v13 =	vsel vm1, $0x0, v4;
	v61, _, _ =	vpop (xrf0)  }
0x361: {  	(xrf0) =	vmax.scan.msk.f32 $0xffff, v13;
	(v2sf) =	vpush v61, $0xF  }
0x362: {  	v62, _, _ =	vpop (xrf0)  }
0x363: {  	(v2sf) =	vpush v62, $0xF  }
0x364: {  	s0 =	spop (v2sf)  }
0x365: {  	s4 =	spop (v2sf)  }
0x366: {  	s7 =	spop (v2sf)  }
0x367: {  	v13, _, _ =	vpop (xrf0);
	p0 =	sgt.f32 s4, $0.0e+00;
	s22 =	spop (v2sf)  }
0x368: {  	(v2sf) =	vpush v13, $0xF;
	p1 =	sgt.f32 s7, $0.0e+00;
	s7 =	simm.s32 $0x2;
	s24 =	spop (v2sf)  }
0x369: {  	s7 =	simm.s32 @!p0 $0x0;
	p0 =	sgt.f32 s22, $0.0e+00;
	s22 =	simm.s32 $0x4  }
0x36a: {  	s25 =	spop (v2sf);
	s22 =	simm.s32 @!p1 $0x0  }
0x36b: {  	p1 =	sgt.f32 s24, $0.0e+00;
	s24 =	simm.s32 $0x8;
	s26 =	spop (v2sf)  }
0x36c: {  	s24 =	simm.s32 @!p0 $0x0;
	p0 =	sgt.f32 s0, $0.0e+00;
	s0 =	simm.s32 $0x10  }
0x36d: {  	s28 =	spop (v2sf);
	s0 =	simm.s32 @!p1 $0x0  }
0x36e: {  	p1 =	sgt.f32 s25, $0.0e+00;
	s25 =	simm.s32 $0x10;
	s29 =	spop (v2sf)  }
0x36f: {  	s25 =	simm.s32 @!p0 $0xF;
	p0 =	sgt.f32 s26, $0.0e+00;
	s26 =	simm.s32 $0x20  }
0x370: {  	s30 =	spop (v2sf);
	s26 =	simm.s32 @!p1 $0x0  }
0x371: {  	p1 =	sgt.f32 s28, $0.0e+00;
	s7 =	sadd.s32 s7, s25;
	s25 =	simm.s32 $0x40  }
0x372: {  	s28 =	simm.s32 $0x80;
	s17 =	spop (v2sf);
	s7 =	sadd.s32 s22, s7  }
0x373: {  	s25 =	simm.s32 @!p0 $0x0;
	p0 =	sgt.f32 s29, $0.0e+00;
	s7 =	sadd.s32 s24, s7  }
0x374: {  	s22 =	simm.s32 $0x200;
	s28 =	simm.s32 @!p1 $0x0;
	s0 =	sadd.s32 s0, s7  }
0x375: {  	p1 =	sgt.f32 s30, $0.0e+00;
	s7 =	simm.s32 $0x100;
	s0 =	sadd.s32 s26, s0  }
0x376: {  	s24 =	simm.s32 $0x400;
	s7 =	simm.s32 @!p0 $0x0;
	s0 =	sadd.s32 s25, s0  }
0x377: {  	p0 =	sgt.f32 s17, $0.0e+00;
	s29 =	spop (v2sf);
	s0 =	sadd.s32 s28, s0  }
0x378: {  	s22 =	simm.s32 @!p1 $0x0;
	p1 =	sgt.f32 s29, $0.0e+00;
	s0 =	sadd.s32 s7, s0  }
0x379: {  	s4 =	simm.s32 $0x800;
	s24 =	simm.s32 @!p0 $0x0;
	s0 =	sadd.s32 s22, s0  }
0x37a: {  	s4 =	simm.s32 @!p1 $0x0;
	s0 =	sadd.s32 s24, s0  }
0x37b: {  	s0 =	sadd.s32 s4, s0  }
0x37c: {  	s22 =	sshrl.u32 s0, $0x4  }
0x37d: {  	p0 =	seq.s32 s22, $0x0  }
.Ltmp18:
0x37e: {  	[tilespmem:v6+s12+$0x0] =	vst.idx.msk $0x1, v12;
	v6 =	vmov s23;
	s30 =	sadd.s32 $0xFFFFFFFE, s21;
	(pc) =	sbr.rel @p0 .LBB2_27-.Ltmp18, $4  }
0x37f: {  	s31 =	sadd.s32 $0xFFFFFFFF, s21;
	[tilespmem:v7+s12+$0x0] =	vst.idx.msk $0x1, v6;
	v6 =	vmov s30  }
0x380: {  	[tilespmem:v9+s12+$0x0] =	vst.idx.msk $0x1, v6;
	v6 =	vmov s31  }
0x381: {  	[tilespmem:v10+s12+$0x0] =	vst.idx.msk $0x1, v6;
	v6 =	vmov s21  }
0x382: {  	[tilespmem:v11+s12+$0x0] =	vst.idx.msk $0x1, v6  }
0x383: {  	s21 =	sshll.u32 s22, $0x4;
	v7 =	vimm.s32 $0x0;
	s22 =	simm.s32 $0x0;
	v6 =	vimm.s32 $0x0  }
.LBB2_29:
0x384: {  	v9 =	vmov s22;
	_ =	sdelay $0x4  }
0x385: {  	v10 =	vld.idx.msk [tilespmem:v9+s12+$0x0], $0xffff;
	_ =	sdelay $0x4  }
0x386: {  	v10 =	vshll.u32 v10, $0x4  }
0x387: {  	v10 =	vor.u32 v1, v10;
	_ =	sdelay $0x4  }
0x388: {  	v11 =	vld.idx.msk [tilespmem:v10+s3+$0x0], $0xffff;
	_ =	sdelay $0x4  }
0x389: {  	vm1 =	veq.f32 v11, v11  }
0x38a: {  	vm2 =	vlt.s32 v9, v8;
	vm1 =	vmand vm1, vm0  }
0x38b: {  	vm1 =	vmand vm2, vm1  }
0x38c: {  	v9 =	vsel vm1, $0x1, v0  }
0x38d: {  	(xrf0) =	vadd.scan.msk.s32 $0xffff, v9;
	_ =	sdelay $0x4  }
0x38e: {  	v9 =	vsel vm1, $0xFFFFFFFF, v0  }
0x38f: {  	v9 =	vadd.s32 v9, v6;
	v11, _, _ =	vpop (xrf0)  }
0x390: {  	s0 =	sadd.s32 $0x1, s22;
	v9 =	vadd.s32 v11, v9  }
0x391: {  	v11 =	vmov s0;
	_ =	sdelay $0x3  }
0x392: {  	[tilespmem:v9+s16+$0x0] =	vst.idx.msk vm1, v10  }
0x393: {  	v9 =	vld.idx.msk [tilespmem:v11+s12+$0x0], $0xffff;
	_ =	sdelay $0x4  }
0x394: {  	v9 =	vshll.u32 v9, $0x4  }
0x395: {  	v9 =	vor.u32 v1, v9;
	_ =	sdelay $0x4  }
0x396: {  	v10 =	vld.idx.msk [tilespmem:v9+s3+$0x0], $0xffff;
	_ =	sdelay $0x4  }
0x397: {  	vm2 =	veq.f32 v10, v10  }
0x398: {  	vm3 =	vlt.s32 v11, v8;
	vm2 =	vmand vm2, vm0  }
0x399: {  	vm2 =	vmand vm3, vm2  }
0x39a: {  	v10 =	vsel vm2, $0x1, v0  }
0x39b: {  	(xrf0) =	vadd.scan.msk.s32 $0xffff, v10;
	_ =	sdelay $0x2  }
0x39c: {  	v10 =	vmpcnt.ones.xlane vm1;
	_ =	sdelay $0x1  }
0x39d: {  	v6 =	vadd.s32 v6, v10;
	v10 =	vsel vm2, $0xFFFFFFFF, v0  }
0x39e: {  	v10 =	vadd.s32 v10, v6;
	v11, _, _ =	vpop (xrf0)  }
0x39f: {  	s31 =	sadd.s32 $0x2, s22;
	v10 =	vadd.s32 v11, v10  }
0x3a0: {  	v11 =	vmov s31;
	_ =	sdelay $0x3  }
0x3a1: {  	[tilespmem:v10+s16+$0x0] =	vst.idx.msk vm2, v9  }
0x3a2: {  	v9 =	vld.idx.msk [tilespmem:v11+s12+$0x0], $0xffff;
	_ =	sdelay $0x4  }
0x3a3: {  	v9 =	vshll.u32 v9, $0x4  }
0x3a4: {  	v9 =	vor.u32 v1, v9;
	_ =	sdelay $0x4  }
0x3a5: {  	v10 =	vld.idx.msk [tilespmem:v9+s3+$0x0], $0xffff;
	_ =	sdelay $0x4  }
0x3a6: {  	vm1 =	veq.f32 v10, v10  }
0x3a7: {  	vm3 =	vlt.s32 v11, v8;
	vm1 =	vmand vm1, vm0  }
0x3a8: {  	vm1 =	vmand vm3, vm1  }
0x3a9: {  	v10 =	vsel vm1, $0x1, v0  }
0x3aa: {  	(xrf0) =	vadd.scan.msk.s32 $0xffff, v10;
	_ =	sdelay $0x2  }
0x3ab: {  	v10 =	vmpcnt.ones.xlane vm2;
	_ =	sdelay $0x1  }
0x3ac: {  	v6 =	vadd.s32 v6, v10;
	v10 =	vsel vm1, $0xFFFFFFFF, v0  }
0x3ad: {  	v10 =	vadd.s32 v10, v6;
	v11, _, _ =	vpop (xrf0)  }
0x3ae: {  	s4 =	sadd.s32 $0x3, s22;
	v10 =	vadd.s32 v11, v10  }
0x3af: {  	v11 =	vmov s4;
	_ =	sdelay $0x3  }
0x3b0: {  	[tilespmem:v10+s16+$0x0] =	vst.idx.msk vm1, v9  }
0x3b1: {  	v9 =	vld.idx.msk [tilespmem:v11+s12+$0x0], $0xffff;
	_ =	sdelay $0x4  }
0x3b2: {  	v9 =	vshll.u32 v9, $0x4  }
0x3b3: {  	v9 =	vor.u32 v1, v9;
	_ =	sdelay $0x4  }
0x3b4: {  	v10 =	vld.idx.msk [tilespmem:v9+s3+$0x0], $0xffff;
	_ =	sdelay $0x4  }
0x3b5: {  	vm2 =	veq.f32 v10, v10  }
0x3b6: {  	vm3 =	vlt.s32 v11, v8;
	vm2 =	vmand vm2, vm0  }
0x3b7: {  	vm2 =	vmand vm3, vm2  }
0x3b8: {  	v10 =	vsel vm2, $0x1, v0  }
0x3b9: {  	(xrf0) =	vadd.scan.msk.s32 $0xffff, v10;
	_ =	sdelay $0x2  }
0x3ba: {  	v10 =	vmpcnt.ones.xlane vm1;
	_ =	sdelay $0x1  }
0x3bb: {  	v6 =	vadd.s32 v6, v10;
	v10 =	vsel vm2, $0xFFFFFFFF, v0  }
0x3bc: {  	v10 =	vadd.s32 v10, v6;
	v11, _, _ =	vpop (xrf0)  }
0x3bd: {  	s7 =	sadd.s32 $0x4, s22;
	v10 =	vadd.s32 v11, v10  }
0x3be: {  	v11 =	vmov s7;
	_ =	sdelay $0x3  }
0x3bf: {  	[tilespmem:v10+s16+$0x0] =	vst.idx.msk vm2, v9  }
0x3c0: {  	v9 =	vld.idx.msk [tilespmem:v11+s12+$0x0], $0xffff;
	_ =	sdelay $0x4  }
0x3c1: {  	v9 =	vshll.u32 v9, $0x4  }
0x3c2: {  	v9 =	vor.u32 v1, v9;
	_ =	sdelay $0x4  }
0x3c3: {  	v10 =	vld.idx.msk [tilespmem:v9+s3+$0x0], $0xffff;
	_ =	sdelay $0x4  }
0x3c4: {  	vm1 =	veq.f32 v10, v10  }
0x3c5: {  	vm3 =	vlt.s32 v11, v8;
	vm1 =	vmand vm1, vm0  }
0x3c6: {  	vm1 =	vmand vm3, vm1  }
0x3c7: {  	v10 =	vsel vm1, $0x1, v0  }
0x3c8: {  	(xrf0) =	vadd.scan.msk.s32 $0xffff, v10;
	_ =	sdelay $0x2  }
0x3c9: {  	v10 =	vmpcnt.ones.xlane vm2;
	_ =	sdelay $0x1  }
0x3ca: {  	v6 =	vadd.s32 v6, v10;
	v10 =	vsel vm1, $0xFFFFFFFF, v0  }
0x3cb: {  	v10 =	vadd.s32 v10, v6;
	v11, _, _ =	vpop (xrf0)  }
0x3cc: {  	s8 =	sadd.s32 $0x5, s22;
	v10 =	vadd.s32 v11, v10  }
0x3cd: {  	v11 =	vmov s8;
	_ =	sdelay $0x3  }
0x3ce: {  	[tilespmem:v10+s16+$0x0] =	vst.idx.msk vm1, v9  }
0x3cf: {  	v9 =	vld.idx.msk [tilespmem:v11+s12+$0x0], $0xffff;
	_ =	sdelay $0x4  }
0x3d0: {  	v9 =	vshll.u32 v9, $0x4  }
0x3d1: {  	v9 =	vor.u32 v1, v9;
	_ =	sdelay $0x4  }
0x3d2: {  	v10 =	vld.idx.msk [tilespmem:v9+s3+$0x0], $0xffff;
	_ =	sdelay $0x4  }
0x3d3: {  	vm2 =	veq.f32 v10, v10  }
0x3d4: {  	vm3 =	vlt.s32 v11, v8;
	vm2 =	vmand vm2, vm0  }
0x3d5: {  	vm2 =	vmand vm3, vm2  }
0x3d6: {  	v10 =	vsel vm2, $0x1, v0  }
0x3d7: {  	(xrf0) =	vadd.scan.msk.s32 $0xffff, v10;
	_ =	sdelay $0x2  }
0x3d8: {  	v10 =	vmpcnt.ones.xlane vm1;
	_ =	sdelay $0x1  }
0x3d9: {  	v6 =	vadd.s32 v6, v10;
	v10 =	vsel vm2, $0xFFFFFFFF, v0  }
0x3da: {  	v10 =	vadd.s32 v10, v6;
	v11, _, _ =	vpop (xrf0)  }
0x3db: {  	s13 =	sadd.s32 $0x6, s22;
	v10 =	vadd.s32 v11, v10  }
0x3dc: {  	v11 =	vmov s13;
	_ =	sdelay $0x3  }
0x3dd: {  	[tilespmem:v10+s16+$0x0] =	vst.idx.msk vm2, v9  }
0x3de: {  	v9 =	vld.idx.msk [tilespmem:v11+s12+$0x0], $0xffff;
	_ =	sdelay $0x4  }
0x3df: {  	v9 =	vshll.u32 v9, $0x4  }
0x3e0: {  	v9 =	vor.u32 v1, v9;
	_ =	sdelay $0x4  }
0x3e1: {  	v10 =	vld.idx.msk [tilespmem:v9+s3+$0x0], $0xffff;
	_ =	sdelay $0x4  }
0x3e2: {  	vm1 =	veq.f32 v10, v10  }
0x3e3: {  	vm3 =	vlt.s32 v11, v8;
	vm1 =	vmand vm1, vm0  }
0x3e4: {  	vm1 =	vmand vm3, vm1  }
0x3e5: {  	v10 =	vsel vm1, $0x1, v0  }
0x3e6: {  	(xrf0) =	vadd.scan.msk.s32 $0xffff, v10;
	_ =	sdelay $0x2  }
0x3e7: {  	v10 =	vmpcnt.ones.xlane vm2;
	_ =	sdelay $0x1  }
0x3e8: {  	v6 =	vadd.s32 v6, v10;
	v10 =	vsel vm1, $0xFFFFFFFF, v0  }
0x3e9: {  	v10 =	vadd.s32 v10, v6;
	v11, _, _ =	vpop (xrf0)  }
0x3ea: {  	s17 =	sadd.s32 $0x7, s22;
	v10 =	vadd.s32 v11, v10  }
0x3eb: {  	v11 =	vmov s17;
	_ =	sdelay $0x3  }
0x3ec: {  	[tilespmem:v10+s16+$0x0] =	vst.idx.msk vm1, v9  }
0x3ed: {  	v9 =	vld.idx.msk [tilespmem:v11+s12+$0x0], $0xffff;
	_ =	sdelay $0x4  }
0x3ee: {  	v9 =	vshll.u32 v9, $0x4  }
0x3ef: {  	v9 =	vor.u32 v1, v9;
	_ =	sdelay $0x4  }
0x3f0: {  	v10 =	vld.idx.msk [tilespmem:v9+s3+$0x0], $0xffff;
	_ =	sdelay $0x4  }
0x3f1: {  	vm2 =	veq.f32 v10, v10  }
0x3f2: {  	vm3 =	vlt.s32 v11, v8;
	vm2 =	vmand vm2, vm0  }
0x3f3: {  	vm2 =	vmand vm3, vm2  }
0x3f4: {  	v10 =	vsel vm2, $0x1, v0  }
0x3f5: {  	(xrf0) =	vadd.scan.msk.s32 $0xffff, v10;
	_ =	sdelay $0x2  }
0x3f6: {  	v10 =	vmpcnt.ones.xlane vm1;
	_ =	sdelay $0x1  }
0x3f7: {  	v6 =	vadd.s32 v6, v10;
	v10 =	vsel vm2, $0xFFFFFFFF, v0  }
0x3f8: {  	v10 =	vadd.s32 v10, v6;
	v11, _, _ =	vpop (xrf0)  }
0x3f9: {  	s23 =	sadd.s32 $0x8, s22;
	v10 =	vadd.s32 v11, v10  }
0x3fa: {  	v11 =	vmov s23;
	_ =	sdelay $0x3  }
0x3fb: {  	[tilespmem:v10+s16+$0x0] =	vst.idx.msk vm2, v9  }
0x3fc: {  	v9 =	vld.idx.msk [tilespmem:v11+s12+$0x0], $0xffff;
	_ =	sdelay $0x4  }
0x3fd: {  	v9 =	vshll.u32 v9, $0x4  }
0x3fe: {  	v9 =	vor.u32 v1, v9;
	_ =	sdelay $0x4  }
0x3ff: {  	v10 =	vld.idx.msk [tilespmem:v9+s3+$0x0], $0xffff;
	_ =	sdelay $0x4  }
0x400: {  	vm1 =	veq.f32 v10, v10  }
0x401: {  	vm3 =	vlt.s32 v11, v8;
	vm1 =	vmand vm1, vm0  }
0x402: {  	vm1 =	vmand vm3, vm1  }
0x403: {  	v10 =	vsel vm1, $0x1, v0  }
0x404: {  	(xrf0) =	vadd.scan.msk.s32 $0xffff, v10;
	_ =	sdelay $0x2  }
0x405: {  	v10 =	vmpcnt.ones.xlane vm2;
	_ =	sdelay $0x1  }
0x406: {  	v6 =	vadd.s32 v6, v10;
	v10 =	vsel vm1, $0xFFFFFFFF, v0  }
0x407: {  	v10 =	vadd.s32 v10, v6;
	v11, _, _ =	vpop (xrf0)  }
0x408: {  	s24 =	sadd.s32 $0x9, s22;
	v10 =	vadd.s32 v11, v10  }
0x409: {  	v11 =	vmov s24;
	_ =	sdelay $0x3  }
0x40a: {  	[tilespmem:v10+s16+$0x0] =	vst.idx.msk vm1, v9  }
0x40b: {  	v9 =	vld.idx.msk [tilespmem:v11+s12+$0x0], $0xffff;
	_ =	sdelay $0x4  }
0x40c: {  	v9 =	vshll.u32 v9, $0x4  }
0x40d: {  	v9 =	vor.u32 v1, v9;
	_ =	sdelay $0x4  }
0x40e: {  	v10 =	vld.idx.msk [tilespmem:v9+s3+$0x0], $0xffff;
	_ =	sdelay $0x4  }
0x40f: {  	vm2 =	veq.f32 v10, v10  }
0x410: {  	vm3 =	vlt.s32 v11, v8;
	vm2 =	vmand vm2, vm0  }
0x411: {  	vm2 =	vmand vm3, vm2  }
0x412: {  	v10 =	vsel vm2, $0x1, v0  }
0x413: {  	(xrf0) =	vadd.scan.msk.s32 $0xffff, v10;
	_ =	sdelay $0x2  }
0x414: {  	v10 =	vmpcnt.ones.xlane vm1;
	_ =	sdelay $0x1  }
0x415: {  	v6 =	vadd.s32 v6, v10;
	v10 =	vsel vm2, $0xFFFFFFFF, v0  }
0x416: {  	v10 =	vadd.s32 v10, v6;
	v11, _, _ =	vpop (xrf0)  }
0x417: {  	s25 =	sadd.s32 $0xA, s22;
	v10 =	vadd.s32 v11, v10  }
0x418: {  	v11 =	vmov s25;
	_ =	sdelay $0x3  }
0x419: {  	[tilespmem:v10+s16+$0x0] =	vst.idx.msk vm2, v9  }
0x41a: {  	v9 =	vld.idx.msk [tilespmem:v11+s12+$0x0], $0xffff;
	_ =	sdelay $0x4  }
0x41b: {  	v9 =	vshll.u32 v9, $0x4  }
0x41c: {  	v9 =	vor.u32 v1, v9;
	_ =	sdelay $0x4  }
0x41d: {  	v10 =	vld.idx.msk [tilespmem:v9+s3+$0x0], $0xffff;
	_ =	sdelay $0x4  }
0x41e: {  	vm1 =	veq.f32 v10, v10  }
0x41f: {  	vm3 =	vlt.s32 v11, v8;
	vm1 =	vmand vm1, vm0  }
0x420: {  	vm1 =	vmand vm3, vm1  }
0x421: {  	v10 =	vsel vm1, $0x1, v0  }
0x422: {  	(xrf0) =	vadd.scan.msk.s32 $0xffff, v10;
	_ =	sdelay $0x2  }
0x423: {  	v10 =	vmpcnt.ones.xlane vm2;
	_ =	sdelay $0x1  }
0x424: {  	v6 =	vadd.s32 v6, v10;
	v10 =	vsel vm1, $0xFFFFFFFF, v0  }
0x425: {  	v10 =	vadd.s32 v10, v6;
	v11, _, _ =	vpop (xrf0)  }
0x426: {  	s26 =	sadd.s32 $0xB, s22;
	v10 =	vadd.s32 v11, v10  }
0x427: {  	v11 =	vmov s26;
	_ =	sdelay $0x3  }
0x428: {  	[tilespmem:v10+s16+$0x0] =	vst.idx.msk vm1, v9  }
0x429: {  	v9 =	vld.idx.msk [tilespmem:v11+s12+$0x0], $0xffff;
	_ =	sdelay $0x4  }
0x42a: {  	v9 =	vshll.u32 v9, $0x4  }
0x42b: {  	v9 =	vor.u32 v1, v9;
	_ =	sdelay $0x4  }
0x42c: {  	v10 =	vld.idx.msk [tilespmem:v9+s3+$0x0], $0xffff;
	_ =	sdelay $0x4  }
0x42d: {  	vm2 =	veq.f32 v10, v10  }
0x42e: {  	vm3 =	vlt.s32 v11, v8;
	vm2 =	vmand vm2, vm0  }
0x42f: {  	vm2 =	vmand vm3, vm2  }
0x430: {  	v10 =	vsel vm2, $0x1, v0  }
0x431: {  	(xrf0) =	vadd.scan.msk.s32 $0xffff, v10;
	_ =	sdelay $0x2  }
0x432: {  	v10 =	vmpcnt.ones.xlane vm1;
	_ =	sdelay $0x1  }
0x433: {  	v6 =	vadd.s32 v6, v10;
	v10 =	vsel vm2, $0xFFFFFFFF, v0  }
0x434: {  	v10 =	vadd.s32 v10, v6;
	v11, _, _ =	vpop (xrf0)  }
0x435: {  	s28 =	sadd.s32 $0xC, s22;
	v10 =	vadd.s32 v11, v10  }
0x436: {  	v11 =	vmov s28;
	_ =	sdelay $0x3  }
0x437: {  	[tilespmem:v10+s16+$0x0] =	vst.idx.msk vm2, v9  }
0x438: {  	v9 =	vld.idx.msk [tilespmem:v11+s12+$0x0], $0xffff;
	_ =	sdelay $0x4  }
0x439: {  	v9 =	vshll.u32 v9, $0x4  }
0x43a: {  	v9 =	vor.u32 v1, v9;
	_ =	sdelay $0x4  }
0x43b: {  	v10 =	vld.idx.msk [tilespmem:v9+s3+$0x0], $0xffff;
	_ =	sdelay $0x4  }
0x43c: {  	vm1 =	veq.f32 v10, v10  }
0x43d: {  	vm3 =	vlt.s32 v11, v8;
	vm1 =	vmand vm1, vm0  }
0x43e: {  	vm1 =	vmand vm3, vm1  }
0x43f: {  	v10 =	vsel vm1, $0x1, v0  }
0x440: {  	(xrf0) =	vadd.scan.msk.s32 $0xffff, v10;
	_ =	sdelay $0x2  }
0x441: {  	v10 =	vmpcnt.ones.xlane vm2;
	_ =	sdelay $0x1  }
0x442: {  	v6 =	vadd.s32 v6, v10;
	v10 =	vsel vm1, $0xFFFFFFFF, v0  }
0x443: {  	v10 =	vadd.s32 v10, v6;
	v11, _, _ =	vpop (xrf0)  }
0x444: {  	s29 =	sadd.s32 $0xD, s22;
	v10 =	vadd.s32 v11, v10  }
0x445: {  	v11 =	vmov s29;
	_ =	sdelay $0x3  }
0x446: {  	[tilespmem:v10+s16+$0x0] =	vst.idx.msk vm1, v9  }
0x447: {  	v9 =	vld.idx.msk [tilespmem:v11+s12+$0x0], $0xffff;
	_ =	sdelay $0x4  }
0x448: {  	v9 =	vshll.u32 v9, $0x4  }
0x449: {  	v9 =	vor.u32 v1, v9;
	_ =	sdelay $0x4  }
0x44a: {  	v10 =	vld.idx.msk [tilespmem:v9+s3+$0x0], $0xffff;
	_ =	sdelay $0x4  }
0x44b: {  	vm2 =	veq.f32 v10, v10  }
0x44c: {  	vm3 =	vlt.s32 v11, v8;
	vm2 =	vmand vm2, vm0  }
0x44d: {  	vm2 =	vmand vm3, vm2  }
0x44e: {  	v10 =	vsel vm2, $0x1, v0  }
0x44f: {  	(xrf0) =	vadd.scan.msk.s32 $0xffff, v10;
	_ =	sdelay $0x2  }
0x450: {  	v10 =	vmpcnt.ones.xlane vm1;
	_ =	sdelay $0x1  }
0x451: {  	v6 =	vadd.s32 v6, v10;
	v10 =	vsel vm2, $0xFFFFFFFF, v0  }
0x452: {  	v10 =	vadd.s32 v10, v6;
	v11, _, _ =	vpop (xrf0)  }
0x453: {  	s30 =	sadd.s32 $0xE, s22;
	v10 =	vadd.s32 v11, v10  }
0x454: {  	v11 =	vmov s30;
	_ =	sdelay $0x3  }
0x455: {  	[tilespmem:v10+s16+$0x0] =	vst.idx.msk vm2, v9  }
0x456: {  	v9 =	vld.idx.msk [tilespmem:v11+s12+$0x0], $0xffff;
	_ =	sdelay $0x4  }
0x457: {  	v9 =	vshll.u32 v9, $0x4  }
0x458: {  	v9 =	vor.u32 v1, v9;
	_ =	sdelay $0x4  }
0x459: {  	v10 =	vld.idx.msk [tilespmem:v9+s3+$0x0], $0xffff;
	_ =	sdelay $0x4  }
0x45a: {  	vm1 =	veq.f32 v10, v10  }
0x45b: {  	vm3 =	vlt.s32 v11, v8;
	vm1 =	vmand vm1, vm0  }
0x45c: {  	vm1 =	vmand vm3, vm1  }
0x45d: {  	v10 =	vsel vm1, $0x1, v0  }
0x45e: {  	(xrf0) =	vadd.scan.msk.s32 $0xffff, v10;
	_ =	sdelay $0x2  }
0x45f: {  	v10 =	vmpcnt.ones.xlane vm2;
	_ =	sdelay $0x1  }
0x460: {  	v6 =	vadd.s32 v6, v10;
	v10 =	vsel vm1, $0xFFFFFFFF, v0  }
0x461: {  	v10 =	vadd.s32 v10, v6;
	v11, _, _ =	vpop (xrf0)  }
0x462: {  	s31 =	sadd.s32 $0xF, s22;
	v10 =	vadd.s32 v11, v10  }
0x463: {  	v11 =	vmov s31;
	_ =	sdelay $0x3  }
0x464: {  	[tilespmem:v10+s16+$0x0] =	vst.idx.msk vm1, v9  }
0x465: {  	v9 =	vld.idx.msk [tilespmem:v11+s12+$0x0], $0xffff;
	_ =	sdelay $0x4  }
0x466: {  	v9 =	vshll.u32 v9, $0x4  }
0x467: {  	v9 =	vor.u32 v1, v9;
	_ =	sdelay $0x4  }
0x468: {  	v10 =	vld.idx.msk [tilespmem:v9+s3+$0x0], $0xffff;
	_ =	sdelay $0x4  }
0x469: {  	vm2 =	veq.f32 v10, v10  }
0x46a: {  	vm3 =	vlt.s32 v11, v8;
	vm2 =	vmand vm2, vm0  }
0x46b: {  	vm2 =	vmand vm3, vm2  }
0x46c: {  	v10 =	vsel vm2, $0x1, v0  }
0x46d: {  	(xrf0) =	vadd.scan.msk.s32 $0xffff, v10;
	_ =	sdelay $0x2  }
0x46e: {  	v10 =	vmpcnt.ones.xlane vm1;
	_ =	sdelay $0x1  }
0x46f: {  	v6 =	vadd.s32 v6, v10;
	v10 =	vsel vm2, $0xFFFFFFFF, v0  }
0x470: {  	s22 =	sadd.s32 $0x10, s22;
	v10 =	vadd.s32 v10, v6;
	v11, _, _ =	vpop (xrf0)  }
0x471: {  	p0 =	sne.s32 s21, s22;
	v10 =	vadd.s32 v11, v10  }
.Ltmp19:
0x472: {  	_ = 	snop;
	(pc) =	sbr.rel @p0 .LBB2_29-.Ltmp19, $3  }
0x473: {  	_ = 	snop  }
0x474: {  	v11 =	vmpcnt.ones.xlane vm2;
	_ =	sdelay $0x1  }
0x475: {  	v6 =	vadd.s32 v6, v11;
	[tilespmem:v10+s16+$0x0] =	vst.idx.msk vm2, v9  }
.Ltmp20:
0x476: {  	_ = 	snop;
	(pc) =	sbr.rel .LBB2_30-.Ltmp20, $1  }
0x477: {  	_ =	sdelay $0x3  }
.LBB2_27:
0x478: {  	v6 =	vimm.s32 $0x0;
	v7 =	vimm.s32 $0x0  }
.LBB2_30:
0x479: {  	v8 =	vand.u32 $0x1, v6  }
0x47a: {  	vm0 =	veq.s32 v8, $0x0;
	v8 =	vand.u32 $0x2, v6  }
0x47b: {  	v9 =	vsel vm0, $0x0, v4;
	vm12 =	veq.s32 v8, $0x0;
	v8 =	vand.u32 $0x4, v6  }
0x47c: {  	(xrf0) =	vmax.scan.msk.f32 $0xffff, v9;
	v9 =	vsel vm12, $0x0, v4;
	vm13 =	veq.s32 v8, $0x0;
	v8 =	vand.u32 $0x8, v6  }
0x47d: {  	(xrf0) =	vmax.scan.msk.f32 $0xffff, v9;
	v9 =	vsel vm13, $0x0, v4;
	vm14 =	veq.s32 v8, $0x0  }
0x47e: {  	(xrf0) =	vmax.scan.msk.f32 $0xffff, v9;
	v8 =	vsel vm14, $0x0, v4  }
0x47f: {  	(xrf0) =	vmax.scan.msk.f32 $0xffff, v8;
	_ =	sdelay $0x2  }
0x480: {  	v8, _, _ =	vpop (xrf0)  }
0x481: {  	(v2sf) =	vpush v8, $0xF;
	v8, _, _ =	vpop (xrf0)  }
0x482: {  	(v2sf) =	vpush v8, $0xF;
	v8, _, _ =	vpop (xrf0)  }
0x483: {  	(v2sf) =	vpush v8, $0xF;
	v8, _, _ =	vpop (xrf0)  }
0x484: {  	v9 =	vand.u32 $0x10, v6;
	(v2sf) =	vpush v8, $0xF;
	v8 =	vand.u32 $0x20, v6  }
0x485: {  	vm15 =	veq.s32 v9, $0x0;
	vm4 =	veq.s32 v8, $0x0;
	v8 =	vand.u32 $0x40, v6  }
0x486: {  	v9 =	vsel vm15, $0x0, v4;
	vm5 =	veq.s32 v8, $0x0;
	v8 =	vand.u32 $0x80, v6  }
0x487: {  	(xrf0) =	vmax.scan.msk.f32 $0xffff, v9;
	v9 =	vsel vm4, $0x0, v4;
	vm6 =	veq.s32 v8, $0x0;
	v8 =	vand.u32 $0x100, v6  }
0x488: {  	(xrf0) =	vmax.scan.msk.f32 $0xffff, v9;
	v9 =	vsel vm5, $0x0, v4;
	vm7 =	veq.s32 v8, $0x0;
	v8 =	vand.u32 $0x200, v6  }
0x489: {  	(xrf0) =	vmax.scan.msk.f32 $0xffff, v9;
	v9 =	vsel vm6, $0x0, v4;
	vm8 =	veq.s32 v8, $0x0;
	v8 =	vand.u32 $0x400, v6  }
0x48a: {  	(xrf0) =	vmax.scan.msk.f32 $0xffff, v9;
	v9 =	vsel vm7, $0x0, v4;
	vm9 =	veq.s32 v8, $0x0;
	v8 =	vand.u32 $0x800, v6  }
0x48b: {  	(xrf0) =	vmax.scan.msk.f32 $0xffff, v9;
	v9 =	vsel vm8, $0x0, v4;
	vm10 =	veq.s32 v8, $0x0;
	v8 =	vand.u32 $0x1000, v6  }
0x48c: {  	(xrf0) =	vmax.scan.msk.f32 $0xffff, v9;
	v9 =	vsel vm9, $0x0, v4;
	vm11 =	veq.s32 v8, $0x0;
	v8 =	vand.u32 $0x2000, v6  }
0x48d: {  	v10, _, _ =	vpop (xrf0);
	(xrf0) =	vmax.scan.msk.f32 $0xffff, v9;
	v9 =	vsel vm10, $0x0, v4  }
0x48e: {  	(v2sf) =	vpush v10, $0xF;
	v10, _, _ =	vpop (xrf0);
	(xrf0) =	vmax.scan.msk.f32 $0xffff, v9;
	v9 =	vsel vm11, $0x0, v4;
	vm12 =	veq.s32 v8, $0x0  }
0x48f: {  	(v2sf) =	vpush v10, $0xF;
	v8, _, _ =	vpop (xrf0);
	(xrf0) =	vmax.scan.msk.f32 $0xffff, v9;
	v9 =	vsel vm12, $0x0, v4  }
0x490: {  	(v2sf) =	vpush v8, $0xF;
	v8, _, _ =	vpop (xrf0)  }
0x491: {  	(v2sf) =	vpush v8, $0xF;
	v8 =	vand.u32 $0x4000, v6  }
0x492: {  	(xrf0) =	vmax.scan.msk.f32 $0xffff, v9;
	v9, _, _ =	vpop (xrf0);
	vm13 =	veq.s32 v8, $0x0  }
0x493: {  	v10, _, _ =	vpop (xrf0);
	(v2sf) =	vpush v9, $0xF;
	v9 =	vsel vm13, $0x0, v4  }
0x494: {  	v8, _, _ =	vpop (xrf0);
	(xrf0) =	vmax.scan.msk.f32 $0xffff, v9  }
0x495: {  	(v2sf) =	vpush v10, $0xF;
	v10 =	vand.u32 $0x8000, v6  }
0x496: {  	(v2sf) =	vpush v8, $0xF;
	v8, _, _ =	vpop (xrf0);
	vm14 =	veq.s32 v10, $0x0  }
0x497: {  	(v2sf) =	vpush v8, $0xF;
	v8 =	vsel vm14, $0x0, v4  }
0x498: {  	v9, _, _ =	vpop (xrf0)  }
0x499: {  	(v2sf) =	vpush v9, $0xF;
	v9, _, _ =	vpop (xrf0);
	(xrf0) =	vmax.scan.msk.f32 $0xffff, v8  }
0x49a: {  	(v2sf) =	vpush v9, $0xF;
	v8, _, _ =	vpop (xrf0)  }
0x49b: {  	s0 =	spop (v2sf);
	(v2sf) =	vpush v8, $0xF;
	_ =	sdelay $0x1  }
0x49c: {  	s4 =	spop (v2sf)  }
0x49d: {  	s7 =	spop (v2sf)  }
0x49e: {  	s21 =	spop (v2sf);
	v8, _, _ =	vpop (xrf0)  }
0x49f: {  	s22 =	spop (v2sf);
	(v2sf) =	vpush v8, $0xF;
	v8 =	vsub.s32 v5, v7  }
0x4a0: {  	s23 =	spop (v2sf);
	vm15 =	vgt.s32 v8, $0x1  }
0x4a1: {  	s24 =	spop (v2sf);
	v9 =	vsel vm15, $0x3F800000, v2  }
0x4a2: {  	s8 =	simm.s32 $0x2;
	s25 =	spop (v2sf);
	(xrf0) =	vmax.scan.msk.f32 $0xffff, v9  }
0x4a3: {  	s13 =	simm.s32 $0x20;
	p0 =	sgt.f32 s4, $0.0e+00;
	s26 =	spop (v2sf)  }
0x4a4: {  	p1 =	sgt.f32 s7, $0.0e+00;
	s7 =	simm.s32 $0x4;
	s28 =	spop (v2sf)  }
0x4a5: {  	s8 =	simm.s32 @!p0 $0x0;
	p0 =	sgt.f32 s21, $0.0e+00;
	s29 =	spop (v2sf)  }
0x4a6: {  	s21 =	simm.s32 $0x8;
	s7 =	simm.s32 @!p1 $0x0;
	s30 =	spop (v2sf)  }
0x4a7: {  	s21 =	simm.s32 @!p0 $0x0;
	p1 =	sgt.f32 s22, $0.0e+00;
	s31 =	spop (v2sf)  }
0x4a8: {  	s22 =	simm.s32 $0x10;
	p0 =	sgt.f32 s23, $0.0e+00;
	s4 =	spop (v2sf);
	v9, _, _ =	vpop (xrf0)  }
0x4a9: {  	s22 =	simm.s32 @!p1 $0x0;
	p1 =	sgt.f32 s0, $0.0e+00;
	s23 =	spop (v2sf);
	(v2sf) =	vpush v9, $0xF  }
0x4aa: {  	s13 =	simm.s32 @!p0 $0x0;
	p0 =	sgt.f32 s24, $0.0e+00;
	s24 =	simm.s32 $0x10  }
0x4ab: {  	s17 =	simm.s32 $0x40;
	s24 =	simm.s32 @!p1 $0xF;
	p1 =	sgt.f32 s25, $0.0e+00  }
0x4ac: {  	s25 =	simm.s32 $0x80;
	s17 =	simm.s32 @!p0 $0x0  }
0x4ad: {  	s8 =	sadd.s32 s8, s24;
	s25 =	simm.s32 @!p1 $0x0;
	p0 =	sgt.f32 s26, $0.0e+00  }
0x4ae: {  	s7 =	sadd.s32 s7, s8;
	s8 =	simm.s32 $0x100;
	p1 =	sgt.f32 s28, $0.0e+00  }
0x4af: {  	s7 =	sadd.s32 s21, s7;
	s21 =	simm.s32 $0x200;
	s8 =	simm.s32 @!p0 $0x0  }
0x4b0: {  	s7 =	sadd.s32 s22, s7;
	p0 =	sgt.f32 s29, $0.0e+00;
	s21 =	simm.s32 @!p1 $0x0  }
0x4b1: {  	s7 =	sadd.s32 s13, s7;
	s13 =	simm.s32 $0x400;
	p1 =	sgt.f32 s30, $0.0e+00  }
0x4b2: {  	s7 =	sadd.s32 s17, s7;
	s13 =	simm.s32 @!p0 $0x0;
	s17 =	simm.s32 $0x800  }
0x4b3: {  	p0 =	sgt.f32 s31, $0.0e+00;
	s7 =	sadd.s32 s25, s7;
	s17 =	simm.s32 @!p1 $0x0  }
0x4b4: {  	p1 =	sgt.f32 s4, $0.0e+00;
	s7 =	sadd.s32 s8, s7;
	s8 =	simm.s32 $0x1000  }
0x4b5: {  	s29 =	sadd.s32 s21, s7;
	s8 =	simm.s32 @!p0 $0x0;
	s7 =	simm.s32 $0x2000  }
0x4b6: {  	s4 =	sadd.s32 s13, s29;
	s7 =	simm.s32 @!p1 $0x0;
	s0 =	spop (v2sf)  }
0x4b7: {  	p0 =	sgt.f32 s23, $0.0e+00;
	s4 =	sadd.s32 s17, s4;
	p1 =	sgt.f32 s0, $0.0e+00  }
0x4b8: {  	s30 =	sadd.s32 s8, s4;
	s4 =	simm.s32 $0x8000;
	s31 =	spop (v2sf)  }
0x4b9: {  	s13 =	simm.s32 $0x4000;
	s4 =	simm.s32 @!p1 $0x0;
	p1 =	sgt.f32 s31, $0.0e+00  }
.Ltmp21:
0x4ba: {  	s13 =	simm.s32 @!p0 $0x0;
	s0 =	sadd.s32 s7, s30;
	(pc) =	sbr.rel @p1 .LBB2_31-.Ltmp21, $4  }
0x4bb: {  	s0 =	sadd.s32 s13, s0  }
0x4bc: {  	s0 =	sadd.s32 s4, s0  }
0x4bd: {  	s22 =	sshrl.u32 s0, $0x4  }
0x4be: {  	s21 =	sand.u32 $0xFFFFFFF0, s0;
	p0 =	seq.s32 s22, $0x0  }
.LBB2_37:
.Ltmp22:
0x4bf: {  	(pc) =	sbr.rel @p0 .LBB2_42-.Ltmp22, $1  }
0x4c0: {  	_ =	sdelay $0x3  }
0x4c1: {  	s23 =	simm.s32 $0x8080  }
0x4c2: {  	s24 =	simm.s32 $0x0;
	v9 =	vld [tilespmem:s23+$0x0]  }
0x4c3: {  	v5 =	vor.u32 s24, v1  }
0x4c4: {  	vm1 =	vlt.s32 v5, v6  }
0x4c5: {  	p0 =	sne.s32 s21, $0x10  }
.Ltmp23:
0x4c6: {  	_ = 	snop;
	(pc) =	sbr.rel @!p0 .LBB2_40-.Ltmp23, $3  }
0x4c7: {  	_ =	sdelay $0x1  }
0x4c8: {  	v8 =	vadd.s32 $0x1, v7  }
0x4c9: {  	s25 =	simm.s32 $0x10;
	s26 =	simm.s32 $0x8090;
	v5 =	vimm.s32 $0x0;
	vm0 =	vmmov vm1;
	v10 =	vld.idx.msk [tilespmem:v9+s3+$0x0], vm1;
	v9 =	vimm.s32 $0x0  }
.LBB2_39:
0x4ca: {  	v11 =	vld [tilespmem:s26+$0x0];
	s0 =	smov.u32 s25;
	s25 =	sadd.s32 $0x10, s25  }
0x4cb: {  	v12 =	vor.u32 s0, v1;
	p0 =	sne.s32 s21, s25  }
0x4cc: {  	vm1 =	vlt.s32 v12, v6;
	_ =	sdelay $0x1  }
.Ltmp24:
0x4cd: {  	(pc) =	sbr.rel @p0 .LBB2_39-.Ltmp24, $4  }
0x4ce: {  	vm2 =	vle.s32 v8, v10  }
0x4cf: {  	vm2 =	vmand vm0, vm2;
	vm0 =	vmmov vm1  }
0x4d0: {  	v12 =	vsel vm2, $0x1, v0  }
0x4d1: {  	s26 =	sadd.s32 $0x10, s26;
	v9 =	vadd.s32 v12, v9;
	v10 =	vld.idx.msk [tilespmem:v11+s3+$0x0], vm1  }
.LBB2_40:
0x4d2: {  	_ =	sdelay $0x3  }
0x4d3: {  	vm1 =	vle.s32 v8, v10  }
0x4d4: {  	vm0 =	vmand vm0, vm1  }
0x4d5: {  	v8 =	vsel vm0, $0x1, v0  }
0x4d6: {  	v8 =	vadd.s32 v8, v9  }
0x4d7: {  	(xrf0) =	vadd.scan.msk.s32 $0xffff, v8;
	_ =	sdelay $0x5  }
0x4d8: {  	v8, _, _ =	vpop (xrf0)  }
0x4d9: {  	v8 =	vperm.xlane v8, v3;
	_ =	sdelay $0x1  }
0x4da: {  	v8 =	vxor.u32 $0x80000000, v8  }
0x4db: {  	(xrf0) =	vmax.scan.msk.u32 $0xffff, v8;
	_ =	sdelay $0x5  }
0x4dc: {  	v8, _, _ =	vpop (xrf0)  }
0x4dd: {  	v8 =	vxor.u32 $0x80000000, v8  }
0x4de: {  	v8 =	vsub.s32 $0x40, v8  }
.LBB2_41:
0x4df: {  	v9 =	vld [tilespmem:s23+$0x0]  }
0x4e0: {  	v10 =	vor.u32 s24, v1  }
0x4e1: {  	vm0 =	vlt.s32 v10, v6;
	_ =	sdelay $0x5  }
0x4e2: {  	v10 =	vld.idx.msk [tilespmem:v9+s3+$0x0], vm0;
	_ =	sdelay $0x4  }
0x4e3: {  	vm1 =	veq.s32 v7, v10  }
0x4e4: {  	vm1 =	vmand vm0, vm1  }
0x4e5: {  	v11 =	vsel vm1, $0x1, v0  }
0x4e6: {  	(xrf0) =	vadd.scan.msk.s32 $0xffff, v11;
	_ =	sdelay $0x5  }
0x4e7: {  	v11, _, _ =	vpop (xrf0)  }
0x4e8: {  	v11 =	vadd.s32 v5, v11  }
0x4e9: {  	vm2 =	vlt.s32 v7, v10;
	vm3 =	vle.s32 v11, v8  }
0x4ea: {  	vm0 =	vmand vm0, vm2;
	vm15 =	vmand vm1, vm3  }
0x4eb: {  	s24 =	sadd.s32 $0x10, s24;
	vm0 =	vmor vm0, vm15  }
0x4ec: {  	p0 =	seq.s32 s21, s24  }
.Ltmp25:
0x4ed: {  	_ = 	snop;
	(pc) =	sbr.rel @!p0 .LBB2_41-.Ltmp25, $4  }
0x4ee: {  	_ = 	snop  }
0x4ef: {  	v11 =	vmpcnt.ones.xlane vm1  }
0x4f0: {  	v10 =	vmax.f32 v10, $0.0e+00  }
0x4f1: {  	s23 =	sadd.s32 $0x10, s23;
	v5 =	vadd.s32 v5, v11;
	[tilespmem:v9+s14+$0x0] =	vst.idx.msk vm0, v10  }
.LBB2_42:
0x4f2: {  	p0 =	seq.s32 s18, $0x3  }
.Ltmp26:
0x4f3: {  	_ = 	snop;
	(pc) =	sbr.rel @p0 .LBB2_44-.Ltmp26, $3  }
0x4f4: {  	_ =	sdelay $0x1  }
0x4f5: {  	s0 =	sadd.s32 s2, s20  }
0x4f6: {  	[hbm4b:s0+s9] =	stream.strided.scatter [tilespmem:s14], [sflag:$0x2], $0x8000, s10, s9, $0x38;
	[tilespmem:$0x18880] =	vst v63  }
0x4f7: {  	s0 =	sadd.s32 $0x1, s19  }
.Ltmp27:
0x4f8: {  	s4 =	sshll.u32 s0, $0x4;
	(pc) =	sbr.rel .LBB2_6-.Ltmp27, $4  }
0x4f9: {  	s0 =	sshll.u32 s0, $0xC;
	s4 =	sand.u32 $0x70, s4  }
0x4fa: {  	s0 =	sand.u32 $0xFFF8000, s0;
	s4 =	sadd.s32 s1, s4  }
0x4fb: {  	s18 =	sadd.s32 $0x1, s18;
	s0 =	sadd.s32 s0, s4  }
0x4fc: {  	[tilespmem:s3], [sflag:$0x1] =	stream.strided.gather [hbm4b:s0+s9], $0x8000, s10, s9, $0x38;
	[tilespmem:$0x18880] =	vst v63  }
.LBB2_32:
0x4fd: {  	v14 =	vimm.s32 $0x0;
	v12 =	vimm.s32 $0x0  }
.LBB2_36:
0x4fe: {  	(xrf0) =	vadd.scan.msk.s32 $0xffff, v11;
	_ =	sdelay $0x5  }
0x4ff: {  	v11, _, _ =	vpop (xrf0)  }
0x500: {  	v11 =	vperm.xlane v11, v3;
	_ =	sdelay $0x1  }
0x501: {  	v11 =	vxor.u32 $0x80000000, v11  }
0x502: {  	(xrf0) =	vmax.scan.msk.u32 $0xffff, v11  }
0x503: {  	(xrf0) =	vadd.scan.msk.s32 $0xffff, v14;
	_ =	sdelay $0x4  }
0x504: {  	v11, _, _ =	vpop (xrf0)  }
0x505: {  	v13, _, _ =	vpop (xrf0)  }
0x506: {  	v13 =	vperm.xlane v13, v3;
	_ =	sdelay $0x1  }
0x507: {  	v13 =	vxor.u32 $0x80000000, v13  }
0x508: {  	(xrf0) =	vmax.scan.msk.u32 $0xffff, v13  }
0x509: {  	(xrf0) =	vadd.scan.msk.s32 $0xffff, v12;
	_ =	sdelay $0x4  }
0x50a: {  	v62, _, _ =	vpop (xrf0)  }
0x50b: {  	v63, _, _ =	vpop (xrf0)  }
0x50c: {  	v13 =	vperm.xlane v63, v3;
	_ =	sdelay $0x1  }
0x50d: {  	v13 =	vxor.u32 $0x80000000, v13  }
0x50e: {  	(xrf0) =	vmax.scan.msk.u32 $0xffff, v13;
	_ =	sdelay $0x4  }
0x50f: {  	vm0 =	vgt.u32 v11, $0x8000003F  }
0x510: {  	v7 =	vsel vm0, v10, v7;
	v10 =	vsel vm0, v8, v10;
	vm1 =	vgt.u32 v62, $0x8000003F;
	v11, _, _ =	vpop (xrf0)  }
0x511: {  	v7 =	vsel vm1, v8, v7;
	v8 =	vsel vm1, v9, v10;
	vm14 =	vgt.u32 v11, $0x8000003F  }
0x512: {  	v7 =	vsel vm14, v9, v7;
	v5 =	vsel vm14, v5, v8  }
0x513: {  	v8 =	vsub.s32 v5, v7  }
0x514: {  	vm15 =	vgt.s32 v8, $0x1  }
0x515: {  	v9 =	vsel vm15, $0x3F800000, v2  }
0x516: {  	(xrf0) =	vmax.scan.msk.f32 $0xffff, v9;
	_ =	sdelay $0x5  }
0x517: {  	v9, _, _ =	vpop (xrf0)  }
0x518: {  	(v2sf) =	vpush v9, $0xF;
	_ =	sdelay $0xe  }
0x519: {  	s0 =	spop (v2sf)  }
0x51a: {  	p1 =	sgt.f32 s0, $0.0e+00  }
.Ltmp28:
0x51b: {  	_ = 	snop;
	(pc) =	sbr.rel @!p1 .LBB2_37-.Ltmp28, $1  }
0x51c: {  	_ =	sdelay $0x3  }
.LBB2_31:
.Ltmp29:
0x51d: {  	(pc) =	sbr.rel @p0 .LBB2_32-.Ltmp29, $4  }
0x51e: {  	_ = 	snop  }
0x51f: {  	v9 =	vshrl.u32 v8, $0x1  }
0x520: {  	v11 =	vshrl.u32 v8, $0x2;
	v8 =	vadd.s32 v7, v9  }
0x521: {  	v10 =	vadd.s32 v7, v11;
	v9 =	vadd.s32 v11, v8;
	v11 =	vimm.s32 $0x0  }
0x522: {  	s0 =	simm.s32 $0x8080  }
0x523: {  	s4 =	simm.s32 $0x0;
	v12 =	vld [tilespmem:s0+$0x0]  }
0x524: {  	v13 =	vor.u32 s4, v1  }
0x525: {  	vm0 =	vlt.s32 v13, v6  }
0x526: {  	p1 =	sne.s32 s21, $0x10  }
.Ltmp30:
0x527: {  	_ = 	snop;
	(pc) =	sbr.rel @!p1 .LBB2_35-.Ltmp30, $2  }
0x528: {  	_ =	sdelay $0x2  }
0x529: {  	s23 =	simm.s32 $0x10;
	s24 =	simm.s32 $0x8090;
	v13 =	vimm.s32 $0x0;
	v14 =	vld.idx.msk [tilespmem:v12+s3+$0x0], vm0;
	v12 =	vimm.s32 $0x0  }
.LBB2_34:
0x52a: {  	v15 =	vld [tilespmem:s24+$0x0];
	vm1 =	vmmov vm0;
	s0 =	smov.u32 s23;
	s23 =	sadd.s32 $0x10, s23  }
0x52b: {  	v16 =	vor.u32 s0, v1;
	p1 =	sne.s32 s21, s23  }
0x52c: {  	vm0 =	vlt.s32 v16, v6;
	_ =	sdelay $0x1  }
.Ltmp31:
0x52d: {  	(pc) =	sbr.rel @p1 .LBB2_34-.Ltmp31, $4  }
0x52e: {  	vm2 =	vle.s32 v10, v14;
	vm3 =	vle.s32 v8, v14;
	vm4 =	vle.s32 v9, v14  }
0x52f: {  	vm2 =	vmand vm1, vm2;
	vm3 =	vmand vm1, vm3;
	vm1 =	vmand vm1, vm4  }
0x530: {  	v16 =	vsel vm2, $0x1, v0;
	v17 =	vsel vm3, $0x1, v0;
	v18 =	vsel vm1, $0x1, v0  }
0x531: {  	s24 =	sadd.s32 $0x10, s24;
	v11 =	vadd.s32 v16, v11;
	v12 =	vadd.s32 v17, v12;
	v13 =	vadd.s32 v18, v13;
	v14 =	vld.idx.msk [tilespmem:v15+s3+$0x0], vm0  }
.LBB2_35:
0x532: {  	_ =	sdelay $0x2  }
.Ltmp32:
0x533: {  	vm0 =	vmmov vm0;
	(pc) =	sbr.rel .LBB2_36-.Ltmp32, $4  }
0x534: {  	vm1 =	vle.s32 v10, v14;
	vm2 =	vle.s32 v8, v14;
	vm3 =	vle.s32 v9, v14  }
0x535: {  	vm1 =	vmand vm0, vm1;
	vm2 =	vmand vm0, vm2;
	vm0 =	vmand vm0, vm3  }
0x536: {  	v14 =	vsel vm1, $0x1, v0;
	v15 =	vsel vm2, $0x1, v0;
	v16 =	vsel vm0, $0x1, v0  }
0x537: {  	v11 =	vadd.s32 v14, v11;
	v14 =	vadd.s32 v15, v12;
	v12 =	vadd.s32 v16, v13  }
.LBB2_45:
0x538: {  	_ =	sfence.sel $0x180000  }
0x539: {  	[bflag:$0x0] =	sbarrier.arrive $0xFFFF  }
0x53a: {  	_ =	strace $0x90000047  }
0x53b: {  	s0 =	stileid.u32;
	[bflag:$0x2] =	sbarrier.arrive $0xFFFF  }
0x53c: {  	p0 =	sne.s32 s0, $0x0;
	s0 =	rddreg [dreg:$0x2]  }
0x53d: {  	s0 =	sadd.s32 @!p0 $0x100000, s0  }
0x53e: {  	[sflag:s0] =	ssyncadd.tile.s32 @!p0 $0x1;
	_ =	shalt  }
.Lfunc_end2:
_tile_overlayer_lowered:
.L_overlay_start_2:
0x53f: {  	(tag) =	ssettag $0x2  }
0x540: {  	s0 =	rddreg [dreg:$0x0];
	s2 =	stileid.u32  }
0x541: {  	s1 =	rddreg [dreg:$0x1];
	p0 =	sne.s32 s2, $0x0  }
0x542: {  	s3 =	rddreg [dreg:$0x2];
	[bflag:$0x3] =	sbarrier.arrive $0xFFFF;
	s2 =	simm.s32 @!p0 $0x1C03  }
0x543: {  	[timem:s3], [sflag:s2] =	dma.local @!p0 [hbm:s0], s1  }
0x544: {  	s0 =	simm.s32 @!p0 $0x3  }
0x545: {  	_ =	swait.ge @!p0 [sflag:s0], s1  }
0x546: {  	s1 =	ssub.s32 @!p0 $0x0, s1;
	[sflag:s0] =	ssyncset.done @!p0 $0x0  }
0x547: {  	[sflag:s0] =	ssyncadd.s32 @!p0 s1  }
0x548: {  	[bflag:$0x3] =	sbarrier.arrive $0xFFFF  }
0x549: {  	_ =	shalt  }

</sc_bundles>
